<compile_context>
chip_gen: v7x
topology: tpu7x:2x2x1
jax: 0.10.2.dev20260603
libtpu: 0.0.44.dev20260713+nightly
codegen_flags: <defaults>
</compile_context>

<pallas_src>
import functools

import jax
from jax import lax
import jax.numpy as jnp
from jax.experimental import pallas as pl
from jax.experimental.pallas import tpu as pltpu
from jax.experimental.pallas import tpu_sc as plsc

B, H, L, E = 32, 16, 192, 3
BH = B * H
TOP_P = 0.5
NOISE_EPS = 0.01
EPS_C = 1e-10
BLK = 16
GRID = BH // BLK

LP = L // 2
D2 = 2 * L

NC = 2
NS = 16
NW = NC * NS
ROWS = BH * LP
R_PER_W = ROWS // NW
CHUNK = 96
NCHUNK = R_PER_W // CHUNK


def _table_body(me_ref, mo_ref, c_ref):
    rows = lax.broadcasted_iota(jnp.int32, (LP, L), 0)
    cols = lax.broadcasted_iota(jnp.int32, (LP, L), 1)
    eye_e = jnp.where(cols == 2 * rows, 1.0, 0.0)
    eye_o = jnp.where(cols == 2 * rows + 1, 1.0, 0.0)

    def six(m_ref, eye):
        m0 = m_ref[0] + eye
        m1 = m_ref[1] + eye
        m2 = m_ref[2] + eye
        return [m0, m1, m2, m0 + m_ref[1], m0 + m_ref[2], m1 + m_ref[2]]

    ev = six(me_ref, eye_e)
    od = six(mo_ref, eye_o)
    for qa in range(6):
        for qb in range(6):
            c_ref[qa * 6 + qb] = jnp.concatenate([ev[qa], od[qb]], axis=1)


def _gate_body(x_ref, eps_ref, w_ref, q_ref, loss_ref, acc_ref):
    step = pl.program_id(0)

    @pl.when(step == 0)
    def _init():
        acc_ref[...] = jnp.zeros_like(acc_ref)

    s0_tot = jnp.zeros((1, L), jnp.float32)
    s1_tot = jnp.zeros((1, L), jnp.float32)
    ent_tot = jnp.zeros((1, L), jnp.float32)
    zero = jnp.zeros((1, L), jnp.float32)
    one = jnp.ones((1, L), jnp.float32)
    two = 2.0 * one

    for i in range(BLK):
        a = x_ref[i]
        res = jnp.dot(a, w_ref[...], preferred_element_type=jnp.float32)
        t = jnp.transpose(res)
        ee = eps_ref[i]
        n0 = t[0:1, :] + ee[0:1, :] * (jax.nn.softplus(t[3:4, :]) + NOISE_EPS)
        n1 = t[1:2, :] + ee[1:2, :] * (jax.nn.softplus(t[4:5, :]) + NOISE_EPS)
        n2 = t[2:3, :] + ee[2:3, :] * (jax.nn.softplus(t[5:6, :]) + NOISE_EPS)
        mx = jnp.maximum(jnp.maximum(n0, n1), n2)
        d0 = n0 - mx
        d1 = n1 - mx
        d2 = n2 - mx
        x0 = jnp.exp(d0)
        x1 = jnp.exp(d1)
        x2 = jnp.exp(d2)
        z = x0 + x1 + x2
        rz = 1.0 / z
        p0 = x0 * rz
        p1 = x1 * rz
        p2 = x2 * rz
        ent_tot += p0 * d0 + p1 * d1 + p2 * d2 - jnp.log(z)
        a10 = p1 > p0
        a20 = p2 > p0
        a01 = p0 >= p1
        a21 = p2 > p1
        a02 = p0 >= p2
        a12 = p1 >= p2
        pmax = jnp.maximum(jnp.maximum(p0, p1), p2)
        pmin = jnp.minimum(jnp.minimum(p0, p1), p2)
        pmed = (p0 + p1 + p2) - pmax - pmin
        phi = pmax <= TOP_P
        s0_tot += pmax
        s1_tot += jnp.where(phi, pmed, zero)
        i0 = (jnp.where(a10 & a12, one, zero)
              + jnp.where(a20 & a21, two, zero))
        j0 = (jnp.where(a01 & a21, one, zero)
              + jnp.where(a02 & a12, two, zero))
        q = jnp.where(phi, 5.0 - j0, i0)
        q_ref[i:i + 1, :] = q.astype(jnp.int32)

    acc_ref[0:1, :] += s0_tot
    acc_ref[1:2, :] += s1_tot
    acc_ref[2:3, :] += ent_tot

    @pl.when(step == GRID - 1)
    def _finalize():
        s0 = acc_ref[0:1, :]
        s1 = acc_ref[1:2, :]
        n = float(L * E)
        tot = jnp.sum(s0) + jnp.sum(s1)
        sq = jnp.sum(s0 * s0) + jnp.sum(s1 * s1)
        mean = tot / n
        var = (sq - n * mean * mean) / (n - 1.0)
        loss_imp = var / (mean * mean + EPS_C)
        loss_dyn = -jnp.sum(acc_ref[2:3, :]) / float(BH * E)
        loss_ref[...] = jnp.reshape(loss_imp + 0.1 * loss_dyn, (1, 1))


def _sc_body(table_hbm, idx_hbm, out_hbm, idx_v, rows_v, sem):
    wid = lax.axis_index("s") * NC + lax.axis_index("c")
    base = wid * R_PER_W
    for g in range(NCHUNK):
        off = base + g * CHUNK
        pltpu.sync_copy(idx_hbm.at[pl.ds(off, CHUNK)], idx_v)
        pltpu.async_copy(table_hbm.at[idx_v], rows_v, sem).wait()
        pltpu.sync_copy(rows_v, out_hbm.at[pl.ds(off, CHUNK)])


def _sc_gather_call(c_flat, idx_flat):
    mesh = plsc.VectorSubcoreMesh(core_axis_name="c", subcore_axis_name="s")
    return functools.partial(
        pl.kernel,
        mesh=mesh,
        out_type=jax.ShapeDtypeStruct((ROWS, D2), jnp.float32),
        scratch_types=[
            pltpu.VMEM((CHUNK,), jnp.int32),
            pltpu.VMEM((CHUNK, D2), jnp.float32),
            pltpu.SemaphoreType.DMA,
        ],
    )(_sc_body)(c_flat, idx_flat)


@functools.partial(jax.jit, static_argnames=())
def kernel(x, masks, W_gate, W_noise):
    xf = x.reshape(BH, L, L)
    eps = jax.random.normal(jax.random.key(42), (BH, L, E), dtype=jnp.float32)
    eps_t = jnp.transpose(eps, (0, 2, 1))
    w = jnp.concatenate(
        [W_gate, W_noise, jnp.zeros((2, L), jnp.float32)], axis=0).T
    masks_t = jnp.transpose(masks, (1, 0, 2))

    ctab = pl.pallas_call(
        _table_body,
        in_specs=[pl.BlockSpec((E, LP, L), lambda: (0, 0, 0)),
                  pl.BlockSpec((E, LP, L), lambda: (0, 0, 0))],
        out_specs=pl.BlockSpec((36, LP, D2), lambda: (0, 0, 0)),
        out_shape=jax.ShapeDtypeStruct((36, LP, D2), jnp.float32),
    )(masks_t[:, 0::2, :], masks_t[:, 1::2, :])

    q, loss = pl.pallas_call(
        _gate_body,
        grid=(GRID,),
        in_specs=[
            pl.BlockSpec((BLK, L, L), lambda i: (i, 0, 0)),
            pl.BlockSpec((BLK, E, L), lambda i: (i, 0, 0)),
            pl.BlockSpec((L, 8), lambda i: (0, 0)),
        ],
        out_specs=[
            pl.BlockSpec((BLK, L), lambda i: (i, 0)),
            pl.BlockSpec((1, 1), lambda i: (0, 0)),
        ],
        out_shape=[
            jax.ShapeDtypeStruct((BH, L), jnp.int32),
            jax.ShapeDtypeStruct((1, 1), jnp.float32),
        ],
        scratch_shapes=[
            pltpu.VMEM((8, L), jnp.float32),
        ],
        compiler_params=pltpu.CompilerParams(
            dimension_semantics=("arbitrary",),
        ),
    )(xf, eps_t, w)

    q2 = (q[:, 0::2] * 6 + q[:, 1::2]) * LP + jnp.arange(LP, dtype=jnp.int32)
    out = _sc_gather_call(ctab.reshape(36 * LP, D2), q2.reshape(ROWS))
    return out.reshape(B, H, L, L), loss[0, 0]

# --- scband reference (transcript-rebuilt; emitter-appended) ---
"""Pipeline reference for scband-mask-moe-10436770529969 (READ-ONLY COPY).

The authoritative reference and input builder live on the scoring server;
editing this copy changes nothing except your own understanding.
"""

import jax, jax.numpy as jnp
import numpy as np

B, H, L, E = 32, 16, 192, 3
TOP_P = 0.5
NOISE_EPS = 0.01
EPS_C = 1e-10


def setup_inputs(seed: int = 0) -> dict:
    key = jax.random.key(seed)
    k1, k2, k3, k4 = jax.random.split(key, 4)
    x = jax.random.normal(k1, (B, H, L, L), dtype=jnp.float32)
    masks = jax.random.uniform(k2, (L, E, L), dtype=jnp.float32)
    W_gate = jax.random.normal(k3, (E, L), dtype=jnp.float32) * (1.0 / np.sqrt(L))
    W_noise = jax.random.normal(k4, (E, L), dtype=jnp.float32) * (1.0 / np.sqrt(L))
    return {"x": x, "masks": masks, "W_gate": W_gate, "W_noise": W_noise}


def _noisy_top_p_gating(xf, W_gate, W_noise):
    # xf: [B*H, L, L]
    clean_logits = xf @ W_gate.T                      # [BH, L, E]
    raw_noise = xf @ W_noise.T                        # [BH, L, E]
    noise_stddev = jax.nn.softplus(raw_noise) + NOISE_EPS
    eps = jax.random.normal(jax.random.key(42), clean_logits.shape, dtype=clean_logits.dtype)
    noisy_logits = clean_logits + eps * noise_stddev
    logits = jax.nn.softmax(noisy_logits, axis=2)
    # cross-entropy style dynamic loss: -sum over L, mean over rest
    loss_dynamic = -jnp.sum(logits * jnp.log(logits + EPS_C), axis=1).mean()
    # descending sort along expert dim
    order = jnp.argsort(-logits, axis=-1)
    sorted_probs = jnp.take_along_axis(logits, order, axis=-1)
    cumulative = jnp.cumsum(sorted_probs, axis=-1)
    mask = cumulative > TOP_P
    threshold_idx = jnp.argmax(mask.astype(jnp.int32), axis=-1)
    threshold_mask = (jnp.arange(E)[None, None, :] == threshold_idx[..., None])
    mask = mask & (~threshold_mask)
    keep = ~mask  # positions (in sorted order) that are kept
    inv = jnp.argsort(order, axis=-1)  # inverse permutation
    top_p_mask = jnp.take_along_axis(keep, inv, axis=-1)  # bool, original expert order
    sorted_probs = jnp.where(mask, 0.0, sorted_probs)
    s = sorted_probs.sum(0)  # [L, E]
    loss_importance = jnp.var(s, ddof=1) / (jnp.mean(s) ** 2 + EPS_C)
    loss = loss_importance + 0.1 * loss_dynamic
    return top_p_mask, loss


def reference(x, masks, W_gate, W_noise):
    mask_base = jnp.eye(L, dtype=jnp.float32)[None, None]  # [1,1,L,L]
    xf = x.reshape(B * H, L, L)
    gates_b, loss = _noisy_top_p_gating(xf, W_gate, W_noise)
    gates = gates_b.reshape(B, H, L, E).astype(jnp.float32)
    out_mask = jnp.einsum('bhli,lid->bhld', gates, masks) + mask_base
    return (out_mask, loss)

if __name__ == "__main__":
    import jax
    _d = setup_inputs()
    print(jax.jit(kernel)(*tuple(_d.values())))

</pallas_src>

<mosaic_0001>
#map = affine_map<(d0, d1) -> (0, 0)>
#map1 = affine_map<(d0, d1) -> (0)>
module attributes {stable_mosaic.version = 14 : i64} {
  func.func @_sc_body(%arg0: i32, %arg1: i32, %arg2: memref<3456x384xf32, #tpu.memory_space<hbm>>, %arg3: memref<49152xi32, #tpu.memory_space<hbm>>, %arg4: memref<49152x384xf32, #tpu.memory_space<hbm>>, %arg5: memref<96xi32, #tpu.memory_space<vmem>>, %arg6: memref<96x384xf32, #tpu.memory_space<vmem>>, %arg7: memref<!tpu.dma_semaphore, #tpu.memory_space<semaphore_mem>>) attributes {dimension_semantics = [#tpu.dimension_semantics<core_parallel>, #tpu.dimension_semantics<subcore_parallel>], iteration_bounds = array<i64: 2, 16>, scalar_prefetch = 0 : i64, scratch_operands = 3 : i64, tpu.core_type = #tpu.core_type<sc_vector_subcore>, window_params = [{transform_indices = #map}, {transform_indices = #map1}, {transform_indices = #map}]} {
    %mul3A = arith.constant 2 : i32
    %mul3A_0 = arith.muli %arg1, %mul3A : i32
    %add3A = arith.addi %mul3A_0, %arg0 : i32
    %mul3A_1 = arith.constant 1536 : i32
    %mul3A_2 = arith.muli %add3A, %mul3A_1 : i32
    %add3A_3 = arith.constant 0 : i32
    %add3A_4 = arith.addi %mul3A_2, %add3A_3 : i32
    "tpu.region"() ({
      %run_scoped3A = tpu.sem_alloc : memref<!tpu.dma_semaphore, #tpu.memory_space<semaphore_mem>>
      %dma_start3A_129 = tpu.memref_slice %arg3[%add3A_4] : memref<49152xi32, #tpu.memory_space<hbm>> -> memref<96xi32, #tpu.memory_space<hbm>>
      %dma_start3A_130 = tpu.memref_slice %arg3[%add3A_4] : memref<49152xi32, #tpu.memory_space<hbm>> -> memref<96xi32, #tpu.memory_space<hbm>>
      tpu.enqueue_dma source(%dma_start3A_130 : memref<96xi32, #tpu.memory_space<hbm>>) target(%arg5 : memref<96xi32, #tpu.memory_space<vmem>>) target_semaphore(%run_scoped3A : memref<!tpu.dma_semaphore, #tpu.memory_space<semaphore_mem>>)
      %dma_wait3A_131 = tpu.memref_slice %arg3[%add3A_4] : memref<49152xi32, #tpu.memory_space<hbm>> -> memref<96xi32, #tpu.memory_space<hbm>>
      %dma_wait3A_132 = tpu.memref_slice %arg3[%add3A_4] : memref<49152xi32, #tpu.memory_space<hbm>> -> memref<96xi32, #tpu.memory_space<hbm>>
      tpu.wait_dma2 semaphore(%run_scoped3A : memref<!tpu.dma_semaphore, #tpu.memory_space<semaphore_mem>>) src(%dma_wait3A_132 : memref<96xi32, #tpu.memory_space<hbm>>) dst(%arg5 : memref<96xi32, #tpu.memory_space<vmem>>)
      tpu.yield
    }) : () -> ()
    %dma_start3A = arith.constant 0 : i32
    %dma_start3A_5 = arith.constant 0 : i32
    %dma_start3A_6 = tpu.memref_slice %arg2[%dma_start3A, %dma_start3A_5] : memref<3456x384xf32, #tpu.memory_space<hbm>> -> memref<3456x384xf32, #tpu.memory_space<hbm>>
    tpu.enqueue_indirect_dma source(%dma_start3A_6 : memref<3456x384xf32, #tpu.memory_space<hbm>>) target(%arg6 : memref<96x384xf32, #tpu.memory_space<vmem>>) offsets(%arg5 : memref<96xi32, #tpu.memory_space<vmem>>) semaphore(%arg7 : memref<!tpu.dma_semaphore, #tpu.memory_space<semaphore_mem>>)
    %dma_wait3A = arith.constant 0 : i32
    %dma_wait3A_7 = arith.constant 0 : i32
    %dma_wait3A_8 = tpu.memref_slice %arg2[%dma_wait3A, %dma_wait3A_7] : memref<3456x384xf32, #tpu.memory_space<hbm>> -> memref<3456x384xf32, #tpu.memory_space<hbm>>
    tpu.wait_indirect_dma semaphore(%arg7 : memref<!tpu.dma_semaphore, #tpu.memory_space<semaphore_mem>>) src(%dma_wait3A_8 : memref<3456x384xf32, #tpu.memory_space<hbm>>) dst(%arg6 : memref<96x384xf32, #tpu.memory_space<vmem>>)
    "tpu.region"() ({
      %run_scoped3A = tpu.sem_alloc : memref<!tpu.dma_semaphore, #tpu.memory_space<semaphore_mem>>
      %dma_start3A_129 = arith.constant 0 : i32
      %dma_start3A_130 = tpu.memref_slice %arg4[%add3A_4, %dma_start3A_129] : memref<49152x384xf32, #tpu.memory_space<hbm>> -> memref<96x384xf32, #tpu.memory_space<hbm>>
      %dma_start3A_131 = arith.constant 0 : i32
      %dma_start3A_132 = tpu.memref_slice %arg4[%add3A_4, %dma_start3A_131] : memref<49152x384xf32, #tpu.memory_space<hbm>> -> memref<96x384xf32, #tpu.memory_space<hbm>>
      tpu.enqueue_dma source(%arg6 : memref<96x384xf32, #tpu.memory_space<vmem>>) target(%dma_start3A_132 : memref<96x384xf32, #tpu.memory_space<hbm>>) target_semaphore(%run_scoped3A : memref<!tpu.dma_semaphore, #tpu.memory_space<semaphore_mem>>)
      %dma_wait3A_133 = arith.constant 0 : i32
      %dma_wait3A_134 = tpu.memref_slice %arg4[%add3A_4, %dma_wait3A_133] : memref<49152x384xf32, #tpu.memory_space<hbm>> -> memref<96x384xf32, #tpu.memory_space<hbm>>
      %dma_wait3A_135 = arith.constant 0 : i32
      %dma_wait3A_136 = tpu.memref_slice %arg4[%add3A_4, %dma_wait3A_135] : memref<49152x384xf32, #tpu.memory_space<hbm>> -> memref<96x384xf32, #tpu.memory_space<hbm>>
      tpu.wait_dma2 semaphore(%run_scoped3A : memref<!tpu.dma_semaphore, #tpu.memory_space<semaphore_mem>>) src(%arg6 : memref<96x384xf32, #tpu.memory_space<vmem>>) dst(%dma_wait3A_136 : memref<96x384xf32, #tpu.memory_space<hbm>>)
      tpu.yield
    }) : () -> ()
    %add3A_9 = arith.constant 96 : i32
    %add3A_10 = arith.addi %mul3A_2, %add3A_9 : i32
    "tpu.region"() ({
      %run_scoped3A = tpu.sem_alloc : memref<!tpu.dma_semaphore, #tpu.memory_space<semaphore_mem>>
      %dma_start3A_129 = tpu.memref_slice %arg3[%add3A_10] : memref<49152xi32, #tpu.memory_space<hbm>> -> memref<96xi32, #tpu.memory_space<hbm>>
      %dma_start3A_130 = tpu.memref_slice %arg3[%add3A_10] : memref<49152xi32, #tpu.memory_space<hbm>> -> memref<96xi32, #tpu.memory_space<hbm>>
      tpu.enqueue_dma source(%dma_start3A_130 : memref<96xi32, #tpu.memory_space<hbm>>) target(%arg5 : memref<96xi32, #tpu.memory_space<vmem>>) target_semaphore(%run_scoped3A : memref<!tpu.dma_semaphore, #tpu.memory_space<semaphore_mem>>)
      %dma_wait3A_131 = tpu.memref_slice %arg3[%add3A_10] : memref<49152xi32, #tpu.memory_space<hbm>> -> memref<96xi32, #tpu.memory_space<hbm>>
      %dma_wait3A_132 = tpu.memref_slice %arg3[%add3A_10] : memref<49152xi32, #tpu.memory_space<hbm>> -> memref<96xi32, #tpu.memory_space<hbm>>
      tpu.wait_dma2 semaphore(%run_scoped3A : memref<!tpu.dma_semaphore, #tpu.memory_space<semaphore_mem>>) src(%dma_wait3A_132 : memref<96xi32, #tpu.memory_space<hbm>>) dst(%arg5 : memref<96xi32, #tpu.memory_space<vmem>>)
      tpu.yield
    }) : () -> ()
    %dma_start3A_11 = arith.constant 0 : i32
    %dma_start3A_12 = arith.constant 0 : i32
    %dma_start3A_13 = tpu.memref_slice %arg2[%dma_start3A_11, %dma_start3A_12] : memref<3456x384xf32, #tpu.memory_space<hbm>> -> memref<3456x384xf32, #tpu.memory_space<hbm>>
    tpu.enqueue_indirect_dma source(%dma_start3A_13 : memref<3456x384xf32, #tpu.memory_space<hbm>>) target(%arg6 : memref<96x384xf32, #tpu.memory_space<vmem>>) offsets(%arg5 : memref<96xi32, #tpu.memory_space<vmem>>) semaphore(%arg7 : memref<!tpu.dma_semaphore, #tpu.memory_space<semaphore_mem>>)
    %dma_wait3A_14 = arith.constant 0 : i32
    %dma_wait3A_15 = arith.constant 0 : i32
    %dma_wait3A_16 = tpu.memref_slice %arg2[%dma_wait3A_14, %dma_wait3A_15] : memref<3456x384xf32, #tpu.memory_space<hbm>> -> memref<3456x384xf32, #tpu.memory_space<hbm>>
    tpu.wait_indirect_dma semaphore(%arg7 : memref<!tpu.dma_semaphore, #tpu.memory_space<semaphore_mem>>) src(%dma_wait3A_16 : memref<3456x384xf32, #tpu.memory_space<hbm>>) dst(%arg6 : memref<96x384xf32, #tpu.memory_space<vmem>>)
    "tpu.region"() ({
      %run_scoped3A = tpu.sem_alloc : memref<!tpu.dma_semaphore, #tpu.memory_space<semaphore_mem>>
      %dma_start3A_129 = arith.constant 0 : i32
      %dma_start3A_130 = tpu.memref_slice %arg4[%add3A_10, %dma_start3A_129] : memref<49152x384xf32, #tpu.memory_space<hbm>> -> memref<96x384xf32, #tpu.memory_space<hbm>>
      %dma_start3A_131 = arith.constant 0 : i32
      %dma_start3A_132 = tpu.memref_slice %arg4[%add3A_10, %dma_start3A_131] : memref<49152x384xf32, #tpu.memory_space<hbm>> -> memref<96x384xf32, #tpu.memory_space<hbm>>
      tpu.enqueue_dma source(%arg6 : memref<96x384xf32, #tpu.memory_space<vmem>>) target(%dma_start3A_132 : memref<96x384xf32, #tpu.memory_space<hbm>>) target_semaphore(%run_scoped3A : memref<!tpu.dma_semaphore, #tpu.memory_space<semaphore_mem>>)
      %dma_wait3A_133 = arith.constant 0 : i32
      %dma_wait3A_134 = tpu.memref_slice %arg4[%add3A_10, %dma_wait3A_133] : memref<49152x384xf32, #tpu.memory_space<hbm>> -> memref<96x384xf32, #tpu.memory_space<hbm>>
      %dma_wait3A_135 = arith.constant 0 : i32
      %dma_wait3A_136 = tpu.memref_slice %arg4[%add3A_10, %dma_wait3A_135] : memref<49152x384xf32, #tpu.memory_space<hbm>> -> memref<96x384xf32, #tpu.memory_space<hbm>>
      tpu.wait_dma2 semaphore(%run_scoped3A : memref<!tpu.dma_semaphore, #tpu.memory_space<semaphore_mem>>) src(%arg6 : memref<96x384xf32, #tpu.memory_space<vmem>>) dst(%dma_wait3A_136 : memref<96x384xf32, #tpu.memory_space<hbm>>)
      tpu.yield
    }) : () -> ()
    %add3A_17 = arith.constant 192 : i32
    %add3A_18 = arith.addi %mul3A_2, %add3A_17 : i32
    "tpu.region"() ({
      %run_scoped3A = tpu.sem_alloc : memref<!tpu.dma_semaphore, #tpu.memory_space<semaphore_mem>>
      %dma_start3A_129 = tpu.memref_slice %arg3[%add3A_18] : memref<49152xi32, #tpu.memory_space<hbm>> -> memref<96xi32, #tpu.memory_space<hbm>>
      %dma_start3A_130 = tpu.memref_slice %arg3[%add3A_18] : memref<49152xi32, #tpu.memory_space<hbm>> -> memref<96xi32, #tpu.memory_space<hbm>>
      tpu.enqueue_dma source(%dma_start3A_130 : memref<96xi32, #tpu.memory_space<hbm>>) target(%arg5 : memref<96xi32, #tpu.memory_space<vmem>>) target_semaphore(%run_scoped3A : memref<!tpu.dma_semaphore, #tpu.memory_space<semaphore_mem>>)
      %dma_wait3A_131 = tpu.memref_slice %arg3[%add3A_18] : memref<49152xi32, #tpu.memory_space<hbm>> -> memref<96xi32, #tpu.memory_space<hbm>>
      %dma_wait3A_132 = tpu.memref_slice %arg3[%add3A_18] : memref<49152xi32, #tpu.memory_space<hbm>> -> memref<96xi32, #tpu.memory_space<hbm>>
      tpu.wait_dma2 semaphore(%run_scoped3A : memref<!tpu.dma_semaphore, #tpu.memory_space<semaphore_mem>>) src(%dma_wait3A_132 : memref<96xi32, #tpu.memory_space<hbm>>) dst(%arg5 : memref<96xi32, #tpu.memory_space<vmem>>)
      tpu.yield
    }) : () -> ()
    %dma_start3A_19 = arith.constant 0 : i32
    %dma_start3A_20 = arith.constant 0 : i32
    %dma_start3A_21 = tpu.memref_slice %arg2[%dma_start3A_19, %dma_start3A_20] : memref<3456x384xf32, #tpu.memory_space<hbm>> -> memref<3456x384xf32, #tpu.memory_space<hbm>>
    tpu.enqueue_indirect_dma source(%dma_start3A_21 : memref<3456x384xf32, #tpu.memory_space<hbm>>) target(%arg6 : memref<96x384xf32, #tpu.memory_space<vmem>>) offsets(%arg5 : memref<96xi32, #tpu.memory_space<vmem>>) semaphore(%arg7 : memref<!tpu.dma_semaphore, #tpu.memory_space<semaphore_mem>>)
    %dma_wait3A_22 = arith.constant 0 : i32
    %dma_wait3A_23 = arith.constant 0 : i32
    %dma_wait3A_24 = tpu.memref_slice %arg2[%dma_wait3A_22, %dma_wait3A_23] : memref<3456x384xf32, #tpu.memory_space<hbm>> -> memref<3456x384xf32, #tpu.memory_space<hbm>>
    tpu.wait_indirect_dma semaphore(%arg7 : memref<!tpu.dma_semaphore, #tpu.memory_space<semaphore_mem>>) src(%dma_wait3A_24 : memref<3456x384xf32, #tpu.memory_space<hbm>>) dst(%arg6 : memref<96x384xf32, #tpu.memory_space<vmem>>)
    "tpu.region"() ({
      %run_scoped3A = tpu.sem_alloc : memref<!tpu.dma_semaphore, #tpu.memory_space<semaphore_mem>>
      %dma_start3A_129 = arith.constant 0 : i32
      %dma_start3A_130 = tpu.memref_slice %arg4[%add3A_18, %dma_start3A_129] : memref<49152x384xf32, #tpu.memory_space<hbm>> -> memref<96x384xf32, #tpu.memory_space<hbm>>
      %dma_start3A_131 = arith.constant 0 : i32
      %dma_start3A_132 = tpu.memref_slice %arg4[%add3A_18, %dma_start3A_131] : memref<49152x384xf32, #tpu.memory_space<hbm>> -> memref<96x384xf32, #tpu.memory_space<hbm>>
      tpu.enqueue_dma source(%arg6 : memref<96x384xf32, #tpu.memory_space<vmem>>) target(%dma_start3A_132 : memref<96x384xf32, #tpu.memory_space<hbm>>) target_semaphore(%run_scoped3A : memref<!tpu.dma_semaphore, #tpu.memory_space<semaphore_mem>>)
      %dma_wait3A_133 = arith.constant 0 : i32
      %dma_wait3A_134 = tpu.memref_slice %arg4[%add3A_18, %dma_wait3A_133] : memref<49152x384xf32, #tpu.memory_space<hbm>> -> memref<96x384xf32, #tpu.memory_space<hbm>>
      %dma_wait3A_135 = arith.constant 0 : i32
      %dma_wait3A_136 = tpu.memref_slice %arg4[%add3A_18, %dma_wait3A_135] : memref<49152x384xf32, #tpu.memory_space<hbm>> -> memref<96x384xf32, #tpu.memory_space<hbm>>
      tpu.wait_dma2 semaphore(%run_scoped3A : memref<!tpu.dma_semaphore, #tpu.memory_space<semaphore_mem>>) src(%arg6 : memref<96x384xf32, #tpu.memory_space<vmem>>) dst(%dma_wait3A_136 : memref<96x384xf32, #tpu.memory_space<hbm>>)
      tpu.yield
    }) : () -> ()
    %add3A_25 = arith.constant 288 : i32
    %add3A_26 = arith.addi %mul3A_2, %add3A_25 : i32
    "tpu.region"() ({
      %run_scoped3A = tpu.sem_alloc : memref<!tpu.dma_semaphore, #tpu.memory_space<semaphore_mem>>
      %dma_start3A_129 = tpu.memref_slice %arg3[%add3A_26] : memref<49152xi32, #tpu.memory_space<hbm>> -> memref<96xi32, #tpu.memory_space<hbm>>
      %dma_start3A_130 = tpu.memref_slice %arg3[%add3A_26] : memref<49152xi32, #tpu.memory_space<hbm>> -> memref<96xi32, #tpu.memory_space<hbm>>
      tpu.enqueue_dma source(%dma_start3A_130 : memref<96xi32, #tpu.memory_space<hbm>>) target(%arg5 : memref<96xi32, #tpu.memory_space<vmem>>) target_semaphore(%run_scoped3A : memref<!tpu.dma_semaphore, #tpu.memory_space<semaphore_mem>>)
      %dma_wait3A_131 = tpu.memref_slice %arg3[%add3A_26] : memref<49152xi32, #tpu.memory_space<hbm>> -> memref<96xi32, #tpu.memory_space<hbm>>
      %dma_wait3A_132 = tpu.memref_slice %arg3[%add3A_26] : memref<49152xi32, #tpu.memory_space<hbm>> -> memref<96xi32, #tpu.memory_space<hbm>>
      tpu.wait_dma2 semaphore(%run_scoped3A : memref<!tpu.dma_semaphore, #tpu.memory_space<semaphore_mem>>) src(%dma_wait3A_132 : memref<96xi32, #tpu.memory_space<hbm>>) dst(%arg5 : memref<96xi32, #tpu.memory_space<vmem>>)
      tpu.yield
    }) : () -> ()
    %dma_start3A_27 = arith.constant 0 : i32
    %dma_start3A_28 = arith.constant 0 : i32
    %dma_start3A_29 = tpu.memref_slice %arg2[%dma_start3A_27, %dma_start3A_28] : memref<3456x384xf32, #tpu.memory_space<hbm>> -> memref<3456x384xf32, #tpu.memory_space<hbm>>
    tpu.enqueue_indirect_dma source(%dma_start3A_29 : memref<3456x384xf32, #tpu.memory_space<hbm>>) target(%arg6 : memref<96x384xf32, #tpu.memory_space<vmem>>) offsets(%arg5 : memref<96xi32, #tpu.memory_space<vmem>>) semaphore(%arg7 : memref<!tpu.dma_semaphore, #tpu.memory_space<semaphore_mem>>)
    %dma_wait3A_30 = arith.constant 0 : i32
    %dma_wait3A_31 = arith.constant 0 : i32
    %dma_wait3A_32 = tpu.memref_slice %arg2[%dma_wait3A_30, %dma_wait3A_31] : memref<3456x384xf32, #tpu.memory_space<hbm>> -> memref<3456x384xf32, #tpu.memory_space<hbm>>
    tpu.wait_indirect_dma semaphore(%arg7 : memref<!tpu.dma_semaphore, #tpu.memory_space<semaphore_mem>>) src(%dma_wait3A_32 : memref<3456x384xf32, #tpu.memory_space<hbm>>) dst(%arg6 : memref<96x384xf32, #tpu.memory_space<vmem>>)
    "tpu.region"() ({
      %run_scoped3A = tpu.sem_alloc : memref<!tpu.dma_semaphore, #tpu.memory_space<semaphore_mem>>
      %dma_start3A_129 = arith.constant 0 : i32
      %dma_start3A_130 = tpu.memref_slice %arg4[%add3A_26, %dma_start3A_129] : memref<49152x384xf32, #tpu.memory_space<hbm>> -> memref<96x384xf32, #tpu.memory_space<hbm>>
      %dma_start3A_131 = arith.constant 0 : i32
      %dma_start3A_132 = tpu.memref_slice %arg4[%add3A_26, %dma_start3A_131] : memref<49152x384xf32, #tpu.memory_space<hbm>> -> memref<96x384xf32, #tpu.memory_space<hbm>>
      tpu.enqueue_dma source(%arg6 : memref<96x384xf32, #tpu.memory_space<vmem>>) target(%dma_start3A_132 : memref<96x384xf32, #tpu.memory_space<hbm>>) target_semaphore(%run_scoped3A : memref<!tpu.dma_semaphore, #tpu.memory_space<semaphore_mem>>)
      %dma_wait3A_133 = arith.constant 0 : i32
      %dma_wait3A_134 = tpu.memref_slice %arg4[%add3A_26, %dma_wait3A_133] : memref<49152x384xf32, #tpu.memory_space<hbm>> -> memref<96x384xf32, #tpu.memory_space<hbm>>
      %dma_wait3A_135 = arith.constant 0 : i32
      %dma_wait3A_136 = tpu.memref_slice %arg4[%add3A_26, %dma_wait3A_135] : memref<49152x384xf32, #tpu.memory_space<hbm>> -> memref<96x384xf32, #tpu.memory_space<hbm>>
      tpu.wait_dma2 semaphore(%run_scoped3A : memref<!tpu.dma_semaphore, #tpu.memory_space<semaphore_mem>>) src(%arg6 : memref<96x384xf32, #tpu.memory_space<vmem>>) dst(%dma_wait3A_136 : memref<96x384xf32, #tpu.memory_space<hbm>>)
      tpu.yield
    }) : () -> ()
    %add3A_33 = arith.constant 384 : i32
    %add3A_34 = arith.addi %mul3A_2, %add3A_33 : i32
    "tpu.region"() ({
      %run_scoped3A = tpu.sem_alloc : memref<!tpu.dma_semaphore, #tpu.memory_space<semaphore_mem>>
      %dma_start3A_129 = tpu.memref_slice %arg3[%add3A_34] : memref<49152xi32, #tpu.memory_space<hbm>> -> memref<96xi32, #tpu.memory_space<hbm>>
      %dma_start3A_130 = tpu.memref_slice %arg3[%add3A_34] : memref<49152xi32, #tpu.memory_space<hbm>> -> memref<96xi32, #tpu.memory_space<hbm>>
      tpu.enqueue_dma source(%dma_start3A_130 : memref<96xi32, #tpu.memory_space<hbm>>) target(%arg5 : memref<96xi32, #tpu.memory_space<vmem>>) target_semaphore(%run_scoped3A : memref<!tpu.dma_semaphore, #tpu.memory_space<semaphore_mem>>)
      %dma_wait3A_131 = tpu.memref_slice %arg3[%add3A_34] : memref<49152xi32, #tpu.memory_space<hbm>> -> memref<96xi32, #tpu.memory_space<hbm>>
      %dma_wait3A_132 = tpu.memref_slice %arg3[%add3A_34] : memref<49152xi32, #tpu.memory_space<hbm>> -> memref<96xi32, #tpu.memory_space<hbm>>
      tpu.wait_dma2 semaphore(%run_scoped3A : memref<!tpu.dma_semaphore, #tpu.memory_space<semaphore_mem>>) src(%dma_wait3A_132 : memref<96xi32, #tpu.memory_space<hbm>>) dst(%arg5 : memref<96xi32, #tpu.memory_space<vmem>>)
      tpu.yield
    }) : () -> ()
    %dma_start3A_35 = arith.constant 0 : i32
    %dma_start3A_36 = arith.constant 0 : i32
    %dma_start3A_37 = tpu.memref_slice %arg2[%dma_start3A_35, %dma_start3A_36] : memref<3456x384xf32, #tpu.memory_space<hbm>> -> memref<3456x384xf32, #tpu.memory_space<hbm>>
    tpu.enqueue_indirect_dma source(%dma_start3A_37 : memref<3456x384xf32, #tpu.memory_space<hbm>>) target(%arg6 : memref<96x384xf32, #tpu.memory_space<vmem>>) offsets(%arg5 : memref<96xi32, #tpu.memory_space<vmem>>) semaphore(%arg7 : memref<!tpu.dma_semaphore, #tpu.memory_space<semaphore_mem>>)
    %dma_wait3A_38 = arith.constant 0 : i32
    %dma_wait3A_39 = arith.constant 0 : i32
    %dma_wait3A_40 = tpu.memref_slice %arg2[%dma_wait3A_38, %dma_wait3A_39] : memref<3456x384xf32, #tpu.memory_space<hbm>> -> memref<3456x384xf32, #tpu.memory_space<hbm>>
    tpu.wait_indirect_dma semaphore(%arg7 : memref<!tpu.dma_semaphore, #tpu.memory_space<semaphore_mem>>) src(%dma_wait3A_40 : memref<3456x384xf32, #tpu.memory_space<hbm>>) dst(%arg6 : memref<96x384xf32, #tpu.memory_space<vmem>>)
    "tpu.region"() ({
      %run_scoped3A = tpu.sem_alloc : memref<!tpu.dma_semaphore, #tpu.memory_space<semaphore_mem>>
      %dma_start3A_129 = arith.constant 0 : i32
      %dma_start3A_130 = tpu.memref_slice %arg4[%add3A_34, %dma_start3A_129] : memref<49152x384xf32, #tpu.memory_space<hbm>> -> memref<96x384xf32, #tpu.memory_space<hbm>>
      %dma_start3A_131 = arith.constant 0 : i32
      %dma_start3A_132 = tpu.memref_slice %arg4[%add3A_34, %dma_start3A_131] : memref<49152x384xf32, #tpu.memory_space<hbm>> -> memref<96x384xf32, #tpu.memory_space<hbm>>
      tpu.enqueue_dma source(%arg6 : memref<96x384xf32, #tpu.memory_space<vmem>>) target(%dma_start3A_132 : memref<96x384xf32, #tpu.memory_space<hbm>>) target_semaphore(%run_scoped3A : memref<!tpu.dma_semaphore, #tpu.memory_space<semaphore_mem>>)
      %dma_wait3A_133 = arith.constant 0 : i32
      %dma_wait3A_134 = tpu.memref_slice %arg4[%add3A_34, %dma_wait3A_133] : memref<49152x384xf32, #tpu.memory_space<hbm>> -> memref<96x384xf32, #tpu.memory_space<hbm>>
      %dma_wait3A_135 = arith.constant 0 : i32
      %dma_wait3A_136 = tpu.memref_slice %arg4[%add3A_34, %dma_wait3A_135] : memref<49152x384xf32, #tpu.memory_space<hbm>> -> memref<96x384xf32, #tpu.memory_space<hbm>>
      tpu.wait_dma2 semaphore(%run_scoped3A : memref<!tpu.dma_semaphore, #tpu.memory_space<semaphore_mem>>) src(%arg6 : memref<96x384xf32, #tpu.memory_space<vmem>>) dst(%dma_wait3A_136 : memref<96x384xf32, #tpu.memory_space<hbm>>)
      tpu.yield
    }) : () -> ()
    %add3A_41 = arith.constant 480 : i32
    %add3A_42 = arith.addi %mul3A_2, %add3A_41 : i32
    "tpu.region"() ({
      %run_scoped3A = tpu.sem_alloc : memref<!tpu.dma_semaphore, #tpu.memory_space<semaphore_mem>>
      %dma_start3A_129 = tpu.memref_slice %arg3[%add3A_42] : memref<49152xi32, #tpu.memory_space<hbm>> -> memref<96xi32, #tpu.memory_space<hbm>>
      %dma_start3A_130 = tpu.memref_slice %arg3[%add3A_42] : memref<49152xi32, #tpu.memory_space<hbm>> -> memref<96xi32, #tpu.memory_space<hbm>>
      tpu.enqueue_dma source(%dma_start3A_130 : memref<96xi32, #tpu.memory_space<hbm>>) target(%arg5 : memref<96xi32, #tpu.memory_space<vmem>>) target_semaphore(%run_scoped3A : memref<!tpu.dma_semaphore, #tpu.memory_space<semaphore_mem>>)
      %dma_wait3A_131 = tpu.memref_slice %arg3[%add3A_42] : memref<49152xi32, #tpu.memory_space<hbm>> -> memref<96xi32, #tpu.memory_space<hbm>>
      %dma_wait3A_132 = tpu.memref_slice %arg3[%add3A_42] : memref<49152xi32, #tpu.memory_space<hbm>> -> memref<96xi32, #tpu.memory_space<hbm>>
      tpu.wait_dma2 semaphore(%run_scoped3A : memref<!tpu.dma_semaphore, #tpu.memory_space<semaphore_mem>>) src(%dma_wait3A_132 : memref<96xi32, #tpu.memory_space<hbm>>) dst(%arg5 : memref<96xi32, #tpu.memory_space<vmem>>)
      tpu.yield
    }) : () -> ()
    %dma_start3A_43 = arith.constant 0 : i32
    %dma_start3A_44 = arith.constant 0 : i32
    %dma_start3A_45 = tpu.memref_slice %arg2[%dma_start3A_43, %dma_start3A_44] : memref<3456x384xf32, #tpu.memory_space<hbm>> -> memref<3456x384xf32, #tpu.memory_space<hbm>>
    tpu.enqueue_indirect_dma source(%dma_start3A_45 : memref<3456x384xf32, #tpu.memory_space<hbm>>) target(%arg6 : memref<96x384xf32, #tpu.memory_space<vmem>>) offsets(%arg5 : memref<96xi32, #tpu.memory_space<vmem>>) semaphore(%arg7 : memref<!tpu.dma_semaphore, #tpu.memory_space<semaphore_mem>>)
    %dma_wait3A_46 = arith.constant 0 : i32
    %dma_wait3A_47 = arith.constant 0 : i32
    %dma_wait3A_48 = tpu.memref_slice %arg2[%dma_wait3A_46, %dma_wait3A_47] : memref<3456x384xf32, #tpu.memory_space<hbm>> -> memref<3456x384xf32, #tpu.memory_space<hbm>>
    tpu.wait_indirect_dma semaphore(%arg7 : memref<!tpu.dma_semaphore, #tpu.memory_space<semaphore_mem>>) src(%dma_wait3A_48 : memref<3456x384xf32, #tpu.memory_space<hbm>>) dst(%arg6 : memref<96x384xf32, #tpu.memory_space<vmem>>)
    "tpu.region"() ({
      %run_scoped3A = tpu.sem_alloc : memref<!tpu.dma_semaphore, #tpu.memory_space<semaphore_mem>>
      %dma_start3A_129 = arith.constant 0 : i32
      %dma_start3A_130 = tpu.memref_slice %arg4[%add3A_42, %dma_start3A_129] : memref<49152x384xf32, #tpu.memory_space<hbm>> -> memref<96x384xf32, #tpu.memory_space<hbm>>
      %dma_start3A_131 = arith.constant 0 : i32
      %dma_start3A_132 = tpu.memref_slice %arg4[%add3A_42, %dma_start3A_131] : memref<49152x384xf32, #tpu.memory_space<hbm>> -> memref<96x384xf32, #tpu.memory_space<hbm>>
      tpu.enqueue_dma source(%arg6 : memref<96x384xf32, #tpu.memory_space<vmem>>) target(%dma_start3A_132 : memref<96x384xf32, #tpu.memory_space<hbm>>) target_semaphore(%run_scoped3A : memref<!tpu.dma_semaphore, #tpu.memory_space<semaphore_mem>>)
      %dma_wait3A_133 = arith.constant 0 : i32
      %dma_wait3A_134 = tpu.memref_slice %arg4[%add3A_42, %dma_wait3A_133] : memref<49152x384xf32, #tpu.memory_space<hbm>> -> memref<96x384xf32, #tpu.memory_space<hbm>>
      %dma_wait3A_135 = arith.constant 0 : i32
      %dma_wait3A_136 = tpu.memref_slice %arg4[%add3A_42, %dma_wait3A_135] : memref<49152x384xf32, #tpu.memory_space<hbm>> -> memref<96x384xf32, #tpu.memory_space<hbm>>
      tpu.wait_dma2 semaphore(%run_scoped3A : memref<!tpu.dma_semaphore, #tpu.memory_space<semaphore_mem>>) src(%arg6 : memref<96x384xf32, #tpu.memory_space<vmem>>) dst(%dma_wait3A_136 : memref<96x384xf32, #tpu.memory_space<hbm>>)
      tpu.yield
    }) : () -> ()
    %add3A_49 = arith.constant 576 : i32
    %add3A_50 = arith.addi %mul3A_2, %add3A_49 : i32
    "tpu.region"() ({
      %run_scoped3A = tpu.sem_alloc : memref<!tpu.dma_semaphore, #tpu.memory_space<semaphore_mem>>
      %dma_start3A_129 = tpu.memref_slice %arg3[%add3A_50] : memref<49152xi32, #tpu.memory_space<hbm>> -> memref<96xi32, #tpu.memory_space<hbm>>
      %dma_start3A_130 = tpu.memref_slice %arg3[%add3A_50] : memref<49152xi32, #tpu.memory_space<hbm>> -> memref<96xi32, #tpu.memory_space<hbm>>
      tpu.enqueue_dma source(%dma_start3A_130 : memref<96xi32, #tpu.memory_space<hbm>>) target(%arg5 : memref<96xi32, #tpu.memory_space<vmem>>) target_semaphore(%run_scoped3A : memref<!tpu.dma_semaphore, #tpu.memory_space<semaphore_mem>>)
      %dma_wait3A_131 = tpu.memref_slice %arg3[%add3A_50] : memref<49152xi32, #tpu.memory_space<hbm>> -> memref<96xi32, #tpu.memory_space<hbm>>
      %dma_wait3A_132 = tpu.memref_slice %arg3[%add3A_50] : memref<49152xi32, #tpu.memory_space<hbm>> -> memref<96xi32, #tpu.memory_space<hbm>>
      tpu.wait_dma2 semaphore(%run_scoped3A : memref<!tpu.dma_semaphore, #tpu.memory_space<semaphore_mem>>) src(%dma_wait3A_132 : memref<96xi32, #tpu.memory_space<hbm>>) dst(%arg5 : memref<96xi32, #tpu.memory_space<vmem>>)
      tpu.yield
    }) : () -> ()
    %dma_start3A_51 = arith.constant 0 : i32
    %dma_start3A_52 = arith.constant 0 : i32
    %dma_start3A_53 = tpu.memref_slice %arg2[%dma_start3A_51, %dma_start3A_52] : memref<3456x384xf32, #tpu.memory_space<hbm>> -> memref<3456x384xf32, #tpu.memory_space<hbm>>
    tpu.enqueue_indirect_dma source(%dma_start3A_53 : memref<3456x384xf32, #tpu.memory_space<hbm>>) target(%arg6 : memref<96x384xf32, #tpu.memory_space<vmem>>) offsets(%arg5 : memref<96xi32, #tpu.memory_space<vmem>>) semaphore(%arg7 : memref<!tpu.dma_semaphore, #tpu.memory_space<semaphore_mem>>)
    %dma_wait3A_54 = arith.constant 0 : i32
    %dma_wait3A_55 = arith.constant 0 : i32
    %dma_wait3A_56 = tpu.memref_slice %arg2[%dma_wait3A_54, %dma_wait3A_55] : memref<3456x384xf32, #tpu.memory_space<hbm>> -> memref<3456x384xf32, #tpu.memory_space<hbm>>
    tpu.wait_indirect_dma semaphore(%arg7 : memref<!tpu.dma_semaphore, #tpu.memory_space<semaphore_mem>>) src(%dma_wait3A_56 : memref<3456x384xf32, #tpu.memory_space<hbm>>) dst(%arg6 : memref<96x384xf32, #tpu.memory_space<vmem>>)
    "tpu.region"() ({
      %run_scoped3A = tpu.sem_alloc : memref<!tpu.dma_semaphore, #tpu.memory_space<semaphore_mem>>
      %dma_start3A_129 = arith.constant 0 : i32
      %dma_start3A_130 = tpu.memref_slice %arg4[%add3A_50, %dma_start3A_129] : memref<49152x384xf32, #tpu.memory_space<hbm>> -> memref<96x384xf32, #tpu.memory_space<hbm>>
      %dma_start3A_131 = arith.constant 0 : i32
      %dma_start3A_132 = tpu.memref_slice %arg4[%add3A_50, %dma_start3A_131] : memref<49152x384xf32, #tpu.memory_space<hbm>> -> memref<96x384xf32, #tpu.memory_space<hbm>>
      tpu.enqueue_dma source(%arg6 : memref<96x384xf32, #tpu.memory_space<vmem>>) target(%dma_start3A_132 : memref<96x384xf32, #tpu.memory_space<hbm>>) target_semaphore(%run_scoped3A : memref<!tpu.dma_semaphore, #tpu.memory_space<semaphore_mem>>)
      %dma_wait3A_133 = arith.constant 0 : i32
      %dma_wait3A_134 = tpu.memref_slice %arg4[%add3A_50, %dma_wait3A_133] : memref<49152x384xf32, #tpu.memory_space<hbm>> -> memref<96x384xf32, #tpu.memory_space<hbm>>
      %dma_wait3A_135 = arith.constant 0 : i32
      %dma_wait3A_136 = tpu.memref_slice %arg4[%add3A_50, %dma_wait3A_135] : memref<49152x384xf32, #tpu.memory_space<hbm>> -> memref<96x384xf32, #tpu.memory_space<hbm>>
      tpu.wait_dma2 semaphore(%run_scoped3A : memref<!tpu.dma_semaphore, #tpu.memory_space<semaphore_mem>>) src(%arg6 : memref<96x384xf32, #tpu.memory_space<vmem>>) dst(%dma_wait3A_136 : memref<96x384xf32, #tpu.memory_space<hbm>>)
      tpu.yield
    }) : () -> ()
    %add3A_57 = arith.constant 672 : i32
    %add3A_58 = arith.addi %mul3A_2, %add3A_57 : i32
    "tpu.region"() ({
      %run_scoped3A = tpu.sem_alloc : memref<!tpu.dma_semaphore, #tpu.memory_space<semaphore_mem>>
      %dma_start3A_129 = tpu.memref_slice %arg3[%add3A_58] : memref<49152xi32, #tpu.memory_space<hbm>> -> memref<96xi32, #tpu.memory_space<hbm>>
      %dma_start3A_130 = tpu.memref_slice %arg3[%add3A_58] : memref<49152xi32, #tpu.memory_space<hbm>> -> memref<96xi32, #tpu.memory_space<hbm>>
      tpu.enqueue_dma source(%dma_start3A_130 : memref<96xi32, #tpu.memory_space<hbm>>) target(%arg5 : memref<96xi32, #tpu.memory_space<vmem>>) target_semaphore(%run_scoped3A : memref<!tpu.dma_semaphore, #tpu.memory_space<semaphore_mem>>)
      %dma_wait3A_131 = tpu.memref_slice %arg3[%add3A_58] : memref<49152xi32, #tpu.memory_space<hbm>> -> memref<96xi32, #tpu.memory_space<hbm>>
      %dma_wait3A_132 = tpu.memref_slice %arg3[%add3A_58] : memref<49152xi32, #tpu.memory_space<hbm>> -> memref<96xi32, #tpu.memory_space<hbm>>
      tpu.wait_dma2 semaphore(%run_scoped3A : memref<!tpu.dma_semaphore, #tpu.memory_space<semaphore_mem>>) src(%dma_wait3A_132 : memref<96xi32, #tpu.memory_space<hbm>>) dst(%arg5 : memref<96xi32, #tpu.memory_space<vmem>>)
      tpu.yield
    }) : () -> ()
    %dma_start3A_59 = arith.constant 0 : i32
    %dma_start3A_60 = arith.constant 0 : i32
    %dma_start3A_61 = tpu.memref_slice %arg2[%dma_start3A_59, %dma_start3A_60] : memref<3456x384xf32, #tpu.memory_space<hbm>> -> memref<3456x384xf32, #tpu.memory_space<hbm>>
    tpu.enqueue_indirect_dma source(%dma_start3A_61 : memref<3456x384xf32, #tpu.memory_space<hbm>>) target(%arg6 : memref<96x384xf32, #tpu.memory_space<vmem>>) offsets(%arg5 : memref<96xi32, #tpu.memory_space<vmem>>) semaphore(%arg7 : memref<!tpu.dma_semaphore, #tpu.memory_space<semaphore_mem>>)
    %dma_wait3A_62 = arith.constant 0 : i32
    %dma_wait3A_63 = arith.constant 0 : i32
    %dma_wait3A_64 = tpu.memref_slice %arg2[%dma_wait3A_62, %dma_wait3A_63] : memref<3456x384xf32, #tpu.memory_space<hbm>> -> memref<3456x384xf32, #tpu.memory_space<hbm>>
    tpu.wait_indirect_dma semaphore(%arg7 : memref<!tpu.dma_semaphore, #tpu.memory_space<semaphore_mem>>) src(%dma_wait3A_64 : memref<3456x384xf32, #tpu.memory_space<hbm>>) dst(%arg6 : memref<96x384xf32, #tpu.memory_space<vmem>>)
    "tpu.region"() ({
      %run_scoped3A = tpu.sem_alloc : memref<!tpu.dma_semaphore, #tpu.memory_space<semaphore_mem>>
      %dma_start3A_129 = arith.constant 0 : i32
      %dma_start3A_130 = tpu.memref_slice %arg4[%add3A_58, %dma_start3A_129] : memref<49152x384xf32, #tpu.memory_space<hbm>> -> memref<96x384xf32, #tpu.memory_space<hbm>>
      %dma_start3A_131 = arith.constant 0 : i32
      %dma_start3A_132 = tpu.memref_slice %arg4[%add3A_58, %dma_start3A_131] : memref<49152x384xf32, #tpu.memory_space<hbm>> -> memref<96x384xf32, #tpu.memory_space<hbm>>
      tpu.enqueue_dma source(%arg6 : memref<96x384xf32, #tpu.memory_space<vmem>>) target(%dma_start3A_132 : memref<96x384xf32, #tpu.memory_space<hbm>>) target_semaphore(%run_scoped3A : memref<!tpu.dma_semaphore, #tpu.memory_space<semaphore_mem>>)
      %dma_wait3A_133 = arith.constant 0 : i32
      %dma_wait3A_134 = tpu.memref_slice %arg4[%add3A_58, %dma_wait3A_133] : memref<49152x384xf32, #tpu.memory_space<hbm>> -> memref<96x384xf32, #tpu.memory_space<hbm>>
      %dma_wait3A_135 = arith.constant 0 : i32
      %dma_wait3A_136 = tpu.memref_slice %arg4[%add3A_58, %dma_wait3A_135] : memref<49152x384xf32, #tpu.memory_space<hbm>> -> memref<96x384xf32, #tpu.memory_space<hbm>>
      tpu.wait_dma2 semaphore(%run_scoped3A : memref<!tpu.dma_semaphore, #tpu.memory_space<semaphore_mem>>) src(%arg6 : memref<96x384xf32, #tpu.memory_space<vmem>>) dst(%dma_wait3A_136 : memref<96x384xf32, #tpu.memory_space<hbm>>)
      tpu.yield
    }) : () -> ()
    %add3A_65 = arith.constant 768 : i32
    %add3A_66 = arith.addi %mul3A_2, %add3A_65 : i32
    "tpu.region"() ({
      %run_scoped3A = tpu.sem_alloc : memref<!tpu.dma_semaphore, #tpu.memory_space<semaphore_mem>>
      %dma_start3A_129 = tpu.memref_slice %arg3[%add3A_66] : memref<49152xi32, #tpu.memory_space<hbm>> -> memref<96xi32, #tpu.memory_space<hbm>>
      %dma_start3A_130 = tpu.memref_slice %arg3[%add3A_66] : memref<49152xi32, #tpu.memory_space<hbm>> -> memref<96xi32, #tpu.memory_space<hbm>>
      tpu.enqueue_dma source(%dma_start3A_130 : memref<96xi32, #tpu.memory_space<hbm>>) target(%arg5 : memref<96xi32, #tpu.memory_space<vmem>>) target_semaphore(%run_scoped3A : memref<!tpu.dma_semaphore, #tpu.memory_space<semaphore_mem>>)
      %dma_wait3A_131 = tpu.memref_slice %arg3[%add3A_66] : memref<49152xi32, #tpu.memory_space<hbm>> -> memref<96xi32, #tpu.memory_space<hbm>>
      %dma_wait3A_132 = tpu.memref_slice %arg3[%add3A_66] : memref<49152xi32, #tpu.memory_space<hbm>> -> memref<96xi32, #tpu.memory_space<hbm>>
      tpu.wait_dma2 semaphore(%run_scoped3A : memref<!tpu.dma_semaphore, #tpu.memory_space<semaphore_mem>>) src(%dma_wait3A_132 : memref<96xi32, #tpu.memory_space<hbm>>) dst(%arg5 : memref<96xi32, #tpu.memory_space<vmem>>)
      tpu.yield
    }) : () -> ()
    %dma_start3A_67 = arith.constant 0 : i32
    %dma_start3A_68 = arith.constant 0 : i32
    %dma_start3A_69 = tpu.memref_slice %arg2[%dma_start3A_67, %dma_start3A_68] : memref<3456x384xf32, #tpu.memory_space<hbm>> -> memref<3456x384xf32, #tpu.memory_space<hbm>>
    tpu.enqueue_indirect_dma source(%dma_start3A_69 : memref<3456x384xf32, #tpu.memory_space<hbm>>) target(%arg6 : memref<96x384xf32, #tpu.memory_space<vmem>>) offsets(%arg5 : memref<96xi32, #tpu.memory_space<vmem>>) semaphore(%arg7 : memref<!tpu.dma_semaphore, #tpu.memory_space<semaphore_mem>>)
    %dma_wait3A_70 = arith.constant 0 : i32
    %dma_wait3A_71 = arith.constant 0 : i32
    %dma_wait3A_72 = tpu.memref_slice %arg2[%dma_wait3A_70, %dma_wait3A_71] : memref<3456x384xf32, #tpu.memory_space<hbm>> -> memref<3456x384xf32, #tpu.memory_space<hbm>>
    tpu.wait_indirect_dma semaphore(%arg7 : memref<!tpu.dma_semaphore, #tpu.memory_space<semaphore_mem>>) src(%dma_wait3A_72 : memref<3456x384xf32, #tpu.memory_space<hbm>>) dst(%arg6 : memref<96x384xf32, #tpu.memory_space<vmem>>)
    "tpu.region"() ({
      %run_scoped3A = tpu.sem_alloc : memref<!tpu.dma_semaphore, #tpu.memory_space<semaphore_mem>>
      %dma_start3A_129 = arith.constant 0 : i32
      %dma_start3A_130 = tpu.memref_slice %arg4[%add3A_66, %dma_start3A_129] : memref<49152x384xf32, #tpu.memory_space<hbm>> -> memref<96x384xf32, #tpu.memory_space<hbm>>
      %dma_start3A_131 = arith.constant 0 : i32
      %dma_start3A_132 = tpu.memref_slice %arg4[%add3A_66, %dma_start3A_131] : memref<49152x384xf32, #tpu.memory_space<hbm>> -> memref<96x384xf32, #tpu.memory_space<hbm>>
      tpu.enqueue_dma source(%arg6 : memref<96x384xf32, #tpu.memory_space<vmem>>) target(%dma_start3A_132 : memref<96x384xf32, #tpu.memory_space<hbm>>) target_semaphore(%run_scoped3A : memref<!tpu.dma_semaphore, #tpu.memory_space<semaphore_mem>>)
      %dma_wait3A_133 = arith.constant 0 : i32
      %dma_wait3A_134 = tpu.memref_slice %arg4[%add3A_66, %dma_wait3A_133] : memref<49152x384xf32, #tpu.memory_space<hbm>> -> memref<96x384xf32, #tpu.memory_space<hbm>>
      %dma_wait3A_135 = arith.constant 0 : i32
      %dma_wait3A_136 = tpu.memref_slice %arg4[%add3A_66, %dma_wait3A_135] : memref<49152x384xf32, #tpu.memory_space<hbm>> -> memref<96x384xf32, #tpu.memory_space<hbm>>
      tpu.wait_dma2 semaphore(%run_scoped3A : memref<!tpu.dma_semaphore, #tpu.memory_space<semaphore_mem>>) src(%arg6 : memref<96x384xf32, #tpu.memory_space<vmem>>) dst(%dma_wait3A_136 : memref<96x384xf32, #tpu.memory_space<hbm>>)
      tpu.yield
    }) : () -> ()
    %add3A_73 = arith.constant 864 : i32
    %add3A_74 = arith.addi %mul3A_2, %add3A_73 : i32
    "tpu.region"() ({
      %run_scoped3A = tpu.sem_alloc : memref<!tpu.dma_semaphore, #tpu.memory_space<semaphore_mem>>
      %dma_start3A_129 = tpu.memref_slice %arg3[%add3A_74] : memref<49152xi32, #tpu.memory_space<hbm>> -> memref<96xi32, #tpu.memory_space<hbm>>
      %dma_start3A_130 = tpu.memref_slice %arg3[%add3A_74] : memref<49152xi32, #tpu.memory_space<hbm>> -> memref<96xi32, #tpu.memory_space<hbm>>
      tpu.enqueue_dma source(%dma_start3A_130 : memref<96xi32, #tpu.memory_space<hbm>>) target(%arg5 : memref<96xi32, #tpu.memory_space<vmem>>) target_semaphore(%run_scoped3A : memref<!tpu.dma_semaphore, #tpu.memory_space<semaphore_mem>>)
      %dma_wait3A_131 = tpu.memref_slice %arg3[%add3A_74] : memref<49152xi32, #tpu.memory_space<hbm>> -> memref<96xi32, #tpu.memory_space<hbm>>
      %dma_wait3A_132 = tpu.memref_slice %arg3[%add3A_74] : memref<49152xi32, #tpu.memory_space<hbm>> -> memref<96xi32, #tpu.memory_space<hbm>>
      tpu.wait_dma2 semaphore(%run_scoped3A : memref<!tpu.dma_semaphore, #tpu.memory_space<semaphore_mem>>) src(%dma_wait3A_132 : memref<96xi32, #tpu.memory_space<hbm>>) dst(%arg5 : memref<96xi32, #tpu.memory_space<vmem>>)
      tpu.yield
    }) : () -> ()
    %dma_start3A_75 = arith.constant 0 : i32
    %dma_start3A_76 = arith.constant 0 : i32
    %dma_start3A_77 = tpu.memref_slice %arg2[%dma_start3A_75, %dma_start3A_76] : memref<3456x384xf32, #tpu.memory_space<hbm>> -> memref<3456x384xf32, #tpu.memory_space<hbm>>
    tpu.enqueue_indirect_dma source(%dma_start3A_77 : memref<3456x384xf32, #tpu.memory_space<hbm>>) target(%arg6 : memref<96x384xf32, #tpu.memory_space<vmem>>) offsets(%arg5 : memref<96xi32, #tpu.memory_space<vmem>>) semaphore(%arg7 : memref<!tpu.dma_semaphore, #tpu.memory_space<semaphore_mem>>)
    %dma_wait3A_78 = arith.constant 0 : i32
    %dma_wait3A_79 = arith.constant 0 : i32
    %dma_wait3A_80 = tpu.memref_slice %arg2[%dma_wait3A_78, %dma_wait3A_79] : memref<3456x384xf32, #tpu.memory_space<hbm>> -> memref<3456x384xf32, #tpu.memory_space<hbm>>
    tpu.wait_indirect_dma semaphore(%arg7 : memref<!tpu.dma_semaphore, #tpu.memory_space<semaphore_mem>>) src(%dma_wait3A_80 : memref<3456x384xf32, #tpu.memory_space<hbm>>) dst(%arg6 : memref<96x384xf32, #tpu.memory_space<vmem>>)
    "tpu.region"() ({
      %run_scoped3A = tpu.sem_alloc : memref<!tpu.dma_semaphore, #tpu.memory_space<semaphore_mem>>
      %dma_start3A_129 = arith.constant 0 : i32
      %dma_start3A_130 = tpu.memref_slice %arg4[%add3A_74, %dma_start3A_129] : memref<49152x384xf32, #tpu.memory_space<hbm>> -> memref<96x384xf32, #tpu.memory_space<hbm>>
      %dma_start3A_131 = arith.constant 0 : i32
      %dma_start3A_132 = tpu.memref_slice %arg4[%add3A_74, %dma_start3A_131] : memref<49152x384xf32, #tpu.memory_space<hbm>> -> memref<96x384xf32, #tpu.memory_space<hbm>>
      tpu.enqueue_dma source(%arg6 : memref<96x384xf32, #tpu.memory_space<vmem>>) target(%dma_start3A_132 : memref<96x384xf32, #tpu.memory_space<hbm>>) target_semaphore(%run_scoped3A : memref<!tpu.dma_semaphore, #tpu.memory_space<semaphore_mem>>)
      %dma_wait3A_133 = arith.constant 0 : i32
      %dma_wait3A_134 = tpu.memref_slice %arg4[%add3A_74, %dma_wait3A_133] : memref<49152x384xf32, #tpu.memory_space<hbm>> -> memref<96x384xf32, #tpu.memory_space<hbm>>
      %dma_wait3A_135 = arith.constant 0 : i32
      %dma_wait3A_136 = tpu.memref_slice %arg4[%add3A_74, %dma_wait3A_135] : memref<49152x384xf32, #tpu.memory_space<hbm>> -> memref<96x384xf32, #tpu.memory_space<hbm>>
      tpu.wait_dma2 semaphore(%run_scoped3A : memref<!tpu.dma_semaphore, #tpu.memory_space<semaphore_mem>>) src(%arg6 : memref<96x384xf32, #tpu.memory_space<vmem>>) dst(%dma_wait3A_136 : memref<96x384xf32, #tpu.memory_space<hbm>>)
      tpu.yield
    }) : () -> ()
    %add3A_81 = arith.constant 960 : i32
    %add3A_82 = arith.addi %mul3A_2, %add3A_81 : i32
    "tpu.region"() ({
      %run_scoped3A = tpu.sem_alloc : memref<!tpu.dma_semaphore, #tpu.memory_space<semaphore_mem>>
      %dma_start3A_129 = tpu.memref_slice %arg3[%add3A_82] : memref<49152xi32, #tpu.memory_space<hbm>> -> memref<96xi32, #tpu.memory_space<hbm>>
      %dma_start3A_130 = tpu.memref_slice %arg3[%add3A_82] : memref<49152xi32, #tpu.memory_space<hbm>> -> memref<96xi32, #tpu.memory_space<hbm>>
      tpu.enqueue_dma source(%dma_start3A_130 : memref<96xi32, #tpu.memory_space<hbm>>) target(%arg5 : memref<96xi32, #tpu.memory_space<vmem>>) target_semaphore(%run_scoped3A : memref<!tpu.dma_semaphore, #tpu.memory_space<semaphore_mem>>)
      %dma_wait3A_131 = tpu.memref_slice %arg3[%add3A_82] : memref<49152xi32, #tpu.memory_space<hbm>> -> memref<96xi32, #tpu.memory_space<hbm>>
      %dma_wait3A_132 = tpu.memref_slice %arg3[%add3A_82] : memref<49152xi32, #tpu.memory_space<hbm>> -> memref<96xi32, #tpu.memory_space<hbm>>
      tpu.wait_dma2 semaphore(%run_scoped3A : memref<!tpu.dma_semaphore, #tpu.memory_space<semaphore_mem>>) src(%dma_wait3A_132 : memref<96xi32, #tpu.memory_space<hbm>>) dst(%arg5 : memref<96xi32, #tpu.memory_space<vmem>>)
      tpu.yield
    }) : () -> ()
    %dma_start3A_83 = arith.constant 0 : i32
    %dma_start3A_84 = arith.constant 0 : i32
    %dma_start3A_85 = tpu.memref_slice %arg2[%dma_start3A_83, %dma_start3A_84] : memref<3456x384xf32, #tpu.memory_space<hbm>> -> memref<3456x384xf32, #tpu.memory_space<hbm>>
    tpu.enqueue_indirect_dma source(%dma_start3A_85 : memref<3456x384xf32, #tpu.memory_space<hbm>>) target(%arg6 : memref<96x384xf32, #tpu.memory_space<vmem>>) offsets(%arg5 : memref<96xi32, #tpu.memory_space<vmem>>) semaphore(%arg7 : memref<!tpu.dma_semaphore, #tpu.memory_space<semaphore_mem>>)
    %dma_wait3A_86 = arith.constant 0 : i32
    %dma_wait3A_87 = arith.constant 0 : i32
    %dma_wait3A_88 = tpu.memref_slice %arg2[%dma_wait3A_86, %dma_wait3A_87] : memref<3456x384xf32, #tpu.memory_space<hbm>> -> memref<3456x384xf32, #tpu.memory_space<hbm>>
    tpu.wait_indirect_dma semaphore(%arg7 : memref<!tpu.dma_semaphore, #tpu.memory_space<semaphore_mem>>) src(%dma_wait3A_88 : memref<3456x384xf32, #tpu.memory_space<hbm>>) dst(%arg6 : memref<96x384xf32, #tpu.memory_space<vmem>>)
    "tpu.region"() ({
      %run_scoped3A = tpu.sem_alloc : memref<!tpu.dma_semaphore, #tpu.memory_space<semaphore_mem>>
      %dma_start3A_129 = arith.constant 0 : i32
      %dma_start3A_130 = tpu.memref_slice %arg4[%add3A_82, %dma_start3A_129] : memref<49152x384xf32, #tpu.memory_space<hbm>> -> memref<96x384xf32, #tpu.memory_space<hbm>>
      %dma_start3A_131 = arith.constant 0 : i32
      %dma_start3A_132 = tpu.memref_slice %arg4[%add3A_82, %dma_start3A_131] : memref<49152x384xf32, #tpu.memory_space<hbm>> -> memref<96x384xf32, #tpu.memory_space<hbm>>
      tpu.enqueue_dma source(%arg6 : memref<96x384xf32, #tpu.memory_space<vmem>>) target(%dma_start3A_132 : memref<96x384xf32, #tpu.memory_space<hbm>>) target_semaphore(%run_scoped3A : memref<!tpu.dma_semaphore, #tpu.memory_space<semaphore_mem>>)
      %dma_wait3A_133 = arith.constant 0 : i32
      %dma_wait3A_134 = tpu.memref_slice %arg4[%add3A_82, %dma_wait3A_133] : memref<49152x384xf32, #tpu.memory_space<hbm>> -> memref<96x384xf32, #tpu.memory_space<hbm>>
      %dma_wait3A_135 = arith.constant 0 : i32
      %dma_wait3A_136 = tpu.memref_slice %arg4[%add3A_82, %dma_wait3A_135] : memref<49152x384xf32, #tpu.memory_space<hbm>> -> memref<96x384xf32, #tpu.memory_space<hbm>>
      tpu.wait_dma2 semaphore(%run_scoped3A : memref<!tpu.dma_semaphore, #tpu.memory_space<semaphore_mem>>) src(%arg6 : memref<96x384xf32, #tpu.memory_space<vmem>>) dst(%dma_wait3A_136 : memref<96x384xf32, #tpu.memory_space<hbm>>)
      tpu.yield
    }) : () -> ()
    %add3A_89 = arith.constant 1056 : i32
    %add3A_90 = arith.addi %mul3A_2, %add3A_89 : i32
    "tpu.region"() ({
      %run_scoped3A = tpu.sem_alloc : memref<!tpu.dma_semaphore, #tpu.memory_space<semaphore_mem>>
      %dma_start3A_129 = tpu.memref_slice %arg3[%add3A_90] : memref<49152xi32, #tpu.memory_space<hbm>> -> memref<96xi32, #tpu.memory_space<hbm>>
      %dma_start3A_130 = tpu.memref_slice %arg3[%add3A_90] : memref<49152xi32, #tpu.memory_space<hbm>> -> memref<96xi32, #tpu.memory_space<hbm>>
      tpu.enqueue_dma source(%dma_start3A_130 : memref<96xi32, #tpu.memory_space<hbm>>) target(%arg5 : memref<96xi32, #tpu.memory_space<vmem>>) target_semaphore(%run_scoped3A : memref<!tpu.dma_semaphore, #tpu.memory_space<semaphore_mem>>)
      %dma_wait3A_131 = tpu.memref_slice %arg3[%add3A_90] : memref<49152xi32, #tpu.memory_space<hbm>> -> memref<96xi32, #tpu.memory_space<hbm>>
      %dma_wait3A_132 = tpu.memref_slice %arg3[%add3A_90] : memref<49152xi32, #tpu.memory_space<hbm>> -> memref<96xi32, #tpu.memory_space<hbm>>
      tpu.wait_dma2 semaphore(%run_scoped3A : memref<!tpu.dma_semaphore, #tpu.memory_space<semaphore_mem>>) src(%dma_wait3A_132 : memref<96xi32, #tpu.memory_space<hbm>>) dst(%arg5 : memref<96xi32, #tpu.memory_space<vmem>>)
      tpu.yield
    }) : () -> ()
    %dma_start3A_91 = arith.constant 0 : i32
    %dma_start3A_92 = arith.constant 0 : i32
    %dma_start3A_93 = tpu.memref_slice %arg2[%dma_start3A_91, %dma_start3A_92] : memref<3456x384xf32, #tpu.memory_space<hbm>> -> memref<3456x384xf32, #tpu.memory_space<hbm>>
    tpu.enqueue_indirect_dma source(%dma_start3A_93 : memref<3456x384xf32, #tpu.memory_space<hbm>>) target(%arg6 : memref<96x384xf32, #tpu.memory_space<vmem>>) offsets(%arg5 : memref<96xi32, #tpu.memory_space<vmem>>) semaphore(%arg7 : memref<!tpu.dma_semaphore, #tpu.memory_space<semaphore_mem>>)
    %dma_wait3A_94 = arith.constant 0 : i32
    %dma_wait3A_95 = arith.constant 0 : i32
    %dma_wait3A_96 = tpu.memref_slice %arg2[%dma_wait3A_94, %dma_wait3A_95] : memref<3456x384xf32, #tpu.memory_space<hbm>> -> memref<3456x384xf32, #tpu.memory_space<hbm>>
    tpu.wait_indirect_dma semaphore(%arg7 : memref<!tpu.dma_semaphore, #tpu.memory_space<semaphore_mem>>) src(%dma_wait3A_96 : memref<3456x384xf32, #tpu.memory_space<hbm>>) dst(%arg6 : memref<96x384xf32, #tpu.memory_space<vmem>>)
    "tpu.region"() ({
      %run_scoped3A = tpu.sem_alloc : memref<!tpu.dma_semaphore, #tpu.memory_space<semaphore_mem>>
      %dma_start3A_129 = arith.constant 0 : i32
      %dma_start3A_130 = tpu.memref_slice %arg4[%add3A_90, %dma_start3A_129] : memref<49152x384xf32, #tpu.memory_space<hbm>> -> memref<96x384xf32, #tpu.memory_space<hbm>>
      %dma_start3A_131 = arith.constant 0 : i32
      %dma_start3A_132 = tpu.memref_slice %arg4[%add3A_90, %dma_start3A_131] : memref<49152x384xf32, #tpu.memory_space<hbm>> -> memref<96x384xf32, #tpu.memory_space<hbm>>
      tpu.enqueue_dma source(%arg6 : memref<96x384xf32, #tpu.memory_space<vmem>>) target(%dma_start3A_132 : memref<96x384xf32, #tpu.memory_space<hbm>>) target_semaphore(%run_scoped3A : memref<!tpu.dma_semaphore, #tpu.memory_space<semaphore_mem>>)
      %dma_wait3A_133 = arith.constant 0 : i32
      %dma_wait3A_134 = tpu.memref_slice %arg4[%add3A_90, %dma_wait3A_133] : memref<49152x384xf32, #tpu.memory_space<hbm>> -> memref<96x384xf32, #tpu.memory_space<hbm>>
      %dma_wait3A_135 = arith.constant 0 : i32
      %dma_wait3A_136 = tpu.memref_slice %arg4[%add3A_90, %dma_wait3A_135] : memref<49152x384xf32, #tpu.memory_space<hbm>> -> memref<96x384xf32, #tpu.memory_space<hbm>>
      tpu.wait_dma2 semaphore(%run_scoped3A : memref<!tpu.dma_semaphore, #tpu.memory_space<semaphore_mem>>) src(%arg6 : memref<96x384xf32, #tpu.memory_space<vmem>>) dst(%dma_wait3A_136 : memref<96x384xf32, #tpu.memory_space<hbm>>)
      tpu.yield
    }) : () -> ()
    %add3A_97 = arith.constant 1152 : i32
    %add3A_98 = arith.addi %mul3A_2, %add3A_97 : i32
    "tpu.region"() ({
      %run_scoped3A = tpu.sem_alloc : memref<!tpu.dma_semaphore, #tpu.memory_space<semaphore_mem>>
      %dma_start3A_129 = tpu.memref_slice %arg3[%add3A_98] : memref<49152xi32, #tpu.memory_space<hbm>> -> memref<96xi32, #tpu.memory_space<hbm>>
      %dma_start3A_130 = tpu.memref_slice %arg3[%add3A_98] : memref<49152xi32, #tpu.memory_space<hbm>> -> memref<96xi32, #tpu.memory_space<hbm>>
      tpu.enqueue_dma source(%dma_start3A_130 : memref<96xi32, #tpu.memory_space<hbm>>) target(%arg5 : memref<96xi32, #tpu.memory_space<vmem>>) target_semaphore(%run_scoped3A : memref<!tpu.dma_semaphore, #tpu.memory_space<semaphore_mem>>)
      %dma_wait3A_131 = tpu.memref_slice %arg3[%add3A_98] : memref<49152xi32, #tpu.memory_space<hbm>> -> memref<96xi32, #tpu.memory_space<hbm>>
      %dma_wait3A_132 = tpu.memref_slice %arg3[%add3A_98] : memref<49152xi32, #tpu.memory_space<hbm>> -> memref<96xi32, #tpu.memory_space<hbm>>
      tpu.wait_dma2 semaphore(%run_scoped3A : memref<!tpu.dma_semaphore, #tpu.memory_space<semaphore_mem>>) src(%dma_wait3A_132 : memref<96xi32, #tpu.memory_space<hbm>>) dst(%arg5 : memref<96xi32, #tpu.memory_space<vmem>>)
      tpu.yield
    }) : () -> ()
    %dma_start3A_99 = arith.constant 0 : i32
    %dma_start3A_100 = arith.constant 0 : i32
    %dma_start3A_101 = tpu.memref_slice %arg2[%dma_start3A_99, %dma_start3A_100] : memref<3456x384xf32, #tpu.memory_space<hbm>> -> memref<3456x384xf32, #tpu.memory_space<hbm>>
    tpu.enqueue_indirect_dma source(%dma_start3A_101 : memref<3456x384xf32, #tpu.memory_space<hbm>>) target(%arg6 : memref<96x384xf32, #tpu.memory_space<vmem>>) offsets(%arg5 : memref<96xi32, #tpu.memory_space<vmem>>) semaphore(%arg7 : memref<!tpu.dma_semaphore, #tpu.memory_space<semaphore_mem>>)
    %dma_wait3A_102 = arith.constant 0 : i32
    %dma_wait3A_103 = arith.constant 0 : i32
    %dma_wait3A_104 = tpu.memref_slice %arg2[%dma_wait3A_102, %dma_wait3A_103] : memref<3456x384xf32, #tpu.memory_space<hbm>> -> memref<3456x384xf32, #tpu.memory_space<hbm>>
    tpu.wait_indirect_dma semaphore(%arg7 : memref<!tpu.dma_semaphore, #tpu.memory_space<semaphore_mem>>) src(%dma_wait3A_104 : memref<3456x384xf32, #tpu.memory_space<hbm>>) dst(%arg6 : memref<96x384xf32, #tpu.memory_space<vmem>>)
    "tpu.region"() ({
      %run_scoped3A = tpu.sem_alloc : memref<!tpu.dma_semaphore, #tpu.memory_space<semaphore_mem>>
      %dma_start3A_129 = arith.constant 0 : i32
      %dma_start3A_130 = tpu.memref_slice %arg4[%add3A_98, %dma_start3A_129] : memref<49152x384xf32, #tpu.memory_space<hbm>> -> memref<96x384xf32, #tpu.memory_space<hbm>>
      %dma_start3A_131 = arith.constant 0 : i32
      %dma_start3A_132 = tpu.memref_slice %arg4[%add3A_98, %dma_start3A_131] : memref<49152x384xf32, #tpu.memory_space<hbm>> -> memref<96x384xf32, #tpu.memory_space<hbm>>
      tpu.enqueue_dma source(%arg6 : memref<96x384xf32, #tpu.memory_space<vmem>>) target(%dma_start3A_132 : memref<96x384xf32, #tpu.memory_space<hbm>>) target_semaphore(%run_scoped3A : memref<!tpu.dma_semaphore, #tpu.memory_space<semaphore_mem>>)
      %dma_wait3A_133 = arith.constant 0 : i32
      %dma_wait3A_134 = tpu.memref_slice %arg4[%add3A_98, %dma_wait3A_133] : memref<49152x384xf32, #tpu.memory_space<hbm>> -> memref<96x384xf32, #tpu.memory_space<hbm>>
      %dma_wait3A_135 = arith.constant 0 : i32
      %dma_wait3A_136 = tpu.memref_slice %arg4[%add3A_98, %dma_wait3A_135] : memref<49152x384xf32, #tpu.memory_space<hbm>> -> memref<96x384xf32, #tpu.memory_space<hbm>>
      tpu.wait_dma2 semaphore(%run_scoped3A : memref<!tpu.dma_semaphore, #tpu.memory_space<semaphore_mem>>) src(%arg6 : memref<96x384xf32, #tpu.memory_space<vmem>>) dst(%dma_wait3A_136 : memref<96x384xf32, #tpu.memory_space<hbm>>)
      tpu.yield
    }) : () -> ()
    %add3A_105 = arith.constant 1248 : i32
    %add3A_106 = arith.addi %mul3A_2, %add3A_105 : i32
    "tpu.region"() ({
      %run_scoped3A = tpu.sem_alloc : memref<!tpu.dma_semaphore, #tpu.memory_space<semaphore_mem>>
      %dma_start3A_129 = tpu.memref_slice %arg3[%add3A_106] : memref<49152xi32, #tpu.memory_space<hbm>> -> memref<96xi32, #tpu.memory_space<hbm>>
      %dma_start3A_130 = tpu.memref_slice %arg3[%add3A_106] : memref<49152xi32, #tpu.memory_space<hbm>> -> memref<96xi32, #tpu.memory_space<hbm>>
      tpu.enqueue_dma source(%dma_start3A_130 : memref<96xi32, #tpu.memory_space<hbm>>) target(%arg5 : memref<96xi32, #tpu.memory_space<vmem>>) target_semaphore(%run_scoped3A : memref<!tpu.dma_semaphore, #tpu.memory_space<semaphore_mem>>)
      %dma_wait3A_131 = tpu.memref_slice %arg3[%add3A_106] : memref<49152xi32, #tpu.memory_space<hbm>> -> memref<96xi32, #tpu.memory_space<hbm>>
      %dma_wait3A_132 = tpu.memref_slice %arg3[%add3A_106] : memref<49152xi32, #tpu.memory_space<hbm>> -> memref<96xi32, #tpu.memory_space<hbm>>
      tpu.wait_dma2 semaphore(%run_scoped3A : memref<!tpu.dma_semaphore, #tpu.memory_space<semaphore_mem>>) src(%dma_wait3A_132 : memref<96xi32, #tpu.memory_space<hbm>>) dst(%arg5 : memref<96xi32, #tpu.memory_space<vmem>>)
      tpu.yield
    }) : () -> ()
    %dma_start3A_107 = arith.constant 0 : i32
    %dma_start3A_108 = arith.constant 0 : i32
    %dma_start3A_109 = tpu.memref_slice %arg2[%dma_start3A_107, %dma_start3A_108] : memref<3456x384xf32, #tpu.memory_space<hbm>> -> memref<3456x384xf32, #tpu.memory_space<hbm>>
    tpu.enqueue_indirect_dma source(%dma_start3A_109 : memref<3456x384xf32, #tpu.memory_space<hbm>>) target(%arg6 : memref<96x384xf32, #tpu.memory_space<vmem>>) offsets(%arg5 : memref<96xi32, #tpu.memory_space<vmem>>) semaphore(%arg7 : memref<!tpu.dma_semaphore, #tpu.memory_space<semaphore_mem>>)
    %dma_wait3A_110 = arith.constant 0 : i32
    %dma_wait3A_111 = arith.constant 0 : i32
    %dma_wait3A_112 = tpu.memref_slice %arg2[%dma_wait3A_110, %dma_wait3A_111] : memref<3456x384xf32, #tpu.memory_space<hbm>> -> memref<3456x384xf32, #tpu.memory_space<hbm>>
    tpu.wait_indirect_dma semaphore(%arg7 : memref<!tpu.dma_semaphore, #tpu.memory_space<semaphore_mem>>) src(%dma_wait3A_112 : memref<3456x384xf32, #tpu.memory_space<hbm>>) dst(%arg6 : memref<96x384xf32, #tpu.memory_space<vmem>>)
    "tpu.region"() ({
      %run_scoped3A = tpu.sem_alloc : memref<!tpu.dma_semaphore, #tpu.memory_space<semaphore_mem>>
      %dma_start3A_129 = arith.constant 0 : i32
      %dma_start3A_130 = tpu.memref_slice %arg4[%add3A_106, %dma_start3A_129] : memref<49152x384xf32, #tpu.memory_space<hbm>> -> memref<96x384xf32, #tpu.memory_space<hbm>>
      %dma_start3A_131 = arith.constant 0 : i32
      %dma_start3A_132 = tpu.memref_slice %arg4[%add3A_106, %dma_start3A_131] : memref<49152x384xf32, #tpu.memory_space<hbm>> -> memref<96x384xf32, #tpu.memory_space<hbm>>
      tpu.enqueue_dma source(%arg6 : memref<96x384xf32, #tpu.memory_space<vmem>>) target(%dma_start3A_132 : memref<96x384xf32, #tpu.memory_space<hbm>>) target_semaphore(%run_scoped3A : memref<!tpu.dma_semaphore, #tpu.memory_space<semaphore_mem>>)
      %dma_wait3A_133 = arith.constant 0 : i32
      %dma_wait3A_134 = tpu.memref_slice %arg4[%add3A_106, %dma_wait3A_133] : memref<49152x384xf32, #tpu.memory_space<hbm>> -> memref<96x384xf32, #tpu.memory_space<hbm>>
      %dma_wait3A_135 = arith.constant 0 : i32
      %dma_wait3A_136 = tpu.memref_slice %arg4[%add3A_106, %dma_wait3A_135] : memref<49152x384xf32, #tpu.memory_space<hbm>> -> memref<96x384xf32, #tpu.memory_space<hbm>>
      tpu.wait_dma2 semaphore(%run_scoped3A : memref<!tpu.dma_semaphore, #tpu.memory_space<semaphore_mem>>) src(%arg6 : memref<96x384xf32, #tpu.memory_space<vmem>>) dst(%dma_wait3A_136 : memref<96x384xf32, #tpu.memory_space<hbm>>)
      tpu.yield
    }) : () -> ()
    %add3A_113 = arith.constant 1344 : i32
    %add3A_114 = arith.addi %mul3A_2, %add3A_113 : i32
    "tpu.region"() ({
      %run_scoped3A = tpu.sem_alloc : memref<!tpu.dma_semaphore, #tpu.memory_space<semaphore_mem>>
      %dma_start3A_129 = tpu.memref_slice %arg3[%add3A_114] : memref<49152xi32, #tpu.memory_space<hbm>> -> memref<96xi32, #tpu.memory_space<hbm>>
      %dma_start3A_130 = tpu.memref_slice %arg3[%add3A_114] : memref<49152xi32, #tpu.memory_space<hbm>> -> memref<96xi32, #tpu.memory_space<hbm>>
      tpu.enqueue_dma source(%dma_start3A_130 : memref<96xi32, #tpu.memory_space<hbm>>) target(%arg5 : memref<96xi32, #tpu.memory_space<vmem>>) target_semaphore(%run_scoped3A : memref<!tpu.dma_semaphore, #tpu.memory_space<semaphore_mem>>)
      %dma_wait3A_131 = tpu.memref_slice %arg3[%add3A_114] : memref<49152xi32, #tpu.memory_space<hbm>> -> memref<96xi32, #tpu.memory_space<hbm>>
      %dma_wait3A_132 = tpu.memref_slice %arg3[%add3A_114] : memref<49152xi32, #tpu.memory_space<hbm>> -> memref<96xi32, #tpu.memory_space<hbm>>
      tpu.wait_dma2 semaphore(%run_scoped3A : memref<!tpu.dma_semaphore, #tpu.memory_space<semaphore_mem>>) src(%dma_wait3A_132 : memref<96xi32, #tpu.memory_space<hbm>>) dst(%arg5 : memref<96xi32, #tpu.memory_space<vmem>>)
      tpu.yield
    }) : () -> ()
    %dma_start3A_115 = arith.constant 0 : i32
    %dma_start3A_116 = arith.constant 0 : i32
    %dma_start3A_117 = tpu.memref_slice %arg2[%dma_start3A_115, %dma_start3A_116] : memref<3456x384xf32, #tpu.memory_space<hbm>> -> memref<3456x384xf32, #tpu.memory_space<hbm>>
    tpu.enqueue_indirect_dma source(%dma_start3A_117 : memref<3456x384xf32, #tpu.memory_space<hbm>>) target(%arg6 : memref<96x384xf32, #tpu.memory_space<vmem>>) offsets(%arg5 : memref<96xi32, #tpu.memory_space<vmem>>) semaphore(%arg7 : memref<!tpu.dma_semaphore, #tpu.memory_space<semaphore_mem>>)
    %dma_wait3A_118 = arith.constant 0 : i32
    %dma_wait3A_119 = arith.constant 0 : i32
    %dma_wait3A_120 = tpu.memref_slice %arg2[%dma_wait3A_118, %dma_wait3A_119] : memref<3456x384xf32, #tpu.memory_space<hbm>> -> memref<3456x384xf32, #tpu.memory_space<hbm>>
    tpu.wait_indirect_dma semaphore(%arg7 : memref<!tpu.dma_semaphore, #tpu.memory_space<semaphore_mem>>) src(%dma_wait3A_120 : memref<3456x384xf32, #tpu.memory_space<hbm>>) dst(%arg6 : memref<96x384xf32, #tpu.memory_space<vmem>>)
    "tpu.region"() ({
      %run_scoped3A = tpu.sem_alloc : memref<!tpu.dma_semaphore, #tpu.memory_space<semaphore_mem>>
      %dma_start3A_129 = arith.constant 0 : i32
      %dma_start3A_130 = tpu.memref_slice %arg4[%add3A_114, %dma_start3A_129] : memref<49152x384xf32, #tpu.memory_space<hbm>> -> memref<96x384xf32, #tpu.memory_space<hbm>>
      %dma_start3A_131 = arith.constant 0 : i32
      %dma_start3A_132 = tpu.memref_slice %arg4[%add3A_114, %dma_start3A_131] : memref<49152x384xf32, #tpu.memory_space<hbm>> -> memref<96x384xf32, #tpu.memory_space<hbm>>
      tpu.enqueue_dma source(%arg6 : memref<96x384xf32, #tpu.memory_space<vmem>>) target(%dma_start3A_132 : memref<96x384xf32, #tpu.memory_space<hbm>>) target_semaphore(%run_scoped3A : memref<!tpu.dma_semaphore, #tpu.memory_space<semaphore_mem>>)
      %dma_wait3A_133 = arith.constant 0 : i32
      %dma_wait3A_134 = tpu.memref_slice %arg4[%add3A_114, %dma_wait3A_133] : memref<49152x384xf32, #tpu.memory_space<hbm>> -> memref<96x384xf32, #tpu.memory_space<hbm>>
      %dma_wait3A_135 = arith.constant 0 : i32
      %dma_wait3A_136 = tpu.memref_slice %arg4[%add3A_114, %dma_wait3A_135] : memref<49152x384xf32, #tpu.memory_space<hbm>> -> memref<96x384xf32, #tpu.memory_space<hbm>>
      tpu.wait_dma2 semaphore(%run_scoped3A : memref<!tpu.dma_semaphore, #tpu.memory_space<semaphore_mem>>) src(%arg6 : memref<96x384xf32, #tpu.memory_space<vmem>>) dst(%dma_wait3A_136 : memref<96x384xf32, #tpu.memory_space<hbm>>)
      tpu.yield
    }) : () -> ()
    %add3A_121 = arith.constant 1440 : i32
    %add3A_122 = arith.addi %mul3A_2, %add3A_121 : i32
    "tpu.region"() ({
      %run_scoped3A = tpu.sem_alloc : memref<!tpu.dma_semaphore, #tpu.memory_space<semaphore_mem>>
      %dma_start3A_129 = tpu.memref_slice %arg3[%add3A_122] : memref<49152xi32, #tpu.memory_space<hbm>> -> memref<96xi32, #tpu.memory_space<hbm>>
      %dma_start3A_130 = tpu.memref_slice %arg3[%add3A_122] : memref<49152xi32, #tpu.memory_space<hbm>> -> memref<96xi32, #tpu.memory_space<hbm>>
      tpu.enqueue_dma source(%dma_start3A_130 : memref<96xi32, #tpu.memory_space<hbm>>) target(%arg5 : memref<96xi32, #tpu.memory_space<vmem>>) target_semaphore(%run_scoped3A : memref<!tpu.dma_semaphore, #tpu.memory_space<semaphore_mem>>)
      %dma_wait3A_131 = tpu.memref_slice %arg3[%add3A_122] : memref<49152xi32, #tpu.memory_space<hbm>> -> memref<96xi32, #tpu.memory_space<hbm>>
      %dma_wait3A_132 = tpu.memref_slice %arg3[%add3A_122] : memref<49152xi32, #tpu.memory_space<hbm>> -> memref<96xi32, #tpu.memory_space<hbm>>
      tpu.wait_dma2 semaphore(%run_scoped3A : memref<!tpu.dma_semaphore, #tpu.memory_space<semaphore_mem>>) src(%dma_wait3A_132 : memref<96xi32, #tpu.memory_space<hbm>>) dst(%arg5 : memref<96xi32, #tpu.memory_space<vmem>>)
      tpu.yield
    }) : () -> ()
    %dma_start3A_123 = arith.constant 0 : i32
    %dma_start3A_124 = arith.constant 0 : i32
    %dma_start3A_125 = tpu.memref_slice %arg2[%dma_start3A_123, %dma_start3A_124] : memref<3456x384xf32, #tpu.memory_space<hbm>> -> memref<3456x384xf32, #tpu.memory_space<hbm>>
    tpu.enqueue_indirect_dma source(%dma_start3A_125 : memref<3456x384xf32, #tpu.memory_space<hbm>>) target(%arg6 : memref<96x384xf32, #tpu.memory_space<vmem>>) offsets(%arg5 : memref<96xi32, #tpu.memory_space<vmem>>) semaphore(%arg7 : memref<!tpu.dma_semaphore, #tpu.memory_space<semaphore_mem>>)
    %dma_wait3A_126 = arith.constant 0 : i32
    %dma_wait3A_127 = arith.constant 0 : i32
    %dma_wait3A_128 = tpu.memref_slice %arg2[%dma_wait3A_126, %dma_wait3A_127] : memref<3456x384xf32, #tpu.memory_space<hbm>> -> memref<3456x384xf32, #tpu.memory_space<hbm>>
    tpu.wait_indirect_dma semaphore(%arg7 : memref<!tpu.dma_semaphore, #tpu.memory_space<semaphore_mem>>) src(%dma_wait3A_128 : memref<3456x384xf32, #tpu.memory_space<hbm>>) dst(%arg6 : memref<96x384xf32, #tpu.memory_space<vmem>>)
    "tpu.region"() ({
      %run_scoped3A = tpu.sem_alloc : memref<!tpu.dma_semaphore, #tpu.memory_space<semaphore_mem>>
      %dma_start3A_129 = arith.constant 0 : i32
      %dma_start3A_130 = tpu.memref_slice %arg4[%add3A_122, %dma_start3A_129] : memref<49152x384xf32, #tpu.memory_space<hbm>> -> memref<96x384xf32, #tpu.memory_space<hbm>>
      %dma_start3A_131 = arith.constant 0 : i32
      %dma_start3A_132 = tpu.memref_slice %arg4[%add3A_122, %dma_start3A_131] : memref<49152x384xf32, #tpu.memory_space<hbm>> -> memref<96x384xf32, #tpu.memory_space<hbm>>
      tpu.enqueue_dma source(%arg6 : memref<96x384xf32, #tpu.memory_space<vmem>>) target(%dma_start3A_132 : memref<96x384xf32, #tpu.memory_space<hbm>>) target_semaphore(%run_scoped3A : memref<!tpu.dma_semaphore, #tpu.memory_space<semaphore_mem>>)
      %dma_wait3A_133 = arith.constant 0 : i32
      %dma_wait3A_134 = tpu.memref_slice %arg4[%add3A_122, %dma_wait3A_133] : memref<49152x384xf32, #tpu.memory_space<hbm>> -> memref<96x384xf32, #tpu.memory_space<hbm>>
      %dma_wait3A_135 = arith.constant 0 : i32
      %dma_wait3A_136 = tpu.memref_slice %arg4[%add3A_122, %dma_wait3A_135] : memref<49152x384xf32, #tpu.memory_space<hbm>> -> memref<96x384xf32, #tpu.memory_space<hbm>>
      tpu.wait_dma2 semaphore(%run_scoped3A : memref<!tpu.dma_semaphore, #tpu.memory_space<semaphore_mem>>) src(%arg6 : memref<96x384xf32, #tpu.memory_space<vmem>>) dst(%dma_wait3A_136 : memref<96x384xf32, #tpu.memory_space<hbm>>)
      tpu.yield
    }) : () -> ()
    return
  }
}

module attributes {stable_mosaic.version = 14 : i64} {
  func.func @_gate_body(%arg0: i32, %arg1: memref<16x192x192xf32, #tpu.memory_space<vmem>>, %arg2: memref<16x3x192xf32, #tpu.memory_space<vmem>>, %arg3: memref<192x8xf32, #tpu.memory_space<vmem>>, %arg4: memref<16x192xi32, #tpu.memory_space<vmem>>, %arg5: memref<1x1xf32, #tpu.memory_space<vmem>>, %arg6: memref<8x192xf32, #tpu.memory_space<vmem>>) attributes {dimension_semantics = [#tpu.dimension_semantics<arbitrary>], iteration_bounds = array<i64: 32>, scalar_prefetch = 0 : i64, scratch_operands = 1 : i64, tpu.core_type = #tpu.core_type<tc>, window_params = [{transform_indices = @transform_0, window_bounds = array<i64: 16, 192, 192>}, {transform_indices = @transform_1, window_bounds = array<i64: 16, 3, 192>}, {pipeline_mode = #tpu.pipeline_mode<synchronous>, transform_indices = @transform_2, window_bounds = array<i64: 192, 8>}, {transform_indices = @transform_3, window_bounds = array<i64: 16, 192>}, {pipeline_mode = #tpu.pipeline_mode<synchronous>, transform_indices = @transform_4, window_bounds = array<i64: 1, 1>}]} {
    %eq3A = arith.constant 0 : i32
    %eq3A_0 = arith.cmpi eq, %arg0, %eq3A : i32
    %convert_element_type3A = arith.extui %eq3A_0 : i1 to i32
    %cond3A = arith.constant 0 : i32
    %cond3A_1 = arith.cmpi ne, %convert_element_type3A, %cond3A : i32
    scf.if %cond3A_1 {
      %broadcast_in_dim3A_2417 = arith.constant 0.000000e+00 : f32
      %broadcast_in_dim3A_2418 = vector.broadcast %broadcast_in_dim3A_2417 : f32 to vector<8x192xf32>
      %swap3A_2419 = arith.constant 0 : index
      %swap3A_2420 = arith.constant 0 : index
      %swap3A_2421 = vector.load %arg6[%swap3A_2419, %swap3A_2420] : memref<8x192xf32, #tpu.memory_space<vmem>>, vector<8x192xf32>
      tpu.vector_store %arg6[%swap3A_2419, %swap3A_2420], %broadcast_in_dim3A_2418 {strides = array<i32>} : memref<8x192xf32, #tpu.memory_space<vmem>>, vector<8x192xf32>,
    } else {
    }
    %broadcast_in_dim3A = arith.constant 0.000000e+00 : f32
    %broadcast_in_dim3A_2 = vector.broadcast %broadcast_in_dim3A : f32 to vector<1x192xf32>
    %broadcast_in_dim3A_3 = arith.constant 0.000000e+00 : f32
    %broadcast_in_dim3A_4 = vector.broadcast %broadcast_in_dim3A_3 : f32 to vector<1x192xf32>
    %broadcast_in_dim3A_5 = arith.constant 0.000000e+00 : f32
    %broadcast_in_dim3A_6 = vector.broadcast %broadcast_in_dim3A_5 : f32 to vector<1x192xf32>
    %broadcast_in_dim3A_7 = arith.constant 0.000000e+00 : f32
    %broadcast_in_dim3A_8 = vector.broadcast %broadcast_in_dim3A_7 : f32 to vector<1x192xf32>
    %broadcast_in_dim3A_9 = arith.constant 1.000000e+00 : f32
    %broadcast_in_dim3A_10 = vector.broadcast %broadcast_in_dim3A_9 : f32 to vector<1x192xf32>
    %mul3A = arith.constant 2.000000e+00 : f32
    %mul3A_11 = vector.broadcast %mul3A : f32 to vector<1x192xf32>
    %mul3A_12 = arith.mulf %mul3A_11, %broadcast_in_dim3A_10 : vector<1x192xf32>
    %get3A = arith.constant 0 : index
    %get3A_13 = arith.constant 0 : index
    %get3A_14 = arith.constant 0 : index
    %get3A_15 = vector.load %arg1[%get3A, %get3A_13, %get3A_14] : memref<16x192x192xf32, #tpu.memory_space<vmem>>, vector<1x192x192xf32>
    %get3A_16 = vector.shape_cast %get3A_15 : vector<1x192x192xf32> to vector<192x192xf32>
    %get3A_17 = arith.constant 0 : index
    %get3A_18 = arith.constant 0 : index
    %get3A_19 = vector.load %arg3[%get3A_17, %get3A_18] : memref<192x8xf32, #tpu.memory_space<vmem>>, vector<192x8xf32>
    %dot_general3A = arith.constant dense<0.000000e+00> : vector<192x8xf32>
    %dot_general3A_20 = tpu.matmul %get3A_16, %get3A_19, %dot_general3A {dimension_numbers = #tpu.dot_dimension_numbers<[1], [0], [0], [1], [0, 0, 1, 1], [], []>, transpose_lhs_hint = false} : vector<192x192xf32>, vector<192x8xf32>, vector<192x8xf32> -> vector<192x8xf32>
    %transpose3A = tpu.transpose %dot_general3A_20, [1, 0] : vector<192x8xf32> -> vector<8x192xf32>
    %get3A_21 = arith.constant 0 : index
    %get3A_22 = arith.constant 0 : index
    %get3A_23 = arith.constant 0 : index
    %get3A_24 = vector.load %arg2[%get3A_21, %get3A_22, %get3A_23] : memref<16x3x192xf32, #tpu.memory_space<vmem>>, vector<1x3x192xf32>
    %get3A_25 = vector.shape_cast %get3A_24 : vector<1x3x192xf32> to vector<3x192xf32>
    %slice3A = vector.extract_strided_slice %transpose3A {offsets = [0, 0], sizes = [1, 192], strides = [1, 1]} : vector<8x192xf32> to vector<1x192xf32>
    %slice3A_26 = vector.extract_strided_slice %get3A_25 {offsets = [0, 0], sizes = [1, 192], strides = [1, 1]} : vector<3x192xf32> to vector<1x192xf32>
    %slice3A_27 = vector.extract_strided_slice %transpose3A {offsets = [3, 0], sizes = [1, 192], strides = [1, 1]} : vector<8x192xf32> to vector<1x192xf32>
    %custom_jvp_call3A = arith.constant 0.000000e+00 : f32
    %max3A = vector.broadcast %custom_jvp_call3A : f32 to vector<1x192xf32>
    %max3A_28 = arith.maximumf %slice3A_27, %max3A : vector<1x192xf32>
    %sub3A = vector.broadcast %custom_jvp_call3A : f32 to vector<1x192xf32>
    %sub3A_29 = arith.subf %slice3A_27, %sub3A : vector<1x192xf32>
    %ne3A = arith.cmpf one, %sub3A_29, %sub3A_29 : vector<1x192xf32>
    %add3A = vector.broadcast %custom_jvp_call3A : f32 to vector<1x192xf32>
    %add3A_30 = arith.addf %slice3A_27, %add3A : vector<1x192xf32>
    %abs3A = math.absf %sub3A_29 : vector<1x192xf32>
    %neg3A = arith.constant 0.000000e+00 : f32
    %neg3A_31 = vector.broadcast %neg3A : f32 to vector<1x192xf32>
    %neg3A_32 = arith.subf %neg3A_31, %abs3A : vector<1x192xf32>
    %exp3A = math.exp %neg3A_32 : vector<1x192xf32>
    %log1p3A = math.log1p %exp3A : vector<1x192xf32>
    %add3A_33 = arith.addf %max3A_28, %log1p3A : vector<1x192xf32>
    %select_n3A = arith.select %ne3A, %add3A_30, %add3A_33 : vector<1x192xi1>, vector<1x192xf32>
    %add3A_34 = arith.constant 0.00999999977 : f32
    %add3A_35 = vector.broadcast %add3A_34 : f32 to vector<1x192xf32>
    %add3A_36 = arith.addf %select_n3A, %add3A_35 : vector<1x192xf32>
    %mul3A_37 = arith.mulf %slice3A_26, %add3A_36 : vector<1x192xf32>
    %add3A_38 = arith.addf %slice3A, %mul3A_37 : vector<1x192xf32>
    %slice3A_39 = vector.extract_strided_slice %transpose3A {offsets = [1, 0], sizes = [1, 192], strides = [1, 1]} : vector<8x192xf32> to vector<1x192xf32>
    %slice3A_40 = vector.extract_strided_slice %get3A_25 {offsets = [1, 0], sizes = [1, 192], strides = [1, 1]} : vector<3x192xf32> to vector<1x192xf32>
    %slice3A_41 = vector.extract_strided_slice %transpose3A {offsets = [4, 0], sizes = [1, 192], strides = [1, 1]} : vector<8x192xf32> to vector<1x192xf32>
    %custom_jvp_call3A_42 = arith.constant 0.000000e+00 : f32
    %max3A_43 = vector.broadcast %custom_jvp_call3A_42 : f32 to vector<1x192xf32>
    %max3A_44 = arith.maximumf %slice3A_41, %max3A_43 : vector<1x192xf32>
    %sub3A_45 = vector.broadcast %custom_jvp_call3A_42 : f32 to vector<1x192xf32>
    %sub3A_46 = arith.subf %slice3A_41, %sub3A_45 : vector<1x192xf32>
    %ne3A_47 = arith.cmpf one, %sub3A_46, %sub3A_46 : vector<1x192xf32>
    %add3A_48 = vector.broadcast %custom_jvp_call3A_42 : f32 to vector<1x192xf32>
    %add3A_49 = arith.addf %slice3A_41, %add3A_48 : vector<1x192xf32>
    %abs3A_50 = math.absf %sub3A_46 : vector<1x192xf32>
    %neg3A_51 = arith.constant 0.000000e+00 : f32
    %neg3A_52 = vector.broadcast %neg3A_51 : f32 to vector<1x192xf32>
    %neg3A_53 = arith.subf %neg3A_52, %abs3A_50 : vector<1x192xf32>
    %exp3A_54 = math.exp %neg3A_53 : vector<1x192xf32>
    %log1p3A_55 = math.log1p %exp3A_54 : vector<1x192xf32>
    %add3A_56 = arith.addf %max3A_44, %log1p3A_55 : vector<1x192xf32>
    %select_n3A_57 = arith.select %ne3A_47, %add3A_49, %add3A_56 : vector<1x192xi1>, vector<1x192xf32>
    %add3A_58 = arith.constant 0.00999999977 : f32
    %add3A_59 = vector.broadcast %add3A_58 : f32 to vector<1x192xf32>
    %add3A_60 = arith.addf %select_n3A_57, %add3A_59 : vector<1x192xf32>
    %mul3A_61 = arith.mulf %slice3A_40, %add3A_60 : vector<1x192xf32>
    %add3A_62 = arith.addf %slice3A_39, %mul3A_61 : vector<1x192xf32>
    %slice3A_63 = vector.extract_strided_slice %transpose3A {offsets = [2, 0], sizes = [1, 192], strides = [1, 1]} : vector<8x192xf32> to vector<1x192xf32>
    %slice3A_64 = vector.extract_strided_slice %get3A_25 {offsets = [2, 0], sizes = [1, 192], strides = [1, 1]} : vector<3x192xf32> to vector<1x192xf32>
    %slice3A_65 = vector.extract_strided_slice %transpose3A {offsets = [5, 0], sizes = [1, 192], strides = [1, 1]} : vector<8x192xf32> to vector<1x192xf32>
    %custom_jvp_call3A_66 = arith.constant 0.000000e+00 : f32
    %max3A_67 = vector.broadcast %custom_jvp_call3A_66 : f32 to vector<1x192xf32>
    %max3A_68 = arith.maximumf %slice3A_65, %max3A_67 : vector<1x192xf32>
    %sub3A_69 = vector.broadcast %custom_jvp_call3A_66 : f32 to vector<1x192xf32>
    %sub3A_70 = arith.subf %slice3A_65, %sub3A_69 : vector<1x192xf32>
    %ne3A_71 = arith.cmpf one, %sub3A_70, %sub3A_70 : vector<1x192xf32>
    %add3A_72 = vector.broadcast %custom_jvp_call3A_66 : f32 to vector<1x192xf32>
    %add3A_73 = arith.addf %slice3A_65, %add3A_72 : vector<1x192xf32>
    %abs3A_74 = math.absf %sub3A_70 : vector<1x192xf32>
    %neg3A_75 = arith.constant 0.000000e+00 : f32
    %neg3A_76 = vector.broadcast %neg3A_75 : f32 to vector<1x192xf32>
    %neg3A_77 = arith.subf %neg3A_76, %abs3A_74 : vector<1x192xf32>
    %exp3A_78 = math.exp %neg3A_77 : vector<1x192xf32>
    %log1p3A_79 = math.log1p %exp3A_78 : vector<1x192xf32>
    %add3A_80 = arith.addf %max3A_68, %log1p3A_79 : vector<1x192xf32>
    %select_n3A_81 = arith.select %ne3A_71, %add3A_73, %add3A_80 : vector<1x192xi1>, vector<1x192xf32>
    %add3A_82 = arith.constant 0.00999999977 : f32
    %add3A_83 = vector.broadcast %add3A_82 : f32 to vector<1x192xf32>
    %add3A_84 = arith.addf %select_n3A_81, %add3A_83 : vector<1x192xf32>
    %mul3A_85 = arith.mulf %slice3A_64, %add3A_84 : vector<1x192xf32>
    %add3A_86 = arith.addf %slice3A_63, %mul3A_85 : vector<1x192xf32>
    %max3A_87 = arith.maximumf %add3A_38, %add3A_62 : vector<1x192xf32>
    %max3A_88 = arith.maximumf %max3A_87, %add3A_86 : vector<1x192xf32>
    %sub3A_89 = arith.subf %add3A_38, %max3A_88 : vector<1x192xf32>
    %sub3A_90 = arith.subf %add3A_62, %max3A_88 : vector<1x192xf32>
    %sub3A_91 = arith.subf %add3A_86, %max3A_88 : vector<1x192xf32>
    %exp3A_92 = math.exp %sub3A_89 : vector<1x192xf32>
    %exp3A_93 = math.exp %sub3A_90 : vector<1x192xf32>
    %exp3A_94 = math.exp %sub3A_91 : vector<1x192xf32>
    %add3A_95 = arith.addf %exp3A_92, %exp3A_93 : vector<1x192xf32>
    %add3A_96 = arith.addf %add3A_95, %exp3A_94 : vector<1x192xf32>
    %div3A = arith.constant 1.000000e+00 : f32
    %div3A_97 = vector.broadcast %div3A : f32 to vector<1x192xf32>
    %div3A_98 = arith.divf %div3A_97, %add3A_96 : vector<1x192xf32>
    %mul3A_99 = arith.mulf %exp3A_92, %div3A_98 : vector<1x192xf32>
    %mul3A_100 = arith.mulf %exp3A_93, %div3A_98 : vector<1x192xf32>
    %mul3A_101 = arith.mulf %exp3A_94, %div3A_98 : vector<1x192xf32>
    %mul3A_102 = arith.mulf %mul3A_99, %sub3A_89 : vector<1x192xf32>
    %mul3A_103 = arith.mulf %mul3A_100, %sub3A_90 : vector<1x192xf32>
    %add3A_104 = arith.addf %mul3A_102, %mul3A_103 : vector<1x192xf32>
    %mul3A_105 = arith.mulf %mul3A_101, %sub3A_91 : vector<1x192xf32>
    %add3A_106 = arith.addf %add3A_104, %mul3A_105 : vector<1x192xf32>
    %log3A = math.log %add3A_96 : vector<1x192xf32>
    %sub3A_107 = arith.subf %add3A_106, %log3A : vector<1x192xf32>
    %add3A_108 = arith.addf %broadcast_in_dim3A_6, %sub3A_107 : vector<1x192xf32>
    %gt3A = arith.cmpf ogt, %mul3A_100, %mul3A_99 : vector<1x192xf32>
    %gt3A_109 = arith.cmpf ogt, %mul3A_101, %mul3A_99 : vector<1x192xf32>
    %ge3A = arith.cmpf oge, %mul3A_99, %mul3A_100 : vector<1x192xf32>
    %gt3A_110 = arith.cmpf ogt, %mul3A_101, %mul3A_100 : vector<1x192xf32>
    %ge3A_111 = arith.cmpf oge, %mul3A_99, %mul3A_101 : vector<1x192xf32>
    %ge3A_112 = arith.cmpf oge, %mul3A_100, %mul3A_101 : vector<1x192xf32>
    %max3A_113 = arith.maximumf %mul3A_99, %mul3A_100 : vector<1x192xf32>
    %max3A_114 = arith.maximumf %max3A_113, %mul3A_101 : vector<1x192xf32>
    %min3A = arith.minimumf %mul3A_99, %mul3A_100 : vector<1x192xf32>
    %min3A_115 = arith.minimumf %min3A, %mul3A_101 : vector<1x192xf32>
    %add3A_116 = arith.addf %mul3A_99, %mul3A_100 : vector<1x192xf32>
    %add3A_117 = arith.addf %add3A_116, %mul3A_101 : vector<1x192xf32>
    %sub3A_118 = arith.subf %add3A_117, %max3A_114 : vector<1x192xf32>
    %sub3A_119 = arith.subf %sub3A_118, %min3A_115 : vector<1x192xf32>
    %le3A = arith.constant 5.000000e-01 : f32
    %le3A_120 = vector.broadcast %le3A : f32 to vector<1x192xf32>
    %le3A_121 = arith.cmpf ole, %max3A_114, %le3A_120 : vector<1x192xf32>
    %add3A_122 = arith.addf %broadcast_in_dim3A_2, %max3A_114 : vector<1x192xf32>
    %select_n3A_123 = arith.select %le3A_121, %sub3A_119, %broadcast_in_dim3A_8 : vector<1x192xi1>, vector<1x192xf32>
    %add3A_124 = arith.addf %broadcast_in_dim3A_4, %select_n3A_123 : vector<1x192xf32>
    %and3A = arith.andi %gt3A, %ge3A_112 : vector<1x192xi1>
    %select_n3A_125 = arith.select %and3A, %broadcast_in_dim3A_10, %broadcast_in_dim3A_8 : vector<1x192xi1>, vector<1x192xf32>
    %and3A_126 = arith.andi %gt3A_109, %gt3A_110 : vector<1x192xi1>
    %select_n3A_127 = arith.select %and3A_126, %mul3A_12, %broadcast_in_dim3A_8 : vector<1x192xi1>, vector<1x192xf32>
    %add3A_128 = arith.addf %select_n3A_125, %select_n3A_127 : vector<1x192xf32>
    %and3A_129 = arith.andi %ge3A, %gt3A_110 : vector<1x192xi1>
    %select_n3A_130 = arith.select %and3A_129, %broadcast_in_dim3A_10, %broadcast_in_dim3A_8 : vector<1x192xi1>, vector<1x192xf32>
    %and3A_131 = arith.andi %ge3A_111, %ge3A_112 : vector<1x192xi1>
    %select_n3A_132 = arith.select %and3A_131, %mul3A_12, %broadcast_in_dim3A_8 : vector<1x192xi1>, vector<1x192xf32>
    %add3A_133 = arith.addf %select_n3A_130, %select_n3A_132 : vector<1x192xf32>
    %sub3A_134 = arith.constant 5.000000e+00 : f32
    %sub3A_135 = vector.broadcast %sub3A_134 : f32 to vector<1x192xf32>
    %sub3A_136 = arith.subf %sub3A_135, %add3A_133 : vector<1x192xf32>
    %select_n3A_137 = arith.select %le3A_121, %sub3A_136, %add3A_128 : vector<1x192xi1>, vector<1x192xf32>
    %convert_element_type3A_138 = arith.fptosi %select_n3A_137 : vector<1x192xf32> to vector<1x192xi32>
    %swap3A = arith.constant 0 : index
    %swap3A_139 = arith.constant 0 : index
    %swap3A_140 = vector.load %arg4[%swap3A, %swap3A_139] : memref<16x192xi32, #tpu.memory_space<vmem>>, vector<1x192xi32>
    tpu.vector_store %arg4[%swap3A, %swap3A_139], %convert_element_type3A_138 {strides = array<i32>} : memref<16x192xi32, #tpu.memory_space<vmem>>, vector<1x192xi32>,
    %get3A_141 = arith.constant 1 : index
    %get3A_142 = arith.constant 0 : index
    %get3A_143 = arith.constant 0 : index
    %get3A_144 = vector.load %arg1[%get3A_141, %get3A_142, %get3A_143] : memref<16x192x192xf32, #tpu.memory_space<vmem>>, vector<1x192x192xf32>
    %get3A_145 = vector.shape_cast %get3A_144 : vector<1x192x192xf32> to vector<192x192xf32>
    %get3A_146 = arith.constant 0 : index
    %get3A_147 = arith.constant 0 : index
    %get3A_148 = vector.load %arg3[%get3A_146, %get3A_147] : memref<192x8xf32, #tpu.memory_space<vmem>>, vector<192x8xf32>
    %dot_general3A_149 = arith.constant dense<0.000000e+00> : vector<192x8xf32>
    %dot_general3A_150 = tpu.matmul %get3A_145, %get3A_148, %dot_general3A_149 {dimension_numbers = #tpu.dot_dimension_numbers<[1], [0], [0], [1], [0, 0, 1, 1], [], []>, transpose_lhs_hint = false} : vector<192x192xf32>, vector<192x8xf32>, vector<192x8xf32> -> vector<192x8xf32>
    %transpose3A_151 = tpu.transpose %dot_general3A_150, [1, 0] : vector<192x8xf32> -> vector<8x192xf32>
    %get3A_152 = arith.constant 1 : index
    %get3A_153 = arith.constant 0 : index
    %get3A_154 = arith.constant 0 : index
    %get3A_155 = vector.load %arg2[%get3A_152, %get3A_153, %get3A_154] : memref<16x3x192xf32, #tpu.memory_space<vmem>>, vector<1x3x192xf32>
    %get3A_156 = vector.shape_cast %get3A_155 : vector<1x3x192xf32> to vector<3x192xf32>
    %slice3A_157 = vector.extract_strided_slice %transpose3A_151 {offsets = [0, 0], sizes = [1, 192], strides = [1, 1]} : vector<8x192xf32> to vector<1x192xf32>
    %slice3A_158 = vector.extract_strided_slice %get3A_156 {offsets = [0, 0], sizes = [1, 192], strides = [1, 1]} : vector<3x192xf32> to vector<1x192xf32>
    %slice3A_159 = vector.extract_strided_slice %transpose3A_151 {offsets = [3, 0], sizes = [1, 192], strides = [1, 1]} : vector<8x192xf32> to vector<1x192xf32>
    %custom_jvp_call3A_160 = arith.constant 0.000000e+00 : f32
    %max3A_161 = vector.broadcast %custom_jvp_call3A_160 : f32 to vector<1x192xf32>
    %max3A_162 = arith.maximumf %slice3A_159, %max3A_161 : vector<1x192xf32>
    %sub3A_163 = vector.broadcast %custom_jvp_call3A_160 : f32 to vector<1x192xf32>
    %sub3A_164 = arith.subf %slice3A_159, %sub3A_163 : vector<1x192xf32>
    %ne3A_165 = arith.cmpf one, %sub3A_164, %sub3A_164 : vector<1x192xf32>
    %add3A_166 = vector.broadcast %custom_jvp_call3A_160 : f32 to vector<1x192xf32>
    %add3A_167 = arith.addf %slice3A_159, %add3A_166 : vector<1x192xf32>
    %abs3A_168 = math.absf %sub3A_164 : vector<1x192xf32>
    %neg3A_169 = arith.constant 0.000000e+00 : f32
    %neg3A_170 = vector.broadcast %neg3A_169 : f32 to vector<1x192xf32>
    %neg3A_171 = arith.subf %neg3A_170, %abs3A_168 : vector<1x192xf32>
    %exp3A_172 = math.exp %neg3A_171 : vector<1x192xf32>
    %log1p3A_173 = math.log1p %exp3A_172 : vector<1x192xf32>
    %add3A_174 = arith.addf %max3A_162, %log1p3A_173 : vector<1x192xf32>
    %select_n3A_175 = arith.select %ne3A_165, %add3A_167, %add3A_174 : vector<1x192xi1>, vector<1x192xf32>
    %add3A_176 = arith.constant 0.00999999977 : f32
    %add3A_177 = vector.broadcast %add3A_176 : f32 to vector<1x192xf32>
    %add3A_178 = arith.addf %select_n3A_175, %add3A_177 : vector<1x192xf32>
    %mul3A_179 = arith.mulf %slice3A_158, %add3A_178 : vector<1x192xf32>
    %add3A_180 = arith.addf %slice3A_157, %mul3A_179 : vector<1x192xf32>
    %slice3A_181 = vector.extract_strided_slice %transpose3A_151 {offsets = [1, 0], sizes = [1, 192], strides = [1, 1]} : vector<8x192xf32> to vector<1x192xf32>
    %slice3A_182 = vector.extract_strided_slice %get3A_156 {offsets = [1, 0], sizes = [1, 192], strides = [1, 1]} : vector<3x192xf32> to vector<1x192xf32>
    %slice3A_183 = vector.extract_strided_slice %transpose3A_151 {offsets = [4, 0], sizes = [1, 192], strides = [1, 1]} : vector<8x192xf32> to vector<1x192xf32>
    %custom_jvp_call3A_184 = arith.constant 0.000000e+00 : f32
    %max3A_185 = vector.broadcast %custom_jvp_call3A_184 : f32 to vector<1x192xf32>
    %max3A_186 = arith.maximumf %slice3A_183, %max3A_185 : vector<1x192xf32>
    %sub3A_187 = vector.broadcast %custom_jvp_call3A_184 : f32 to vector<1x192xf32>
    %sub3A_188 = arith.subf %slice3A_183, %sub3A_187 : vector<1x192xf32>
    %ne3A_189 = arith.cmpf one, %sub3A_188, %sub3A_188 : vector<1x192xf32>
    %add3A_190 = vector.broadcast %custom_jvp_call3A_184 : f32 to vector<1x192xf32>
    %add3A_191 = arith.addf %slice3A_183, %add3A_190 : vector<1x192xf32>
    %abs3A_192 = math.absf %sub3A_188 : vector<1x192xf32>
    %neg3A_193 = arith.constant 0.000000e+00 : f32
    %neg3A_194 = vector.broadcast %neg3A_193 : f32 to vector<1x192xf32>
    %neg3A_195 = arith.subf %neg3A_194, %abs3A_192 : vector<1x192xf32>
    %exp3A_196 = math.exp %neg3A_195 : vector<1x192xf32>
    %log1p3A_197 = math.log1p %exp3A_196 : vector<1x192xf32>
    %add3A_198 = arith.addf %max3A_186, %log1p3A_197 : vector<1x192xf32>
    %select_n3A_199 = arith.select %ne3A_189, %add3A_191, %add3A_198 : vector<1x192xi1>, vector<1x192xf32>
    %add3A_200 = arith.constant 0.00999999977 : f32
    %add3A_201 = vector.broadcast %add3A_200 : f32 to vector<1x192xf32>
    %add3A_202 = arith.addf %select_n3A_199, %add3A_201 : vector<1x192xf32>
    %mul3A_203 = arith.mulf %slice3A_182, %add3A_202 : vector<1x192xf32>
    %add3A_204 = arith.addf %slice3A_181, %mul3A_203 : vector<1x192xf32>
    %slice3A_205 = vector.extract_strided_slice %transpose3A_151 {offsets = [2, 0], sizes = [1, 192], strides = [1, 1]} : vector<8x192xf32> to vector<1x192xf32>
    %slice3A_206 = vector.extract_strided_slice %get3A_156 {offsets = [2, 0], sizes = [1, 192], strides = [1, 1]} : vector<3x192xf32> to vector<1x192xf32>
    %slice3A_207 = vector.extract_strided_slice %transpose3A_151 {offsets = [5, 0], sizes = [1, 192], strides = [1, 1]} : vector<8x192xf32> to vector<1x192xf32>
    %custom_jvp_call3A_208 = arith.constant 0.000000e+00 : f32
    %max3A_209 = vector.broadcast %custom_jvp_call3A_208 : f32 to vector<1x192xf32>
    %max3A_210 = arith.maximumf %slice3A_207, %max3A_209 : vector<1x192xf32>
    %sub3A_211 = vector.broadcast %custom_jvp_call3A_208 : f32 to vector<1x192xf32>
    %sub3A_212 = arith.subf %slice3A_207, %sub3A_211 : vector<1x192xf32>
    %ne3A_213 = arith.cmpf one, %sub3A_212, %sub3A_212 : vector<1x192xf32>
    %add3A_214 = vector.broadcast %custom_jvp_call3A_208 : f32 to vector<1x192xf32>
    %add3A_215 = arith.addf %slice3A_207, %add3A_214 : vector<1x192xf32>
    %abs3A_216 = math.absf %sub3A_212 : vector<1x192xf32>
    %neg3A_217 = arith.constant 0.000000e+00 : f32
    %neg3A_218 = vector.broadcast %neg3A_217 : f32 to vector<1x192xf32>
    %neg3A_219 = arith.subf %neg3A_218, %abs3A_216 : vector<1x192xf32>
    %exp3A_220 = math.exp %neg3A_219 : vector<1x192xf32>
    %log1p3A_221 = math.log1p %exp3A_220 : vector<1x192xf32>
    %add3A_222 = arith.addf %max3A_210, %log1p3A_221 : vector<1x192xf32>
    %select_n3A_223 = arith.select %ne3A_213, %add3A_215, %add3A_222 : vector<1x192xi1>, vector<1x192xf32>
    %add3A_224 = arith.constant 0.00999999977 : f32
    %add3A_225 = vector.broadcast %add3A_224 : f32 to vector<1x192xf32>
    %add3A_226 = arith.addf %select_n3A_223, %add3A_225 : vector<1x192xf32>
    %mul3A_227 = arith.mulf %slice3A_206, %add3A_226 : vector<1x192xf32>
    %add3A_228 = arith.addf %slice3A_205, %mul3A_227 : vector<1x192xf32>
    %max3A_229 = arith.maximumf %add3A_180, %add3A_204 : vector<1x192xf32>
    %max3A_230 = arith.maximumf %max3A_229, %add3A_228 : vector<1x192xf32>
    %sub3A_231 = arith.subf %add3A_180, %max3A_230 : vector<1x192xf32>
    %sub3A_232 = arith.subf %add3A_204, %max3A_230 : vector<1x192xf32>
    %sub3A_233 = arith.subf %add3A_228, %max3A_230 : vector<1x192xf32>
    %exp3A_234 = math.exp %sub3A_231 : vector<1x192xf32>
    %exp3A_235 = math.exp %sub3A_232 : vector<1x192xf32>
    %exp3A_236 = math.exp %sub3A_233 : vector<1x192xf32>
    %add3A_237 = arith.addf %exp3A_234, %exp3A_235 : vector<1x192xf32>
    %add3A_238 = arith.addf %add3A_237, %exp3A_236 : vector<1x192xf32>
    %div3A_239 = arith.constant 1.000000e+00 : f32
    %div3A_240 = vector.broadcast %div3A_239 : f32 to vector<1x192xf32>
    %div3A_241 = arith.divf %div3A_240, %add3A_238 : vector<1x192xf32>
    %mul3A_242 = arith.mulf %exp3A_234, %div3A_241 : vector<1x192xf32>
    %mul3A_243 = arith.mulf %exp3A_235, %div3A_241 : vector<1x192xf32>
    %mul3A_244 = arith.mulf %exp3A_236, %div3A_241 : vector<1x192xf32>
    %mul3A_245 = arith.mulf %mul3A_242, %sub3A_231 : vector<1x192xf32>
    %mul3A_246 = arith.mulf %mul3A_243, %sub3A_232 : vector<1x192xf32>
    %add3A_247 = arith.addf %mul3A_245, %mul3A_246 : vector<1x192xf32>
    %mul3A_248 = arith.mulf %mul3A_244, %sub3A_233 : vector<1x192xf32>
    %add3A_249 = arith.addf %add3A_247, %mul3A_248 : vector<1x192xf32>
    %log3A_250 = math.log %add3A_238 : vector<1x192xf32>
    %sub3A_251 = arith.subf %add3A_249, %log3A_250 : vector<1x192xf32>
    %add3A_252 = arith.addf %add3A_108, %sub3A_251 : vector<1x192xf32>
    %gt3A_253 = arith.cmpf ogt, %mul3A_243, %mul3A_242 : vector<1x192xf32>
    %gt3A_254 = arith.cmpf ogt, %mul3A_244, %mul3A_242 : vector<1x192xf32>
    %ge3A_255 = arith.cmpf oge, %mul3A_242, %mul3A_243 : vector<1x192xf32>
    %gt3A_256 = arith.cmpf ogt, %mul3A_244, %mul3A_243 : vector<1x192xf32>
    %ge3A_257 = arith.cmpf oge, %mul3A_242, %mul3A_244 : vector<1x192xf32>
    %ge3A_258 = arith.cmpf oge, %mul3A_243, %mul3A_244 : vector<1x192xf32>
    %max3A_259 = arith.maximumf %mul3A_242, %mul3A_243 : vector<1x192xf32>
    %max3A_260 = arith.maximumf %max3A_259, %mul3A_244 : vector<1x192xf32>
    %min3A_261 = arith.minimumf %mul3A_242, %mul3A_243 : vector<1x192xf32>
    %min3A_262 = arith.minimumf %min3A_261, %mul3A_244 : vector<1x192xf32>
    %add3A_263 = arith.addf %mul3A_242, %mul3A_243 : vector<1x192xf32>
    %add3A_264 = arith.addf %add3A_263, %mul3A_244 : vector<1x192xf32>
    %sub3A_265 = arith.subf %add3A_264, %max3A_260 : vector<1x192xf32>
    %sub3A_266 = arith.subf %sub3A_265, %min3A_262 : vector<1x192xf32>
    %le3A_267 = arith.constant 5.000000e-01 : f32
    %le3A_268 = vector.broadcast %le3A_267 : f32 to vector<1x192xf32>
    %le3A_269 = arith.cmpf ole, %max3A_260, %le3A_268 : vector<1x192xf32>
    %add3A_270 = arith.addf %add3A_122, %max3A_260 : vector<1x192xf32>
    %select_n3A_271 = arith.select %le3A_269, %sub3A_266, %broadcast_in_dim3A_8 : vector<1x192xi1>, vector<1x192xf32>
    %add3A_272 = arith.addf %add3A_124, %select_n3A_271 : vector<1x192xf32>
    %and3A_273 = arith.andi %gt3A_253, %ge3A_258 : vector<1x192xi1>
    %select_n3A_274 = arith.select %and3A_273, %broadcast_in_dim3A_10, %broadcast_in_dim3A_8 : vector<1x192xi1>, vector<1x192xf32>
    %and3A_275 = arith.andi %gt3A_254, %gt3A_256 : vector<1x192xi1>
    %select_n3A_276 = arith.select %and3A_275, %mul3A_12, %broadcast_in_dim3A_8 : vector<1x192xi1>, vector<1x192xf32>
    %add3A_277 = arith.addf %select_n3A_274, %select_n3A_276 : vector<1x192xf32>
    %and3A_278 = arith.andi %ge3A_255, %gt3A_256 : vector<1x192xi1>
    %select_n3A_279 = arith.select %and3A_278, %broadcast_in_dim3A_10, %broadcast_in_dim3A_8 : vector<1x192xi1>, vector<1x192xf32>
    %and3A_280 = arith.andi %ge3A_257, %ge3A_258 : vector<1x192xi1>
    %select_n3A_281 = arith.select %and3A_280, %mul3A_12, %broadcast_in_dim3A_8 : vector<1x192xi1>, vector<1x192xf32>
    %add3A_282 = arith.addf %select_n3A_279, %select_n3A_281 : vector<1x192xf32>
    %sub3A_283 = arith.constant 5.000000e+00 : f32
    %sub3A_284 = vector.broadcast %sub3A_283 : f32 to vector<1x192xf32>
    %sub3A_285 = arith.subf %sub3A_284, %add3A_282 : vector<1x192xf32>
    %select_n3A_286 = arith.select %le3A_269, %sub3A_285, %add3A_277 : vector<1x192xi1>, vector<1x192xf32>
    %convert_element_type3A_287 = arith.fptosi %select_n3A_286 : vector<1x192xf32> to vector<1x192xi32>
    %swap3A_288 = arith.constant 1 : index
    %swap3A_289 = arith.constant 0 : index
    %swap3A_290 = vector.load %arg4[%swap3A_288, %swap3A_289] : memref<16x192xi32, #tpu.memory_space<vmem>>, vector<1x192xi32>
    tpu.vector_store %arg4[%swap3A_288, %swap3A_289], %convert_element_type3A_287 {strides = array<i32>} : memref<16x192xi32, #tpu.memory_space<vmem>>, vector<1x192xi32>,
    %get3A_291 = arith.constant 2 : index
    %get3A_292 = arith.constant 0 : index
    %get3A_293 = arith.constant 0 : index
    %get3A_294 = vector.load %arg1[%get3A_291, %get3A_292, %get3A_293] : memref<16x192x192xf32, #tpu.memory_space<vmem>>, vector<1x192x192xf32>
    %get3A_295 = vector.shape_cast %get3A_294 : vector<1x192x192xf32> to vector<192x192xf32>
    %get3A_296 = arith.constant 0 : index
    %get3A_297 = arith.constant 0 : index
    %get3A_298 = vector.load %arg3[%get3A_296, %get3A_297] : memref<192x8xf32, #tpu.memory_space<vmem>>, vector<192x8xf32>
    %dot_general3A_299 = arith.constant dense<0.000000e+00> : vector<192x8xf32>
    %dot_general3A_300 = tpu.matmul %get3A_295, %get3A_298, %dot_general3A_299 {dimension_numbers = #tpu.dot_dimension_numbers<[1], [0], [0], [1], [0, 0, 1, 1], [], []>, transpose_lhs_hint = false} : vector<192x192xf32>, vector<192x8xf32>, vector<192x8xf32> -> vector<192x8xf32>
    %transpose3A_301 = tpu.transpose %dot_general3A_300, [1, 0] : vector<192x8xf32> -> vector<8x192xf32>
    %get3A_302 = arith.constant 2 : index
    %get3A_303 = arith.constant 0 : index
    %get3A_304 = arith.constant 0 : index
    %get3A_305 = vector.load %arg2[%get3A_302, %get3A_303, %get3A_304] : memref<16x3x192xf32, #tpu.memory_space<vmem>>, vector<1x3x192xf32>
    %get3A_306 = vector.shape_cast %get3A_305 : vector<1x3x192xf32> to vector<3x192xf32>
    %slice3A_307 = vector.extract_strided_slice %transpose3A_301 {offsets = [0, 0], sizes = [1, 192], strides = [1, 1]} : vector<8x192xf32> to vector<1x192xf32>
    %slice3A_308 = vector.extract_strided_slice %get3A_306 {offsets = [0, 0], sizes = [1, 192], strides = [1, 1]} : vector<3x192xf32> to vector<1x192xf32>
    %slice3A_309 = vector.extract_strided_slice %transpose3A_301 {offsets = [3, 0], sizes = [1, 192], strides = [1, 1]} : vector<8x192xf32> to vector<1x192xf32>
    %custom_jvp_call3A_310 = arith.constant 0.000000e+00 : f32
    %max3A_311 = vector.broadcast %custom_jvp_call3A_310 : f32 to vector<1x192xf32>
    %max3A_312 = arith.maximumf %slice3A_309, %max3A_311 : vector<1x192xf32>
    %sub3A_313 = vector.broadcast %custom_jvp_call3A_310 : f32 to vector<1x192xf32>
    %sub3A_314 = arith.subf %slice3A_309, %sub3A_313 : vector<1x192xf32>
    %ne3A_315 = arith.cmpf one, %sub3A_314, %sub3A_314 : vector<1x192xf32>
    %add3A_316 = vector.broadcast %custom_jvp_call3A_310 : f32 to vector<1x192xf32>
    %add3A_317 = arith.addf %slice3A_309, %add3A_316 : vector<1x192xf32>
    %abs3A_318 = math.absf %sub3A_314 : vector<1x192xf32>
    %neg3A_319 = arith.constant 0.000000e+00 : f32
    %neg3A_320 = vector.broadcast %neg3A_319 : f32 to vector<1x192xf32>
    %neg3A_321 = arith.subf %neg3A_320, %abs3A_318 : vector<1x192xf32>
    %exp3A_322 = math.exp %neg3A_321 : vector<1x192xf32>
    %log1p3A_323 = math.log1p %exp3A_322 : vector<1x192xf32>
    %add3A_324 = arith.addf %max3A_312, %log1p3A_323 : vector<1x192xf32>
    %select_n3A_325 = arith.select %ne3A_315, %add3A_317, %add3A_324 : vector<1x192xi1>, vector<1x192xf32>
    %add3A_326 = arith.constant 0.00999999977 : f32
    %add3A_327 = vector.broadcast %add3A_326 : f32 to vector<1x192xf32>
    %add3A_328 = arith.addf %select_n3A_325, %add3A_327 : vector<1x192xf32>
    %mul3A_329 = arith.mulf %slice3A_308, %add3A_328 : vector<1x192xf32>
    %add3A_330 = arith.addf %slice3A_307, %mul3A_329 : vector<1x192xf32>
    %slice3A_331 = vector.extract_strided_slice %transpose3A_301 {offsets = [1, 0], sizes = [1, 192], strides = [1, 1]} : vector<8x192xf32> to vector<1x192xf32>
    %slice3A_332 = vector.extract_strided_slice %get3A_306 {offsets = [1, 0], sizes = [1, 192], strides = [1, 1]} : vector<3x192xf32> to vector<1x192xf32>
    %slice3A_333 = vector.extract_strided_slice %transpose3A_301 {offsets = [4, 0], sizes = [1, 192], strides = [1, 1]} : vector<8x192xf32> to vector<1x192xf32>
    %custom_jvp_call3A_334 = arith.constant 0.000000e+00 : f32
    %max3A_335 = vector.broadcast %custom_jvp_call3A_334 : f32 to vector<1x192xf32>
    %max3A_336 = arith.maximumf %slice3A_333, %max3A_335 : vector<1x192xf32>
    %sub3A_337 = vector.broadcast %custom_jvp_call3A_334 : f32 to vector<1x192xf32>
    %sub3A_338 = arith.subf %slice3A_333, %sub3A_337 : vector<1x192xf32>
    %ne3A_339 = arith.cmpf one, %sub3A_338, %sub3A_338 : vector<1x192xf32>
    %add3A_340 = vector.broadcast %custom_jvp_call3A_334 : f32 to vector<1x192xf32>
    %add3A_341 = arith.addf %slice3A_333, %add3A_340 : vector<1x192xf32>
    %abs3A_342 = math.absf %sub3A_338 : vector<1x192xf32>
    %neg3A_343 = arith.constant 0.000000e+00 : f32
    %neg3A_344 = vector.broadcast %neg3A_343 : f32 to vector<1x192xf32>
    %neg3A_345 = arith.subf %neg3A_344, %abs3A_342 : vector<1x192xf32>
    %exp3A_346 = math.exp %neg3A_345 : vector<1x192xf32>
    %log1p3A_347 = math.log1p %exp3A_346 : vector<1x192xf32>
    %add3A_348 = arith.addf %max3A_336, %log1p3A_347 : vector<1x192xf32>
    %select_n3A_349 = arith.select %ne3A_339, %add3A_341, %add3A_348 : vector<1x192xi1>, vector<1x192xf32>
    %add3A_350 = arith.constant 0.00999999977 : f32
    %add3A_351 = vector.broadcast %add3A_350 : f32 to vector<1x192xf32>
    %add3A_352 = arith.addf %select_n3A_349, %add3A_351 : vector<1x192xf32>
    %mul3A_353 = arith.mulf %slice3A_332, %add3A_352 : vector<1x192xf32>
    %add3A_354 = arith.addf %slice3A_331, %mul3A_353 : vector<1x192xf32>
    %slice3A_355 = vector.extract_strided_slice %transpose3A_301 {offsets = [2, 0], sizes = [1, 192], strides = [1, 1]} : vector<8x192xf32> to vector<1x192xf32>
    %slice3A_356 = vector.extract_strided_slice %get3A_306 {offsets = [2, 0], sizes = [1, 192], strides = [1, 1]} : vector<3x192xf32> to vector<1x192xf32>
    %slice3A_357 = vector.extract_strided_slice %transpose3A_301 {offsets = [5, 0], sizes = [1, 192], strides = [1, 1]} : vector<8x192xf32> to vector<1x192xf32>
    %custom_jvp_call3A_358 = arith.constant 0.000000e+00 : f32
    %max3A_359 = vector.broadcast %custom_jvp_call3A_358 : f32 to vector<1x192xf32>
    %max3A_360 = arith.maximumf %slice3A_357, %max3A_359 : vector<1x192xf32>
    %sub3A_361 = vector.broadcast %custom_jvp_call3A_358 : f32 to vector<1x192xf32>
    %sub3A_362 = arith.subf %slice3A_357, %sub3A_361 : vector<1x192xf32>
    %ne3A_363 = arith.cmpf one, %sub3A_362, %sub3A_362 : vector<1x192xf32>
    %add3A_364 = vector.broadcast %custom_jvp_call3A_358 : f32 to vector<1x192xf32>
    %add3A_365 = arith.addf %slice3A_357, %add3A_364 : vector<1x192xf32>
    %abs3A_366 = math.absf %sub3A_362 : vector<1x192xf32>
    %neg3A_367 = arith.constant 0.000000e+00 : f32
    %neg3A_368 = vector.broadcast %neg3A_367 : f32 to vector<1x192xf32>
    %neg3A_369 = arith.subf %neg3A_368, %abs3A_366 : vector<1x192xf32>
    %exp3A_370 = math.exp %neg3A_369 : vector<1x192xf32>
    %log1p3A_371 = math.log1p %exp3A_370 : vector<1x192xf32>
    %add3A_372 = arith.addf %max3A_360, %log1p3A_371 : vector<1x192xf32>
    %select_n3A_373 = arith.select %ne3A_363, %add3A_365, %add3A_372 : vector<1x192xi1>, vector<1x192xf32>
    %add3A_374 = arith.constant 0.00999999977 : f32
    %add3A_375 = vector.broadcast %add3A_374 : f32 to vector<1x192xf32>
    %add3A_376 = arith.addf %select_n3A_373, %add3A_375 : vector<1x192xf32>
    %mul3A_377 = arith.mulf %slice3A_356, %add3A_376 : vector<1x192xf32>
    %add3A_378 = arith.addf %slice3A_355, %mul3A_377 : vector<1x192xf32>
    %max3A_379 = arith.maximumf %add3A_330, %add3A_354 : vector<1x192xf32>
    %max3A_380 = arith.maximumf %max3A_379, %add3A_378 : vector<1x192xf32>
    %sub3A_381 = arith.subf %add3A_330, %max3A_380 : vector<1x192xf32>
    %sub3A_382 = arith.subf %add3A_354, %max3A_380 : vector<1x192xf32>
    %sub3A_383 = arith.subf %add3A_378, %max3A_380 : vector<1x192xf32>
    %exp3A_384 = math.exp %sub3A_381 : vector<1x192xf32>
    %exp3A_385 = math.exp %sub3A_382 : vector<1x192xf32>
    %exp3A_386 = math.exp %sub3A_383 : vector<1x192xf32>
    %add3A_387 = arith.addf %exp3A_384, %exp3A_385 : vector<1x192xf32>
    %add3A_388 = arith.addf %add3A_387, %exp3A_386 : vector<1x192xf32>
    %div3A_389 = arith.constant 1.000000e+00 : f32
    %div3A_390 = vector.broadcast %div3A_389 : f32 to vector<1x192xf32>
    %div3A_391 = arith.divf %div3A_390, %add3A_388 : vector<1x192xf32>
    %mul3A_392 = arith.mulf %exp3A_384, %div3A_391 : vector<1x192xf32>
    %mul3A_393 = arith.mulf %exp3A_385, %div3A_391 : vector<1x192xf32>
    %mul3A_394 = arith.mulf %exp3A_386, %div3A_391 : vector<1x192xf32>
    %mul3A_395 = arith.mulf %mul3A_392, %sub3A_381 : vector<1x192xf32>
    %mul3A_396 = arith.mulf %mul3A_393, %sub3A_382 : vector<1x192xf32>
    %add3A_397 = arith.addf %mul3A_395, %mul3A_396 : vector<1x192xf32>
    %mul3A_398 = arith.mulf %mul3A_394, %sub3A_383 : vector<1x192xf32>
    %add3A_399 = arith.addf %add3A_397, %mul3A_398 : vector<1x192xf32>
    %log3A_400 = math.log %add3A_388 : vector<1x192xf32>
    %sub3A_401 = arith.subf %add3A_399, %log3A_400 : vector<1x192xf32>
    %add3A_402 = arith.addf %add3A_252, %sub3A_401 : vector<1x192xf32>
    %gt3A_403 = arith.cmpf ogt, %mul3A_393, %mul3A_392 : vector<1x192xf32>
    %gt3A_404 = arith.cmpf ogt, %mul3A_394, %mul3A_392 : vector<1x192xf32>
    %ge3A_405 = arith.cmpf oge, %mul3A_392, %mul3A_393 : vector<1x192xf32>
    %gt3A_406 = arith.cmpf ogt, %mul3A_394, %mul3A_393 : vector<1x192xf32>
    %ge3A_407 = arith.cmpf oge, %mul3A_392, %mul3A_394 : vector<1x192xf32>
    %ge3A_408 = arith.cmpf oge, %mul3A_393, %mul3A_394 : vector<1x192xf32>
    %max3A_409 = arith.maximumf %mul3A_392, %mul3A_393 : vector<1x192xf32>
    %max3A_410 = arith.maximumf %max3A_409, %mul3A_394 : vector<1x192xf32>
    %min3A_411 = arith.minimumf %mul3A_392, %mul3A_393 : vector<1x192xf32>
    %min3A_412 = arith.minimumf %min3A_411, %mul3A_394 : vector<1x192xf32>
    %add3A_413 = arith.addf %mul3A_392, %mul3A_393 : vector<1x192xf32>
    %add3A_414 = arith.addf %add3A_413, %mul3A_394 : vector<1x192xf32>
    %sub3A_415 = arith.subf %add3A_414, %max3A_410 : vector<1x192xf32>
    %sub3A_416 = arith.subf %sub3A_415, %min3A_412 : vector<1x192xf32>
    %le3A_417 = arith.constant 5.000000e-01 : f32
    %le3A_418 = vector.broadcast %le3A_417 : f32 to vector<1x192xf32>
    %le3A_419 = arith.cmpf ole, %max3A_410, %le3A_418 : vector<1x192xf32>
    %add3A_420 = arith.addf %add3A_270, %max3A_410 : vector<1x192xf32>
    %select_n3A_421 = arith.select %le3A_419, %sub3A_416, %broadcast_in_dim3A_8 : vector<1x192xi1>, vector<1x192xf32>
    %add3A_422 = arith.addf %add3A_272, %select_n3A_421 : vector<1x192xf32>
    %and3A_423 = arith.andi %gt3A_403, %ge3A_408 : vector<1x192xi1>
    %select_n3A_424 = arith.select %and3A_423, %broadcast_in_dim3A_10, %broadcast_in_dim3A_8 : vector<1x192xi1>, vector<1x192xf32>
    %and3A_425 = arith.andi %gt3A_404, %gt3A_406 : vector<1x192xi1>
    %select_n3A_426 = arith.select %and3A_425, %mul3A_12, %broadcast_in_dim3A_8 : vector<1x192xi1>, vector<1x192xf32>
    %add3A_427 = arith.addf %select_n3A_424, %select_n3A_426 : vector<1x192xf32>
    %and3A_428 = arith.andi %ge3A_405, %gt3A_406 : vector<1x192xi1>
    %select_n3A_429 = arith.select %and3A_428, %broadcast_in_dim3A_10, %broadcast_in_dim3A_8 : vector<1x192xi1>, vector<1x192xf32>
    %and3A_430 = arith.andi %ge3A_407, %ge3A_408 : vector<1x192xi1>
    %select_n3A_431 = arith.select %and3A_430, %mul3A_12, %broadcast_in_dim3A_8 : vector<1x192xi1>, vector<1x192xf32>
    %add3A_432 = arith.addf %select_n3A_429, %select_n3A_431 : vector<1x192xf32>
    %sub3A_433 = arith.constant 5.000000e+00 : f32
    %sub3A_434 = vector.broadcast %sub3A_433 : f32 to vector<1x192xf32>
    %sub3A_435 = arith.subf %sub3A_434, %add3A_432 : vector<1x192xf32>
    %select_n3A_436 = arith.select %le3A_419, %sub3A_435, %add3A_427 : vector<1x192xi1>, vector<1x192xf32>
    %convert_element_type3A_437 = arith.fptosi %select_n3A_436 : vector<1x192xf32> to vector<1x192xi32>
    %swap3A_438 = arith.constant 2 : index
    %swap3A_439 = arith.constant 0 : index
    %swap3A_440 = vector.load %arg4[%swap3A_438, %swap3A_439] : memref<16x192xi32, #tpu.memory_space<vmem>>, vector<1x192xi32>
    tpu.vector_store %arg4[%swap3A_438, %swap3A_439], %convert_element_type3A_437 {strides = array<i32>} : memref<16x192xi32, #tpu.memory_space<vmem>>, vector<1x192xi32>,
    %get3A_441 = arith.constant 3 : index
    %get3A_442 = arith.constant 0 : index
    %get3A_443 = arith.constant 0 : index
    %get3A_444 = vector.load %arg1[%get3A_441, %get3A_442, %get3A_443] : memref<16x192x192xf32, #tpu.memory_space<vmem>>, vector<1x192x192xf32>
    %get3A_445 = vector.shape_cast %get3A_444 : vector<1x192x192xf32> to vector<192x192xf32>
    %get3A_446 = arith.constant 0 : index
    %get3A_447 = arith.constant 0 : index
    %get3A_448 = vector.load %arg3[%get3A_446, %get3A_447] : memref<192x8xf32, #tpu.memory_space<vmem>>, vector<192x8xf32>
    %dot_general3A_449 = arith.constant dense<0.000000e+00> : vector<192x8xf32>
    %dot_general3A_450 = tpu.matmul %get3A_445, %get3A_448, %dot_general3A_449 {dimension_numbers = #tpu.dot_dimension_numbers<[1], [0], [0], [1], [0, 0, 1, 1], [], []>, transpose_lhs_hint = false} : vector<192x192xf32>, vector<192x8xf32>, vector<192x8xf32> -> vector<192x8xf32>
    %transpose3A_451 = tpu.transpose %dot_general3A_450, [1, 0] : vector<192x8xf32> -> vector<8x192xf32>
    %get3A_452 = arith.constant 3 : index
    %get3A_453 = arith.constant 0 : index
    %get3A_454 = arith.constant 0 : index
    %get3A_455 = vector.load %arg2[%get3A_452, %get3A_453, %get3A_454] : memref<16x3x192xf32, #tpu.memory_space<vmem>>, vector<1x3x192xf32>
    %get3A_456 = vector.shape_cast %get3A_455 : vector<1x3x192xf32> to vector<3x192xf32>
    %slice3A_457 = vector.extract_strided_slice %transpose3A_451 {offsets = [0, 0], sizes = [1, 192], strides = [1, 1]} : vector<8x192xf32> to vector<1x192xf32>
    %slice3A_458 = vector.extract_strided_slice %get3A_456 {offsets = [0, 0], sizes = [1, 192], strides = [1, 1]} : vector<3x192xf32> to vector<1x192xf32>
    %slice3A_459 = vector.extract_strided_slice %transpose3A_451 {offsets = [3, 0], sizes = [1, 192], strides = [1, 1]} : vector<8x192xf32> to vector<1x192xf32>
    %custom_jvp_call3A_460 = arith.constant 0.000000e+00 : f32
    %max3A_461 = vector.broadcast %custom_jvp_call3A_460 : f32 to vector<1x192xf32>
    %max3A_462 = arith.maximumf %slice3A_459, %max3A_461 : vector<1x192xf32>
    %sub3A_463 = vector.broadcast %custom_jvp_call3A_460 : f32 to vector<1x192xf32>
    %sub3A_464 = arith.subf %slice3A_459, %sub3A_463 : vector<1x192xf32>
    %ne3A_465 = arith.cmpf one, %sub3A_464, %sub3A_464 : vector<1x192xf32>
    %add3A_466 = vector.broadcast %custom_jvp_call3A_460 : f32 to vector<1x192xf32>
    %add3A_467 = arith.addf %slice3A_459, %add3A_466 : vector<1x192xf32>
    %abs3A_468 = math.absf %sub3A_464 : vector<1x192xf32>
    %neg3A_469 = arith.constant 0.000000e+00 : f32
    %neg3A_470 = vector.broadcast %neg3A_469 : f32 to vector<1x192xf32>
    %neg3A_471 = arith.subf %neg3A_470, %abs3A_468 : vector<1x192xf32>
    %exp3A_472 = math.exp %neg3A_471 : vector<1x192xf32>
    %log1p3A_473 = math.log1p %exp3A_472 : vector<1x192xf32>
    %add3A_474 = arith.addf %max3A_462, %log1p3A_473 : vector<1x192xf32>
    %select_n3A_475 = arith.select %ne3A_465, %add3A_467, %add3A_474 : vector<1x192xi1>, vector<1x192xf32>
    %add3A_476 = arith.constant 0.00999999977 : f32
    %add3A_477 = vector.broadcast %add3A_476 : f32 to vector<1x192xf32>
    %add3A_478 = arith.addf %select_n3A_475, %add3A_477 : vector<1x192xf32>
    %mul3A_479 = arith.mulf %slice3A_458, %add3A_478 : vector<1x192xf32>
    %add3A_480 = arith.addf %slice3A_457, %mul3A_479 : vector<1x192xf32>
    %slice3A_481 = vector.extract_strided_slice %transpose3A_451 {offsets = [1, 0], sizes = [1, 192], strides = [1, 1]} : vector<8x192xf32> to vector<1x192xf32>
    %slice3A_482 = vector.extract_strided_slice %get3A_456 {offsets = [1, 0], sizes = [1, 192], strides = [1, 1]} : vector<3x192xf32> to vector<1x192xf32>
    %slice3A_483 = vector.extract_strided_slice %transpose3A_451 {offsets = [4, 0], sizes = [1, 192], strides = [1, 1]} : vector<8x192xf32> to vector<1x192xf32>
    %custom_jvp_call3A_484 = arith.constant 0.000000e+00 : f32
    %max3A_485 = vector.broadcast %custom_jvp_call3A_484 : f32 to vector<1x192xf32>
    %max3A_486 = arith.maximumf %slice3A_483, %max3A_485 : vector<1x192xf32>
    %sub3A_487 = vector.broadcast %custom_jvp_call3A_484 : f32 to vector<1x192xf32>
    %sub3A_488 = arith.subf %slice3A_483, %sub3A_487 : vector<1x192xf32>
    %ne3A_489 = arith.cmpf one, %sub3A_488, %sub3A_488 : vector<1x192xf32>
    %add3A_490 = vector.broadcast %custom_jvp_call3A_484 : f32 to vector<1x192xf32>
    %add3A_491 = arith.addf %slice3A_483, %add3A_490 : vector<1x192xf32>
    %abs3A_492 = math.absf %sub3A_488 : vector<1x192xf32>
    %neg3A_493 = arith.constant 0.000000e+00 : f32
    %neg3A_494 = vector.broadcast %neg3A_493 : f32 to vector<1x192xf32>
    %neg3A_495 = arith.subf %neg3A_494, %abs3A_492 : vector<1x192xf32>
    %exp3A_496 = math.exp %neg3A_495 : vector<1x192xf32>
    %log1p3A_497 = math.log1p %exp3A_496 : vector<1x192xf32>
    %add3A_498 = arith.addf %max3A_486, %log1p3A_497 : vector<1x192xf32>
    %select_n3A_499 = arith.select %ne3A_489, %add3A_491, %add3A_498 : vector<1x192xi1>, vector<1x192xf32>
    %add3A_500 = arith.constant 0.00999999977 : f32
    %add3A_501 = vector.broadcast %add3A_500 : f32 to vector<1x192xf32>
    %add3A_502 = arith.addf %select_n3A_499, %add3A_501 : vector<1x192xf32>
    %mul3A_503 = arith.mulf %slice3A_482, %add3A_502 : vector<1x192xf32>
    %add3A_504 = arith.addf %slice3A_481, %mul3A_503 : vector<1x192xf32>
    %slice3A_505 = vector.extract_strided_slice %transpose3A_451 {offsets = [2, 0], sizes = [1, 192], strides = [1, 1]} : vector<8x192xf32> to vector<1x192xf32>
    %slice3A_506 = vector.extract_strided_slice %get3A_456 {offsets = [2, 0], sizes = [1, 192], strides = [1, 1]} : vector<3x192xf32> to vector<1x192xf32>
    %slice3A_507 = vector.extract_strided_slice %transpose3A_451 {offsets = [5, 0], sizes = [1, 192], strides = [1, 1]} : vector<8x192xf32> to vector<1x192xf32>
    %custom_jvp_call3A_508 = arith.constant 0.000000e+00 : f32
    %max3A_509 = vector.broadcast %custom_jvp_call3A_508 : f32 to vector<1x192xf32>
    %max3A_510 = arith.maximumf %slice3A_507, %max3A_509 : vector<1x192xf32>
    %sub3A_511 = vector.broadcast %custom_jvp_call3A_508 : f32 to vector<1x192xf32>
    %sub3A_512 = arith.subf %slice3A_507, %sub3A_511 : vector<1x192xf32>
    %ne3A_513 = arith.cmpf one, %sub3A_512, %sub3A_512 : vector<1x192xf32>
    %add3A_514 = vector.broadcast %custom_jvp_call3A_508 : f32 to vector<1x192xf32>
    %add3A_515 = arith.addf %slice3A_507, %add3A_514 : vector<1x192xf32>
    %abs3A_516 = math.absf %sub3A_512 : vector<1x192xf32>
    %neg3A_517 = arith.constant 0.000000e+00 : f32
    %neg3A_518 = vector.broadcast %neg3A_517 : f32 to vector<1x192xf32>
    %neg3A_519 = arith.subf %neg3A_518, %abs3A_516 : vector<1x192xf32>
    %exp3A_520 = math.exp %neg3A_519 : vector<1x192xf32>
    %log1p3A_521 = math.log1p %exp3A_520 : vector<1x192xf32>
    %add3A_522 = arith.addf %max3A_510, %log1p3A_521 : vector<1x192xf32>
    %select_n3A_523 = arith.select %ne3A_513, %add3A_515, %add3A_522 : vector<1x192xi1>, vector<1x192xf32>
    %add3A_524 = arith.constant 0.00999999977 : f32
    %add3A_525 = vector.broadcast %add3A_524 : f32 to vector<1x192xf32>
    %add3A_526 = arith.addf %select_n3A_523, %add3A_525 : vector<1x192xf32>
    %mul3A_527 = arith.mulf %slice3A_506, %add3A_526 : vector<1x192xf32>
    %add3A_528 = arith.addf %slice3A_505, %mul3A_527 : vector<1x192xf32>
    %max3A_529 = arith.maximumf %add3A_480, %add3A_504 : vector<1x192xf32>
    %max3A_530 = arith.maximumf %max3A_529, %add3A_528 : vector<1x192xf32>
    %sub3A_531 = arith.subf %add3A_480, %max3A_530 : vector<1x192xf32>
    %sub3A_532 = arith.subf %add3A_504, %max3A_530 : vector<1x192xf32>
    %sub3A_533 = arith.subf %add3A_528, %max3A_530 : vector<1x192xf32>
    %exp3A_534 = math.exp %sub3A_531 : vector<1x192xf32>
    %exp3A_535 = math.exp %sub3A_532 : vector<1x192xf32>
    %exp3A_536 = math.exp %sub3A_533 : vector<1x192xf32>
    %add3A_537 = arith.addf %exp3A_534, %exp3A_535 : vector<1x192xf32>
    %add3A_538 = arith.addf %add3A_537, %exp3A_536 : vector<1x192xf32>
    %div3A_539 = arith.constant 1.000000e+00 : f32
    %div3A_540 = vector.broadcast %div3A_539 : f32 to vector<1x192xf32>
    %div3A_541 = arith.divf %div3A_540, %add3A_538 : vector<1x192xf32>
    %mul3A_542 = arith.mulf %exp3A_534, %div3A_541 : vector<1x192xf32>
    %mul3A_543 = arith.mulf %exp3A_535, %div3A_541 : vector<1x192xf32>
    %mul3A_544 = arith.mulf %exp3A_536, %div3A_541 : vector<1x192xf32>
    %mul3A_545 = arith.mulf %mul3A_542, %sub3A_531 : vector<1x192xf32>
    %mul3A_546 = arith.mulf %mul3A_543, %sub3A_532 : vector<1x192xf32>
    %add3A_547 = arith.addf %mul3A_545, %mul3A_546 : vector<1x192xf32>
    %mul3A_548 = arith.mulf %mul3A_544, %sub3A_533 : vector<1x192xf32>
    %add3A_549 = arith.addf %add3A_547, %mul3A_548 : vector<1x192xf32>
    %log3A_550 = math.log %add3A_538 : vector<1x192xf32>
    %sub3A_551 = arith.subf %add3A_549, %log3A_550 : vector<1x192xf32>
    %add3A_552 = arith.addf %add3A_402, %sub3A_551 : vector<1x192xf32>
    %gt3A_553 = arith.cmpf ogt, %mul3A_543, %mul3A_542 : vector<1x192xf32>
    %gt3A_554 = arith.cmpf ogt, %mul3A_544, %mul3A_542 : vector<1x192xf32>
    %ge3A_555 = arith.cmpf oge, %mul3A_542, %mul3A_543 : vector<1x192xf32>
    %gt3A_556 = arith.cmpf ogt, %mul3A_544, %mul3A_543 : vector<1x192xf32>
    %ge3A_557 = arith.cmpf oge, %mul3A_542, %mul3A_544 : vector<1x192xf32>
    %ge3A_558 = arith.cmpf oge, %mul3A_543, %mul3A_544 : vector<1x192xf32>
    %max3A_559 = arith.maximumf %mul3A_542, %mul3A_543 : vector<1x192xf32>
    %max3A_560 = arith.maximumf %max3A_559, %mul3A_544 : vector<1x192xf32>
    %min3A_561 = arith.minimumf %mul3A_542, %mul3A_543 : vector<1x192xf32>
    %min3A_562 = arith.minimumf %min3A_561, %mul3A_544 : vector<1x192xf32>
    %add3A_563 = arith.addf %mul3A_542, %mul3A_543 : vector<1x192xf32>
    %add3A_564 = arith.addf %add3A_563, %mul3A_544 : vector<1x192xf32>
    %sub3A_565 = arith.subf %add3A_564, %max3A_560 : vector<1x192xf32>
    %sub3A_566 = arith.subf %sub3A_565, %min3A_562 : vector<1x192xf32>
    %le3A_567 = arith.constant 5.000000e-01 : f32
    %le3A_568 = vector.broadcast %le3A_567 : f32 to vector<1x192xf32>
    %le3A_569 = arith.cmpf ole, %max3A_560, %le3A_568 : vector<1x192xf32>
    %add3A_570 = arith.addf %add3A_420, %max3A_560 : vector<1x192xf32>
    %select_n3A_571 = arith.select %le3A_569, %sub3A_566, %broadcast_in_dim3A_8 : vector<1x192xi1>, vector<1x192xf32>
    %add3A_572 = arith.addf %add3A_422, %select_n3A_571 : vector<1x192xf32>
    %and3A_573 = arith.andi %gt3A_553, %ge3A_558 : vector<1x192xi1>
    %select_n3A_574 = arith.select %and3A_573, %broadcast_in_dim3A_10, %broadcast_in_dim3A_8 : vector<1x192xi1>, vector<1x192xf32>
    %and3A_575 = arith.andi %gt3A_554, %gt3A_556 : vector<1x192xi1>
    %select_n3A_576 = arith.select %and3A_575, %mul3A_12, %broadcast_in_dim3A_8 : vector<1x192xi1>, vector<1x192xf32>
    %add3A_577 = arith.addf %select_n3A_574, %select_n3A_576 : vector<1x192xf32>
    %and3A_578 = arith.andi %ge3A_555, %gt3A_556 : vector<1x192xi1>
    %select_n3A_579 = arith.select %and3A_578, %broadcast_in_dim3A_10, %broadcast_in_dim3A_8 : vector<1x192xi1>, vector<1x192xf32>
    %and3A_580 = arith.andi %ge3A_557, %ge3A_558 : vector<1x192xi1>
    %select_n3A_581 = arith.select %and3A_580, %mul3A_12, %broadcast_in_dim3A_8 : vector<1x192xi1>, vector<1x192xf32>
    %add3A_582 = arith.addf %select_n3A_579, %select_n3A_581 : vector<1x192xf32>
    %sub3A_583 = arith.constant 5.000000e+00 : f32
    %sub3A_584 = vector.broadcast %sub3A_583 : f32 to vector<1x192xf32>
    %sub3A_585 = arith.subf %sub3A_584, %add3A_582 : vector<1x192xf32>
    %select_n3A_586 = arith.select %le3A_569, %sub3A_585, %add3A_577 : vector<1x192xi1>, vector<1x192xf32>
    %convert_element_type3A_587 = arith.fptosi %select_n3A_586 : vector<1x192xf32> to vector<1x192xi32>
    %swap3A_588 = arith.constant 3 : index
    %swap3A_589 = arith.constant 0 : index
    %swap3A_590 = vector.load %arg4[%swap3A_588, %swap3A_589] : memref<16x192xi32, #tpu.memory_space<vmem>>, vector<1x192xi32>
    tpu.vector_store %arg4[%swap3A_588, %swap3A_589], %convert_element_type3A_587 {strides = array<i32>} : memref<16x192xi32, #tpu.memory_space<vmem>>, vector<1x192xi32>,
    %get3A_591 = arith.constant 4 : index
    %get3A_592 = arith.constant 0 : index
    %get3A_593 = arith.constant 0 : index
    %get3A_594 = vector.load %arg1[%get3A_591, %get3A_592, %get3A_593] : memref<16x192x192xf32, #tpu.memory_space<vmem>>, vector<1x192x192xf32>
    %get3A_595 = vector.shape_cast %get3A_594 : vector<1x192x192xf32> to vector<192x192xf32>
    %get3A_596 = arith.constant 0 : index
    %get3A_597 = arith.constant 0 : index
    %get3A_598 = vector.load %arg3[%get3A_596, %get3A_597] : memref<192x8xf32, #tpu.memory_space<vmem>>, vector<192x8xf32>
    %dot_general3A_599 = arith.constant dense<0.000000e+00> : vector<192x8xf32>
    %dot_general3A_600 = tpu.matmul %get3A_595, %get3A_598, %dot_general3A_599 {dimension_numbers = #tpu.dot_dimension_numbers<[1], [0], [0], [1], [0, 0, 1, 1], [], []>, transpose_lhs_hint = false} : vector<192x192xf32>, vector<192x8xf32>, vector<192x8xf32> -> vector<192x8xf32>
    %transpose3A_601 = tpu.transpose %dot_general3A_600, [1, 0] : vector<192x8xf32> -> vector<8x192xf32>
    %get3A_602 = arith.constant 4 : index
    %get3A_603 = arith.constant 0 : index
    %get3A_604 = arith.constant 0 : index
    %get3A_605 = vector.load %arg2[%get3A_602, %get3A_603, %get3A_604] : memref<16x3x192xf32, #tpu.memory_space<vmem>>, vector<1x3x192xf32>
    %get3A_606 = vector.shape_cast %get3A_605 : vector<1x3x192xf32> to vector<3x192xf32>
    %slice3A_607 = vector.extract_strided_slice %transpose3A_601 {offsets = [0, 0], sizes = [1, 192], strides = [1, 1]} : vector<8x192xf32> to vector<1x192xf32>
    %slice3A_608 = vector.extract_strided_slice %get3A_606 {offsets = [0, 0], sizes = [1, 192], strides = [1, 1]} : vector<3x192xf32> to vector<1x192xf32>
    %slice3A_609 = vector.extract_strided_slice %transpose3A_601 {offsets = [3, 0], sizes = [1, 192], strides = [1, 1]} : vector<8x192xf32> to vector<1x192xf32>
    %custom_jvp_call3A_610 = arith.constant 0.000000e+00 : f32
    %max3A_611 = vector.broadcast %custom_jvp_call3A_610 : f32 to vector<1x192xf32>
    %max3A_612 = arith.maximumf %slice3A_609, %max3A_611 : vector<1x192xf32>
    %sub3A_613 = vector.broadcast %custom_jvp_call3A_610 : f32 to vector<1x192xf32>
    %sub3A_614 = arith.subf %slice3A_609, %sub3A_613 : vector<1x192xf32>
    %ne3A_615 = arith.cmpf one, %sub3A_614, %sub3A_614 : vector<1x192xf32>
    %add3A_616 = vector.broadcast %custom_jvp_call3A_610 : f32 to vector<1x192xf32>
    %add3A_617 = arith.addf %slice3A_609, %add3A_616 : vector<1x192xf32>
    %abs3A_618 = math.absf %sub3A_614 : vector<1x192xf32>
    %neg3A_619 = arith.constant 0.000000e+00 : f32
    %neg3A_620 = vector.broadcast %neg3A_619 : f32 to vector<1x192xf32>
    %neg3A_621 = arith.subf %neg3A_620, %abs3A_618 : vector<1x192xf32>
    %exp3A_622 = math.exp %neg3A_621 : vector<1x192xf32>
    %log1p3A_623 = math.log1p %exp3A_622 : vector<1x192xf32>
    %add3A_624 = arith.addf %max3A_612, %log1p3A_623 : vector<1x192xf32>
    %select_n3A_625 = arith.select %ne3A_615, %add3A_617, %add3A_624 : vector<1x192xi1>, vector<1x192xf32>
    %add3A_626 = arith.constant 0.00999999977 : f32
    %add3A_627 = vector.broadcast %add3A_626 : f32 to vector<1x192xf32>
    %add3A_628 = arith.addf %select_n3A_625, %add3A_627 : vector<1x192xf32>
    %mul3A_629 = arith.mulf %slice3A_608, %add3A_628 : vector<1x192xf32>
    %add3A_630 = arith.addf %slice3A_607, %mul3A_629 : vector<1x192xf32>
    %slice3A_631 = vector.extract_strided_slice %transpose3A_601 {offsets = [1, 0], sizes = [1, 192], strides = [1, 1]} : vector<8x192xf32> to vector<1x192xf32>
    %slice3A_632 = vector.extract_strided_slice %get3A_606 {offsets = [1, 0], sizes = [1, 192], strides = [1, 1]} : vector<3x192xf32> to vector<1x192xf32>
    %slice3A_633 = vector.extract_strided_slice %transpose3A_601 {offsets = [4, 0], sizes = [1, 192], strides = [1, 1]} : vector<8x192xf32> to vector<1x192xf32>
    %custom_jvp_call3A_634 = arith.constant 0.000000e+00 : f32
    %max3A_635 = vector.broadcast %custom_jvp_call3A_634 : f32 to vector<1x192xf32>
    %max3A_636 = arith.maximumf %slice3A_633, %max3A_635 : vector<1x192xf32>
    %sub3A_637 = vector.broadcast %custom_jvp_call3A_634 : f32 to vector<1x192xf32>
    %sub3A_638 = arith.subf %slice3A_633, %sub3A_637 : vector<1x192xf32>
    %ne3A_639 = arith.cmpf one, %sub3A_638, %sub3A_638 : vector<1x192xf32>
    %add3A_640 = vector.broadcast %custom_jvp_call3A_634 : f32 to vector<1x192xf32>
    %add3A_641 = arith.addf %slice3A_633, %add3A_640 : vector<1x192xf32>
    %abs3A_642 = math.absf %sub3A_638 : vector<1x192xf32>
    %neg3A_643 = arith.constant 0.000000e+00 : f32
    %neg3A_644 = vector.broadcast %neg3A_643 : f32 to vector<1x192xf32>
    %neg3A_645 = arith.subf %neg3A_644, %abs3A_642 : vector<1x192xf32>
    %exp3A_646 = math.exp %neg3A_645 : vector<1x192xf32>
    %log1p3A_647 = math.log1p %exp3A_646 : vector<1x192xf32>
    %add3A_648 = arith.addf %max3A_636, %log1p3A_647 : vector<1x192xf32>
    %select_n3A_649 = arith.select %ne3A_639, %add3A_641, %add3A_648 : vector<1x192xi1>, vector<1x192xf32>
    %add3A_650 = arith.constant 0.00999999977 : f32
    %add3A_651 = vector.broadcast %add3A_650 : f32 to vector<1x192xf32>
    %add3A_652 = arith.addf %select_n3A_649, %add3A_651 : vector<1x192xf32>
    %mul3A_653 = arith.mulf %slice3A_632, %add3A_652 : vector<1x192xf32>
    %add3A_654 = arith.addf %slice3A_631, %mul3A_653 : vector<1x192xf32>
    %slice3A_655 = vector.extract_strided_slice %transpose3A_601 {offsets = [2, 0], sizes = [1, 192], strides = [1, 1]} : vector<8x192xf32> to vector<1x192xf32>
    %slice3A_656 = vector.extract_strided_slice %get3A_606 {offsets = [2, 0], sizes = [1, 192], strides = [1, 1]} : vector<3x192xf32> to vector<1x192xf32>
    %slice3A_657 = vector.extract_strided_slice %transpose3A_601 {offsets = [5, 0], sizes = [1, 192], strides = [1, 1]} : vector<8x192xf32> to vector<1x192xf32>
    %custom_jvp_call3A_658 = arith.constant 0.000000e+00 : f32
    %max3A_659 = vector.broadcast %custom_jvp_call3A_658 : f32 to vector<1x192xf32>
    %max3A_660 = arith.maximumf %slice3A_657, %max3A_659 : vector<1x192xf32>
    %sub3A_661 = vector.broadcast %custom_jvp_call3A_658 : f32 to vector<1x192xf32>
    %sub3A_662 = arith.subf %slice3A_657, %sub3A_661 : vector<1x192xf32>
    %ne3A_663 = arith.cmpf one, %sub3A_662, %sub3A_662 : vector<1x192xf32>
    %add3A_664 = vector.broadcast %custom_jvp_call3A_658 : f32 to vector<1x192xf32>
    %add3A_665 = arith.addf %slice3A_657, %add3A_664 : vector<1x192xf32>
    %abs3A_666 = math.absf %sub3A_662 : vector<1x192xf32>
    %neg3A_667 = arith.constant 0.000000e+00 : f32
    %neg3A_668 = vector.broadcast %neg3A_667 : f32 to vector<1x192xf32>
    %neg3A_669 = arith.subf %neg3A_668, %abs3A_666 : vector<1x192xf32>
    %exp3A_670 = math.exp %neg3A_669 : vector<1x192xf32>
    %log1p3A_671 = math.log1p %exp3A_670 : vector<1x192xf32>
    %add3A_672 = arith.addf %max3A_660, %log1p3A_671 : vector<1x192xf32>
    %select_n3A_673 = arith.select %ne3A_663, %add3A_665, %add3A_672 : vector<1x192xi1>, vector<1x192xf32>
    %add3A_674 = arith.constant 0.00999999977 : f32
    %add3A_675 = vector.broadcast %add3A_674 : f32 to vector<1x192xf32>
    %add3A_676 = arith.addf %select_n3A_673, %add3A_675 : vector<1x192xf32>
    %mul3A_677 = arith.mulf %slice3A_656, %add3A_676 : vector<1x192xf32>
    %add3A_678 = arith.addf %slice3A_655, %mul3A_677 : vector<1x192xf32>
    %max3A_679 = arith.maximumf %add3A_630, %add3A_654 : vector<1x192xf32>
    %max3A_680 = arith.maximumf %max3A_679, %add3A_678 : vector<1x192xf32>
    %sub3A_681 = arith.subf %add3A_630, %max3A_680 : vector<1x192xf32>
    %sub3A_682 = arith.subf %add3A_654, %max3A_680 : vector<1x192xf32>
    %sub3A_683 = arith.subf %add3A_678, %max3A_680 : vector<1x192xf32>
    %exp3A_684 = math.exp %sub3A_681 : vector<1x192xf32>
    %exp3A_685 = math.exp %sub3A_682 : vector<1x192xf32>
    %exp3A_686 = math.exp %sub3A_683 : vector<1x192xf32>
    %add3A_687 = arith.addf %exp3A_684, %exp3A_685 : vector<1x192xf32>
    %add3A_688 = arith.addf %add3A_687, %exp3A_686 : vector<1x192xf32>
    %div3A_689 = arith.constant 1.000000e+00 : f32
    %div3A_690 = vector.broadcast %div3A_689 : f32 to vector<1x192xf32>
    %div3A_691 = arith.divf %div3A_690, %add3A_688 : vector<1x192xf32>
    %mul3A_692 = arith.mulf %exp3A_684, %div3A_691 : vector<1x192xf32>
    %mul3A_693 = arith.mulf %exp3A_685, %div3A_691 : vector<1x192xf32>
    %mul3A_694 = arith.mulf %exp3A_686, %div3A_691 : vector<1x192xf32>
    %mul3A_695 = arith.mulf %mul3A_692, %sub3A_681 : vector<1x192xf32>
    %mul3A_696 = arith.mulf %mul3A_693, %sub3A_682 : vector<1x192xf32>
    %add3A_697 = arith.addf %mul3A_695, %mul3A_696 : vector<1x192xf32>
    %mul3A_698 = arith.mulf %mul3A_694, %sub3A_683 : vector<1x192xf32>
    %add3A_699 = arith.addf %add3A_697, %mul3A_698 : vector<1x192xf32>
    %log3A_700 = math.log %add3A_688 : vector<1x192xf32>
    %sub3A_701 = arith.subf %add3A_699, %log3A_700 : vector<1x192xf32>
    %add3A_702 = arith.addf %add3A_552, %sub3A_701 : vector<1x192xf32>
    %gt3A_703 = arith.cmpf ogt, %mul3A_693, %mul3A_692 : vector<1x192xf32>
    %gt3A_704 = arith.cmpf ogt, %mul3A_694, %mul3A_692 : vector<1x192xf32>
    %ge3A_705 = arith.cmpf oge, %mul3A_692, %mul3A_693 : vector<1x192xf32>
    %gt3A_706 = arith.cmpf ogt, %mul3A_694, %mul3A_693 : vector<1x192xf32>
    %ge3A_707 = arith.cmpf oge, %mul3A_692, %mul3A_694 : vector<1x192xf32>
    %ge3A_708 = arith.cmpf oge, %mul3A_693, %mul3A_694 : vector<1x192xf32>
    %max3A_709 = arith.maximumf %mul3A_692, %mul3A_693 : vector<1x192xf32>
    %max3A_710 = arith.maximumf %max3A_709, %mul3A_694 : vector<1x192xf32>
    %min3A_711 = arith.minimumf %mul3A_692, %mul3A_693 : vector<1x192xf32>
    %min3A_712 = arith.minimumf %min3A_711, %mul3A_694 : vector<1x192xf32>
    %add3A_713 = arith.addf %mul3A_692, %mul3A_693 : vector<1x192xf32>
    %add3A_714 = arith.addf %add3A_713, %mul3A_694 : vector<1x192xf32>
    %sub3A_715 = arith.subf %add3A_714, %max3A_710 : vector<1x192xf32>
    %sub3A_716 = arith.subf %sub3A_715, %min3A_712 : vector<1x192xf32>
    %le3A_717 = arith.constant 5.000000e-01 : f32
    %le3A_718 = vector.broadcast %le3A_717 : f32 to vector<1x192xf32>
    %le3A_719 = arith.cmpf ole, %max3A_710, %le3A_718 : vector<1x192xf32>
    %add3A_720 = arith.addf %add3A_570, %max3A_710 : vector<1x192xf32>
    %select_n3A_721 = arith.select %le3A_719, %sub3A_716, %broadcast_in_dim3A_8 : vector<1x192xi1>, vector<1x192xf32>
    %add3A_722 = arith.addf %add3A_572, %select_n3A_721 : vector<1x192xf32>
    %and3A_723 = arith.andi %gt3A_703, %ge3A_708 : vector<1x192xi1>
    %select_n3A_724 = arith.select %and3A_723, %broadcast_in_dim3A_10, %broadcast_in_dim3A_8 : vector<1x192xi1>, vector<1x192xf32>
    %and3A_725 = arith.andi %gt3A_704, %gt3A_706 : vector<1x192xi1>
    %select_n3A_726 = arith.select %and3A_725, %mul3A_12, %broadcast_in_dim3A_8 : vector<1x192xi1>, vector<1x192xf32>
    %add3A_727 = arith.addf %select_n3A_724, %select_n3A_726 : vector<1x192xf32>
    %and3A_728 = arith.andi %ge3A_705, %gt3A_706 : vector<1x192xi1>
    %select_n3A_729 = arith.select %and3A_728, %broadcast_in_dim3A_10, %broadcast_in_dim3A_8 : vector<1x192xi1>, vector<1x192xf32>
    %and3A_730 = arith.andi %ge3A_707, %ge3A_708 : vector<1x192xi1>
    %select_n3A_731 = arith.select %and3A_730, %mul3A_12, %broadcast_in_dim3A_8 : vector<1x192xi1>, vector<1x192xf32>
    %add3A_732 = arith.addf %select_n3A_729, %select_n3A_731 : vector<1x192xf32>
    %sub3A_733 = arith.constant 5.000000e+00 : f32
    %sub3A_734 = vector.broadcast %sub3A_733 : f32 to vector<1x192xf32>
    %sub3A_735 = arith.subf %sub3A_734, %add3A_732 : vector<1x192xf32>
    %select_n3A_736 = arith.select %le3A_719, %sub3A_735, %add3A_727 : vector<1x192xi1>, vector<1x192xf32>
    %convert_element_type3A_737 = arith.fptosi %select_n3A_736 : vector<1x192xf32> to vector<1x192xi32>
    %swap3A_738 = arith.constant 4 : index
    %swap3A_739 = arith.constant 0 : index
    %swap3A_740 = vector.load %arg4[%swap3A_738, %swap3A_739] : memref<16x192xi32, #tpu.memory_space<vmem>>, vector<1x192xi32>
    tpu.vector_store %arg4[%swap3A_738, %swap3A_739], %convert_element_type3A_737 {strides = array<i32>} : memref<16x192xi32, #tpu.memory_space<vmem>>, vector<1x192xi32>,
    %get3A_741 = arith.constant 5 : index
    %get3A_742 = arith.constant 0 : index
    %get3A_743 = arith.constant 0 : index
    %get3A_744 = vector.load %arg1[%get3A_741, %get3A_742, %get3A_743] : memref<16x192x192xf32, #tpu.memory_space<vmem>>, vector<1x192x192xf32>
    %get3A_745 = vector.shape_cast %get3A_744 : vector<1x192x192xf32> to vector<192x192xf32>
    %get3A_746 = arith.constant 0 : index
    %get3A_747 = arith.constant 0 : index
    %get3A_748 = vector.load %arg3[%get3A_746, %get3A_747] : memref<192x8xf32, #tpu.memory_space<vmem>>, vector<192x8xf32>
    %dot_general3A_749 = arith.constant dense<0.000000e+00> : vector<192x8xf32>
    %dot_general3A_750 = tpu.matmul %get3A_745, %get3A_748, %dot_general3A_749 {dimension_numbers = #tpu.dot_dimension_numbers<[1], [0], [0], [1], [0, 0, 1, 1], [], []>, transpose_lhs_hint = false} : vector<192x192xf32>, vector<192x8xf32>, vector<192x8xf32> -> vector<192x8xf32>
    %transpose3A_751 = tpu.transpose %dot_general3A_750, [1, 0] : vector<192x8xf32> -> vector<8x192xf32>
    %get3A_752 = arith.constant 5 : index
    %get3A_753 = arith.constant 0 : index
    %get3A_754 = arith.constant 0 : index
    %get3A_755 = vector.load %arg2[%get3A_752, %get3A_753, %get3A_754] : memref<16x3x192xf32, #tpu.memory_space<vmem>>, vector<1x3x192xf32>
    %get3A_756 = vector.shape_cast %get3A_755 : vector<1x3x192xf32> to vector<3x192xf32>
    %slice3A_757 = vector.extract_strided_slice %transpose3A_751 {offsets = [0, 0], sizes = [1, 192], strides = [1, 1]} : vector<8x192xf32> to vector<1x192xf32>
    %slice3A_758 = vector.extract_strided_slice %get3A_756 {offsets = [0, 0], sizes = [1, 192], strides = [1, 1]} : vector<3x192xf32> to vector<1x192xf32>
    %slice3A_759 = vector.extract_strided_slice %transpose3A_751 {offsets = [3, 0], sizes = [1, 192], strides = [1, 1]} : vector<8x192xf32> to vector<1x192xf32>
    %custom_jvp_call3A_760 = arith.constant 0.000000e+00 : f32
    %max3A_761 = vector.broadcast %custom_jvp_call3A_760 : f32 to vector<1x192xf32>
    %max3A_762 = arith.maximumf %slice3A_759, %max3A_761 : vector<1x192xf32>
    %sub3A_763 = vector.broadcast %custom_jvp_call3A_760 : f32 to vector<1x192xf32>
    %sub3A_764 = arith.subf %slice3A_759, %sub3A_763 : vector<1x192xf32>
    %ne3A_765 = arith.cmpf one, %sub3A_764, %sub3A_764 : vector<1x192xf32>
    %add3A_766 = vector.broadcast %custom_jvp_call3A_760 : f32 to vector<1x192xf32>
    %add3A_767 = arith.addf %slice3A_759, %add3A_766 : vector<1x192xf32>
    %abs3A_768 = math.absf %sub3A_764 : vector<1x192xf32>
    %neg3A_769 = arith.constant 0.000000e+00 : f32
    %neg3A_770 = vector.broadcast %neg3A_769 : f32 to vector<1x192xf32>
    %neg3A_771 = arith.subf %neg3A_770, %abs3A_768 : vector<1x192xf32>
    %exp3A_772 = math.exp %neg3A_771 : vector<1x192xf32>
    %log1p3A_773 = math.log1p %exp3A_772 : vector<1x192xf32>
    %add3A_774 = arith.addf %max3A_762, %log1p3A_773 : vector<1x192xf32>
    %select_n3A_775 = arith.select %ne3A_765, %add3A_767, %add3A_774 : vector<1x192xi1>, vector<1x192xf32>
    %add3A_776 = arith.constant 0.00999999977 : f32
    %add3A_777 = vector.broadcast %add3A_776 : f32 to vector<1x192xf32>
    %add3A_778 = arith.addf %select_n3A_775, %add3A_777 : vector<1x192xf32>
    %mul3A_779 = arith.mulf %slice3A_758, %add3A_778 : vector<1x192xf32>
    %add3A_780 = arith.addf %slice3A_757, %mul3A_779 : vector<1x192xf32>
    %slice3A_781 = vector.extract_strided_slice %transpose3A_751 {offsets = [1, 0], sizes = [1, 192], strides = [1, 1]} : vector<8x192xf32> to vector<1x192xf32>
    %slice3A_782 = vector.extract_strided_slice %get3A_756 {offsets = [1, 0], sizes = [1, 192], strides = [1, 1]} : vector<3x192xf32> to vector<1x192xf32>
    %slice3A_783 = vector.extract_strided_slice %transpose3A_751 {offsets = [4, 0], sizes = [1, 192], strides = [1, 1]} : vector<8x192xf32> to vector<1x192xf32>
    %custom_jvp_call3A_784 = arith.constant 0.000000e+00 : f32
    %max3A_785 = vector.broadcast %custom_jvp_call3A_784 : f32 to vector<1x192xf32>
    %max3A_786 = arith.maximumf %slice3A_783, %max3A_785 : vector<1x192xf32>
    %sub3A_787 = vector.broadcast %custom_jvp_call3A_784 : f32 to vector<1x192xf32>
    %sub3A_788 = arith.subf %slice3A_783, %sub3A_787 : vector<1x192xf32>
    %ne3A_789 = arith.cmpf one, %sub3A_788, %sub3A_788 : vector<1x192xf32>
    %add3A_790 = vector.broadcast %custom_jvp_call3A_784 : f32 to vector<1x192xf32>
    %add3A_791 = arith.addf %slice3A_783, %add3A_790 : vector<1x192xf32>
    %abs3A_792 = math.absf %sub3A_788 : vector<1x192xf32>
    %neg3A_793 = arith.constant 0.000000e+00 : f32
    %neg3A_794 = vector.broadcast %neg3A_793 : f32 to vector<1x192xf32>
    %neg3A_795 = arith.subf %neg3A_794, %abs3A_792 : vector<1x192xf32>
    %exp3A_796 = math.exp %neg3A_795 : vector<1x192xf32>
    %log1p3A_797 = math.log1p %exp3A_796 : vector<1x192xf32>
    %add3A_798 = arith.addf %max3A_786, %log1p3A_797 : vector<1x192xf32>
    %select_n3A_799 = arith.select %ne3A_789, %add3A_791, %add3A_798 : vector<1x192xi1>, vector<1x192xf32>
    %add3A_800 = arith.constant 0.00999999977 : f32
    %add3A_801 = vector.broadcast %add3A_800 : f32 to vector<1x192xf32>
    %add3A_802 = arith.addf %select_n3A_799, %add3A_801 : vector<1x192xf32>
    %mul3A_803 = arith.mulf %slice3A_782, %add3A_802 : vector<1x192xf32>
    %add3A_804 = arith.addf %slice3A_781, %mul3A_803 : vector<1x192xf32>
    %slice3A_805 = vector.extract_strided_slice %transpose3A_751 {offsets = [2, 0], sizes = [1, 192], strides = [1, 1]} : vector<8x192xf32> to vector<1x192xf32>
    %slice3A_806 = vector.extract_strided_slice %get3A_756 {offsets = [2, 0], sizes = [1, 192], strides = [1, 1]} : vector<3x192xf32> to vector<1x192xf32>
    %slice3A_807 = vector.extract_strided_slice %transpose3A_751 {offsets = [5, 0], sizes = [1, 192], strides = [1, 1]} : vector<8x192xf32> to vector<1x192xf32>
    %custom_jvp_call3A_808 = arith.constant 0.000000e+00 : f32
    %max3A_809 = vector.broadcast %custom_jvp_call3A_808 : f32 to vector<1x192xf32>
    %max3A_810 = arith.maximumf %slice3A_807, %max3A_809 : vector<1x192xf32>
    %sub3A_811 = vector.broadcast %custom_jvp_call3A_808 : f32 to vector<1x192xf32>
    %sub3A_812 = arith.subf %slice3A_807, %sub3A_811 : vector<1x192xf32>
    %ne3A_813 = arith.cmpf one, %sub3A_812, %sub3A_812 : vector<1x192xf32>
    %add3A_814 = vector.broadcast %custom_jvp_call3A_808 : f32 to vector<1x192xf32>
    %add3A_815 = arith.addf %slice3A_807, %add3A_814 : vector<1x192xf32>
    %abs3A_816 = math.absf %sub3A_812 : vector<1x192xf32>
    %neg3A_817 = arith.constant 0.000000e+00 : f32
    %neg3A_818 = vector.broadcast %neg3A_817 : f32 to vector<1x192xf32>
    %neg3A_819 = arith.subf %neg3A_818, %abs3A_816 : vector<1x192xf32>
    %exp3A_820 = math.exp %neg3A_819 : vector<1x192xf32>
    %log1p3A_821 = math.log1p %exp3A_820 : vector<1x192xf32>
    %add3A_822 = arith.addf %max3A_810, %log1p3A_821 : vector<1x192xf32>
    %select_n3A_823 = arith.select %ne3A_813, %add3A_815, %add3A_822 : vector<1x192xi1>, vector<1x192xf32>
    %add3A_824 = arith.constant 0.00999999977 : f32
    %add3A_825 = vector.broadcast %add3A_824 : f32 to vector<1x192xf32>
    %add3A_826 = arith.addf %select_n3A_823, %add3A_825 : vector<1x192xf32>
    %mul3A_827 = arith.mulf %slice3A_806, %add3A_826 : vector<1x192xf32>
    %add3A_828 = arith.addf %slice3A_805, %mul3A_827 : vector<1x192xf32>
    %max3A_829 = arith.maximumf %add3A_780, %add3A_804 : vector<1x192xf32>
    %max3A_830 = arith.maximumf %max3A_829, %add3A_828 : vector<1x192xf32>
    %sub3A_831 = arith.subf %add3A_780, %max3A_830 : vector<1x192xf32>
    %sub3A_832 = arith.subf %add3A_804, %max3A_830 : vector<1x192xf32>
    %sub3A_833 = arith.subf %add3A_828, %max3A_830 : vector<1x192xf32>
    %exp3A_834 = math.exp %sub3A_831 : vector<1x192xf32>
    %exp3A_835 = math.exp %sub3A_832 : vector<1x192xf32>
    %exp3A_836 = math.exp %sub3A_833 : vector<1x192xf32>
    %add3A_837 = arith.addf %exp3A_834, %exp3A_835 : vector<1x192xf32>
    %add3A_838 = arith.addf %add3A_837, %exp3A_836 : vector<1x192xf32>
    %div3A_839 = arith.constant 1.000000e+00 : f32
    %div3A_840 = vector.broadcast %div3A_839 : f32 to vector<1x192xf32>
    %div3A_841 = arith.divf %div3A_840, %add3A_838 : vector<1x192xf32>
    %mul3A_842 = arith.mulf %exp3A_834, %div3A_841 : vector<1x192xf32>
    %mul3A_843 = arith.mulf %exp3A_835, %div3A_841 : vector<1x192xf32>
    %mul3A_844 = arith.mulf %exp3A_836, %div3A_841 : vector<1x192xf32>
    %mul3A_845 = arith.mulf %mul3A_842, %sub3A_831 : vector<1x192xf32>
    %mul3A_846 = arith.mulf %mul3A_843, %sub3A_832 : vector<1x192xf32>
    %add3A_847 = arith.addf %mul3A_845, %mul3A_846 : vector<1x192xf32>
    %mul3A_848 = arith.mulf %mul3A_844, %sub3A_833 : vector<1x192xf32>
    %add3A_849 = arith.addf %add3A_847, %mul3A_848 : vector<1x192xf32>
    %log3A_850 = math.log %add3A_838 : vector<1x192xf32>
    %sub3A_851 = arith.subf %add3A_849, %log3A_850 : vector<1x192xf32>
    %add3A_852 = arith.addf %add3A_702, %sub3A_851 : vector<1x192xf32>
    %gt3A_853 = arith.cmpf ogt, %mul3A_843, %mul3A_842 : vector<1x192xf32>
    %gt3A_854 = arith.cmpf ogt, %mul3A_844, %mul3A_842 : vector<1x192xf32>
    %ge3A_855 = arith.cmpf oge, %mul3A_842, %mul3A_843 : vector<1x192xf32>
    %gt3A_856 = arith.cmpf ogt, %mul3A_844, %mul3A_843 : vector<1x192xf32>
    %ge3A_857 = arith.cmpf oge, %mul3A_842, %mul3A_844 : vector<1x192xf32>
    %ge3A_858 = arith.cmpf oge, %mul3A_843, %mul3A_844 : vector<1x192xf32>
    %max3A_859 = arith.maximumf %mul3A_842, %mul3A_843 : vector<1x192xf32>
    %max3A_860 = arith.maximumf %max3A_859, %mul3A_844 : vector<1x192xf32>
    %min3A_861 = arith.minimumf %mul3A_842, %mul3A_843 : vector<1x192xf32>
    %min3A_862 = arith.minimumf %min3A_861, %mul3A_844 : vector<1x192xf32>
    %add3A_863 = arith.addf %mul3A_842, %mul3A_843 : vector<1x192xf32>
    %add3A_864 = arith.addf %add3A_863, %mul3A_844 : vector<1x192xf32>
    %sub3A_865 = arith.subf %add3A_864, %max3A_860 : vector<1x192xf32>
    %sub3A_866 = arith.subf %sub3A_865, %min3A_862 : vector<1x192xf32>
    %le3A_867 = arith.constant 5.000000e-01 : f32
    %le3A_868 = vector.broadcast %le3A_867 : f32 to vector<1x192xf32>
    %le3A_869 = arith.cmpf ole, %max3A_860, %le3A_868 : vector<1x192xf32>
    %add3A_870 = arith.addf %add3A_720, %max3A_860 : vector<1x192xf32>
    %select_n3A_871 = arith.select %le3A_869, %sub3A_866, %broadcast_in_dim3A_8 : vector<1x192xi1>, vector<1x192xf32>
    %add3A_872 = arith.addf %add3A_722, %select_n3A_871 : vector<1x192xf32>
    %and3A_873 = arith.andi %gt3A_853, %ge3A_858 : vector<1x192xi1>
    %select_n3A_874 = arith.select %and3A_873, %broadcast_in_dim3A_10, %broadcast_in_dim3A_8 : vector<1x192xi1>, vector<1x192xf32>
    %and3A_875 = arith.andi %gt3A_854, %gt3A_856 : vector<1x192xi1>
    %select_n3A_876 = arith.select %and3A_875, %mul3A_12, %broadcast_in_dim3A_8 : vector<1x192xi1>, vector<1x192xf32>
    %add3A_877 = arith.addf %select_n3A_874, %select_n3A_876 : vector<1x192xf32>
    %and3A_878 = arith.andi %ge3A_855, %gt3A_856 : vector<1x192xi1>
    %select_n3A_879 = arith.select %and3A_878, %broadcast_in_dim3A_10, %broadcast_in_dim3A_8 : vector<1x192xi1>, vector<1x192xf32>
    %and3A_880 = arith.andi %ge3A_857, %ge3A_858 : vector<1x192xi1>
    %select_n3A_881 = arith.select %and3A_880, %mul3A_12, %broadcast_in_dim3A_8 : vector<1x192xi1>, vector<1x192xf32>
    %add3A_882 = arith.addf %select_n3A_879, %select_n3A_881 : vector<1x192xf32>
    %sub3A_883 = arith.constant 5.000000e+00 : f32
    %sub3A_884 = vector.broadcast %sub3A_883 : f32 to vector<1x192xf32>
    %sub3A_885 = arith.subf %sub3A_884, %add3A_882 : vector<1x192xf32>
    %select_n3A_886 = arith.select %le3A_869, %sub3A_885, %add3A_877 : vector<1x192xi1>, vector<1x192xf32>
    %convert_element_type3A_887 = arith.fptosi %select_n3A_886 : vector<1x192xf32> to vector<1x192xi32>
    %swap3A_888 = arith.constant 5 : index
    %swap3A_889 = arith.constant 0 : index
    %swap3A_890 = vector.load %arg4[%swap3A_888, %swap3A_889] : memref<16x192xi32, #tpu.memory_space<vmem>>, vector<1x192xi32>
    tpu.vector_store %arg4[%swap3A_888, %swap3A_889], %convert_element_type3A_887 {strides = array<i32>} : memref<16x192xi32, #tpu.memory_space<vmem>>, vector<1x192xi32>,
    %get3A_891 = arith.constant 6 : index
    %get3A_892 = arith.constant 0 : index
    %get3A_893 = arith.constant 0 : index
    %get3A_894 = vector.load %arg1[%get3A_891, %get3A_892, %get3A_893] : memref<16x192x192xf32, #tpu.memory_space<vmem>>, vector<1x192x192xf32>
    %get3A_895 = vector.shape_cast %get3A_894 : vector<1x192x192xf32> to vector<192x192xf32>
    %get3A_896 = arith.constant 0 : index
    %get3A_897 = arith.constant 0 : index
    %get3A_898 = vector.load %arg3[%get3A_896, %get3A_897] : memref<192x8xf32, #tpu.memory_space<vmem>>, vector<192x8xf32>
    %dot_general3A_899 = arith.constant dense<0.000000e+00> : vector<192x8xf32>
    %dot_general3A_900 = tpu.matmul %get3A_895, %get3A_898, %dot_general3A_899 {dimension_numbers = #tpu.dot_dimension_numbers<[1], [0], [0], [1], [0, 0, 1, 1], [], []>, transpose_lhs_hint = false} : vector<192x192xf32>, vector<192x8xf32>, vector<192x8xf32> -> vector<192x8xf32>
    %transpose3A_901 = tpu.transpose %dot_general3A_900, [1, 0] : vector<192x8xf32> -> vector<8x192xf32>
    %get3A_902 = arith.constant 6 : index
    %get3A_903 = arith.constant 0 : index
    %get3A_904 = arith.constant 0 : index
    %get3A_905 = vector.load %arg2[%get3A_902, %get3A_903, %get3A_904] : memref<16x3x192xf32, #tpu.memory_space<vmem>>, vector<1x3x192xf32>
    %get3A_906 = vector.shape_cast %get3A_905 : vector<1x3x192xf32> to vector<3x192xf32>
    %slice3A_907 = vector.extract_strided_slice %transpose3A_901 {offsets = [0, 0], sizes = [1, 192], strides = [1, 1]} : vector<8x192xf32> to vector<1x192xf32>
    %slice3A_908 = vector.extract_strided_slice %get3A_906 {offsets = [0, 0], sizes = [1, 192], strides = [1, 1]} : vector<3x192xf32> to vector<1x192xf32>
    %slice3A_909 = vector.extract_strided_slice %transpose3A_901 {offsets = [3, 0], sizes = [1, 192], strides = [1, 1]} : vector<8x192xf32> to vector<1x192xf32>
    %custom_jvp_call3A_910 = arith.constant 0.000000e+00 : f32
    %max3A_911 = vector.broadcast %custom_jvp_call3A_910 : f32 to vector<1x192xf32>
    %max3A_912 = arith.maximumf %slice3A_909, %max3A_911 : vector<1x192xf32>
    %sub3A_913 = vector.broadcast %custom_jvp_call3A_910 : f32 to vector<1x192xf32>
    %sub3A_914 = arith.subf %slice3A_909, %sub3A_913 : vector<1x192xf32>
    %ne3A_915 = arith.cmpf one, %sub3A_914, %sub3A_914 : vector<1x192xf32>
    %add3A_916 = vector.broadcast %custom_jvp_call3A_910 : f32 to vector<1x192xf32>
    %add3A_917 = arith.addf %slice3A_909, %add3A_916 : vector<1x192xf32>
    %abs3A_918 = math.absf %sub3A_914 : vector<1x192xf32>
    %neg3A_919 = arith.constant 0.000000e+00 : f32
    %neg3A_920 = vector.broadcast %neg3A_919 : f32 to vector<1x192xf32>
    %neg3A_921 = arith.subf %neg3A_920, %abs3A_918 : vector<1x192xf32>
    %exp3A_922 = math.exp %neg3A_921 : vector<1x192xf32>
    %log1p3A_923 = math.log1p %exp3A_922 : vector<1x192xf32>
    %add3A_924 = arith.addf %max3A_912, %log1p3A_923 : vector<1x192xf32>
    %select_n3A_925 = arith.select %ne3A_915, %add3A_917, %add3A_924 : vector<1x192xi1>, vector<1x192xf32>
    %add3A_926 = arith.constant 0.00999999977 : f32
    %add3A_927 = vector.broadcast %add3A_926 : f32 to vector<1x192xf32>
    %add3A_928 = arith.addf %select_n3A_925, %add3A_927 : vector<1x192xf32>
    %mul3A_929 = arith.mulf %slice3A_908, %add3A_928 : vector<1x192xf32>
    %add3A_930 = arith.addf %slice3A_907, %mul3A_929 : vector<1x192xf32>
    %slice3A_931 = vector.extract_strided_slice %transpose3A_901 {offsets = [1, 0], sizes = [1, 192], strides = [1, 1]} : vector<8x192xf32> to vector<1x192xf32>
    %slice3A_932 = vector.extract_strided_slice %get3A_906 {offsets = [1, 0], sizes = [1, 192], strides = [1, 1]} : vector<3x192xf32> to vector<1x192xf32>
    %slice3A_933 = vector.extract_strided_slice %transpose3A_901 {offsets = [4, 0], sizes = [1, 192], strides = [1, 1]} : vector<8x192xf32> to vector<1x192xf32>
    %custom_jvp_call3A_934 = arith.constant 0.000000e+00 : f32
    %max3A_935 = vector.broadcast %custom_jvp_call3A_934 : f32 to vector<1x192xf32>
    %max3A_936 = arith.maximumf %slice3A_933, %max3A_935 : vector<1x192xf32>
    %sub3A_937 = vector.broadcast %custom_jvp_call3A_934 : f32 to vector<1x192xf32>
    %sub3A_938 = arith.subf %slice3A_933, %sub3A_937 : vector<1x192xf32>
    %ne3A_939 = arith.cmpf one, %sub3A_938, %sub3A_938 : vector<1x192xf32>
    %add3A_940 = vector.broadcast %custom_jvp_call3A_934 : f32 to vector<1x192xf32>
    %add3A_941 = arith.addf %slice3A_933, %add3A_940 : vector<1x192xf32>
    %abs3A_942 = math.absf %sub3A_938 : vector<1x192xf32>
    %neg3A_943 = arith.constant 0.000000e+00 : f32
    %neg3A_944 = vector.broadcast %neg3A_943 : f32 to vector<1x192xf32>
    %neg3A_945 = arith.subf %neg3A_944, %abs3A_942 : vector<1x192xf32>
    %exp3A_946 = math.exp %neg3A_945 : vector<1x192xf32>
    %log1p3A_947 = math.log1p %exp3A_946 : vector<1x192xf32>
    %add3A_948 = arith.addf %max3A_936, %log1p3A_947 : vector<1x192xf32>
    %select_n3A_949 = arith.select %ne3A_939, %add3A_941, %add3A_948 : vector<1x192xi1>, vector<1x192xf32>
    %add3A_950 = arith.constant 0.00999999977 : f32
    %add3A_951 = vector.broadcast %add3A_950 : f32 to vector<1x192xf32>
    %add3A_952 = arith.addf %select_n3A_949, %add3A_951 : vector<1x192xf32>
    %mul3A_953 = arith.mulf %slice3A_932, %add3A_952 : vector<1x192xf32>
    %add3A_954 = arith.addf %slice3A_931, %mul3A_953 : vector<1x192xf32>
    %slice3A_955 = vector.extract_strided_slice %transpose3A_901 {offsets = [2, 0], sizes = [1, 192], strides = [1, 1]} : vector<8x192xf32> to vector<1x192xf32>
    %slice3A_956 = vector.extract_strided_slice %get3A_906 {offsets = [2, 0], sizes = [1, 192], strides = [1, 1]} : vector<3x192xf32> to vector<1x192xf32>
    %slice3A_957 = vector.extract_strided_slice %transpose3A_901 {offsets = [5, 0], sizes = [1, 192], strides = [1, 1]} : vector<8x192xf32> to vector<1x192xf32>
    %custom_jvp_call3A_958 = arith.constant 0.000000e+00 : f32
    %max3A_959 = vector.broadcast %custom_jvp_call3A_958 : f32 to vector<1x192xf32>
    %max3A_960 = arith.maximumf %slice3A_957, %max3A_959 : vector<1x192xf32>
    %sub3A_961 = vector.broadcast %custom_jvp_call3A_958 : f32 to vector<1x192xf32>
    %sub3A_962 = arith.subf %slice3A_957, %sub3A_961 : vector<1x192xf32>
    %ne3A_963 = arith.cmpf one, %sub3A_962, %sub3A_962 : vector<1x192xf32>
    %add3A_964 = vector.broadcast %custom_jvp_call3A_958 : f32 to vector<1x192xf32>
    %add3A_965 = arith.addf %slice3A_957, %add3A_964 : vector<1x192xf32>
    %abs3A_966 = math.absf %sub3A_962 : vector<1x192xf32>
    %neg3A_967 = arith.constant 0.000000e+00 : f32
    %neg3A_968 = vector.broadcast %neg3A_967 : f32 to vector<1x192xf32>
    %neg3A_969 = arith.subf %neg3A_968, %abs3A_966 : vector<1x192xf32>
    %exp3A_970 = math.exp %neg3A_969 : vector<1x192xf32>
    %log1p3A_971 = math.log1p %exp3A_970 : vector<1x192xf32>
    %add3A_972 = arith.addf %max3A_960, %log1p3A_971 : vector<1x192xf32>
    %select_n3A_973 = arith.select %ne3A_963, %add3A_965, %add3A_972 : vector<1x192xi1>, vector<1x192xf32>
    %add3A_974 = arith.constant 0.00999999977 : f32
    %add3A_975 = vector.broadcast %add3A_974 : f32 to vector<1x192xf32>
    %add3A_976 = arith.addf %select_n3A_973, %add3A_975 : vector<1x192xf32>
    %mul3A_977 = arith.mulf %slice3A_956, %add3A_976 : vector<1x192xf32>
    %add3A_978 = arith.addf %slice3A_955, %mul3A_977 : vector<1x192xf32>
    %max3A_979 = arith.maximumf %add3A_930, %add3A_954 : vector<1x192xf32>
    %max3A_980 = arith.maximumf %max3A_979, %add3A_978 : vector<1x192xf32>
    %sub3A_981 = arith.subf %add3A_930, %max3A_980 : vector<1x192xf32>
    %sub3A_982 = arith.subf %add3A_954, %max3A_980 : vector<1x192xf32>
    %sub3A_983 = arith.subf %add3A_978, %max3A_980 : vector<1x192xf32>
    %exp3A_984 = math.exp %sub3A_981 : vector<1x192xf32>
    %exp3A_985 = math.exp %sub3A_982 : vector<1x192xf32>
    %exp3A_986 = math.exp %sub3A_983 : vector<1x192xf32>
    %add3A_987 = arith.addf %exp3A_984, %exp3A_985 : vector<1x192xf32>
    %add3A_988 = arith.addf %add3A_987, %exp3A_986 : vector<1x192xf32>
    %div3A_989 = arith.constant 1.000000e+00 : f32
    %div3A_990 = vector.broadcast %div3A_989 : f32 to vector<1x192xf32>
    %div3A_991 = arith.divf %div3A_990, %add3A_988 : vector<1x192xf32>
    %mul3A_992 = arith.mulf %exp3A_984, %div3A_991 : vector<1x192xf32>
    %mul3A_993 = arith.mulf %exp3A_985, %div3A_991 : vector<1x192xf32>
    %mul3A_994 = arith.mulf %exp3A_986, %div3A_991 : vector<1x192xf32>
    %mul3A_995 = arith.mulf %mul3A_992, %sub3A_981 : vector<1x192xf32>
    %mul3A_996 = arith.mulf %mul3A_993, %sub3A_982 : vector<1x192xf32>
    %add3A_997 = arith.addf %mul3A_995, %mul3A_996 : vector<1x192xf32>
    %mul3A_998 = arith.mulf %mul3A_994, %sub3A_983 : vector<1x192xf32>
    %add3A_999 = arith.addf %add3A_997, %mul3A_998 : vector<1x192xf32>
    %log3A_1000 = math.log %add3A_988 : vector<1x192xf32>
    %sub3A_1001 = arith.subf %add3A_999, %log3A_1000 : vector<1x192xf32>
    %add3A_1002 = arith.addf %add3A_852, %sub3A_1001 : vector<1x192xf32>
    %gt3A_1003 = arith.cmpf ogt, %mul3A_993, %mul3A_992 : vector<1x192xf32>
    %gt3A_1004 = arith.cmpf ogt, %mul3A_994, %mul3A_992 : vector<1x192xf32>
    %ge3A_1005 = arith.cmpf oge, %mul3A_992, %mul3A_993 : vector<1x192xf32>
    %gt3A_1006 = arith.cmpf ogt, %mul3A_994, %mul3A_993 : vector<1x192xf32>
    %ge3A_1007 = arith.cmpf oge, %mul3A_992, %mul3A_994 : vector<1x192xf32>
    %ge3A_1008 = arith.cmpf oge, %mul3A_993, %mul3A_994 : vector<1x192xf32>
    %max3A_1009 = arith.maximumf %mul3A_992, %mul3A_993 : vector<1x192xf32>
    %max3A_1010 = arith.maximumf %max3A_1009, %mul3A_994 : vector<1x192xf32>
    %min3A_1011 = arith.minimumf %mul3A_992, %mul3A_993 : vector<1x192xf32>
    %min3A_1012 = arith.minimumf %min3A_1011, %mul3A_994 : vector<1x192xf32>
    %add3A_1013 = arith.addf %mul3A_992, %mul3A_993 : vector<1x192xf32>
    %add3A_1014 = arith.addf %add3A_1013, %mul3A_994 : vector<1x192xf32>
    %sub3A_1015 = arith.subf %add3A_1014, %max3A_1010 : vector<1x192xf32>
    %sub3A_1016 = arith.subf %sub3A_1015, %min3A_1012 : vector<1x192xf32>
    %le3A_1017 = arith.constant 5.000000e-01 : f32
    %le3A_1018 = vector.broadcast %le3A_1017 : f32 to vector<1x192xf32>
    %le3A_1019 = arith.cmpf ole, %max3A_1010, %le3A_1018 : vector<1x192xf32>
    %add3A_1020 = arith.addf %add3A_870, %max3A_1010 : vector<1x192xf32>
    %select_n3A_1021 = arith.select %le3A_1019, %sub3A_1016, %broadcast_in_dim3A_8 : vector<1x192xi1>, vector<1x192xf32>
    %add3A_1022 = arith.addf %add3A_872, %select_n3A_1021 : vector<1x192xf32>
    %and3A_1023 = arith.andi %gt3A_1003, %ge3A_1008 : vector<1x192xi1>
    %select_n3A_1024 = arith.select %and3A_1023, %broadcast_in_dim3A_10, %broadcast_in_dim3A_8 : vector<1x192xi1>, vector<1x192xf32>
    %and3A_1025 = arith.andi %gt3A_1004, %gt3A_1006 : vector<1x192xi1>
    %select_n3A_1026 = arith.select %and3A_1025, %mul3A_12, %broadcast_in_dim3A_8 : vector<1x192xi1>, vector<1x192xf32>
    %add3A_1027 = arith.addf %select_n3A_1024, %select_n3A_1026 : vector<1x192xf32>
    %and3A_1028 = arith.andi %ge3A_1005, %gt3A_1006 : vector<1x192xi1>
    %select_n3A_1029 = arith.select %and3A_1028, %broadcast_in_dim3A_10, %broadcast_in_dim3A_8 : vector<1x192xi1>, vector<1x192xf32>
    %and3A_1030 = arith.andi %ge3A_1007, %ge3A_1008 : vector<1x192xi1>
    %select_n3A_1031 = arith.select %and3A_1030, %mul3A_12, %broadcast_in_dim3A_8 : vector<1x192xi1>, vector<1x192xf32>
    %add3A_1032 = arith.addf %select_n3A_1029, %select_n3A_1031 : vector<1x192xf32>
    %sub3A_1033 = arith.constant 5.000000e+00 : f32
    %sub3A_1034 = vector.broadcast %sub3A_1033 : f32 to vector<1x192xf32>
    %sub3A_1035 = arith.subf %sub3A_1034, %add3A_1032 : vector<1x192xf32>
    %select_n3A_1036 = arith.select %le3A_1019, %sub3A_1035, %add3A_1027 : vector<1x192xi1>, vector<1x192xf32>
    %convert_element_type3A_1037 = arith.fptosi %select_n3A_1036 : vector<1x192xf32> to vector<1x192xi32>
    %swap3A_1038 = arith.constant 6 : index
    %swap3A_1039 = arith.constant 0 : index
    %swap3A_1040 = vector.load %arg4[%swap3A_1038, %swap3A_1039] : memref<16x192xi32, #tpu.memory_space<vmem>>, vector<1x192xi32>
    tpu.vector_store %arg4[%swap3A_1038, %swap3A_1039], %convert_element_type3A_1037 {strides = array<i32>} : memref<16x192xi32, #tpu.memory_space<vmem>>, vector<1x192xi32>,
    %get3A_1041 = arith.constant 7 : index
    %get3A_1042 = arith.constant 0 : index
    %get3A_1043 = arith.constant 0 : index
    %get3A_1044 = vector.load %arg1[%get3A_1041, %get3A_1042, %get3A_1043] : memref<16x192x192xf32, #tpu.memory_space<vmem>>, vector<1x192x192xf32>
    %get3A_1045 = vector.shape_cast %get3A_1044 : vector<1x192x192xf32> to vector<192x192xf32>
    %get3A_1046 = arith.constant 0 : index
    %get3A_1047 = arith.constant 0 : index
    %get3A_1048 = vector.load %arg3[%get3A_1046, %get3A_1047] : memref<192x8xf32, #tpu.memory_space<vmem>>, vector<192x8xf32>
    %dot_general3A_1049 = arith.constant dense<0.000000e+00> : vector<192x8xf32>
    %dot_general3A_1050 = tpu.matmul %get3A_1045, %get3A_1048, %dot_general3A_1049 {dimension_numbers = #tpu.dot_dimension_numbers<[1], [0], [0], [1], [0, 0, 1, 1], [], []>, transpose_lhs_hint = false} : vector<192x192xf32>, vector<192x8xf32>, vector<192x8xf32> -> vector<192x8xf32>
    %transpose3A_1051 = tpu.transpose %dot_general3A_1050, [1, 0] : vector<192x8xf32> -> vector<8x192xf32>
    %get3A_1052 = arith.constant 7 : index
    %get3A_1053 = arith.constant 0 : index
    %get3A_1054 = arith.constant 0 : index
    %get3A_1055 = vector.load %arg2[%get3A_1052, %get3A_1053, %get3A_1054] : memref<16x3x192xf32, #tpu.memory_space<vmem>>, vector<1x3x192xf32>
    %get3A_1056 = vector.shape_cast %get3A_1055 : vector<1x3x192xf32> to vector<3x192xf32>
    %slice3A_1057 = vector.extract_strided_slice %transpose3A_1051 {offsets = [0, 0], sizes = [1, 192], strides = [1, 1]} : vector<8x192xf32> to vector<1x192xf32>
    %slice3A_1058 = vector.extract_strided_slice %get3A_1056 {offsets = [0, 0], sizes = [1, 192], strides = [1, 1]} : vector<3x192xf32> to vector<1x192xf32>
    %slice3A_1059 = vector.extract_strided_slice %transpose3A_1051 {offsets = [3, 0], sizes = [1, 192], strides = [1, 1]} : vector<8x192xf32> to vector<1x192xf32>
    %custom_jvp_call3A_1060 = arith.constant 0.000000e+00 : f32
    %max3A_1061 = vector.broadcast %custom_jvp_call3A_1060 : f32 to vector<1x192xf32>
    %max3A_1062 = arith.maximumf %slice3A_1059, %max3A_1061 : vector<1x192xf32>
    %sub3A_1063 = vector.broadcast %custom_jvp_call3A_1060 : f32 to vector<1x192xf32>
    %sub3A_1064 = arith.subf %slice3A_1059, %sub3A_1063 : vector<1x192xf32>
    %ne3A_1065 = arith.cmpf one, %sub3A_1064, %sub3A_1064 : vector<1x192xf32>
    %add3A_1066 = vector.broadcast %custom_jvp_call3A_1060 : f32 to vector<1x192xf32>
    %add3A_1067 = arith.addf %slice3A_1059, %add3A_1066 : vector<1x192xf32>
    %abs3A_1068 = math.absf %sub3A_1064 : vector<1x192xf32>
    %neg3A_1069 = arith.constant 0.000000e+00 : f32
    %neg3A_1070 = vector.broadcast %neg3A_1069 : f32 to vector<1x192xf32>
    %neg3A_1071 = arith.subf %neg3A_1070, %abs3A_1068 : vector<1x192xf32>
    %exp3A_1072 = math.exp %neg3A_1071 : vector<1x192xf32>
    %log1p3A_1073 = math.log1p %exp3A_1072 : vector<1x192xf32>
    %add3A_1074 = arith.addf %max3A_1062, %log1p3A_1073 : vector<1x192xf32>
    %select_n3A_1075 = arith.select %ne3A_1065, %add3A_1067, %add3A_1074 : vector<1x192xi1>, vector<1x192xf32>
    %add3A_1076 = arith.constant 0.00999999977 : f32
    %add3A_1077 = vector.broadcast %add3A_1076 : f32 to vector<1x192xf32>
    %add3A_1078 = arith.addf %select_n3A_1075, %add3A_1077 : vector<1x192xf32>
    %mul3A_1079 = arith.mulf %slice3A_1058, %add3A_1078 : vector<1x192xf32>
    %add3A_1080 = arith.addf %slice3A_1057, %mul3A_1079 : vector<1x192xf32>
    %slice3A_1081 = vector.extract_strided_slice %transpose3A_1051 {offsets = [1, 0], sizes = [1, 192], strides = [1, 1]} : vector<8x192xf32> to vector<1x192xf32>
    %slice3A_1082 = vector.extract_strided_slice %get3A_1056 {offsets = [1, 0], sizes = [1, 192], strides = [1, 1]} : vector<3x192xf32> to vector<1x192xf32>
    %slice3A_1083 = vector.extract_strided_slice %transpose3A_1051 {offsets = [4, 0], sizes = [1, 192], strides = [1, 1]} : vector<8x192xf32> to vector<1x192xf32>
    %custom_jvp_call3A_1084 = arith.constant 0.000000e+00 : f32
    %max3A_1085 = vector.broadcast %custom_jvp_call3A_1084 : f32 to vector<1x192xf32>
    %max3A_1086 = arith.maximumf %slice3A_1083, %max3A_1085 : vector<1x192xf32>
    %sub3A_1087 = vector.broadcast %custom_jvp_call3A_1084 : f32 to vector<1x192xf32>
    %sub3A_1088 = arith.subf %slice3A_1083, %sub3A_1087 : vector<1x192xf32>
    %ne3A_1089 = arith.cmpf one, %sub3A_1088, %sub3A_1088 : vector<1x192xf32>
    %add3A_1090 = vector.broadcast %custom_jvp_call3A_1084 : f32 to vector<1x192xf32>
    %add3A_1091 = arith.addf %slice3A_1083, %add3A_1090 : vector<1x192xf32>
    %abs3A_1092 = math.absf %sub3A_1088 : vector<1x192xf32>
    %neg3A_1093 = arith.constant 0.000000e+00 : f32
    %neg3A_1094 = vector.broadcast %neg3A_1093 : f32 to vector<1x192xf32>
    %neg3A_1095 = arith.subf %neg3A_1094, %abs3A_1092 : vector<1x192xf32>
    %exp3A_1096 = math.exp %neg3A_1095 : vector<1x192xf32>
    %log1p3A_1097 = math.log1p %exp3A_1096 : vector<1x192xf32>
    %add3A_1098 = arith.addf %max3A_1086, %log1p3A_1097 : vector<1x192xf32>
    %select_n3A_1099 = arith.select %ne3A_1089, %add3A_1091, %add3A_1098 : vector<1x192xi1>, vector<1x192xf32>
    %add3A_1100 = arith.constant 0.00999999977 : f32
    %add3A_1101 = vector.broadcast %add3A_1100 : f32 to vector<1x192xf32>
    %add3A_1102 = arith.addf %select_n3A_1099, %add3A_1101 : vector<1x192xf32>
    %mul3A_1103 = arith.mulf %slice3A_1082, %add3A_1102 : vector<1x192xf32>
    %add3A_1104 = arith.addf %slice3A_1081, %mul3A_1103 : vector<1x192xf32>
    %slice3A_1105 = vector.extract_strided_slice %transpose3A_1051 {offsets = [2, 0], sizes = [1, 192], strides = [1, 1]} : vector<8x192xf32> to vector<1x192xf32>
    %slice3A_1106 = vector.extract_strided_slice %get3A_1056 {offsets = [2, 0], sizes = [1, 192], strides = [1, 1]} : vector<3x192xf32> to vector<1x192xf32>
    %slice3A_1107 = vector.extract_strided_slice %transpose3A_1051 {offsets = [5, 0], sizes = [1, 192], strides = [1, 1]} : vector<8x192xf32> to vector<1x192xf32>
    %custom_jvp_call3A_1108 = arith.constant 0.000000e+00 : f32
    %max3A_1109 = vector.broadcast %custom_jvp_call3A_1108 : f32 to vector<1x192xf32>
    %max3A_1110 = arith.maximumf %slice3A_1107, %max3A_1109 : vector<1x192xf32>
    %sub3A_1111 = vector.broadcast %custom_jvp_call3A_1108 : f32 to vector<1x192xf32>
    %sub3A_1112 = arith.subf %slice3A_1107, %sub3A_1111 : vector<1x192xf32>
    %ne3A_1113 = arith.cmpf one, %sub3A_1112, %sub3A_1112 : vector<1x192xf32>
    %add3A_1114 = vector.broadcast %custom_jvp_call3A_1108 : f32 to vector<1x192xf32>
    %add3A_1115 = arith.addf %slice3A_1107, %add3A_1114 : vector<1x192xf32>
    %abs3A_1116 = math.absf %sub3A_1112 : vector<1x192xf32>
    %neg3A_1117 = arith.constant 0.000000e+00 : f32
    %neg3A_1118 = vector.broadcast %neg3A_1117 : f32 to vector<1x192xf32>
    %neg3A_1119 = arith.subf %neg3A_1118, %abs3A_1116 : vector<1x192xf32>
    %exp3A_1120 = math.exp %neg3A_1119 : vector<1x192xf32>
    %log1p3A_1121 = math.log1p %exp3A_1120 : vector<1x192xf32>
    %add3A_1122 = arith.addf %max3A_1110, %log1p3A_1121 : vector<1x192xf32>
    %select_n3A_1123 = arith.select %ne3A_1113, %add3A_1115, %add3A_1122 : vector<1x192xi1>, vector<1x192xf32>
    %add3A_1124 = arith.constant 0.00999999977 : f32
    %add3A_1125 = vector.broadcast %add3A_1124 : f32 to vector<1x192xf32>
    %add3A_1126 = arith.addf %select_n3A_1123, %add3A_1125 : vector<1x192xf32>
    %mul3A_1127 = arith.mulf %slice3A_1106, %add3A_1126 : vector<1x192xf32>
    %add3A_1128 = arith.addf %slice3A_1105, %mul3A_1127 : vector<1x192xf32>
    %max3A_1129 = arith.maximumf %add3A_1080, %add3A_1104 : vector<1x192xf32>
    %max3A_1130 = arith.maximumf %max3A_1129, %add3A_1128 : vector<1x192xf32>
    %sub3A_1131 = arith.subf %add3A_1080, %max3A_1130 : vector<1x192xf32>
    %sub3A_1132 = arith.subf %add3A_1104, %max3A_1130 : vector<1x192xf32>
    %sub3A_1133 = arith.subf %add3A_1128, %max3A_1130 : vector<1x192xf32>
    %exp3A_1134 = math.exp %sub3A_1131 : vector<1x192xf32>
    %exp3A_1135 = math.exp %sub3A_1132 : vector<1x192xf32>
    %exp3A_1136 = math.exp %sub3A_1133 : vector<1x192xf32>
    %add3A_1137 = arith.addf %exp3A_1134, %exp3A_1135 : vector<1x192xf32>
    %add3A_1138 = arith.addf %add3A_1137, %exp3A_1136 : vector<1x192xf32>
    %div3A_1139 = arith.constant 1.000000e+00 : f32
    %div3A_1140 = vector.broadcast %div3A_1139 : f32 to vector<1x192xf32>
    %div3A_1141 = arith.divf %div3A_1140, %add3A_1138 : vector<1x192xf32>
    %mul3A_1142 = arith.mulf %exp3A_1134, %div3A_1141 : vector<1x192xf32>
    %mul3A_1143 = arith.mulf %exp3A_1135, %div3A_1141 : vector<1x192xf32>
    %mul3A_1144 = arith.mulf %exp3A_1136, %div3A_1141 : vector<1x192xf32>
    %mul3A_1145 = arith.mulf %mul3A_1142, %sub3A_1131 : vector<1x192xf32>
    %mul3A_1146 = arith.mulf %mul3A_1143, %sub3A_1132 : vector<1x192xf32>
    %add3A_1147 = arith.addf %mul3A_1145, %mul3A_1146 : vector<1x192xf32>
    %mul3A_1148 = arith.mulf %mul3A_1144, %sub3A_1133 : vector<1x192xf32>
    %add3A_1149 = arith.addf %add3A_1147, %mul3A_1148 : vector<1x192xf32>
    %log3A_1150 = math.log %add3A_1138 : vector<1x192xf32>
    %sub3A_1151 = arith.subf %add3A_1149, %log3A_1150 : vector<1x192xf32>
    %add3A_1152 = arith.addf %add3A_1002, %sub3A_1151 : vector<1x192xf32>
    %gt3A_1153 = arith.cmpf ogt, %mul3A_1143, %mul3A_1142 : vector<1x192xf32>
    %gt3A_1154 = arith.cmpf ogt, %mul3A_1144, %mul3A_1142 : vector<1x192xf32>
    %ge3A_1155 = arith.cmpf oge, %mul3A_1142, %mul3A_1143 : vector<1x192xf32>
    %gt3A_1156 = arith.cmpf ogt, %mul3A_1144, %mul3A_1143 : vector<1x192xf32>
    %ge3A_1157 = arith.cmpf oge, %mul3A_1142, %mul3A_1144 : vector<1x192xf32>
    %ge3A_1158 = arith.cmpf oge, %mul3A_1143, %mul3A_1144 : vector<1x192xf32>
    %max3A_1159 = arith.maximumf %mul3A_1142, %mul3A_1143 : vector<1x192xf32>
    %max3A_1160 = arith.maximumf %max3A_1159, %mul3A_1144 : vector<1x192xf32>
    %min3A_1161 = arith.minimumf %mul3A_1142, %mul3A_1143 : vector<1x192xf32>
    %min3A_1162 = arith.minimumf %min3A_1161, %mul3A_1144 : vector<1x192xf32>
    %add3A_1163 = arith.addf %mul3A_1142, %mul3A_1143 : vector<1x192xf32>
    %add3A_1164 = arith.addf %add3A_1163, %mul3A_1144 : vector<1x192xf32>
    %sub3A_1165 = arith.subf %add3A_1164, %max3A_1160 : vector<1x192xf32>
    %sub3A_1166 = arith.subf %sub3A_1165, %min3A_1162 : vector<1x192xf32>
    %le3A_1167 = arith.constant 5.000000e-01 : f32
    %le3A_1168 = vector.broadcast %le3A_1167 : f32 to vector<1x192xf32>
    %le3A_1169 = arith.cmpf ole, %max3A_1160, %le3A_1168 : vector<1x192xf32>
    %add3A_1170 = arith.addf %add3A_1020, %max3A_1160 : vector<1x192xf32>
    %select_n3A_1171 = arith.select %le3A_1169, %sub3A_1166, %broadcast_in_dim3A_8 : vector<1x192xi1>, vector<1x192xf32>
    %add3A_1172 = arith.addf %add3A_1022, %select_n3A_1171 : vector<1x192xf32>
    %and3A_1173 = arith.andi %gt3A_1153, %ge3A_1158 : vector<1x192xi1>
    %select_n3A_1174 = arith.select %and3A_1173, %broadcast_in_dim3A_10, %broadcast_in_dim3A_8 : vector<1x192xi1>, vector<1x192xf32>
    %and3A_1175 = arith.andi %gt3A_1154, %gt3A_1156 : vector<1x192xi1>
    %select_n3A_1176 = arith.select %and3A_1175, %mul3A_12, %broadcast_in_dim3A_8 : vector<1x192xi1>, vector<1x192xf32>
    %add3A_1177 = arith.addf %select_n3A_1174, %select_n3A_1176 : vector<1x192xf32>
    %and3A_1178 = arith.andi %ge3A_1155, %gt3A_1156 : vector<1x192xi1>
    %select_n3A_1179 = arith.select %and3A_1178, %broadcast_in_dim3A_10, %broadcast_in_dim3A_8 : vector<1x192xi1>, vector<1x192xf32>
    %and3A_1180 = arith.andi %ge3A_1157, %ge3A_1158 : vector<1x192xi1>
    %select_n3A_1181 = arith.select %and3A_1180, %mul3A_12, %broadcast_in_dim3A_8 : vector<1x192xi1>, vector<1x192xf32>
    %add3A_1182 = arith.addf %select_n3A_1179, %select_n3A_1181 : vector<1x192xf32>
    %sub3A_1183 = arith.constant 5.000000e+00 : f32
    %sub3A_1184 = vector.broadcast %sub3A_1183 : f32 to vector<1x192xf32>
    %sub3A_1185 = arith.subf %sub3A_1184, %add3A_1182 : vector<1x192xf32>
    %select_n3A_1186 = arith.select %le3A_1169, %sub3A_1185, %add3A_1177 : vector<1x192xi1>, vector<1x192xf32>
    %convert_element_type3A_1187 = arith.fptosi %select_n3A_1186 : vector<1x192xf32> to vector<1x192xi32>
    %swap3A_1188 = arith.constant 7 : index
    %swap3A_1189 = arith.constant 0 : index
    %swap3A_1190 = vector.load %arg4[%swap3A_1188, %swap3A_1189] : memref<16x192xi32, #tpu.memory_space<vmem>>, vector<1x192xi32>
    tpu.vector_store %arg4[%swap3A_1188, %swap3A_1189], %convert_element_type3A_1187 {strides = array<i32>} : memref<16x192xi32, #tpu.memory_space<vmem>>, vector<1x192xi32>,
    %get3A_1191 = arith.constant 8 : index
    %get3A_1192 = arith.constant 0 : index
    %get3A_1193 = arith.constant 0 : index
    %get3A_1194 = vector.load %arg1[%get3A_1191, %get3A_1192, %get3A_1193] : memref<16x192x192xf32, #tpu.memory_space<vmem>>, vector<1x192x192xf32>
    %get3A_1195 = vector.shape_cast %get3A_1194 : vector<1x192x192xf32> to vector<192x192xf32>
    %get3A_1196 = arith.constant 0 : index
    %get3A_1197 = arith.constant 0 : index
    %get3A_1198 = vector.load %arg3[%get3A_1196, %get3A_1197] : memref<192x8xf32, #tpu.memory_space<vmem>>, vector<192x8xf32>
    %dot_general3A_1199 = arith.constant dense<0.000000e+00> : vector<192x8xf32>
    %dot_general3A_1200 = tpu.matmul %get3A_1195, %get3A_1198, %dot_general3A_1199 {dimension_numbers = #tpu.dot_dimension_numbers<[1], [0], [0], [1], [0, 0, 1, 1], [], []>, transpose_lhs_hint = false} : vector<192x192xf32>, vector<192x8xf32>, vector<192x8xf32> -> vector<192x8xf32>
    %transpose3A_1201 = tpu.transpose %dot_general3A_1200, [1, 0] : vector<192x8xf32> -> vector<8x192xf32>
    %get3A_1202 = arith.constant 8 : index
    %get3A_1203 = arith.constant 0 : index
    %get3A_1204 = arith.constant 0 : index
    %get3A_1205 = vector.load %arg2[%get3A_1202, %get3A_1203, %get3A_1204] : memref<16x3x192xf32, #tpu.memory_space<vmem>>, vector<1x3x192xf32>
    %get3A_1206 = vector.shape_cast %get3A_1205 : vector<1x3x192xf32> to vector<3x192xf32>
    %slice3A_1207 = vector.extract_strided_slice %transpose3A_1201 {offsets = [0, 0], sizes = [1, 192], strides = [1, 1]} : vector<8x192xf32> to vector<1x192xf32>
    %slice3A_1208 = vector.extract_strided_slice %get3A_1206 {offsets = [0, 0], sizes = [1, 192], strides = [1, 1]} : vector<3x192xf32> to vector<1x192xf32>
    %slice3A_1209 = vector.extract_strided_slice %transpose3A_1201 {offsets = [3, 0], sizes = [1, 192], strides = [1, 1]} : vector<8x192xf32> to vector<1x192xf32>
    %custom_jvp_call3A_1210 = arith.constant 0.000000e+00 : f32
    %max3A_1211 = vector.broadcast %custom_jvp_call3A_1210 : f32 to vector<1x192xf32>
    %max3A_1212 = arith.maximumf %slice3A_1209, %max3A_1211 : vector<1x192xf32>
    %sub3A_1213 = vector.broadcast %custom_jvp_call3A_1210 : f32 to vector<1x192xf32>
    %sub3A_1214 = arith.subf %slice3A_1209, %sub3A_1213 : vector<1x192xf32>
    %ne3A_1215 = arith.cmpf one, %sub3A_1214, %sub3A_1214 : vector<1x192xf32>
    %add3A_1216 = vector.broadcast %custom_jvp_call3A_1210 : f32 to vector<1x192xf32>
    %add3A_1217 = arith.addf %slice3A_1209, %add3A_1216 : vector<1x192xf32>
    %abs3A_1218 = math.absf %sub3A_1214 : vector<1x192xf32>
    %neg3A_1219 = arith.constant 0.000000e+00 : f32
    %neg3A_1220 = vector.broadcast %neg3A_1219 : f32 to vector<1x192xf32>
    %neg3A_1221 = arith.subf %neg3A_1220, %abs3A_1218 : vector<1x192xf32>
    %exp3A_1222 = math.exp %neg3A_1221 : vector<1x192xf32>
    %log1p3A_1223 = math.log1p %exp3A_1222 : vector<1x192xf32>
    %add3A_1224 = arith.addf %max3A_1212, %log1p3A_1223 : vector<1x192xf32>
    %select_n3A_1225 = arith.select %ne3A_1215, %add3A_1217, %add3A_1224 : vector<1x192xi1>, vector<1x192xf32>
    %add3A_1226 = arith.constant 0.00999999977 : f32
    %add3A_1227 = vector.broadcast %add3A_1226 : f32 to vector<1x192xf32>
    %add3A_1228 = arith.addf %select_n3A_1225, %add3A_1227 : vector<1x192xf32>
    %mul3A_1229 = arith.mulf %slice3A_1208, %add3A_1228 : vector<1x192xf32>
    %add3A_1230 = arith.addf %slice3A_1207, %mul3A_1229 : vector<1x192xf32>
    %slice3A_1231 = vector.extract_strided_slice %transpose3A_1201 {offsets = [1, 0], sizes = [1, 192], strides = [1, 1]} : vector<8x192xf32> to vector<1x192xf32>
    %slice3A_1232 = vector.extract_strided_slice %get3A_1206 {offsets = [1, 0], sizes = [1, 192], strides = [1, 1]} : vector<3x192xf32> to vector<1x192xf32>
    %slice3A_1233 = vector.extract_strided_slice %transpose3A_1201 {offsets = [4, 0], sizes = [1, 192], strides = [1, 1]} : vector<8x192xf32> to vector<1x192xf32>
    %custom_jvp_call3A_1234 = arith.constant 0.000000e+00 : f32
    %max3A_1235 = vector.broadcast %custom_jvp_call3A_1234 : f32 to vector<1x192xf32>
    %max3A_1236 = arith.maximumf %slice3A_1233, %max3A_1235 : vector<1x192xf32>
    %sub3A_1237 = vector.broadcast %custom_jvp_call3A_1234 : f32 to vector<1x192xf32>
    %sub3A_1238 = arith.subf %slice3A_1233, %sub3A_1237 : vector<1x192xf32>
    %ne3A_1239 = arith.cmpf one, %sub3A_1238, %sub3A_1238 : vector<1x192xf32>
    %add3A_1240 = vector.broadcast %custom_jvp_call3A_1234 : f32 to vector<1x192xf32>
    %add3A_1241 = arith.addf %slice3A_1233, %add3A_1240 : vector<1x192xf32>
    %abs3A_1242 = math.absf %sub3A_1238 : vector<1x192xf32>
    %neg3A_1243 = arith.constant 0.000000e+00 : f32
    %neg3A_1244 = vector.broadcast %neg3A_1243 : f32 to vector<1x192xf32>
    %neg3A_1245 = arith.subf %neg3A_1244, %abs3A_1242 : vector<1x192xf32>
    %exp3A_1246 = math.exp %neg3A_1245 : vector<1x192xf32>
    %log1p3A_1247 = math.log1p %exp3A_1246 : vector<1x192xf32>
    %add3A_1248 = arith.addf %max3A_1236, %log1p3A_1247 : vector<1x192xf32>
    %select_n3A_1249 = arith.select %ne3A_1239, %add3A_1241, %add3A_1248 : vector<1x192xi1>, vector<1x192xf32>
    %add3A_1250 = arith.constant 0.00999999977 : f32
    %add3A_1251 = vector.broadcast %add3A_1250 : f32 to vector<1x192xf32>
    %add3A_1252 = arith.addf %select_n3A_1249, %add3A_1251 : vector<1x192xf32>
    %mul3A_1253 = arith.mulf %slice3A_1232, %add3A_1252 : vector<1x192xf32>
    %add3A_1254 = arith.addf %slice3A_1231, %mul3A_1253 : vector<1x192xf32>
    %slice3A_1255 = vector.extract_strided_slice %transpose3A_1201 {offsets = [2, 0], sizes = [1, 192], strides = [1, 1]} : vector<8x192xf32> to vector<1x192xf32>
    %slice3A_1256 = vector.extract_strided_slice %get3A_1206 {offsets = [2, 0], sizes = [1, 192], strides = [1, 1]} : vector<3x192xf32> to vector<1x192xf32>
    %slice3A_1257 = vector.extract_strided_slice %transpose3A_1201 {offsets = [5, 0], sizes = [1, 192], strides = [1, 1]} : vector<8x192xf32> to vector<1x192xf32>
    %custom_jvp_call3A_1258 = arith.constant 0.000000e+00 : f32
    %max3A_1259 = vector.broadcast %custom_jvp_call3A_1258 : f32 to vector<1x192xf32>
    %max3A_1260 = arith.maximumf %slice3A_1257, %max3A_1259 : vector<1x192xf32>
    %sub3A_1261 = vector.broadcast %custom_jvp_call3A_1258 : f32 to vector<1x192xf32>
    %sub3A_1262 = arith.subf %slice3A_1257, %sub3A_1261 : vector<1x192xf32>
    %ne3A_1263 = arith.cmpf one, %sub3A_1262, %sub3A_1262 : vector<1x192xf32>
    %add3A_1264 = vector.broadcast %custom_jvp_call3A_1258 : f32 to vector<1x192xf32>
    %add3A_1265 = arith.addf %slice3A_1257, %add3A_1264 : vector<1x192xf32>
    %abs3A_1266 = math.absf %sub3A_1262 : vector<1x192xf32>
    %neg3A_1267 = arith.constant 0.000000e+00 : f32
    %neg3A_1268 = vector.broadcast %neg3A_1267 : f32 to vector<1x192xf32>
    %neg3A_1269 = arith.subf %neg3A_1268, %abs3A_1266 : vector<1x192xf32>
    %exp3A_1270 = math.exp %neg3A_1269 : vector<1x192xf32>
    %log1p3A_1271 = math.log1p %exp3A_1270 : vector<1x192xf32>
    %add3A_1272 = arith.addf %max3A_1260, %log1p3A_1271 : vector<1x192xf32>
    %select_n3A_1273 = arith.select %ne3A_1263, %add3A_1265, %add3A_1272 : vector<1x192xi1>, vector<1x192xf32>
    %add3A_1274 = arith.constant 0.00999999977 : f32
    %add3A_1275 = vector.broadcast %add3A_1274 : f32 to vector<1x192xf32>
    %add3A_1276 = arith.addf %select_n3A_1273, %add3A_1275 : vector<1x192xf32>
    %mul3A_1277 = arith.mulf %slice3A_1256, %add3A_1276 : vector<1x192xf32>
    %add3A_1278 = arith.addf %slice3A_1255, %mul3A_1277 : vector<1x192xf32>
    %max3A_1279 = arith.maximumf %add3A_1230, %add3A_1254 : vector<1x192xf32>
    %max3A_1280 = arith.maximumf %max3A_1279, %add3A_1278 : vector<1x192xf32>
    %sub3A_1281 = arith.subf %add3A_1230, %max3A_1280 : vector<1x192xf32>
    %sub3A_1282 = arith.subf %add3A_1254, %max3A_1280 : vector<1x192xf32>
    %sub3A_1283 = arith.subf %add3A_1278, %max3A_1280 : vector<1x192xf32>
    %exp3A_1284 = math.exp %sub3A_1281 : vector<1x192xf32>
    %exp3A_1285 = math.exp %sub3A_1282 : vector<1x192xf32>
    %exp3A_1286 = math.exp %sub3A_1283 : vector<1x192xf32>
    %add3A_1287 = arith.addf %exp3A_1284, %exp3A_1285 : vector<1x192xf32>
    %add3A_1288 = arith.addf %add3A_1287, %exp3A_1286 : vector<1x192xf32>
    %div3A_1289 = arith.constant 1.000000e+00 : f32
    %div3A_1290 = vector.broadcast %div3A_1289 : f32 to vector<1x192xf32>
    %div3A_1291 = arith.divf %div3A_1290, %add3A_1288 : vector<1x192xf32>
    %mul3A_1292 = arith.mulf %exp3A_1284, %div3A_1291 : vector<1x192xf32>
    %mul3A_1293 = arith.mulf %exp3A_1285, %div3A_1291 : vector<1x192xf32>
    %mul3A_1294 = arith.mulf %exp3A_1286, %div3A_1291 : vector<1x192xf32>
    %mul3A_1295 = arith.mulf %mul3A_1292, %sub3A_1281 : vector<1x192xf32>
    %mul3A_1296 = arith.mulf %mul3A_1293, %sub3A_1282 : vector<1x192xf32>
    %add3A_1297 = arith.addf %mul3A_1295, %mul3A_1296 : vector<1x192xf32>
    %mul3A_1298 = arith.mulf %mul3A_1294, %sub3A_1283 : vector<1x192xf32>
    %add3A_1299 = arith.addf %add3A_1297, %mul3A_1298 : vector<1x192xf32>
    %log3A_1300 = math.log %add3A_1288 : vector<1x192xf32>
    %sub3A_1301 = arith.subf %add3A_1299, %log3A_1300 : vector<1x192xf32>
    %add3A_1302 = arith.addf %add3A_1152, %sub3A_1301 : vector<1x192xf32>
    %gt3A_1303 = arith.cmpf ogt, %mul3A_1293, %mul3A_1292 : vector<1x192xf32>
    %gt3A_1304 = arith.cmpf ogt, %mul3A_1294, %mul3A_1292 : vector<1x192xf32>
    %ge3A_1305 = arith.cmpf oge, %mul3A_1292, %mul3A_1293 : vector<1x192xf32>
    %gt3A_1306 = arith.cmpf ogt, %mul3A_1294, %mul3A_1293 : vector<1x192xf32>
    %ge3A_1307 = arith.cmpf oge, %mul3A_1292, %mul3A_1294 : vector<1x192xf32>
    %ge3A_1308 = arith.cmpf oge, %mul3A_1293, %mul3A_1294 : vector<1x192xf32>
    %max3A_1309 = arith.maximumf %mul3A_1292, %mul3A_1293 : vector<1x192xf32>
    %max3A_1310 = arith.maximumf %max3A_1309, %mul3A_1294 : vector<1x192xf32>
    %min3A_1311 = arith.minimumf %mul3A_1292, %mul3A_1293 : vector<1x192xf32>
    %min3A_1312 = arith.minimumf %min3A_1311, %mul3A_1294 : vector<1x192xf32>
    %add3A_1313 = arith.addf %mul3A_1292, %mul3A_1293 : vector<1x192xf32>
    %add3A_1314 = arith.addf %add3A_1313, %mul3A_1294 : vector<1x192xf32>
    %sub3A_1315 = arith.subf %add3A_1314, %max3A_1310 : vector<1x192xf32>
    %sub3A_1316 = arith.subf %sub3A_1315, %min3A_1312 : vector<1x192xf32>
    %le3A_1317 = arith.constant 5.000000e-01 : f32
    %le3A_1318 = vector.broadcast %le3A_1317 : f32 to vector<1x192xf32>
    %le3A_1319 = arith.cmpf ole, %max3A_1310, %le3A_1318 : vector<1x192xf32>
    %add3A_1320 = arith.addf %add3A_1170, %max3A_1310 : vector<1x192xf32>
    %select_n3A_1321 = arith.select %le3A_1319, %sub3A_1316, %broadcast_in_dim3A_8 : vector<1x192xi1>, vector<1x192xf32>
    %add3A_1322 = arith.addf %add3A_1172, %select_n3A_1321 : vector<1x192xf32>
    %and3A_1323 = arith.andi %gt3A_1303, %ge3A_1308 : vector<1x192xi1>
    %select_n3A_1324 = arith.select %and3A_1323, %broadcast_in_dim3A_10, %broadcast_in_dim3A_8 : vector<1x192xi1>, vector<1x192xf32>
    %and3A_1325 = arith.andi %gt3A_1304, %gt3A_1306 : vector<1x192xi1>
    %select_n3A_1326 = arith.select %and3A_1325, %mul3A_12, %broadcast_in_dim3A_8 : vector<1x192xi1>, vector<1x192xf32>
    %add3A_1327 = arith.addf %select_n3A_1324, %select_n3A_1326 : vector<1x192xf32>
    %and3A_1328 = arith.andi %ge3A_1305, %gt3A_1306 : vector<1x192xi1>
    %select_n3A_1329 = arith.select %and3A_1328, %broadcast_in_dim3A_10, %broadcast_in_dim3A_8 : vector<1x192xi1>, vector<1x192xf32>
    %and3A_1330 = arith.andi %ge3A_1307, %ge3A_1308 : vector<1x192xi1>
    %select_n3A_1331 = arith.select %and3A_1330, %mul3A_12, %broadcast_in_dim3A_8 : vector<1x192xi1>, vector<1x192xf32>
    %add3A_1332 = arith.addf %select_n3A_1329, %select_n3A_1331 : vector<1x192xf32>
    %sub3A_1333 = arith.constant 5.000000e+00 : f32
    %sub3A_1334 = vector.broadcast %sub3A_1333 : f32 to vector<1x192xf32>
    %sub3A_1335 = arith.subf %sub3A_1334, %add3A_1332 : vector<1x192xf32>
    %select_n3A_1336 = arith.select %le3A_1319, %sub3A_1335, %add3A_1327 : vector<1x192xi1>, vector<1x192xf32>
    %convert_element_type3A_1337 = arith.fptosi %select_n3A_1336 : vector<1x192xf32> to vector<1x192xi32>
    %swap3A_1338 = arith.constant 8 : index
    %swap3A_1339 = arith.constant 0 : index
    %swap3A_1340 = vector.load %arg4[%swap3A_1338, %swap3A_1339] : memref<16x192xi32, #tpu.memory_space<vmem>>, vector<1x192xi32>
    tpu.vector_store %arg4[%swap3A_1338, %swap3A_1339], %convert_element_type3A_1337 {strides = array<i32>} : memref<16x192xi32, #tpu.memory_space<vmem>>, vector<1x192xi32>,
    %get3A_1341 = arith.constant 9 : index
    %get3A_1342 = arith.constant 0 : index
    %get3A_1343 = arith.constant 0 : index
    %get3A_1344 = vector.load %arg1[%get3A_1341, %get3A_1342, %get3A_1343] : memref<16x192x192xf32, #tpu.memory_space<vmem>>, vector<1x192x192xf32>
    %get3A_1345 = vector.shape_cast %get3A_1344 : vector<1x192x192xf32> to vector<192x192xf32>
    %get3A_1346 = arith.constant 0 : index
    %get3A_1347 = arith.constant 0 : index
    %get3A_1348 = vector.load %arg3[%get3A_1346, %get3A_1347] : memref<192x8xf32, #tpu.memory_space<vmem>>, vector<192x8xf32>
    %dot_general3A_1349 = arith.constant dense<0.000000e+00> : vector<192x8xf32>
    %dot_general3A_1350 = tpu.matmul %get3A_1345, %get3A_1348, %dot_general3A_1349 {dimension_numbers = #tpu.dot_dimension_numbers<[1], [0], [0], [1], [0, 0, 1, 1], [], []>, transpose_lhs_hint = false} : vector<192x192xf32>, vector<192x8xf32>, vector<192x8xf32> -> vector<192x8xf32>
    %transpose3A_1351 = tpu.transpose %dot_general3A_1350, [1, 0] : vector<192x8xf32> -> vector<8x192xf32>
    %get3A_1352 = arith.constant 9 : index
    %get3A_1353 = arith.constant 0 : index
    %get3A_1354 = arith.constant 0 : index
    %get3A_1355 = vector.load %arg2[%get3A_1352, %get3A_1353, %get3A_1354] : memref<16x3x192xf32, #tpu.memory_space<vmem>>, vector<1x3x192xf32>
    %get3A_1356 = vector.shape_cast %get3A_1355 : vector<1x3x192xf32> to vector<3x192xf32>
    %slice3A_1357 = vector.extract_strided_slice %transpose3A_1351 {offsets = [0, 0], sizes = [1, 192], strides = [1, 1]} : vector<8x192xf32> to vector<1x192xf32>
    %slice3A_1358 = vector.extract_strided_slice %get3A_1356 {offsets = [0, 0], sizes = [1, 192], strides = [1, 1]} : vector<3x192xf32> to vector<1x192xf32>
    %slice3A_1359 = vector.extract_strided_slice %transpose3A_1351 {offsets = [3, 0], sizes = [1, 192], strides = [1, 1]} : vector<8x192xf32> to vector<1x192xf32>
    %custom_jvp_call3A_1360 = arith.constant 0.000000e+00 : f32
    %max3A_1361 = vector.broadcast %custom_jvp_call3A_1360 : f32 to vector<1x192xf32>
    %max3A_1362 = arith.maximumf %slice3A_1359, %max3A_1361 : vector<1x192xf32>
    %sub3A_1363 = vector.broadcast %custom_jvp_call3A_1360 : f32 to vector<1x192xf32>
    %sub3A_1364 = arith.subf %slice3A_1359, %sub3A_1363 : vector<1x192xf32>
    %ne3A_1365 = arith.cmpf one, %sub3A_1364, %sub3A_1364 : vector<1x192xf32>
    %add3A_1366 = vector.broadcast %custom_jvp_call3A_1360 : f32 to vector<1x192xf32>
    %add3A_1367 = arith.addf %slice3A_1359, %add3A_1366 : vector<1x192xf32>
    %abs3A_1368 = math.absf %sub3A_1364 : vector<1x192xf32>
    %neg3A_1369 = arith.constant 0.000000e+00 : f32
    %neg3A_1370 = vector.broadcast %neg3A_1369 : f32 to vector<1x192xf32>
    %neg3A_1371 = arith.subf %neg3A_1370, %abs3A_1368 : vector<1x192xf32>
    %exp3A_1372 = math.exp %neg3A_1371 : vector<1x192xf32>
    %log1p3A_1373 = math.log1p %exp3A_1372 : vector<1x192xf32>
    %add3A_1374 = arith.addf %max3A_1362, %log1p3A_1373 : vector<1x192xf32>
    %select_n3A_1375 = arith.select %ne3A_1365, %add3A_1367, %add3A_1374 : vector<1x192xi1>, vector<1x192xf32>
    %add3A_1376 = arith.constant 0.00999999977 : f32
    %add3A_1377 = vector.broadcast %add3A_1376 : f32 to vector<1x192xf32>
    %add3A_1378 = arith.addf %select_n3A_1375, %add3A_1377 : vector<1x192xf32>
    %mul3A_1379 = arith.mulf %slice3A_1358, %add3A_1378 : vector<1x192xf32>
    %add3A_1380 = arith.addf %slice3A_1357, %mul3A_1379 : vector<1x192xf32>
    %slice3A_1381 = vector.extract_strided_slice %transpose3A_1351 {offsets = [1, 0], sizes = [1, 192], strides = [1, 1]} : vector<8x192xf32> to vector<1x192xf32>
    %slice3A_1382 = vector.extract_strided_slice %get3A_1356 {offsets = [1, 0], sizes = [1, 192], strides = [1, 1]} : vector<3x192xf32> to vector<1x192xf32>
    %slice3A_1383 = vector.extract_strided_slice %transpose3A_1351 {offsets = [4, 0], sizes = [1, 192], strides = [1, 1]} : vector<8x192xf32> to vector<1x192xf32>
    %custom_jvp_call3A_1384 = arith.constant 0.000000e+00 : f32
    %max3A_1385 = vector.broadcast %custom_jvp_call3A_1384 : f32 to vector<1x192xf32>
    %max3A_1386 = arith.maximumf %slice3A_1383, %max3A_1385 : vector<1x192xf32>
    %sub3A_1387 = vector.broadcast %custom_jvp_call3A_1384 : f32 to vector<1x192xf32>
    %sub3A_1388 = arith.subf %slice3A_1383, %sub3A_1387 : vector<1x192xf32>
    %ne3A_1389 = arith.cmpf one, %sub3A_1388, %sub3A_1388 : vector<1x192xf32>
    %add3A_1390 = vector.broadcast %custom_jvp_call3A_1384 : f32 to vector<1x192xf32>
    %add3A_1391 = arith.addf %slice3A_1383, %add3A_1390 : vector<1x192xf32>
    %abs3A_1392 = math.absf %sub3A_1388 : vector<1x192xf32>
    %neg3A_1393 = arith.constant 0.000000e+00 : f32
    %neg3A_1394 = vector.broadcast %neg3A_1393 : f32 to vector<1x192xf32>
    %neg3A_1395 = arith.subf %neg3A_1394, %abs3A_1392 : vector<1x192xf32>
    %exp3A_1396 = math.exp %neg3A_1395 : vector<1x192xf32>
    %log1p3A_1397 = math.log1p %exp3A_1396 : vector<1x192xf32>
    %add3A_1398 = arith.addf %max3A_1386, %log1p3A_1397 : vector<1x192xf32>
    %select_n3A_1399 = arith.select %ne3A_1389, %add3A_1391, %add3A_1398 : vector<1x192xi1>, vector<1x192xf32>
    %add3A_1400 = arith.constant 0.00999999977 : f32
    %add3A_1401 = vector.broadcast %add3A_1400 : f32 to vector<1x192xf32>
    %add3A_1402 = arith.addf %select_n3A_1399, %add3A_1401 : vector<1x192xf32>
    %mul3A_1403 = arith.mulf %slice3A_1382, %add3A_1402 : vector<1x192xf32>
    %add3A_1404 = arith.addf %slice3A_1381, %mul3A_1403 : vector<1x192xf32>
    %slice3A_1405 = vector.extract_strided_slice %transpose3A_1351 {offsets = [2, 0], sizes = [1, 192], strides = [1, 1]} : vector<8x192xf32> to vector<1x192xf32>
    %slice3A_1406 = vector.extract_strided_slice %get3A_1356 {offsets = [2, 0], sizes = [1, 192], strides = [1, 1]} : vector<3x192xf32> to vector<1x192xf32>
    %slice3A_1407 = vector.extract_strided_slice %transpose3A_1351 {offsets = [5, 0], sizes = [1, 192], strides = [1, 1]} : vector<8x192xf32> to vector<1x192xf32>
    %custom_jvp_call3A_1408 = arith.constant 0.000000e+00 : f32
    %max3A_1409 = vector.broadcast %custom_jvp_call3A_1408 : f32 to vector<1x192xf32>
    %max3A_1410 = arith.maximumf %slice3A_1407, %max3A_1409 : vector<1x192xf32>
    %sub3A_1411 = vector.broadcast %custom_jvp_call3A_1408 : f32 to vector<1x192xf32>
    %sub3A_1412 = arith.subf %slice3A_1407, %sub3A_1411 : vector<1x192xf32>
    %ne3A_1413 = arith.cmpf one, %sub3A_1412, %sub3A_1412 : vector<1x192xf32>
    %add3A_1414 = vector.broadcast %custom_jvp_call3A_1408 : f32 to vector<1x192xf32>
    %add3A_1415 = arith.addf %slice3A_1407, %add3A_1414 : vector<1x192xf32>
    %abs3A_1416 = math.absf %sub3A_1412 : vector<1x192xf32>
    %neg3A_1417 = arith.constant 0.000000e+00 : f32
    %neg3A_1418 = vector.broadcast %neg3A_1417 : f32 to vector<1x192xf32>
    %neg3A_1419 = arith.subf %neg3A_1418, %abs3A_1416 : vector<1x192xf32>
    %exp3A_1420 = math.exp %neg3A_1419 : vector<1x192xf32>
    %log1p3A_1421 = math.log1p %exp3A_1420 : vector<1x192xf32>
    %add3A_1422 = arith.addf %max3A_1410, %log1p3A_1421 : vector<1x192xf32>
    %select_n3A_1423 = arith.select %ne3A_1413, %add3A_1415, %add3A_1422 : vector<1x192xi1>, vector<1x192xf32>
    %add3A_1424 = arith.constant 0.00999999977 : f32
    %add3A_1425 = vector.broadcast %add3A_1424 : f32 to vector<1x192xf32>
    %add3A_1426 = arith.addf %select_n3A_1423, %add3A_1425 : vector<1x192xf32>
    %mul3A_1427 = arith.mulf %slice3A_1406, %add3A_1426 : vector<1x192xf32>
    %add3A_1428 = arith.addf %slice3A_1405, %mul3A_1427 : vector<1x192xf32>
    %max3A_1429 = arith.maximumf %add3A_1380, %add3A_1404 : vector<1x192xf32>
    %max3A_1430 = arith.maximumf %max3A_1429, %add3A_1428 : vector<1x192xf32>
    %sub3A_1431 = arith.subf %add3A_1380, %max3A_1430 : vector<1x192xf32>
    %sub3A_1432 = arith.subf %add3A_1404, %max3A_1430 : vector<1x192xf32>
    %sub3A_1433 = arith.subf %add3A_1428, %max3A_1430 : vector<1x192xf32>
    %exp3A_1434 = math.exp %sub3A_1431 : vector<1x192xf32>
    %exp3A_1435 = math.exp %sub3A_1432 : vector<1x192xf32>
    %exp3A_1436 = math.exp %sub3A_1433 : vector<1x192xf32>
    %add3A_1437 = arith.addf %exp3A_1434, %exp3A_1435 : vector<1x192xf32>
    %add3A_1438 = arith.addf %add3A_1437, %exp3A_1436 : vector<1x192xf32>
    %div3A_1439 = arith.constant 1.000000e+00 : f32
    %div3A_1440 = vector.broadcast %div3A_1439 : f32 to vector<1x192xf32>
    %div3A_1441 = arith.divf %div3A_1440, %add3A_1438 : vector<1x192xf32>
    %mul3A_1442 = arith.mulf %exp3A_1434, %div3A_1441 : vector<1x192xf32>
    %mul3A_1443 = arith.mulf %exp3A_1435, %div3A_1441 : vector<1x192xf32>
    %mul3A_1444 = arith.mulf %exp3A_1436, %div3A_1441 : vector<1x192xf32>
    %mul3A_1445 = arith.mulf %mul3A_1442, %sub3A_1431 : vector<1x192xf32>
    %mul3A_1446 = arith.mulf %mul3A_1443, %sub3A_1432 : vector<1x192xf32>
    %add3A_1447 = arith.addf %mul3A_1445, %mul3A_1446 : vector<1x192xf32>
    %mul3A_1448 = arith.mulf %mul3A_1444, %sub3A_1433 : vector<1x192xf32>
    %add3A_1449 = arith.addf %add3A_1447, %mul3A_1448 : vector<1x192xf32>
    %log3A_1450 = math.log %add3A_1438 : vector<1x192xf32>
    %sub3A_1451 = arith.subf %add3A_1449, %log3A_1450 : vector<1x192xf32>
    %add3A_1452 = arith.addf %add3A_1302, %sub3A_1451 : vector<1x192xf32>
    %gt3A_1453 = arith.cmpf ogt, %mul3A_1443, %mul3A_1442 : vector<1x192xf32>
    %gt3A_1454 = arith.cmpf ogt, %mul3A_1444, %mul3A_1442 : vector<1x192xf32>
    %ge3A_1455 = arith.cmpf oge, %mul3A_1442, %mul3A_1443 : vector<1x192xf32>
    %gt3A_1456 = arith.cmpf ogt, %mul3A_1444, %mul3A_1443 : vector<1x192xf32>
    %ge3A_1457 = arith.cmpf oge, %mul3A_1442, %mul3A_1444 : vector<1x192xf32>
    %ge3A_1458 = arith.cmpf oge, %mul3A_1443, %mul3A_1444 : vector<1x192xf32>
    %max3A_1459 = arith.maximumf %mul3A_1442, %mul3A_1443 : vector<1x192xf32>
    %max3A_1460 = arith.maximumf %max3A_1459, %mul3A_1444 : vector<1x192xf32>
    %min3A_1461 = arith.minimumf %mul3A_1442, %mul3A_1443 : vector<1x192xf32>
    %min3A_1462 = arith.minimumf %min3A_1461, %mul3A_1444 : vector<1x192xf32>
    %add3A_1463 = arith.addf %mul3A_1442, %mul3A_1443 : vector<1x192xf32>
    %add3A_1464 = arith.addf %add3A_1463, %mul3A_1444 : vector<1x192xf32>
    %sub3A_1465 = arith.subf %add3A_1464, %max3A_1460 : vector<1x192xf32>
    %sub3A_1466 = arith.subf %sub3A_1465, %min3A_1462 : vector<1x192xf32>
    %le3A_1467 = arith.constant 5.000000e-01 : f32
    %le3A_1468 = vector.broadcast %le3A_1467 : f32 to vector<1x192xf32>
    %le3A_1469 = arith.cmpf ole, %max3A_1460, %le3A_1468 : vector<1x192xf32>
    %add3A_1470 = arith.addf %add3A_1320, %max3A_1460 : vector<1x192xf32>
    %select_n3A_1471 = arith.select %le3A_1469, %sub3A_1466, %broadcast_in_dim3A_8 : vector<1x192xi1>, vector<1x192xf32>
    %add3A_1472 = arith.addf %add3A_1322, %select_n3A_1471 : vector<1x192xf32>
    %and3A_1473 = arith.andi %gt3A_1453, %ge3A_1458 : vector<1x192xi1>
    %select_n3A_1474 = arith.select %and3A_1473, %broadcast_in_dim3A_10, %broadcast_in_dim3A_8 : vector<1x192xi1>, vector<1x192xf32>
    %and3A_1475 = arith.andi %gt3A_1454, %gt3A_1456 : vector<1x192xi1>
    %select_n3A_1476 = arith.select %and3A_1475, %mul3A_12, %broadcast_in_dim3A_8 : vector<1x192xi1>, vector<1x192xf32>
    %add3A_1477 = arith.addf %select_n3A_1474, %select_n3A_1476 : vector<1x192xf32>
    %and3A_1478 = arith.andi %ge3A_1455, %gt3A_1456 : vector<1x192xi1>
    %select_n3A_1479 = arith.select %and3A_1478, %broadcast_in_dim3A_10, %broadcast_in_dim3A_8 : vector<1x192xi1>, vector<1x192xf32>
    %and3A_1480 = arith.andi %ge3A_1457, %ge3A_1458 : vector<1x192xi1>
    %select_n3A_1481 = arith.select %and3A_1480, %mul3A_12, %broadcast_in_dim3A_8 : vector<1x192xi1>, vector<1x192xf32>
    %add3A_1482 = arith.addf %select_n3A_1479, %select_n3A_1481 : vector<1x192xf32>
    %sub3A_1483 = arith.constant 5.000000e+00 : f32
    %sub3A_1484 = vector.broadcast %sub3A_1483 : f32 to vector<1x192xf32>
    %sub3A_1485 = arith.subf %sub3A_1484, %add3A_1482 : vector<1x192xf32>
    %select_n3A_1486 = arith.select %le3A_1469, %sub3A_1485, %add3A_1477 : vector<1x192xi1>, vector<1x192xf32>
    %convert_element_type3A_1487 = arith.fptosi %select_n3A_1486 : vector<1x192xf32> to vector<1x192xi32>
    %swap3A_1488 = arith.constant 9 : index
    %swap3A_1489 = arith.constant 0 : index
    %swap3A_1490 = vector.load %arg4[%swap3A_1488, %swap3A_1489] : memref<16x192xi32, #tpu.memory_space<vmem>>, vector<1x192xi32>
    tpu.vector_store %arg4[%swap3A_1488, %swap3A_1489], %convert_element_type3A_1487 {strides = array<i32>} : memref<16x192xi32, #tpu.memory_space<vmem>>, vector<1x192xi32>,
    %get3A_1491 = arith.constant 10 : index
    %get3A_1492 = arith.constant 0 : index
    %get3A_1493 = arith.constant 0 : index
    %get3A_1494 = vector.load %arg1[%get3A_1491, %get3A_1492, %get3A_1493] : memref<16x192x192xf32, #tpu.memory_space<vmem>>, vector<1x192x192xf32>
    %get3A_1495 = vector.shape_cast %get3A_1494 : vector<1x192x192xf32> to vector<192x192xf32>
    %get3A_1496 = arith.constant 0 : index
    %get3A_1497 = arith.constant 0 : index
    %get3A_1498 = vector.load %arg3[%get3A_1496, %get3A_1497] : memref<192x8xf32, #tpu.memory_space<vmem>>, vector<192x8xf32>
    %dot_general3A_1499 = arith.constant dense<0.000000e+00> : vector<192x8xf32>
    %dot_general3A_1500 = tpu.matmul %get3A_1495, %get3A_1498, %dot_general3A_1499 {dimension_numbers = #tpu.dot_dimension_numbers<[1], [0], [0], [1], [0, 0, 1, 1], [], []>, transpose_lhs_hint = false} : vector<192x192xf32>, vector<192x8xf32>, vector<192x8xf32> -> vector<192x8xf32>
    %transpose3A_1501 = tpu.transpose %dot_general3A_1500, [1, 0] : vector<192x8xf32> -> vector<8x192xf32>
    %get3A_1502 = arith.constant 10 : index
    %get3A_1503 = arith.constant 0 : index
    %get3A_1504 = arith.constant 0 : index
    %get3A_1505 = vector.load %arg2[%get3A_1502, %get3A_1503, %get3A_1504] : memref<16x3x192xf32, #tpu.memory_space<vmem>>, vector<1x3x192xf32>
    %get3A_1506 = vector.shape_cast %get3A_1505 : vector<1x3x192xf32> to vector<3x192xf32>
    %slice3A_1507 = vector.extract_strided_slice %transpose3A_1501 {offsets = [0, 0], sizes = [1, 192], strides = [1, 1]} : vector<8x192xf32> to vector<1x192xf32>
    %slice3A_1508 = vector.extract_strided_slice %get3A_1506 {offsets = [0, 0], sizes = [1, 192], strides = [1, 1]} : vector<3x192xf32> to vector<1x192xf32>
    %slice3A_1509 = vector.extract_strided_slice %transpose3A_1501 {offsets = [3, 0], sizes = [1, 192], strides = [1, 1]} : vector<8x192xf32> to vector<1x192xf32>
    %custom_jvp_call3A_1510 = arith.constant 0.000000e+00 : f32
    %max3A_1511 = vector.broadcast %custom_jvp_call3A_1510 : f32 to vector<1x192xf32>
    %max3A_1512 = arith.maximumf %slice3A_1509, %max3A_1511 : vector<1x192xf32>
    %sub3A_1513 = vector.broadcast %custom_jvp_call3A_1510 : f32 to vector<1x192xf32>
    %sub3A_1514 = arith.subf %slice3A_1509, %sub3A_1513 : vector<1x192xf32>
    %ne3A_1515 = arith.cmpf one, %sub3A_1514, %sub3A_1514 : vector<1x192xf32>
    %add3A_1516 = vector.broadcast %custom_jvp_call3A_1510 : f32 to vector<1x192xf32>
    %add3A_1517 = arith.addf %slice3A_1509, %add3A_1516 : vector<1x192xf32>
    %abs3A_1518 = math.absf %sub3A_1514 : vector<1x192xf32>
    %neg3A_1519 = arith.constant 0.000000e+00 : f32
    %neg3A_1520 = vector.broadcast %neg3A_1519 : f32 to vector<1x192xf32>
    %neg3A_1521 = arith.subf %neg3A_1520, %abs3A_1518 : vector<1x192xf32>
    %exp3A_1522 = math.exp %neg3A_1521 : vector<1x192xf32>
    %log1p3A_1523 = math.log1p %exp3A_1522 : vector<1x192xf32>
    %add3A_1524 = arith.addf %max3A_1512, %log1p3A_1523 : vector<1x192xf32>
    %select_n3A_1525 = arith.select %ne3A_1515, %add3A_1517, %add3A_1524 : vector<1x192xi1>, vector<1x192xf32>
    %add3A_1526 = arith.constant 0.00999999977 : f32
    %add3A_1527 = vector.broadcast %add3A_1526 : f32 to vector<1x192xf32>
    %add3A_1528 = arith.addf %select_n3A_1525, %add3A_1527 : vector<1x192xf32>
    %mul3A_1529 = arith.mulf %slice3A_1508, %add3A_1528 : vector<1x192xf32>
    %add3A_1530 = arith.addf %slice3A_1507, %mul3A_1529 : vector<1x192xf32>
    %slice3A_1531 = vector.extract_strided_slice %transpose3A_1501 {offsets = [1, 0], sizes = [1, 192], strides = [1, 1]} : vector<8x192xf32> to vector<1x192xf32>
    %slice3A_1532 = vector.extract_strided_slice %get3A_1506 {offsets = [1, 0], sizes = [1, 192], strides = [1, 1]} : vector<3x192xf32> to vector<1x192xf32>
    %slice3A_1533 = vector.extract_strided_slice %transpose3A_1501 {offsets = [4, 0], sizes = [1, 192], strides = [1, 1]} : vector<8x192xf32> to vector<1x192xf32>
    %custom_jvp_call3A_1534 = arith.constant 0.000000e+00 : f32
    %max3A_1535 = vector.broadcast %custom_jvp_call3A_1534 : f32 to vector<1x192xf32>
    %max3A_1536 = arith.maximumf %slice3A_1533, %max3A_1535 : vector<1x192xf32>
    %sub3A_1537 = vector.broadcast %custom_jvp_call3A_1534 : f32 to vector<1x192xf32>
    %sub3A_1538 = arith.subf %slice3A_1533, %sub3A_1537 : vector<1x192xf32>
    %ne3A_1539 = arith.cmpf one, %sub3A_1538, %sub3A_1538 : vector<1x192xf32>
    %add3A_1540 = vector.broadcast %custom_jvp_call3A_1534 : f32 to vector<1x192xf32>
    %add3A_1541 = arith.addf %slice3A_1533, %add3A_1540 : vector<1x192xf32>
    %abs3A_1542 = math.absf %sub3A_1538 : vector<1x192xf32>
    %neg3A_1543 = arith.constant 0.000000e+00 : f32
    %neg3A_1544 = vector.broadcast %neg3A_1543 : f32 to vector<1x192xf32>
    %neg3A_1545 = arith.subf %neg3A_1544, %abs3A_1542 : vector<1x192xf32>
    %exp3A_1546 = math.exp %neg3A_1545 : vector<1x192xf32>
    %log1p3A_1547 = math.log1p %exp3A_1546 : vector<1x192xf32>
    %add3A_1548 = arith.addf %max3A_1536, %log1p3A_1547 : vector<1x192xf32>
    %select_n3A_1549 = arith.select %ne3A_1539, %add3A_1541, %add3A_1548 : vector<1x192xi1>, vector<1x192xf32>
    %add3A_1550 = arith.constant 0.00999999977 : f32
    %add3A_1551 = vector.broadcast %add3A_1550 : f32 to vector<1x192xf32>
    %add3A_1552 = arith.addf %select_n3A_1549, %add3A_1551 : vector<1x192xf32>
    %mul3A_1553 = arith.mulf %slice3A_1532, %add3A_1552 : vector<1x192xf32>
    %add3A_1554 = arith.addf %slice3A_1531, %mul3A_1553 : vector<1x192xf32>
    %slice3A_1555 = vector.extract_strided_slice %transpose3A_1501 {offsets = [2, 0], sizes = [1, 192], strides = [1, 1]} : vector<8x192xf32> to vector<1x192xf32>
    %slice3A_1556 = vector.extract_strided_slice %get3A_1506 {offsets = [2, 0], sizes = [1, 192], strides = [1, 1]} : vector<3x192xf32> to vector<1x192xf32>
    %slice3A_1557 = vector.extract_strided_slice %transpose3A_1501 {offsets = [5, 0], sizes = [1, 192], strides = [1, 1]} : vector<8x192xf32> to vector<1x192xf32>
    %custom_jvp_call3A_1558 = arith.constant 0.000000e+00 : f32
    %max3A_1559 = vector.broadcast %custom_jvp_call3A_1558 : f32 to vector<1x192xf32>
    %max3A_1560 = arith.maximumf %slice3A_1557, %max3A_1559 : vector<1x192xf32>
    %sub3A_1561 = vector.broadcast %custom_jvp_call3A_1558 : f32 to vector<1x192xf32>
    %sub3A_1562 = arith.subf %slice3A_1557, %sub3A_1561 : vector<1x192xf32>
    %ne3A_1563 = arith.cmpf one, %sub3A_1562, %sub3A_1562 : vector<1x192xf32>
    %add3A_1564 = vector.broadcast %custom_jvp_call3A_1558 : f32 to vector<1x192xf32>
    %add3A_1565 = arith.addf %slice3A_1557, %add3A_1564 : vector<1x192xf32>
    %abs3A_1566 = math.absf %sub3A_1562 : vector<1x192xf32>
    %neg3A_1567 = arith.constant 0.000000e+00 : f32
    %neg3A_1568 = vector.broadcast %neg3A_1567 : f32 to vector<1x192xf32>
    %neg3A_1569 = arith.subf %neg3A_1568, %abs3A_1566 : vector<1x192xf32>
    %exp3A_1570 = math.exp %neg3A_1569 : vector<1x192xf32>
    %log1p3A_1571 = math.log1p %exp3A_1570 : vector<1x192xf32>
    %add3A_1572 = arith.addf %max3A_1560, %log1p3A_1571 : vector<1x192xf32>
    %select_n3A_1573 = arith.select %ne3A_1563, %add3A_1565, %add3A_1572 : vector<1x192xi1>, vector<1x192xf32>
    %add3A_1574 = arith.constant 0.00999999977 : f32
    %add3A_1575 = vector.broadcast %add3A_1574 : f32 to vector<1x192xf32>
    %add3A_1576 = arith.addf %select_n3A_1573, %add3A_1575 : vector<1x192xf32>
    %mul3A_1577 = arith.mulf %slice3A_1556, %add3A_1576 : vector<1x192xf32>
    %add3A_1578 = arith.addf %slice3A_1555, %mul3A_1577 : vector<1x192xf32>
    %max3A_1579 = arith.maximumf %add3A_1530, %add3A_1554 : vector<1x192xf32>
    %max3A_1580 = arith.maximumf %max3A_1579, %add3A_1578 : vector<1x192xf32>
    %sub3A_1581 = arith.subf %add3A_1530, %max3A_1580 : vector<1x192xf32>
    %sub3A_1582 = arith.subf %add3A_1554, %max3A_1580 : vector<1x192xf32>
    %sub3A_1583 = arith.subf %add3A_1578, %max3A_1580 : vector<1x192xf32>
    %exp3A_1584 = math.exp %sub3A_1581 : vector<1x192xf32>
    %exp3A_1585 = math.exp %sub3A_1582 : vector<1x192xf32>
    %exp3A_1586 = math.exp %sub3A_1583 : vector<1x192xf32>
    %add3A_1587 = arith.addf %exp3A_1584, %exp3A_1585 : vector<1x192xf32>
    %add3A_1588 = arith.addf %add3A_1587, %exp3A_1586 : vector<1x192xf32>
    %div3A_1589 = arith.constant 1.000000e+00 : f32
    %div3A_1590 = vector.broadcast %div3A_1589 : f32 to vector<1x192xf32>
    %div3A_1591 = arith.divf %div3A_1590, %add3A_1588 : vector<1x192xf32>
    %mul3A_1592 = arith.mulf %exp3A_1584, %div3A_1591 : vector<1x192xf32>
    %mul3A_1593 = arith.mulf %exp3A_1585, %div3A_1591 : vector<1x192xf32>
    %mul3A_1594 = arith.mulf %exp3A_1586, %div3A_1591 : vector<1x192xf32>
    %mul3A_1595 = arith.mulf %mul3A_1592, %sub3A_1581 : vector<1x192xf32>
    %mul3A_1596 = arith.mulf %mul3A_1593, %sub3A_1582 : vector<1x192xf32>
    %add3A_1597 = arith.addf %mul3A_1595, %mul3A_1596 : vector<1x192xf32>
    %mul3A_1598 = arith.mulf %mul3A_1594, %sub3A_1583 : vector<1x192xf32>
    %add3A_1599 = arith.addf %add3A_1597, %mul3A_1598 : vector<1x192xf32>
    %log3A_1600 = math.log %add3A_1588 : vector<1x192xf32>
    %sub3A_1601 = arith.subf %add3A_1599, %log3A_1600 : vector<1x192xf32>
    %add3A_1602 = arith.addf %add3A_1452, %sub3A_1601 : vector<1x192xf32>
    %gt3A_1603 = arith.cmpf ogt, %mul3A_1593, %mul3A_1592 : vector<1x192xf32>
    %gt3A_1604 = arith.cmpf ogt, %mul3A_1594, %mul3A_1592 : vector<1x192xf32>
    %ge3A_1605 = arith.cmpf oge, %mul3A_1592, %mul3A_1593 : vector<1x192xf32>
    %gt3A_1606 = arith.cmpf ogt, %mul3A_1594, %mul3A_1593 : vector<1x192xf32>
    %ge3A_1607 = arith.cmpf oge, %mul3A_1592, %mul3A_1594 : vector<1x192xf32>
    %ge3A_1608 = arith.cmpf oge, %mul3A_1593, %mul3A_1594 : vector<1x192xf32>
    %max3A_1609 = arith.maximumf %mul3A_1592, %mul3A_1593 : vector<1x192xf32>
    %max3A_1610 = arith.maximumf %max3A_1609, %mul3A_1594 : vector<1x192xf32>
    %min3A_1611 = arith.minimumf %mul3A_1592, %mul3A_1593 : vector<1x192xf32>
    %min3A_1612 = arith.minimumf %min3A_1611, %mul3A_1594 : vector<1x192xf32>
    %add3A_1613 = arith.addf %mul3A_1592, %mul3A_1593 : vector<1x192xf32>
    %add3A_1614 = arith.addf %add3A_1613, %mul3A_1594 : vector<1x192xf32>
    %sub3A_1615 = arith.subf %add3A_1614, %max3A_1610 : vector<1x192xf32>
    %sub3A_1616 = arith.subf %sub3A_1615, %min3A_1612 : vector<1x192xf32>
    %le3A_1617 = arith.constant 5.000000e-01 : f32
    %le3A_1618 = vector.broadcast %le3A_1617 : f32 to vector<1x192xf32>
    %le3A_1619 = arith.cmpf ole, %max3A_1610, %le3A_1618 : vector<1x192xf32>
    %add3A_1620 = arith.addf %add3A_1470, %max3A_1610 : vector<1x192xf32>
    %select_n3A_1621 = arith.select %le3A_1619, %sub3A_1616, %broadcast_in_dim3A_8 : vector<1x192xi1>, vector<1x192xf32>
    %add3A_1622 = arith.addf %add3A_1472, %select_n3A_1621 : vector<1x192xf32>
    %and3A_1623 = arith.andi %gt3A_1603, %ge3A_1608 : vector<1x192xi1>
    %select_n3A_1624 = arith.select %and3A_1623, %broadcast_in_dim3A_10, %broadcast_in_dim3A_8 : vector<1x192xi1>, vector<1x192xf32>
    %and3A_1625 = arith.andi %gt3A_1604, %gt3A_1606 : vector<1x192xi1>
    %select_n3A_1626 = arith.select %and3A_1625, %mul3A_12, %broadcast_in_dim3A_8 : vector<1x192xi1>, vector<1x192xf32>
    %add3A_1627 = arith.addf %select_n3A_1624, %select_n3A_1626 : vector<1x192xf32>
    %and3A_1628 = arith.andi %ge3A_1605, %gt3A_1606 : vector<1x192xi1>
    %select_n3A_1629 = arith.select %and3A_1628, %broadcast_in_dim3A_10, %broadcast_in_dim3A_8 : vector<1x192xi1>, vector<1x192xf32>
    %and3A_1630 = arith.andi %ge3A_1607, %ge3A_1608 : vector<1x192xi1>
    %select_n3A_1631 = arith.select %and3A_1630, %mul3A_12, %broadcast_in_dim3A_8 : vector<1x192xi1>, vector<1x192xf32>
    %add3A_1632 = arith.addf %select_n3A_1629, %select_n3A_1631 : vector<1x192xf32>
    %sub3A_1633 = arith.constant 5.000000e+00 : f32
    %sub3A_1634 = vector.broadcast %sub3A_1633 : f32 to vector<1x192xf32>
    %sub3A_1635 = arith.subf %sub3A_1634, %add3A_1632 : vector<1x192xf32>
    %select_n3A_1636 = arith.select %le3A_1619, %sub3A_1635, %add3A_1627 : vector<1x192xi1>, vector<1x192xf32>
    %convert_element_type3A_1637 = arith.fptosi %select_n3A_1636 : vector<1x192xf32> to vector<1x192xi32>
    %swap3A_1638 = arith.constant 10 : index
    %swap3A_1639 = arith.constant 0 : index
    %swap3A_1640 = vector.load %arg4[%swap3A_1638, %swap3A_1639] : memref<16x192xi32, #tpu.memory_space<vmem>>, vector<1x192xi32>
    tpu.vector_store %arg4[%swap3A_1638, %swap3A_1639], %convert_element_type3A_1637 {strides = array<i32>} : memref<16x192xi32, #tpu.memory_space<vmem>>, vector<1x192xi32>,
    %get3A_1641 = arith.constant 11 : index
    %get3A_1642 = arith.constant 0 : index
    %get3A_1643 = arith.constant 0 : index
    %get3A_1644 = vector.load %arg1[%get3A_1641, %get3A_1642, %get3A_1643] : memref<16x192x192xf32, #tpu.memory_space<vmem>>, vector<1x192x192xf32>
    %get3A_1645 = vector.shape_cast %get3A_1644 : vector<1x192x192xf32> to vector<192x192xf32>
    %get3A_1646 = arith.constant 0 : index
    %get3A_1647 = arith.constant 0 : index
    %get3A_1648 = vector.load %arg3[%get3A_1646, %get3A_1647] : memref<192x8xf32, #tpu.memory_space<vmem>>, vector<192x8xf32>
    %dot_general3A_1649 = arith.constant dense<0.000000e+00> : vector<192x8xf32>
    %dot_general3A_1650 = tpu.matmul %get3A_1645, %get3A_1648, %dot_general3A_1649 {dimension_numbers = #tpu.dot_dimension_numbers<[1], [0], [0], [1], [0, 0, 1, 1], [], []>, transpose_lhs_hint = false} : vector<192x192xf32>, vector<192x8xf32>, vector<192x8xf32> -> vector<192x8xf32>
    %transpose3A_1651 = tpu.transpose %dot_general3A_1650, [1, 0] : vector<192x8xf32> -> vector<8x192xf32>
    %get3A_1652 = arith.constant 11 : index
    %get3A_1653 = arith.constant 0 : index
    %get3A_1654 = arith.constant 0 : index
    %get3A_1655 = vector.load %arg2[%get3A_1652, %get3A_1653, %get3A_1654] : memref<16x3x192xf32, #tpu.memory_space<vmem>>, vector<1x3x192xf32>
    %get3A_1656 = vector.shape_cast %get3A_1655 : vector<1x3x192xf32> to vector<3x192xf32>
    %slice3A_1657 = vector.extract_strided_slice %transpose3A_1651 {offsets = [0, 0], sizes = [1, 192], strides = [1, 1]} : vector<8x192xf32> to vector<1x192xf32>
    %slice3A_1658 = vector.extract_strided_slice %get3A_1656 {offsets = [0, 0], sizes = [1, 192], strides = [1, 1]} : vector<3x192xf32> to vector<1x192xf32>
    %slice3A_1659 = vector.extract_strided_slice %transpose3A_1651 {offsets = [3, 0], sizes = [1, 192], strides = [1, 1]} : vector<8x192xf32> to vector<1x192xf32>
    %custom_jvp_call3A_1660 = arith.constant 0.000000e+00 : f32
    %max3A_1661 = vector.broadcast %custom_jvp_call3A_1660 : f32 to vector<1x192xf32>
    %max3A_1662 = arith.maximumf %slice3A_1659, %max3A_1661 : vector<1x192xf32>
    %sub3A_1663 = vector.broadcast %custom_jvp_call3A_1660 : f32 to vector<1x192xf32>
    %sub3A_1664 = arith.subf %slice3A_1659, %sub3A_1663 : vector<1x192xf32>
    %ne3A_1665 = arith.cmpf one, %sub3A_1664, %sub3A_1664 : vector<1x192xf32>
    %add3A_1666 = vector.broadcast %custom_jvp_call3A_1660 : f32 to vector<1x192xf32>
    %add3A_1667 = arith.addf %slice3A_1659, %add3A_1666 : vector<1x192xf32>
    %abs3A_1668 = math.absf %sub3A_1664 : vector<1x192xf32>
    %neg3A_1669 = arith.constant 0.000000e+00 : f32
    %neg3A_1670 = vector.broadcast %neg3A_1669 : f32 to vector<1x192xf32>
    %neg3A_1671 = arith.subf %neg3A_1670, %abs3A_1668 : vector<1x192xf32>
    %exp3A_1672 = math.exp %neg3A_1671 : vector<1x192xf32>
    %log1p3A_1673 = math.log1p %exp3A_1672 : vector<1x192xf32>
    %add3A_1674 = arith.addf %max3A_1662, %log1p3A_1673 : vector<1x192xf32>
    %select_n3A_1675 = arith.select %ne3A_1665, %add3A_1667, %add3A_1674 : vector<1x192xi1>, vector<1x192xf32>
    %add3A_1676 = arith.constant 0.00999999977 : f32
    %add3A_1677 = vector.broadcast %add3A_1676 : f32 to vector<1x192xf32>
    %add3A_1678 = arith.addf %select_n3A_1675, %add3A_1677 : vector<1x192xf32>
    %mul3A_1679 = arith.mulf %slice3A_1658, %add3A_1678 : vector<1x192xf32>
    %add3A_1680 = arith.addf %slice3A_1657, %mul3A_1679 : vector<1x192xf32>
    %slice3A_1681 = vector.extract_strided_slice %transpose3A_1651 {offsets = [1, 0], sizes = [1, 192], strides = [1, 1]} : vector<8x192xf32> to vector<1x192xf32>
    %slice3A_1682 = vector.extract_strided_slice %get3A_1656 {offsets = [1, 0], sizes = [1, 192], strides = [1, 1]} : vector<3x192xf32> to vector<1x192xf32>
    %slice3A_1683 = vector.extract_strided_slice %transpose3A_1651 {offsets = [4, 0], sizes = [1, 192], strides = [1, 1]} : vector<8x192xf32> to vector<1x192xf32>
    %custom_jvp_call3A_1684 = arith.constant 0.000000e+00 : f32
    %max3A_1685 = vector.broadcast %custom_jvp_call3A_1684 : f32 to vector<1x192xf32>
    %max3A_1686 = arith.maximumf %slice3A_1683, %max3A_1685 : vector<1x192xf32>
    %sub3A_1687 = vector.broadcast %custom_jvp_call3A_1684 : f32 to vector<1x192xf32>
    %sub3A_1688 = arith.subf %slice3A_1683, %sub3A_1687 : vector<1x192xf32>
    %ne3A_1689 = arith.cmpf one, %sub3A_1688, %sub3A_1688 : vector<1x192xf32>
    %add3A_1690 = vector.broadcast %custom_jvp_call3A_1684 : f32 to vector<1x192xf32>
    %add3A_1691 = arith.addf %slice3A_1683, %add3A_1690 : vector<1x192xf32>
    %abs3A_1692 = math.absf %sub3A_1688 : vector<1x192xf32>
    %neg3A_1693 = arith.constant 0.000000e+00 : f32
    %neg3A_1694 = vector.broadcast %neg3A_1693 : f32 to vector<1x192xf32>
    %neg3A_1695 = arith.subf %neg3A_1694, %abs3A_1692 : vector<1x192xf32>
    %exp3A_1696 = math.exp %neg3A_1695 : vector<1x192xf32>
    %log1p3A_1697 = math.log1p %exp3A_1696 : vector<1x192xf32>
    %add3A_1698 = arith.addf %max3A_1686, %log1p3A_1697 : vector<1x192xf32>
    %select_n3A_1699 = arith.select %ne3A_1689, %add3A_1691, %add3A_1698 : vector<1x192xi1>, vector<1x192xf32>
    %add3A_1700 = arith.constant 0.00999999977 : f32
    %add3A_1701 = vector.broadcast %add3A_1700 : f32 to vector<1x192xf32>
    %add3A_1702 = arith.addf %select_n3A_1699, %add3A_1701 : vector<1x192xf32>
    %mul3A_1703 = arith.mulf %slice3A_1682, %add3A_1702 : vector<1x192xf32>
    %add3A_1704 = arith.addf %slice3A_1681, %mul3A_1703 : vector<1x192xf32>
    %slice3A_1705 = vector.extract_strided_slice %transpose3A_1651 {offsets = [2, 0], sizes = [1, 192], strides = [1, 1]} : vector<8x192xf32> to vector<1x192xf32>
    %slice3A_1706 = vector.extract_strided_slice %get3A_1656 {offsets = [2, 0], sizes = [1, 192], strides = [1, 1]} : vector<3x192xf32> to vector<1x192xf32>
    %slice3A_1707 = vector.extract_strided_slice %transpose3A_1651 {offsets = [5, 0], sizes = [1, 192], strides = [1, 1]} : vector<8x192xf32> to vector<1x192xf32>
    %custom_jvp_call3A_1708 = arith.constant 0.000000e+00 : f32
    %max3A_1709 = vector.broadcast %custom_jvp_call3A_1708 : f32 to vector<1x192xf32>
    %max3A_1710 = arith.maximumf %slice3A_1707, %max3A_1709 : vector<1x192xf32>
    %sub3A_1711 = vector.broadcast %custom_jvp_call3A_1708 : f32 to vector<1x192xf32>
    %sub3A_1712 = arith.subf %slice3A_1707, %sub3A_1711 : vector<1x192xf32>
    %ne3A_1713 = arith.cmpf one, %sub3A_1712, %sub3A_1712 : vector<1x192xf32>
    %add3A_1714 = vector.broadcast %custom_jvp_call3A_1708 : f32 to vector<1x192xf32>
    %add3A_1715 = arith.addf %slice3A_1707, %add3A_1714 : vector<1x192xf32>
    %abs3A_1716 = math.absf %sub3A_1712 : vector<1x192xf32>
    %neg3A_1717 = arith.constant 0.000000e+00 : f32
    %neg3A_1718 = vector.broadcast %neg3A_1717 : f32 to vector<1x192xf32>
    %neg3A_1719 = arith.subf %neg3A_1718, %abs3A_1716 : vector<1x192xf32>
    %exp3A_1720 = math.exp %neg3A_1719 : vector<1x192xf32>
    %log1p3A_1721 = math.log1p %exp3A_1720 : vector<1x192xf32>
    %add3A_1722 = arith.addf %max3A_1710, %log1p3A_1721 : vector<1x192xf32>
    %select_n3A_1723 = arith.select %ne3A_1713, %add3A_1715, %add3A_1722 : vector<1x192xi1>, vector<1x192xf32>
    %add3A_1724 = arith.constant 0.00999999977 : f32
    %add3A_1725 = vector.broadcast %add3A_1724 : f32 to vector<1x192xf32>
    %add3A_1726 = arith.addf %select_n3A_1723, %add3A_1725 : vector<1x192xf32>
    %mul3A_1727 = arith.mulf %slice3A_1706, %add3A_1726 : vector<1x192xf32>
    %add3A_1728 = arith.addf %slice3A_1705, %mul3A_1727 : vector<1x192xf32>
    %max3A_1729 = arith.maximumf %add3A_1680, %add3A_1704 : vector<1x192xf32>
    %max3A_1730 = arith.maximumf %max3A_1729, %add3A_1728 : vector<1x192xf32>
    %sub3A_1731 = arith.subf %add3A_1680, %max3A_1730 : vector<1x192xf32>
    %sub3A_1732 = arith.subf %add3A_1704, %max3A_1730 : vector<1x192xf32>
    %sub3A_1733 = arith.subf %add3A_1728, %max3A_1730 : vector<1x192xf32>
    %exp3A_1734 = math.exp %sub3A_1731 : vector<1x192xf32>
    %exp3A_1735 = math.exp %sub3A_1732 : vector<1x192xf32>
    %exp3A_1736 = math.exp %sub3A_1733 : vector<1x192xf32>
    %add3A_1737 = arith.addf %exp3A_1734, %exp3A_1735 : vector<1x192xf32>
    %add3A_1738 = arith.addf %add3A_1737, %exp3A_1736 : vector<1x192xf32>
    %div3A_1739 = arith.constant 1.000000e+00 : f32
    %div3A_1740 = vector.broadcast %div3A_1739 : f32 to vector<1x192xf32>
    %div3A_1741 = arith.divf %div3A_1740, %add3A_1738 : vector<1x192xf32>
    %mul3A_1742 = arith.mulf %exp3A_1734, %div3A_1741 : vector<1x192xf32>
    %mul3A_1743 = arith.mulf %exp3A_1735, %div3A_1741 : vector<1x192xf32>
    %mul3A_1744 = arith.mulf %exp3A_1736, %div3A_1741 : vector<1x192xf32>
    %mul3A_1745 = arith.mulf %mul3A_1742, %sub3A_1731 : vector<1x192xf32>
    %mul3A_1746 = arith.mulf %mul3A_1743, %sub3A_1732 : vector<1x192xf32>
    %add3A_1747 = arith.addf %mul3A_1745, %mul3A_1746 : vector<1x192xf32>
    %mul3A_1748 = arith.mulf %mul3A_1744, %sub3A_1733 : vector<1x192xf32>
    %add3A_1749 = arith.addf %add3A_1747, %mul3A_1748 : vector<1x192xf32>
    %log3A_1750 = math.log %add3A_1738 : vector<1x192xf32>
    %sub3A_1751 = arith.subf %add3A_1749, %log3A_1750 : vector<1x192xf32>
    %add3A_1752 = arith.addf %add3A_1602, %sub3A_1751 : vector<1x192xf32>
    %gt3A_1753 = arith.cmpf ogt, %mul3A_1743, %mul3A_1742 : vector<1x192xf32>
    %gt3A_1754 = arith.cmpf ogt, %mul3A_1744, %mul3A_1742 : vector<1x192xf32>
    %ge3A_1755 = arith.cmpf oge, %mul3A_1742, %mul3A_1743 : vector<1x192xf32>
    %gt3A_1756 = arith.cmpf ogt, %mul3A_1744, %mul3A_1743 : vector<1x192xf32>
    %ge3A_1757 = arith.cmpf oge, %mul3A_1742, %mul3A_1744 : vector<1x192xf32>
    %ge3A_1758 = arith.cmpf oge, %mul3A_1743, %mul3A_1744 : vector<1x192xf32>
    %max3A_1759 = arith.maximumf %mul3A_1742, %mul3A_1743 : vector<1x192xf32>
    %max3A_1760 = arith.maximumf %max3A_1759, %mul3A_1744 : vector<1x192xf32>
    %min3A_1761 = arith.minimumf %mul3A_1742, %mul3A_1743 : vector<1x192xf32>
    %min3A_1762 = arith.minimumf %min3A_1761, %mul3A_1744 : vector<1x192xf32>
    %add3A_1763 = arith.addf %mul3A_1742, %mul3A_1743 : vector<1x192xf32>
    %add3A_1764 = arith.addf %add3A_1763, %mul3A_1744 : vector<1x192xf32>
    %sub3A_1765 = arith.subf %add3A_1764, %max3A_1760 : vector<1x192xf32>
    %sub3A_1766 = arith.subf %sub3A_1765, %min3A_1762 : vector<1x192xf32>
    %le3A_1767 = arith.constant 5.000000e-01 : f32
    %le3A_1768 = vector.broadcast %le3A_1767 : f32 to vector<1x192xf32>
    %le3A_1769 = arith.cmpf ole, %max3A_1760, %le3A_1768 : vector<1x192xf32>
    %add3A_1770 = arith.addf %add3A_1620, %max3A_1760 : vector<1x192xf32>
    %select_n3A_1771 = arith.select %le3A_1769, %sub3A_1766, %broadcast_in_dim3A_8 : vector<1x192xi1>, vector<1x192xf32>
    %add3A_1772 = arith.addf %add3A_1622, %select_n3A_1771 : vector<1x192xf32>
    %and3A_1773 = arith.andi %gt3A_1753, %ge3A_1758 : vector<1x192xi1>
    %select_n3A_1774 = arith.select %and3A_1773, %broadcast_in_dim3A_10, %broadcast_in_dim3A_8 : vector<1x192xi1>, vector<1x192xf32>
    %and3A_1775 = arith.andi %gt3A_1754, %gt3A_1756 : vector<1x192xi1>
    %select_n3A_1776 = arith.select %and3A_1775, %mul3A_12, %broadcast_in_dim3A_8 : vector<1x192xi1>, vector<1x192xf32>
    %add3A_1777 = arith.addf %select_n3A_1774, %select_n3A_1776 : vector<1x192xf32>
    %and3A_1778 = arith.andi %ge3A_1755, %gt3A_1756 : vector<1x192xi1>
    %select_n3A_1779 = arith.select %and3A_1778, %broadcast_in_dim3A_10, %broadcast_in_dim3A_8 : vector<1x192xi1>, vector<1x192xf32>
    %and3A_1780 = arith.andi %ge3A_1757, %ge3A_1758 : vector<1x192xi1>
    %select_n3A_1781 = arith.select %and3A_1780, %mul3A_12, %broadcast_in_dim3A_8 : vector<1x192xi1>, vector<1x192xf32>
    %add3A_1782 = arith.addf %select_n3A_1779, %select_n3A_1781 : vector<1x192xf32>
    %sub3A_1783 = arith.constant 5.000000e+00 : f32
    %sub3A_1784 = vector.broadcast %sub3A_1783 : f32 to vector<1x192xf32>
    %sub3A_1785 = arith.subf %sub3A_1784, %add3A_1782 : vector<1x192xf32>
    %select_n3A_1786 = arith.select %le3A_1769, %sub3A_1785, %add3A_1777 : vector<1x192xi1>, vector<1x192xf32>
    %convert_element_type3A_1787 = arith.fptosi %select_n3A_1786 : vector<1x192xf32> to vector<1x192xi32>
    %swap3A_1788 = arith.constant 11 : index
    %swap3A_1789 = arith.constant 0 : index
    %swap3A_1790 = vector.load %arg4[%swap3A_1788, %swap3A_1789] : memref<16x192xi32, #tpu.memory_space<vmem>>, vector<1x192xi32>
    tpu.vector_store %arg4[%swap3A_1788, %swap3A_1789], %convert_element_type3A_1787 {strides = array<i32>} : memref<16x192xi32, #tpu.memory_space<vmem>>, vector<1x192xi32>,
    %get3A_1791 = arith.constant 12 : index
    %get3A_1792 = arith.constant 0 : index
    %get3A_1793 = arith.constant 0 : index
    %get3A_1794 = vector.load %arg1[%get3A_1791, %get3A_1792, %get3A_1793] : memref<16x192x192xf32, #tpu.memory_space<vmem>>, vector<1x192x192xf32>
    %get3A_1795 = vector.shape_cast %get3A_1794 : vector<1x192x192xf32> to vector<192x192xf32>
    %get3A_1796 = arith.constant 0 : index
    %get3A_1797 = arith.constant 0 : index
    %get3A_1798 = vector.load %arg3[%get3A_1796, %get3A_1797] : memref<192x8xf32, #tpu.memory_space<vmem>>, vector<192x8xf32>
    %dot_general3A_1799 = arith.constant dense<0.000000e+00> : vector<192x8xf32>
    %dot_general3A_1800 = tpu.matmul %get3A_1795, %get3A_1798, %dot_general3A_1799 {dimension_numbers = #tpu.dot_dimension_numbers<[1], [0], [0], [1], [0, 0, 1, 1], [], []>, transpose_lhs_hint = false} : vector<192x192xf32>, vector<192x8xf32>, vector<192x8xf32> -> vector<192x8xf32>
    %transpose3A_1801 = tpu.transpose %dot_general3A_1800, [1, 0] : vector<192x8xf32> -> vector<8x192xf32>
    %get3A_1802 = arith.constant 12 : index
    %get3A_1803 = arith.constant 0 : index
    %get3A_1804 = arith.constant 0 : index
    %get3A_1805 = vector.load %arg2[%get3A_1802, %get3A_1803, %get3A_1804] : memref<16x3x192xf32, #tpu.memory_space<vmem>>, vector<1x3x192xf32>
    %get3A_1806 = vector.shape_cast %get3A_1805 : vector<1x3x192xf32> to vector<3x192xf32>
    %slice3A_1807 = vector.extract_strided_slice %transpose3A_1801 {offsets = [0, 0], sizes = [1, 192], strides = [1, 1]} : vector<8x192xf32> to vector<1x192xf32>
    %slice3A_1808 = vector.extract_strided_slice %get3A_1806 {offsets = [0, 0], sizes = [1, 192], strides = [1, 1]} : vector<3x192xf32> to vector<1x192xf32>
    %slice3A_1809 = vector.extract_strided_slice %transpose3A_1801 {offsets = [3, 0], sizes = [1, 192], strides = [1, 1]} : vector<8x192xf32> to vector<1x192xf32>
    %custom_jvp_call3A_1810 = arith.constant 0.000000e+00 : f32
    %max3A_1811 = vector.broadcast %custom_jvp_call3A_1810 : f32 to vector<1x192xf32>
    %max3A_1812 = arith.maximumf %slice3A_1809, %max3A_1811 : vector<1x192xf32>
    %sub3A_1813 = vector.broadcast %custom_jvp_call3A_1810 : f32 to vector<1x192xf32>
    %sub3A_1814 = arith.subf %slice3A_1809, %sub3A_1813 : vector<1x192xf32>
    %ne3A_1815 = arith.cmpf one, %sub3A_1814, %sub3A_1814 : vector<1x192xf32>
    %add3A_1816 = vector.broadcast %custom_jvp_call3A_1810 : f32 to vector<1x192xf32>
    %add3A_1817 = arith.addf %slice3A_1809, %add3A_1816 : vector<1x192xf32>
    %abs3A_1818 = math.absf %sub3A_1814 : vector<1x192xf32>
    %neg3A_1819 = arith.constant 0.000000e+00 : f32
    %neg3A_1820 = vector.broadcast %neg3A_1819 : f32 to vector<1x192xf32>
    %neg3A_1821 = arith.subf %neg3A_1820, %abs3A_1818 : vector<1x192xf32>
    %exp3A_1822 = math.exp %neg3A_1821 : vector<1x192xf32>
    %log1p3A_1823 = math.log1p %exp3A_1822 : vector<1x192xf32>
    %add3A_1824 = arith.addf %max3A_1812, %log1p3A_1823 : vector<1x192xf32>
    %select_n3A_1825 = arith.select %ne3A_1815, %add3A_1817, %add3A_1824 : vector<1x192xi1>, vector<1x192xf32>
    %add3A_1826 = arith.constant 0.00999999977 : f32
    %add3A_1827 = vector.broadcast %add3A_1826 : f32 to vector<1x192xf32>
    %add3A_1828 = arith.addf %select_n3A_1825, %add3A_1827 : vector<1x192xf32>
    %mul3A_1829 = arith.mulf %slice3A_1808, %add3A_1828 : vector<1x192xf32>
    %add3A_1830 = arith.addf %slice3A_1807, %mul3A_1829 : vector<1x192xf32>
    %slice3A_1831 = vector.extract_strided_slice %transpose3A_1801 {offsets = [1, 0], sizes = [1, 192], strides = [1, 1]} : vector<8x192xf32> to vector<1x192xf32>
    %slice3A_1832 = vector.extract_strided_slice %get3A_1806 {offsets = [1, 0], sizes = [1, 192], strides = [1, 1]} : vector<3x192xf32> to vector<1x192xf32>
    %slice3A_1833 = vector.extract_strided_slice %transpose3A_1801 {offsets = [4, 0], sizes = [1, 192], strides = [1, 1]} : vector<8x192xf32> to vector<1x192xf32>
    %custom_jvp_call3A_1834 = arith.constant 0.000000e+00 : f32
    %max3A_1835 = vector.broadcast %custom_jvp_call3A_1834 : f32 to vector<1x192xf32>
    %max3A_1836 = arith.maximumf %slice3A_1833, %max3A_1835 : vector<1x192xf32>
    %sub3A_1837 = vector.broadcast %custom_jvp_call3A_1834 : f32 to vector<1x192xf32>
    %sub3A_1838 = arith.subf %slice3A_1833, %sub3A_1837 : vector<1x192xf32>
    %ne3A_1839 = arith.cmpf one, %sub3A_1838, %sub3A_1838 : vector<1x192xf32>
    %add3A_1840 = vector.broadcast %custom_jvp_call3A_1834 : f32 to vector<1x192xf32>
    %add3A_1841 = arith.addf %slice3A_1833, %add3A_1840 : vector<1x192xf32>
    %abs3A_1842 = math.absf %sub3A_1838 : vector<1x192xf32>
    %neg3A_1843 = arith.constant 0.000000e+00 : f32
    %neg3A_1844 = vector.broadcast %neg3A_1843 : f32 to vector<1x192xf32>
    %neg3A_1845 = arith.subf %neg3A_1844, %abs3A_1842 : vector<1x192xf32>
    %exp3A_1846 = math.exp %neg3A_1845 : vector<1x192xf32>
    %log1p3A_1847 = math.log1p %exp3A_1846 : vector<1x192xf32>
    %add3A_1848 = arith.addf %max3A_1836, %log1p3A_1847 : vector<1x192xf32>
    %select_n3A_1849 = arith.select %ne3A_1839, %add3A_1841, %add3A_1848 : vector<1x192xi1>, vector<1x192xf32>
    %add3A_1850 = arith.constant 0.00999999977 : f32
    %add3A_1851 = vector.broadcast %add3A_1850 : f32 to vector<1x192xf32>
    %add3A_1852 = arith.addf %select_n3A_1849, %add3A_1851 : vector<1x192xf32>
    %mul3A_1853 = arith.mulf %slice3A_1832, %add3A_1852 : vector<1x192xf32>
    %add3A_1854 = arith.addf %slice3A_1831, %mul3A_1853 : vector<1x192xf32>
    %slice3A_1855 = vector.extract_strided_slice %transpose3A_1801 {offsets = [2, 0], sizes = [1, 192], strides = [1, 1]} : vector<8x192xf32> to vector<1x192xf32>
    %slice3A_1856 = vector.extract_strided_slice %get3A_1806 {offsets = [2, 0], sizes = [1, 192], strides = [1, 1]} : vector<3x192xf32> to vector<1x192xf32>
    %slice3A_1857 = vector.extract_strided_slice %transpose3A_1801 {offsets = [5, 0], sizes = [1, 192], strides = [1, 1]} : vector<8x192xf32> to vector<1x192xf32>
    %custom_jvp_call3A_1858 = arith.constant 0.000000e+00 : f32
    %max3A_1859 = vector.broadcast %custom_jvp_call3A_1858 : f32 to vector<1x192xf32>
    %max3A_1860 = arith.maximumf %slice3A_1857, %max3A_1859 : vector<1x192xf32>
    %sub3A_1861 = vector.broadcast %custom_jvp_call3A_1858 : f32 to vector<1x192xf32>
    %sub3A_1862 = arith.subf %slice3A_1857, %sub3A_1861 : vector<1x192xf32>
    %ne3A_1863 = arith.cmpf one, %sub3A_1862, %sub3A_1862 : vector<1x192xf32>
    %add3A_1864 = vector.broadcast %custom_jvp_call3A_1858 : f32 to vector<1x192xf32>
    %add3A_1865 = arith.addf %slice3A_1857, %add3A_1864 : vector<1x192xf32>
    %abs3A_1866 = math.absf %sub3A_1862 : vector<1x192xf32>
    %neg3A_1867 = arith.constant 0.000000e+00 : f32
    %neg3A_1868 = vector.broadcast %neg3A_1867 : f32 to vector<1x192xf32>
    %neg3A_1869 = arith.subf %neg3A_1868, %abs3A_1866 : vector<1x192xf32>
    %exp3A_1870 = math.exp %neg3A_1869 : vector<1x192xf32>
    %log1p3A_1871 = math.log1p %exp3A_1870 : vector<1x192xf32>
    %add3A_1872 = arith.addf %max3A_1860, %log1p3A_1871 : vector<1x192xf32>
    %select_n3A_1873 = arith.select %ne3A_1863, %add3A_1865, %add3A_1872 : vector<1x192xi1>, vector<1x192xf32>
    %add3A_1874 = arith.constant 0.00999999977 : f32
    %add3A_1875 = vector.broadcast %add3A_1874 : f32 to vector<1x192xf32>
    %add3A_1876 = arith.addf %select_n3A_1873, %add3A_1875 : vector<1x192xf32>
    %mul3A_1877 = arith.mulf %slice3A_1856, %add3A_1876 : vector<1x192xf32>
    %add3A_1878 = arith.addf %slice3A_1855, %mul3A_1877 : vector<1x192xf32>
    %max3A_1879 = arith.maximumf %add3A_1830, %add3A_1854 : vector<1x192xf32>
    %max3A_1880 = arith.maximumf %max3A_1879, %add3A_1878 : vector<1x192xf32>
    %sub3A_1881 = arith.subf %add3A_1830, %max3A_1880 : vector<1x192xf32>
    %sub3A_1882 = arith.subf %add3A_1854, %max3A_1880 : vector<1x192xf32>
    %sub3A_1883 = arith.subf %add3A_1878, %max3A_1880 : vector<1x192xf32>
    %exp3A_1884 = math.exp %sub3A_1881 : vector<1x192xf32>
    %exp3A_1885 = math.exp %sub3A_1882 : vector<1x192xf32>
    %exp3A_1886 = math.exp %sub3A_1883 : vector<1x192xf32>
    %add3A_1887 = arith.addf %exp3A_1884, %exp3A_1885 : vector<1x192xf32>
    %add3A_1888 = arith.addf %add3A_1887, %exp3A_1886 : vector<1x192xf32>
    %div3A_1889 = arith.constant 1.000000e+00 : f32
    %div3A_1890 = vector.broadcast %div3A_1889 : f32 to vector<1x192xf32>
    %div3A_1891 = arith.divf %div3A_1890, %add3A_1888 : vector<1x192xf32>
    %mul3A_1892 = arith.mulf %exp3A_1884, %div3A_1891 : vector<1x192xf32>
    %mul3A_1893 = arith.mulf %exp3A_1885, %div3A_1891 : vector<1x192xf32>
    %mul3A_1894 = arith.mulf %exp3A_1886, %div3A_1891 : vector<1x192xf32>
    %mul3A_1895 = arith.mulf %mul3A_1892, %sub3A_1881 : vector<1x192xf32>
    %mul3A_1896 = arith.mulf %mul3A_1893, %sub3A_1882 : vector<1x192xf32>
    %add3A_1897 = arith.addf %mul3A_1895, %mul3A_1896 : vector<1x192xf32>
    %mul3A_1898 = arith.mulf %mul3A_1894, %sub3A_1883 : vector<1x192xf32>
    %add3A_1899 = arith.addf %add3A_1897, %mul3A_1898 : vector<1x192xf32>
    %log3A_1900 = math.log %add3A_1888 : vector<1x192xf32>
    %sub3A_1901 = arith.subf %add3A_1899, %log3A_1900 : vector<1x192xf32>
    %add3A_1902 = arith.addf %add3A_1752, %sub3A_1901 : vector<1x192xf32>
    %gt3A_1903 = arith.cmpf ogt, %mul3A_1893, %mul3A_1892 : vector<1x192xf32>
    %gt3A_1904 = arith.cmpf ogt, %mul3A_1894, %mul3A_1892 : vector<1x192xf32>
    %ge3A_1905 = arith.cmpf oge, %mul3A_1892, %mul3A_1893 : vector<1x192xf32>
    %gt3A_1906 = arith.cmpf ogt, %mul3A_1894, %mul3A_1893 : vector<1x192xf32>
    %ge3A_1907 = arith.cmpf oge, %mul3A_1892, %mul3A_1894 : vector<1x192xf32>
    %ge3A_1908 = arith.cmpf oge, %mul3A_1893, %mul3A_1894 : vector<1x192xf32>
    %max3A_1909 = arith.maximumf %mul3A_1892, %mul3A_1893 : vector<1x192xf32>
    %max3A_1910 = arith.maximumf %max3A_1909, %mul3A_1894 : vector<1x192xf32>
    %min3A_1911 = arith.minimumf %mul3A_1892, %mul3A_1893 : vector<1x192xf32>
    %min3A_1912 = arith.minimumf %min3A_1911, %mul3A_1894 : vector<1x192xf32>
    %add3A_1913 = arith.addf %mul3A_1892, %mul3A_1893 : vector<1x192xf32>
    %add3A_1914 = arith.addf %add3A_1913, %mul3A_1894 : vector<1x192xf32>
    %sub3A_1915 = arith.subf %add3A_1914, %max3A_1910 : vector<1x192xf32>
    %sub3A_1916 = arith.subf %sub3A_1915, %min3A_1912 : vector<1x192xf32>
    %le3A_1917 = arith.constant 5.000000e-01 : f32
    %le3A_1918 = vector.broadcast %le3A_1917 : f32 to vector<1x192xf32>
    %le3A_1919 = arith.cmpf ole, %max3A_1910, %le3A_1918 : vector<1x192xf32>
    %add3A_1920 = arith.addf %add3A_1770, %max3A_1910 : vector<1x192xf32>
    %select_n3A_1921 = arith.select %le3A_1919, %sub3A_1916, %broadcast_in_dim3A_8 : vector<1x192xi1>, vector<1x192xf32>
    %add3A_1922 = arith.addf %add3A_1772, %select_n3A_1921 : vector<1x192xf32>
    %and3A_1923 = arith.andi %gt3A_1903, %ge3A_1908 : vector<1x192xi1>
    %select_n3A_1924 = arith.select %and3A_1923, %broadcast_in_dim3A_10, %broadcast_in_dim3A_8 : vector<1x192xi1>, vector<1x192xf32>
    %and3A_1925 = arith.andi %gt3A_1904, %gt3A_1906 : vector<1x192xi1>
    %select_n3A_1926 = arith.select %and3A_1925, %mul3A_12, %broadcast_in_dim3A_8 : vector<1x192xi1>, vector<1x192xf32>
    %add3A_1927 = arith.addf %select_n3A_1924, %select_n3A_1926 : vector<1x192xf32>
    %and3A_1928 = arith.andi %ge3A_1905, %gt3A_1906 : vector<1x192xi1>
    %select_n3A_1929 = arith.select %and3A_1928, %broadcast_in_dim3A_10, %broadcast_in_dim3A_8 : vector<1x192xi1>, vector<1x192xf32>
    %and3A_1930 = arith.andi %ge3A_1907, %ge3A_1908 : vector<1x192xi1>
    %select_n3A_1931 = arith.select %and3A_1930, %mul3A_12, %broadcast_in_dim3A_8 : vector<1x192xi1>, vector<1x192xf32>
    %add3A_1932 = arith.addf %select_n3A_1929, %select_n3A_1931 : vector<1x192xf32>
    %sub3A_1933 = arith.constant 5.000000e+00 : f32
    %sub3A_1934 = vector.broadcast %sub3A_1933 : f32 to vector<1x192xf32>
    %sub3A_1935 = arith.subf %sub3A_1934, %add3A_1932 : vector<1x192xf32>
    %select_n3A_1936 = arith.select %le3A_1919, %sub3A_1935, %add3A_1927 : vector<1x192xi1>, vector<1x192xf32>
    %convert_element_type3A_1937 = arith.fptosi %select_n3A_1936 : vector<1x192xf32> to vector<1x192xi32>
    %swap3A_1938 = arith.constant 12 : index
    %swap3A_1939 = arith.constant 0 : index
    %swap3A_1940 = vector.load %arg4[%swap3A_1938, %swap3A_1939] : memref<16x192xi32, #tpu.memory_space<vmem>>, vector<1x192xi32>
    tpu.vector_store %arg4[%swap3A_1938, %swap3A_1939], %convert_element_type3A_1937 {strides = array<i32>} : memref<16x192xi32, #tpu.memory_space<vmem>>, vector<1x192xi32>,
    %get3A_1941 = arith.constant 13 : index
    %get3A_1942 = arith.constant 0 : index
    %get3A_1943 = arith.constant 0 : index
    %get3A_1944 = vector.load %arg1[%get3A_1941, %get3A_1942, %get3A_1943] : memref<16x192x192xf32, #tpu.memory_space<vmem>>, vector<1x192x192xf32>
    %get3A_1945 = vector.shape_cast %get3A_1944 : vector<1x192x192xf32> to vector<192x192xf32>
    %get3A_1946 = arith.constant 0 : index
    %get3A_1947 = arith.constant 0 : index
    %get3A_1948 = vector.load %arg3[%get3A_1946, %get3A_1947] : memref<192x8xf32, #tpu.memory_space<vmem>>, vector<192x8xf32>
    %dot_general3A_1949 = arith.constant dense<0.000000e+00> : vector<192x8xf32>
    %dot_general3A_1950 = tpu.matmul %get3A_1945, %get3A_1948, %dot_general3A_1949 {dimension_numbers = #tpu.dot_dimension_numbers<[1], [0], [0], [1], [0, 0, 1, 1], [], []>, transpose_lhs_hint = false} : vector<192x192xf32>, vector<192x8xf32>, vector<192x8xf32> -> vector<192x8xf32>
    %transpose3A_1951 = tpu.transpose %dot_general3A_1950, [1, 0] : vector<192x8xf32> -> vector<8x192xf32>
    %get3A_1952 = arith.constant 13 : index
    %get3A_1953 = arith.constant 0 : index
    %get3A_1954 = arith.constant 0 : index
    %get3A_1955 = vector.load %arg2[%get3A_1952, %get3A_1953, %get3A_1954] : memref<16x3x192xf32, #tpu.memory_space<vmem>>, vector<1x3x192xf32>
    %get3A_1956 = vector.shape_cast %get3A_1955 : vector<1x3x192xf32> to vector<3x192xf32>
    %slice3A_1957 = vector.extract_strided_slice %transpose3A_1951 {offsets = [0, 0], sizes = [1, 192], strides = [1, 1]} : vector<8x192xf32> to vector<1x192xf32>
    %slice3A_1958 = vector.extract_strided_slice %get3A_1956 {offsets = [0, 0], sizes = [1, 192], strides = [1, 1]} : vector<3x192xf32> to vector<1x192xf32>
    %slice3A_1959 = vector.extract_strided_slice %transpose3A_1951 {offsets = [3, 0], sizes = [1, 192], strides = [1, 1]} : vector<8x192xf32> to vector<1x192xf32>
    %custom_jvp_call3A_1960 = arith.constant 0.000000e+00 : f32
    %max3A_1961 = vector.broadcast %custom_jvp_call3A_1960 : f32 to vector<1x192xf32>
    %max3A_1962 = arith.maximumf %slice3A_1959, %max3A_1961 : vector<1x192xf32>
    %sub3A_1963 = vector.broadcast %custom_jvp_call3A_1960 : f32 to vector<1x192xf32>
    %sub3A_1964 = arith.subf %slice3A_1959, %sub3A_1963 : vector<1x192xf32>
    %ne3A_1965 = arith.cmpf one, %sub3A_1964, %sub3A_1964 : vector<1x192xf32>
    %add3A_1966 = vector.broadcast %custom_jvp_call3A_1960 : f32 to vector<1x192xf32>
    %add3A_1967 = arith.addf %slice3A_1959, %add3A_1966 : vector<1x192xf32>
    %abs3A_1968 = math.absf %sub3A_1964 : vector<1x192xf32>
    %neg3A_1969 = arith.constant 0.000000e+00 : f32
    %neg3A_1970 = vector.broadcast %neg3A_1969 : f32 to vector<1x192xf32>
    %neg3A_1971 = arith.subf %neg3A_1970, %abs3A_1968 : vector<1x192xf32>
    %exp3A_1972 = math.exp %neg3A_1971 : vector<1x192xf32>
    %log1p3A_1973 = math.log1p %exp3A_1972 : vector<1x192xf32>
    %add3A_1974 = arith.addf %max3A_1962, %log1p3A_1973 : vector<1x192xf32>
    %select_n3A_1975 = arith.select %ne3A_1965, %add3A_1967, %add3A_1974 : vector<1x192xi1>, vector<1x192xf32>
    %add3A_1976 = arith.constant 0.00999999977 : f32
    %add3A_1977 = vector.broadcast %add3A_1976 : f32 to vector<1x192xf32>
    %add3A_1978 = arith.addf %select_n3A_1975, %add3A_1977 : vector<1x192xf32>
    %mul3A_1979 = arith.mulf %slice3A_1958, %add3A_1978 : vector<1x192xf32>
    %add3A_1980 = arith.addf %slice3A_1957, %mul3A_1979 : vector<1x192xf32>
    %slice3A_1981 = vector.extract_strided_slice %transpose3A_1951 {offsets = [1, 0], sizes = [1, 192], strides = [1, 1]} : vector<8x192xf32> to vector<1x192xf32>
    %slice3A_1982 = vector.extract_strided_slice %get3A_1956 {offsets = [1, 0], sizes = [1, 192], strides = [1, 1]} : vector<3x192xf32> to vector<1x192xf32>
    %slice3A_1983 = vector.extract_strided_slice %transpose3A_1951 {offsets = [4, 0], sizes = [1, 192], strides = [1, 1]} : vector<8x192xf32> to vector<1x192xf32>
    %custom_jvp_call3A_1984 = arith.constant 0.000000e+00 : f32
    %max3A_1985 = vector.broadcast %custom_jvp_call3A_1984 : f32 to vector<1x192xf32>
    %max3A_1986 = arith.maximumf %slice3A_1983, %max3A_1985 : vector<1x192xf32>
    %sub3A_1987 = vector.broadcast %custom_jvp_call3A_1984 : f32 to vector<1x192xf32>
    %sub3A_1988 = arith.subf %slice3A_1983, %sub3A_1987 : vector<1x192xf32>
    %ne3A_1989 = arith.cmpf one, %sub3A_1988, %sub3A_1988 : vector<1x192xf32>
    %add3A_1990 = vector.broadcast %custom_jvp_call3A_1984 : f32 to vector<1x192xf32>
    %add3A_1991 = arith.addf %slice3A_1983, %add3A_1990 : vector<1x192xf32>
    %abs3A_1992 = math.absf %sub3A_1988 : vector<1x192xf32>
    %neg3A_1993 = arith.constant 0.000000e+00 : f32
    %neg3A_1994 = vector.broadcast %neg3A_1993 : f32 to vector<1x192xf32>
    %neg3A_1995 = arith.subf %neg3A_1994, %abs3A_1992 : vector<1x192xf32>
    %exp3A_1996 = math.exp %neg3A_1995 : vector<1x192xf32>
    %log1p3A_1997 = math.log1p %exp3A_1996 : vector<1x192xf32>
    %add3A_1998 = arith.addf %max3A_1986, %log1p3A_1997 : vector<1x192xf32>
    %select_n3A_1999 = arith.select %ne3A_1989, %add3A_1991, %add3A_1998 : vector<1x192xi1>, vector<1x192xf32>
    %add3A_2000 = arith.constant 0.00999999977 : f32
    %add3A_2001 = vector.broadcast %add3A_2000 : f32 to vector<1x192xf32>
    %add3A_2002 = arith.addf %select_n3A_1999, %add3A_2001 : vector<1x192xf32>
    %mul3A_2003 = arith.mulf %slice3A_1982, %add3A_2002 : vector<1x192xf32>
    %add3A_2004 = arith.addf %slice3A_1981, %mul3A_2003 : vector<1x192xf32>
    %slice3A_2005 = vector.extract_strided_slice %transpose3A_1951 {offsets = [2, 0], sizes = [1, 192], strides = [1, 1]} : vector<8x192xf32> to vector<1x192xf32>
    %slice3A_2006 = vector.extract_strided_slice %get3A_1956 {offsets = [2, 0], sizes = [1, 192], strides = [1, 1]} : vector<3x192xf32> to vector<1x192xf32>
    %slice3A_2007 = vector.extract_strided_slice %transpose3A_1951 {offsets = [5, 0], sizes = [1, 192], strides = [1, 1]} : vector<8x192xf32> to vector<1x192xf32>
    %custom_jvp_call3A_2008 = arith.constant 0.000000e+00 : f32
    %max3A_2009 = vector.broadcast %custom_jvp_call3A_2008 : f32 to vector<1x192xf32>
    %max3A_2010 = arith.maximumf %slice3A_2007, %max3A_2009 : vector<1x192xf32>
    %sub3A_2011 = vector.broadcast %custom_jvp_call3A_2008 : f32 to vector<1x192xf32>
    %sub3A_2012 = arith.subf %slice3A_2007, %sub3A_2011 : vector<1x192xf32>
    %ne3A_2013 = arith.cmpf one, %sub3A_2012, %sub3A_2012 : vector<1x192xf32>
    %add3A_2014 = vector.broadcast %custom_jvp_call3A_2008 : f32 to vector<1x192xf32>
    %add3A_2015 = arith.addf %slice3A_2007, %add3A_2014 : vector<1x192xf32>
    %abs3A_2016 = math.absf %sub3A_2012 : vector<1x192xf32>
    %neg3A_2017 = arith.constant 0.000000e+00 : f32
    %neg3A_2018 = vector.broadcast %neg3A_2017 : f32 to vector<1x192xf32>
    %neg3A_2019 = arith.subf %neg3A_2018, %abs3A_2016 : vector<1x192xf32>
    %exp3A_2020 = math.exp %neg3A_2019 : vector<1x192xf32>
    %log1p3A_2021 = math.log1p %exp3A_2020 : vector<1x192xf32>
    %add3A_2022 = arith.addf %max3A_2010, %log1p3A_2021 : vector<1x192xf32>
    %select_n3A_2023 = arith.select %ne3A_2013, %add3A_2015, %add3A_2022 : vector<1x192xi1>, vector<1x192xf32>
    %add3A_2024 = arith.constant 0.00999999977 : f32
    %add3A_2025 = vector.broadcast %add3A_2024 : f32 to vector<1x192xf32>
    %add3A_2026 = arith.addf %select_n3A_2023, %add3A_2025 : vector<1x192xf32>
    %mul3A_2027 = arith.mulf %slice3A_2006, %add3A_2026 : vector<1x192xf32>
    %add3A_2028 = arith.addf %slice3A_2005, %mul3A_2027 : vector<1x192xf32>
    %max3A_2029 = arith.maximumf %add3A_1980, %add3A_2004 : vector<1x192xf32>
    %max3A_2030 = arith.maximumf %max3A_2029, %add3A_2028 : vector<1x192xf32>
    %sub3A_2031 = arith.subf %add3A_1980, %max3A_2030 : vector<1x192xf32>
    %sub3A_2032 = arith.subf %add3A_2004, %max3A_2030 : vector<1x192xf32>
    %sub3A_2033 = arith.subf %add3A_2028, %max3A_2030 : vector<1x192xf32>
    %exp3A_2034 = math.exp %sub3A_2031 : vector<1x192xf32>
    %exp3A_2035 = math.exp %sub3A_2032 : vector<1x192xf32>
    %exp3A_2036 = math.exp %sub3A_2033 : vector<1x192xf32>
    %add3A_2037 = arith.addf %exp3A_2034, %exp3A_2035 : vector<1x192xf32>
    %add3A_2038 = arith.addf %add3A_2037, %exp3A_2036 : vector<1x192xf32>
    %div3A_2039 = arith.constant 1.000000e+00 : f32
    %div3A_2040 = vector.broadcast %div3A_2039 : f32 to vector<1x192xf32>
    %div3A_2041 = arith.divf %div3A_2040, %add3A_2038 : vector<1x192xf32>
    %mul3A_2042 = arith.mulf %exp3A_2034, %div3A_2041 : vector<1x192xf32>
    %mul3A_2043 = arith.mulf %exp3A_2035, %div3A_2041 : vector<1x192xf32>
    %mul3A_2044 = arith.mulf %exp3A_2036, %div3A_2041 : vector<1x192xf32>
    %mul3A_2045 = arith.mulf %mul3A_2042, %sub3A_2031 : vector<1x192xf32>
    %mul3A_2046 = arith.mulf %mul3A_2043, %sub3A_2032 : vector<1x192xf32>
    %add3A_2047 = arith.addf %mul3A_2045, %mul3A_2046 : vector<1x192xf32>
    %mul3A_2048 = arith.mulf %mul3A_2044, %sub3A_2033 : vector<1x192xf32>
    %add3A_2049 = arith.addf %add3A_2047, %mul3A_2048 : vector<1x192xf32>
    %log3A_2050 = math.log %add3A_2038 : vector<1x192xf32>
    %sub3A_2051 = arith.subf %add3A_2049, %log3A_2050 : vector<1x192xf32>
    %add3A_2052 = arith.addf %add3A_1902, %sub3A_2051 : vector<1x192xf32>
    %gt3A_2053 = arith.cmpf ogt, %mul3A_2043, %mul3A_2042 : vector<1x192xf32>
    %gt3A_2054 = arith.cmpf ogt, %mul3A_2044, %mul3A_2042 : vector<1x192xf32>
    %ge3A_2055 = arith.cmpf oge, %mul3A_2042, %mul3A_2043 : vector<1x192xf32>
    %gt3A_2056 = arith.cmpf ogt, %mul3A_2044, %mul3A_2043 : vector<1x192xf32>
    %ge3A_2057 = arith.cmpf oge, %mul3A_2042, %mul3A_2044 : vector<1x192xf32>
    %ge3A_2058 = arith.cmpf oge, %mul3A_2043, %mul3A_2044 : vector<1x192xf32>
    %max3A_2059 = arith.maximumf %mul3A_2042, %mul3A_2043 : vector<1x192xf32>
    %max3A_2060 = arith.maximumf %max3A_2059, %mul3A_2044 : vector<1x192xf32>
    %min3A_2061 = arith.minimumf %mul3A_2042, %mul3A_2043 : vector<1x192xf32>
    %min3A_2062 = arith.minimumf %min3A_2061, %mul3A_2044 : vector<1x192xf32>
    %add3A_2063 = arith.addf %mul3A_2042, %mul3A_2043 : vector<1x192xf32>
    %add3A_2064 = arith.addf %add3A_2063, %mul3A_2044 : vector<1x192xf32>
    %sub3A_2065 = arith.subf %add3A_2064, %max3A_2060 : vector<1x192xf32>
    %sub3A_2066 = arith.subf %sub3A_2065, %min3A_2062 : vector<1x192xf32>
    %le3A_2067 = arith.constant 5.000000e-01 : f32
    %le3A_2068 = vector.broadcast %le3A_2067 : f32 to vector<1x192xf32>
    %le3A_2069 = arith.cmpf ole, %max3A_2060, %le3A_2068 : vector<1x192xf32>
    %add3A_2070 = arith.addf %add3A_1920, %max3A_2060 : vector<1x192xf32>
    %select_n3A_2071 = arith.select %le3A_2069, %sub3A_2066, %broadcast_in_dim3A_8 : vector<1x192xi1>, vector<1x192xf32>
    %add3A_2072 = arith.addf %add3A_1922, %select_n3A_2071 : vector<1x192xf32>
    %and3A_2073 = arith.andi %gt3A_2053, %ge3A_2058 : vector<1x192xi1>
    %select_n3A_2074 = arith.select %and3A_2073, %broadcast_in_dim3A_10, %broadcast_in_dim3A_8 : vector<1x192xi1>, vector<1x192xf32>
    %and3A_2075 = arith.andi %gt3A_2054, %gt3A_2056 : vector<1x192xi1>
    %select_n3A_2076 = arith.select %and3A_2075, %mul3A_12, %broadcast_in_dim3A_8 : vector<1x192xi1>, vector<1x192xf32>
    %add3A_2077 = arith.addf %select_n3A_2074, %select_n3A_2076 : vector<1x192xf32>
    %and3A_2078 = arith.andi %ge3A_2055, %gt3A_2056 : vector<1x192xi1>
    %select_n3A_2079 = arith.select %and3A_2078, %broadcast_in_dim3A_10, %broadcast_in_dim3A_8 : vector<1x192xi1>, vector<1x192xf32>
    %and3A_2080 = arith.andi %ge3A_2057, %ge3A_2058 : vector<1x192xi1>
    %select_n3A_2081 = arith.select %and3A_2080, %mul3A_12, %broadcast_in_dim3A_8 : vector<1x192xi1>, vector<1x192xf32>
    %add3A_2082 = arith.addf %select_n3A_2079, %select_n3A_2081 : vector<1x192xf32>
    %sub3A_2083 = arith.constant 5.000000e+00 : f32
    %sub3A_2084 = vector.broadcast %sub3A_2083 : f32 to vector<1x192xf32>
    %sub3A_2085 = arith.subf %sub3A_2084, %add3A_2082 : vector<1x192xf32>
    %select_n3A_2086 = arith.select %le3A_2069, %sub3A_2085, %add3A_2077 : vector<1x192xi1>, vector<1x192xf32>
    %convert_element_type3A_2087 = arith.fptosi %select_n3A_2086 : vector<1x192xf32> to vector<1x192xi32>
    %swap3A_2088 = arith.constant 13 : index
    %swap3A_2089 = arith.constant 0 : index
    %swap3A_2090 = vector.load %arg4[%swap3A_2088, %swap3A_2089] : memref<16x192xi32, #tpu.memory_space<vmem>>, vector<1x192xi32>
    tpu.vector_store %arg4[%swap3A_2088, %swap3A_2089], %convert_element_type3A_2087 {strides = array<i32>} : memref<16x192xi32, #tpu.memory_space<vmem>>, vector<1x192xi32>,
    %get3A_2091 = arith.constant 14 : index
    %get3A_2092 = arith.constant 0 : index
    %get3A_2093 = arith.constant 0 : index
    %get3A_2094 = vector.load %arg1[%get3A_2091, %get3A_2092, %get3A_2093] : memref<16x192x192xf32, #tpu.memory_space<vmem>>, vector<1x192x192xf32>
    %get3A_2095 = vector.shape_cast %get3A_2094 : vector<1x192x192xf32> to vector<192x192xf32>
    %get3A_2096 = arith.constant 0 : index
    %get3A_2097 = arith.constant 0 : index
    %get3A_2098 = vector.load %arg3[%get3A_2096, %get3A_2097] : memref<192x8xf32, #tpu.memory_space<vmem>>, vector<192x8xf32>
    %dot_general3A_2099 = arith.constant dense<0.000000e+00> : vector<192x8xf32>
    %dot_general3A_2100 = tpu.matmul %get3A_2095, %get3A_2098, %dot_general3A_2099 {dimension_numbers = #tpu.dot_dimension_numbers<[1], [0], [0], [1], [0, 0, 1, 1], [], []>, transpose_lhs_hint = false} : vector<192x192xf32>, vector<192x8xf32>, vector<192x8xf32> -> vector<192x8xf32>
    %transpose3A_2101 = tpu.transpose %dot_general3A_2100, [1, 0] : vector<192x8xf32> -> vector<8x192xf32>
    %get3A_2102 = arith.constant 14 : index
    %get3A_2103 = arith.constant 0 : index
    %get3A_2104 = arith.constant 0 : index
    %get3A_2105 = vector.load %arg2[%get3A_2102, %get3A_2103, %get3A_2104] : memref<16x3x192xf32, #tpu.memory_space<vmem>>, vector<1x3x192xf32>
    %get3A_2106 = vector.shape_cast %get3A_2105 : vector<1x3x192xf32> to vector<3x192xf32>
    %slice3A_2107 = vector.extract_strided_slice %transpose3A_2101 {offsets = [0, 0], sizes = [1, 192], strides = [1, 1]} : vector<8x192xf32> to vector<1x192xf32>
    %slice3A_2108 = vector.extract_strided_slice %get3A_2106 {offsets = [0, 0], sizes = [1, 192], strides = [1, 1]} : vector<3x192xf32> to vector<1x192xf32>
    %slice3A_2109 = vector.extract_strided_slice %transpose3A_2101 {offsets = [3, 0], sizes = [1, 192], strides = [1, 1]} : vector<8x192xf32> to vector<1x192xf32>
    %custom_jvp_call3A_2110 = arith.constant 0.000000e+00 : f32
    %max3A_2111 = vector.broadcast %custom_jvp_call3A_2110 : f32 to vector<1x192xf32>
    %max3A_2112 = arith.maximumf %slice3A_2109, %max3A_2111 : vector<1x192xf32>
    %sub3A_2113 = vector.broadcast %custom_jvp_call3A_2110 : f32 to vector<1x192xf32>
    %sub3A_2114 = arith.subf %slice3A_2109, %sub3A_2113 : vector<1x192xf32>
    %ne3A_2115 = arith.cmpf one, %sub3A_2114, %sub3A_2114 : vector<1x192xf32>
    %add3A_2116 = vector.broadcast %custom_jvp_call3A_2110 : f32 to vector<1x192xf32>
    %add3A_2117 = arith.addf %slice3A_2109, %add3A_2116 : vector<1x192xf32>
    %abs3A_2118 = math.absf %sub3A_2114 : vector<1x192xf32>
    %neg3A_2119 = arith.constant 0.000000e+00 : f32
    %neg3A_2120 = vector.broadcast %neg3A_2119 : f32 to vector<1x192xf32>
    %neg3A_2121 = arith.subf %neg3A_2120, %abs3A_2118 : vector<1x192xf32>
    %exp3A_2122 = math.exp %neg3A_2121 : vector<1x192xf32>
    %log1p3A_2123 = math.log1p %exp3A_2122 : vector<1x192xf32>
    %add3A_2124 = arith.addf %max3A_2112, %log1p3A_2123 : vector<1x192xf32>
    %select_n3A_2125 = arith.select %ne3A_2115, %add3A_2117, %add3A_2124 : vector<1x192xi1>, vector<1x192xf32>
    %add3A_2126 = arith.constant 0.00999999977 : f32
    %add3A_2127 = vector.broadcast %add3A_2126 : f32 to vector<1x192xf32>
    %add3A_2128 = arith.addf %select_n3A_2125, %add3A_2127 : vector<1x192xf32>
    %mul3A_2129 = arith.mulf %slice3A_2108, %add3A_2128 : vector<1x192xf32>
    %add3A_2130 = arith.addf %slice3A_2107, %mul3A_2129 : vector<1x192xf32>
    %slice3A_2131 = vector.extract_strided_slice %transpose3A_2101 {offsets = [1, 0], sizes = [1, 192], strides = [1, 1]} : vector<8x192xf32> to vector<1x192xf32>
    %slice3A_2132 = vector.extract_strided_slice %get3A_2106 {offsets = [1, 0], sizes = [1, 192], strides = [1, 1]} : vector<3x192xf32> to vector<1x192xf32>
    %slice3A_2133 = vector.extract_strided_slice %transpose3A_2101 {offsets = [4, 0], sizes = [1, 192], strides = [1, 1]} : vector<8x192xf32> to vector<1x192xf32>
    %custom_jvp_call3A_2134 = arith.constant 0.000000e+00 : f32
    %max3A_2135 = vector.broadcast %custom_jvp_call3A_2134 : f32 to vector<1x192xf32>
    %max3A_2136 = arith.maximumf %slice3A_2133, %max3A_2135 : vector<1x192xf32>
    %sub3A_2137 = vector.broadcast %custom_jvp_call3A_2134 : f32 to vector<1x192xf32>
    %sub3A_2138 = arith.subf %slice3A_2133, %sub3A_2137 : vector<1x192xf32>
    %ne3A_2139 = arith.cmpf one, %sub3A_2138, %sub3A_2138 : vector<1x192xf32>
    %add3A_2140 = vector.broadcast %custom_jvp_call3A_2134 : f32 to vector<1x192xf32>
    %add3A_2141 = arith.addf %slice3A_2133, %add3A_2140 : vector<1x192xf32>
    %abs3A_2142 = math.absf %sub3A_2138 : vector<1x192xf32>
    %neg3A_2143 = arith.constant 0.000000e+00 : f32
    %neg3A_2144 = vector.broadcast %neg3A_2143 : f32 to vector<1x192xf32>
    %neg3A_2145 = arith.subf %neg3A_2144, %abs3A_2142 : vector<1x192xf32>
    %exp3A_2146 = math.exp %neg3A_2145 : vector<1x192xf32>
    %log1p3A_2147 = math.log1p %exp3A_2146 : vector<1x192xf32>
    %add3A_2148 = arith.addf %max3A_2136, %log1p3A_2147 : vector<1x192xf32>
    %select_n3A_2149 = arith.select %ne3A_2139, %add3A_2141, %add3A_2148 : vector<1x192xi1>, vector<1x192xf32>
    %add3A_2150 = arith.constant 0.00999999977 : f32
    %add3A_2151 = vector.broadcast %add3A_2150 : f32 to vector<1x192xf32>
    %add3A_2152 = arith.addf %select_n3A_2149, %add3A_2151 : vector<1x192xf32>
    %mul3A_2153 = arith.mulf %slice3A_2132, %add3A_2152 : vector<1x192xf32>
    %add3A_2154 = arith.addf %slice3A_2131, %mul3A_2153 : vector<1x192xf32>
    %slice3A_2155 = vector.extract_strided_slice %transpose3A_2101 {offsets = [2, 0], sizes = [1, 192], strides = [1, 1]} : vector<8x192xf32> to vector<1x192xf32>
    %slice3A_2156 = vector.extract_strided_slice %get3A_2106 {offsets = [2, 0], sizes = [1, 192], strides = [1, 1]} : vector<3x192xf32> to vector<1x192xf32>
    %slice3A_2157 = vector.extract_strided_slice %transpose3A_2101 {offsets = [5, 0], sizes = [1, 192], strides = [1, 1]} : vector<8x192xf32> to vector<1x192xf32>
    %custom_jvp_call3A_2158 = arith.constant 0.000000e+00 : f32
    %max3A_2159 = vector.broadcast %custom_jvp_call3A_2158 : f32 to vector<1x192xf32>
    %max3A_2160 = arith.maximumf %slice3A_2157, %max3A_2159 : vector<1x192xf32>
    %sub3A_2161 = vector.broadcast %custom_jvp_call3A_2158 : f32 to vector<1x192xf32>
    %sub3A_2162 = arith.subf %slice3A_2157, %sub3A_2161 : vector<1x192xf32>
    %ne3A_2163 = arith.cmpf one, %sub3A_2162, %sub3A_2162 : vector<1x192xf32>
    %add3A_2164 = vector.broadcast %custom_jvp_call3A_2158 : f32 to vector<1x192xf32>
    %add3A_2165 = arith.addf %slice3A_2157, %add3A_2164 : vector<1x192xf32>
    %abs3A_2166 = math.absf %sub3A_2162 : vector<1x192xf32>
    %neg3A_2167 = arith.constant 0.000000e+00 : f32
    %neg3A_2168 = vector.broadcast %neg3A_2167 : f32 to vector<1x192xf32>
    %neg3A_2169 = arith.subf %neg3A_2168, %abs3A_2166 : vector<1x192xf32>
    %exp3A_2170 = math.exp %neg3A_2169 : vector<1x192xf32>
    %log1p3A_2171 = math.log1p %exp3A_2170 : vector<1x192xf32>
    %add3A_2172 = arith.addf %max3A_2160, %log1p3A_2171 : vector<1x192xf32>
    %select_n3A_2173 = arith.select %ne3A_2163, %add3A_2165, %add3A_2172 : vector<1x192xi1>, vector<1x192xf32>
    %add3A_2174 = arith.constant 0.00999999977 : f32
    %add3A_2175 = vector.broadcast %add3A_2174 : f32 to vector<1x192xf32>
    %add3A_2176 = arith.addf %select_n3A_2173, %add3A_2175 : vector<1x192xf32>
    %mul3A_2177 = arith.mulf %slice3A_2156, %add3A_2176 : vector<1x192xf32>
    %add3A_2178 = arith.addf %slice3A_2155, %mul3A_2177 : vector<1x192xf32>
    %max3A_2179 = arith.maximumf %add3A_2130, %add3A_2154 : vector<1x192xf32>
    %max3A_2180 = arith.maximumf %max3A_2179, %add3A_2178 : vector<1x192xf32>
    %sub3A_2181 = arith.subf %add3A_2130, %max3A_2180 : vector<1x192xf32>
    %sub3A_2182 = arith.subf %add3A_2154, %max3A_2180 : vector<1x192xf32>
    %sub3A_2183 = arith.subf %add3A_2178, %max3A_2180 : vector<1x192xf32>
    %exp3A_2184 = math.exp %sub3A_2181 : vector<1x192xf32>
    %exp3A_2185 = math.exp %sub3A_2182 : vector<1x192xf32>
    %exp3A_2186 = math.exp %sub3A_2183 : vector<1x192xf32>
    %add3A_2187 = arith.addf %exp3A_2184, %exp3A_2185 : vector<1x192xf32>
    %add3A_2188 = arith.addf %add3A_2187, %exp3A_2186 : vector<1x192xf32>
    %div3A_2189 = arith.constant 1.000000e+00 : f32
    %div3A_2190 = vector.broadcast %div3A_2189 : f32 to vector<1x192xf32>
    %div3A_2191 = arith.divf %div3A_2190, %add3A_2188 : vector<1x192xf32>
    %mul3A_2192 = arith.mulf %exp3A_2184, %div3A_2191 : vector<1x192xf32>
    %mul3A_2193 = arith.mulf %exp3A_2185, %div3A_2191 : vector<1x192xf32>
    %mul3A_2194 = arith.mulf %exp3A_2186, %div3A_2191 : vector<1x192xf32>
    %mul3A_2195 = arith.mulf %mul3A_2192, %sub3A_2181 : vector<1x192xf32>
    %mul3A_2196 = arith.mulf %mul3A_2193, %sub3A_2182 : vector<1x192xf32>
    %add3A_2197 = arith.addf %mul3A_2195, %mul3A_2196 : vector<1x192xf32>
    %mul3A_2198 = arith.mulf %mul3A_2194, %sub3A_2183 : vector<1x192xf32>
    %add3A_2199 = arith.addf %add3A_2197, %mul3A_2198 : vector<1x192xf32>
    %log3A_2200 = math.log %add3A_2188 : vector<1x192xf32>
    %sub3A_2201 = arith.subf %add3A_2199, %log3A_2200 : vector<1x192xf32>
    %add3A_2202 = arith.addf %add3A_2052, %sub3A_2201 : vector<1x192xf32>
    %gt3A_2203 = arith.cmpf ogt, %mul3A_2193, %mul3A_2192 : vector<1x192xf32>
    %gt3A_2204 = arith.cmpf ogt, %mul3A_2194, %mul3A_2192 : vector<1x192xf32>
    %ge3A_2205 = arith.cmpf oge, %mul3A_2192, %mul3A_2193 : vector<1x192xf32>
    %gt3A_2206 = arith.cmpf ogt, %mul3A_2194, %mul3A_2193 : vector<1x192xf32>
    %ge3A_2207 = arith.cmpf oge, %mul3A_2192, %mul3A_2194 : vector<1x192xf32>
    %ge3A_2208 = arith.cmpf oge, %mul3A_2193, %mul3A_2194 : vector<1x192xf32>
    %max3A_2209 = arith.maximumf %mul3A_2192, %mul3A_2193 : vector<1x192xf32>
    %max3A_2210 = arith.maximumf %max3A_2209, %mul3A_2194 : vector<1x192xf32>
    %min3A_2211 = arith.minimumf %mul3A_2192, %mul3A_2193 : vector<1x192xf32>
    %min3A_2212 = arith.minimumf %min3A_2211, %mul3A_2194 : vector<1x192xf32>
    %add3A_2213 = arith.addf %mul3A_2192, %mul3A_2193 : vector<1x192xf32>
    %add3A_2214 = arith.addf %add3A_2213, %mul3A_2194 : vector<1x192xf32>
    %sub3A_2215 = arith.subf %add3A_2214, %max3A_2210 : vector<1x192xf32>
    %sub3A_2216 = arith.subf %sub3A_2215, %min3A_2212 : vector<1x192xf32>
    %le3A_2217 = arith.constant 5.000000e-01 : f32
    %le3A_2218 = vector.broadcast %le3A_2217 : f32 to vector<1x192xf32>
    %le3A_2219 = arith.cmpf ole, %max3A_2210, %le3A_2218 : vector<1x192xf32>
    %add3A_2220 = arith.addf %add3A_2070, %max3A_2210 : vector<1x192xf32>
    %select_n3A_2221 = arith.select %le3A_2219, %sub3A_2216, %broadcast_in_dim3A_8 : vector<1x192xi1>, vector<1x192xf32>
    %add3A_2222 = arith.addf %add3A_2072, %select_n3A_2221 : vector<1x192xf32>
    %and3A_2223 = arith.andi %gt3A_2203, %ge3A_2208 : vector<1x192xi1>
    %select_n3A_2224 = arith.select %and3A_2223, %broadcast_in_dim3A_10, %broadcast_in_dim3A_8 : vector<1x192xi1>, vector<1x192xf32>
    %and3A_2225 = arith.andi %gt3A_2204, %gt3A_2206 : vector<1x192xi1>
    %select_n3A_2226 = arith.select %and3A_2225, %mul3A_12, %broadcast_in_dim3A_8 : vector<1x192xi1>, vector<1x192xf32>
    %add3A_2227 = arith.addf %select_n3A_2224, %select_n3A_2226 : vector<1x192xf32>
    %and3A_2228 = arith.andi %ge3A_2205, %gt3A_2206 : vector<1x192xi1>
    %select_n3A_2229 = arith.select %and3A_2228, %broadcast_in_dim3A_10, %broadcast_in_dim3A_8 : vector<1x192xi1>, vector<1x192xf32>
    %and3A_2230 = arith.andi %ge3A_2207, %ge3A_2208 : vector<1x192xi1>
    %select_n3A_2231 = arith.select %and3A_2230, %mul3A_12, %broadcast_in_dim3A_8 : vector<1x192xi1>, vector<1x192xf32>
    %add3A_2232 = arith.addf %select_n3A_2229, %select_n3A_2231 : vector<1x192xf32>
    %sub3A_2233 = arith.constant 5.000000e+00 : f32
    %sub3A_2234 = vector.broadcast %sub3A_2233 : f32 to vector<1x192xf32>
    %sub3A_2235 = arith.subf %sub3A_2234, %add3A_2232 : vector<1x192xf32>
    %select_n3A_2236 = arith.select %le3A_2219, %sub3A_2235, %add3A_2227 : vector<1x192xi1>, vector<1x192xf32>
    %convert_element_type3A_2237 = arith.fptosi %select_n3A_2236 : vector<1x192xf32> to vector<1x192xi32>
    %swap3A_2238 = arith.constant 14 : index
    %swap3A_2239 = arith.constant 0 : index
    %swap3A_2240 = vector.load %arg4[%swap3A_2238, %swap3A_2239] : memref<16x192xi32, #tpu.memory_space<vmem>>, vector<1x192xi32>
    tpu.vector_store %arg4[%swap3A_2238, %swap3A_2239], %convert_element_type3A_2237 {strides = array<i32>} : memref<16x192xi32, #tpu.memory_space<vmem>>, vector<1x192xi32>,
    %get3A_2241 = arith.constant 15 : index
    %get3A_2242 = arith.constant 0 : index
    %get3A_2243 = arith.constant 0 : index
    %get3A_2244 = vector.load %arg1[%get3A_2241, %get3A_2242, %get3A_2243] : memref<16x192x192xf32, #tpu.memory_space<vmem>>, vector<1x192x192xf32>
    %get3A_2245 = vector.shape_cast %get3A_2244 : vector<1x192x192xf32> to vector<192x192xf32>
    %get3A_2246 = arith.constant 0 : index
    %get3A_2247 = arith.constant 0 : index
    %get3A_2248 = vector.load %arg3[%get3A_2246, %get3A_2247] : memref<192x8xf32, #tpu.memory_space<vmem>>, vector<192x8xf32>
    %dot_general3A_2249 = arith.constant dense<0.000000e+00> : vector<192x8xf32>
    %dot_general3A_2250 = tpu.matmul %get3A_2245, %get3A_2248, %dot_general3A_2249 {dimension_numbers = #tpu.dot_dimension_numbers<[1], [0], [0], [1], [0, 0, 1, 1], [], []>, transpose_lhs_hint = false} : vector<192x192xf32>, vector<192x8xf32>, vector<192x8xf32> -> vector<192x8xf32>
    %transpose3A_2251 = tpu.transpose %dot_general3A_2250, [1, 0] : vector<192x8xf32> -> vector<8x192xf32>
    %get3A_2252 = arith.constant 15 : index
    %get3A_2253 = arith.constant 0 : index
    %get3A_2254 = arith.constant 0 : index
    %get3A_2255 = vector.load %arg2[%get3A_2252, %get3A_2253, %get3A_2254] : memref<16x3x192xf32, #tpu.memory_space<vmem>>, vector<1x3x192xf32>
    %get3A_2256 = vector.shape_cast %get3A_2255 : vector<1x3x192xf32> to vector<3x192xf32>
    %slice3A_2257 = vector.extract_strided_slice %transpose3A_2251 {offsets = [0, 0], sizes = [1, 192], strides = [1, 1]} : vector<8x192xf32> to vector<1x192xf32>
    %slice3A_2258 = vector.extract_strided_slice %get3A_2256 {offsets = [0, 0], sizes = [1, 192], strides = [1, 1]} : vector<3x192xf32> to vector<1x192xf32>
    %slice3A_2259 = vector.extract_strided_slice %transpose3A_2251 {offsets = [3, 0], sizes = [1, 192], strides = [1, 1]} : vector<8x192xf32> to vector<1x192xf32>
    %custom_jvp_call3A_2260 = arith.constant 0.000000e+00 : f32
    %max3A_2261 = vector.broadcast %custom_jvp_call3A_2260 : f32 to vector<1x192xf32>
    %max3A_2262 = arith.maximumf %slice3A_2259, %max3A_2261 : vector<1x192xf32>
    %sub3A_2263 = vector.broadcast %custom_jvp_call3A_2260 : f32 to vector<1x192xf32>
    %sub3A_2264 = arith.subf %slice3A_2259, %sub3A_2263 : vector<1x192xf32>
    %ne3A_2265 = arith.cmpf one, %sub3A_2264, %sub3A_2264 : vector<1x192xf32>
    %add3A_2266 = vector.broadcast %custom_jvp_call3A_2260 : f32 to vector<1x192xf32>
    %add3A_2267 = arith.addf %slice3A_2259, %add3A_2266 : vector<1x192xf32>
    %abs3A_2268 = math.absf %sub3A_2264 : vector<1x192xf32>
    %neg3A_2269 = arith.constant 0.000000e+00 : f32
    %neg3A_2270 = vector.broadcast %neg3A_2269 : f32 to vector<1x192xf32>
    %neg3A_2271 = arith.subf %neg3A_2270, %abs3A_2268 : vector<1x192xf32>
    %exp3A_2272 = math.exp %neg3A_2271 : vector<1x192xf32>
    %log1p3A_2273 = math.log1p %exp3A_2272 : vector<1x192xf32>
    %add3A_2274 = arith.addf %max3A_2262, %log1p3A_2273 : vector<1x192xf32>
    %select_n3A_2275 = arith.select %ne3A_2265, %add3A_2267, %add3A_2274 : vector<1x192xi1>, vector<1x192xf32>
    %add3A_2276 = arith.constant 0.00999999977 : f32
    %add3A_2277 = vector.broadcast %add3A_2276 : f32 to vector<1x192xf32>
    %add3A_2278 = arith.addf %select_n3A_2275, %add3A_2277 : vector<1x192xf32>
    %mul3A_2279 = arith.mulf %slice3A_2258, %add3A_2278 : vector<1x192xf32>
    %add3A_2280 = arith.addf %slice3A_2257, %mul3A_2279 : vector<1x192xf32>
    %slice3A_2281 = vector.extract_strided_slice %transpose3A_2251 {offsets = [1, 0], sizes = [1, 192], strides = [1, 1]} : vector<8x192xf32> to vector<1x192xf32>
    %slice3A_2282 = vector.extract_strided_slice %get3A_2256 {offsets = [1, 0], sizes = [1, 192], strides = [1, 1]} : vector<3x192xf32> to vector<1x192xf32>
    %slice3A_2283 = vector.extract_strided_slice %transpose3A_2251 {offsets = [4, 0], sizes = [1, 192], strides = [1, 1]} : vector<8x192xf32> to vector<1x192xf32>
    %custom_jvp_call3A_2284 = arith.constant 0.000000e+00 : f32
    %max3A_2285 = vector.broadcast %custom_jvp_call3A_2284 : f32 to vector<1x192xf32>
    %max3A_2286 = arith.maximumf %slice3A_2283, %max3A_2285 : vector<1x192xf32>
    %sub3A_2287 = vector.broadcast %custom_jvp_call3A_2284 : f32 to vector<1x192xf32>
    %sub3A_2288 = arith.subf %slice3A_2283, %sub3A_2287 : vector<1x192xf32>
    %ne3A_2289 = arith.cmpf one, %sub3A_2288, %sub3A_2288 : vector<1x192xf32>
    %add3A_2290 = vector.broadcast %custom_jvp_call3A_2284 : f32 to vector<1x192xf32>
    %add3A_2291 = arith.addf %slice3A_2283, %add3A_2290 : vector<1x192xf32>
    %abs3A_2292 = math.absf %sub3A_2288 : vector<1x192xf32>
    %neg3A_2293 = arith.constant 0.000000e+00 : f32
    %neg3A_2294 = vector.broadcast %neg3A_2293 : f32 to vector<1x192xf32>
    %neg3A_2295 = arith.subf %neg3A_2294, %abs3A_2292 : vector<1x192xf32>
    %exp3A_2296 = math.exp %neg3A_2295 : vector<1x192xf32>
    %log1p3A_2297 = math.log1p %exp3A_2296 : vector<1x192xf32>
    %add3A_2298 = arith.addf %max3A_2286, %log1p3A_2297 : vector<1x192xf32>
    %select_n3A_2299 = arith.select %ne3A_2289, %add3A_2291, %add3A_2298 : vector<1x192xi1>, vector<1x192xf32>
    %add3A_2300 = arith.constant 0.00999999977 : f32
    %add3A_2301 = vector.broadcast %add3A_2300 : f32 to vector<1x192xf32>
    %add3A_2302 = arith.addf %select_n3A_2299, %add3A_2301 : vector<1x192xf32>
    %mul3A_2303 = arith.mulf %slice3A_2282, %add3A_2302 : vector<1x192xf32>
    %add3A_2304 = arith.addf %slice3A_2281, %mul3A_2303 : vector<1x192xf32>
    %slice3A_2305 = vector.extract_strided_slice %transpose3A_2251 {offsets = [2, 0], sizes = [1, 192], strides = [1, 1]} : vector<8x192xf32> to vector<1x192xf32>
    %slice3A_2306 = vector.extract_strided_slice %get3A_2256 {offsets = [2, 0], sizes = [1, 192], strides = [1, 1]} : vector<3x192xf32> to vector<1x192xf32>
    %slice3A_2307 = vector.extract_strided_slice %transpose3A_2251 {offsets = [5, 0], sizes = [1, 192], strides = [1, 1]} : vector<8x192xf32> to vector<1x192xf32>
    %custom_jvp_call3A_2308 = arith.constant 0.000000e+00 : f32
    %max3A_2309 = vector.broadcast %custom_jvp_call3A_2308 : f32 to vector<1x192xf32>
    %max3A_2310 = arith.maximumf %slice3A_2307, %max3A_2309 : vector<1x192xf32>
    %sub3A_2311 = vector.broadcast %custom_jvp_call3A_2308 : f32 to vector<1x192xf32>
    %sub3A_2312 = arith.subf %slice3A_2307, %sub3A_2311 : vector<1x192xf32>
    %ne3A_2313 = arith.cmpf one, %sub3A_2312, %sub3A_2312 : vector<1x192xf32>
    %add3A_2314 = vector.broadcast %custom_jvp_call3A_2308 : f32 to vector<1x192xf32>
    %add3A_2315 = arith.addf %slice3A_2307, %add3A_2314 : vector<1x192xf32>
    %abs3A_2316 = math.absf %sub3A_2312 : vector<1x192xf32>
    %neg3A_2317 = arith.constant 0.000000e+00 : f32
    %neg3A_2318 = vector.broadcast %neg3A_2317 : f32 to vector<1x192xf32>
    %neg3A_2319 = arith.subf %neg3A_2318, %abs3A_2316 : vector<1x192xf32>
    %exp3A_2320 = math.exp %neg3A_2319 : vector<1x192xf32>
    %log1p3A_2321 = math.log1p %exp3A_2320 : vector<1x192xf32>
    %add3A_2322 = arith.addf %max3A_2310, %log1p3A_2321 : vector<1x192xf32>
    %select_n3A_2323 = arith.select %ne3A_2313, %add3A_2315, %add3A_2322 : vector<1x192xi1>, vector<1x192xf32>
    %add3A_2324 = arith.constant 0.00999999977 : f32
    %add3A_2325 = vector.broadcast %add3A_2324 : f32 to vector<1x192xf32>
    %add3A_2326 = arith.addf %select_n3A_2323, %add3A_2325 : vector<1x192xf32>
    %mul3A_2327 = arith.mulf %slice3A_2306, %add3A_2326 : vector<1x192xf32>
    %add3A_2328 = arith.addf %slice3A_2305, %mul3A_2327 : vector<1x192xf32>
    %max3A_2329 = arith.maximumf %add3A_2280, %add3A_2304 : vector<1x192xf32>
    %max3A_2330 = arith.maximumf %max3A_2329, %add3A_2328 : vector<1x192xf32>
    %sub3A_2331 = arith.subf %add3A_2280, %max3A_2330 : vector<1x192xf32>
    %sub3A_2332 = arith.subf %add3A_2304, %max3A_2330 : vector<1x192xf32>
    %sub3A_2333 = arith.subf %add3A_2328, %max3A_2330 : vector<1x192xf32>
    %exp3A_2334 = math.exp %sub3A_2331 : vector<1x192xf32>
    %exp3A_2335 = math.exp %sub3A_2332 : vector<1x192xf32>
    %exp3A_2336 = math.exp %sub3A_2333 : vector<1x192xf32>
    %add3A_2337 = arith.addf %exp3A_2334, %exp3A_2335 : vector<1x192xf32>
    %add3A_2338 = arith.addf %add3A_2337, %exp3A_2336 : vector<1x192xf32>
    %div3A_2339 = arith.constant 1.000000e+00 : f32
    %div3A_2340 = vector.broadcast %div3A_2339 : f32 to vector<1x192xf32>
    %div3A_2341 = arith.divf %div3A_2340, %add3A_2338 : vector<1x192xf32>
    %mul3A_2342 = arith.mulf %exp3A_2334, %div3A_2341 : vector<1x192xf32>
    %mul3A_2343 = arith.mulf %exp3A_2335, %div3A_2341 : vector<1x192xf32>
    %mul3A_2344 = arith.mulf %exp3A_2336, %div3A_2341 : vector<1x192xf32>
    %mul3A_2345 = arith.mulf %mul3A_2342, %sub3A_2331 : vector<1x192xf32>
    %mul3A_2346 = arith.mulf %mul3A_2343, %sub3A_2332 : vector<1x192xf32>
    %add3A_2347 = arith.addf %mul3A_2345, %mul3A_2346 : vector<1x192xf32>
    %mul3A_2348 = arith.mulf %mul3A_2344, %sub3A_2333 : vector<1x192xf32>
    %add3A_2349 = arith.addf %add3A_2347, %mul3A_2348 : vector<1x192xf32>
    %log3A_2350 = math.log %add3A_2338 : vector<1x192xf32>
    %sub3A_2351 = arith.subf %add3A_2349, %log3A_2350 : vector<1x192xf32>
    %add3A_2352 = arith.addf %add3A_2202, %sub3A_2351 : vector<1x192xf32>
    %gt3A_2353 = arith.cmpf ogt, %mul3A_2343, %mul3A_2342 : vector<1x192xf32>
    %gt3A_2354 = arith.cmpf ogt, %mul3A_2344, %mul3A_2342 : vector<1x192xf32>
    %ge3A_2355 = arith.cmpf oge, %mul3A_2342, %mul3A_2343 : vector<1x192xf32>
    %gt3A_2356 = arith.cmpf ogt, %mul3A_2344, %mul3A_2343 : vector<1x192xf32>
    %ge3A_2357 = arith.cmpf oge, %mul3A_2342, %mul3A_2344 : vector<1x192xf32>
    %ge3A_2358 = arith.cmpf oge, %mul3A_2343, %mul3A_2344 : vector<1x192xf32>
    %max3A_2359 = arith.maximumf %mul3A_2342, %mul3A_2343 : vector<1x192xf32>
    %max3A_2360 = arith.maximumf %max3A_2359, %mul3A_2344 : vector<1x192xf32>
    %min3A_2361 = arith.minimumf %mul3A_2342, %mul3A_2343 : vector<1x192xf32>
    %min3A_2362 = arith.minimumf %min3A_2361, %mul3A_2344 : vector<1x192xf32>
    %add3A_2363 = arith.addf %mul3A_2342, %mul3A_2343 : vector<1x192xf32>
    %add3A_2364 = arith.addf %add3A_2363, %mul3A_2344 : vector<1x192xf32>
    %sub3A_2365 = arith.subf %add3A_2364, %max3A_2360 : vector<1x192xf32>
    %sub3A_2366 = arith.subf %sub3A_2365, %min3A_2362 : vector<1x192xf32>
    %le3A_2367 = arith.constant 5.000000e-01 : f32
    %le3A_2368 = vector.broadcast %le3A_2367 : f32 to vector<1x192xf32>
    %le3A_2369 = arith.cmpf ole, %max3A_2360, %le3A_2368 : vector<1x192xf32>
    %add3A_2370 = arith.addf %add3A_2220, %max3A_2360 : vector<1x192xf32>
    %select_n3A_2371 = arith.select %le3A_2369, %sub3A_2366, %broadcast_in_dim3A_8 : vector<1x192xi1>, vector<1x192xf32>
    %add3A_2372 = arith.addf %add3A_2222, %select_n3A_2371 : vector<1x192xf32>
    %and3A_2373 = arith.andi %gt3A_2353, %ge3A_2358 : vector<1x192xi1>
    %select_n3A_2374 = arith.select %and3A_2373, %broadcast_in_dim3A_10, %broadcast_in_dim3A_8 : vector<1x192xi1>, vector<1x192xf32>
    %and3A_2375 = arith.andi %gt3A_2354, %gt3A_2356 : vector<1x192xi1>
    %select_n3A_2376 = arith.select %and3A_2375, %mul3A_12, %broadcast_in_dim3A_8 : vector<1x192xi1>, vector<1x192xf32>
    %add3A_2377 = arith.addf %select_n3A_2374, %select_n3A_2376 : vector<1x192xf32>
    %and3A_2378 = arith.andi %ge3A_2355, %gt3A_2356 : vector<1x192xi1>
    %select_n3A_2379 = arith.select %and3A_2378, %broadcast_in_dim3A_10, %broadcast_in_dim3A_8 : vector<1x192xi1>, vector<1x192xf32>
    %and3A_2380 = arith.andi %ge3A_2357, %ge3A_2358 : vector<1x192xi1>
    %select_n3A_2381 = arith.select %and3A_2380, %mul3A_12, %broadcast_in_dim3A_8 : vector<1x192xi1>, vector<1x192xf32>
    %add3A_2382 = arith.addf %select_n3A_2379, %select_n3A_2381 : vector<1x192xf32>
    %sub3A_2383 = arith.constant 5.000000e+00 : f32
    %sub3A_2384 = vector.broadcast %sub3A_2383 : f32 to vector<1x192xf32>
    %sub3A_2385 = arith.subf %sub3A_2384, %add3A_2382 : vector<1x192xf32>
    %select_n3A_2386 = arith.select %le3A_2369, %sub3A_2385, %add3A_2377 : vector<1x192xi1>, vector<1x192xf32>
    %convert_element_type3A_2387 = arith.fptosi %select_n3A_2386 : vector<1x192xf32> to vector<1x192xi32>
    %swap3A_2388 = arith.constant 15 : index
    %swap3A_2389 = arith.constant 0 : index
    %swap3A_2390 = vector.load %arg4[%swap3A_2388, %swap3A_2389] : memref<16x192xi32, #tpu.memory_space<vmem>>, vector<1x192xi32>
    tpu.vector_store %arg4[%swap3A_2388, %swap3A_2389], %convert_element_type3A_2387 {strides = array<i32>} : memref<16x192xi32, #tpu.memory_space<vmem>>, vector<1x192xi32>,
    %get3A_2391 = arith.constant 0 : index
    %get3A_2392 = arith.constant 0 : index
    %get3A_2393 = vector.load %arg6[%get3A_2391, %get3A_2392] : memref<8x192xf32, #tpu.memory_space<vmem>>, vector<1x192xf32>
    %add3A_2394 = arith.addf %get3A_2393, %add3A_2370 : vector<1x192xf32>
    %swap3A_2395 = arith.constant 0 : index
    %swap3A_2396 = arith.constant 0 : index
    %swap3A_2397 = vector.load %arg6[%swap3A_2395, %swap3A_2396] : memref<8x192xf32, #tpu.memory_space<vmem>>, vector<1x192xf32>
    tpu.vector_store %arg6[%swap3A_2395, %swap3A_2396], %add3A_2394 {strides = array<i32>} : memref<8x192xf32, #tpu.memory_space<vmem>>, vector<1x192xf32>,
    %get3A_2398 = arith.constant 1 : index
    %get3A_2399 = arith.constant 0 : index
    %get3A_2400 = vector.load %arg6[%get3A_2398, %get3A_2399] : memref<8x192xf32, #tpu.memory_space<vmem>>, vector<1x192xf32>
    %add3A_2401 = arith.addf %get3A_2400, %add3A_2372 : vector<1x192xf32>
    %swap3A_2402 = arith.constant 1 : index
    %swap3A_2403 = arith.constant 0 : index
    %swap3A_2404 = vector.load %arg6[%swap3A_2402, %swap3A_2403] : memref<8x192xf32, #tpu.memory_space<vmem>>, vector<1x192xf32>
    tpu.vector_store %arg6[%swap3A_2402, %swap3A_2403], %add3A_2401 {strides = array<i32>} : memref<8x192xf32, #tpu.memory_space<vmem>>, vector<1x192xf32>,
    %get3A_2405 = arith.constant 2 : index
    %get3A_2406 = arith.constant 0 : index
    %get3A_2407 = vector.load %arg6[%get3A_2405, %get3A_2406] : memref<8x192xf32, #tpu.memory_space<vmem>>, vector<1x192xf32>
    %add3A_2408 = arith.addf %get3A_2407, %add3A_2352 : vector<1x192xf32>
    %swap3A_2409 = arith.constant 2 : index
    %swap3A_2410 = arith.constant 0 : index
    %swap3A_2411 = vector.load %arg6[%swap3A_2409, %swap3A_2410] : memref<8x192xf32, #tpu.memory_space<vmem>>, vector<1x192xf32>
    tpu.vector_store %arg6[%swap3A_2409, %swap3A_2410], %add3A_2408 {strides = array<i32>} : memref<8x192xf32, #tpu.memory_space<vmem>>, vector<1x192xf32>,
    %eq3A_2412 = arith.constant 31 : i32
    %eq3A_2413 = arith.cmpi eq, %arg0, %eq3A_2412 : i32
    %convert_element_type3A_2414 = arith.extui %eq3A_2413 : i1 to i32
    %cond3A_2415 = arith.constant 0 : i32
    %cond3A_2416 = arith.cmpi ne, %convert_element_type3A_2414, %cond3A_2415 : i32
    scf.if %cond3A_2416 {
      %get3A_2417 = arith.constant 0 : index
      %get3A_2418 = arith.constant 0 : index
      %get3A_2419 = vector.load %arg6[%get3A_2417, %get3A_2418] : memref<8x192xf32, #tpu.memory_space<vmem>>, vector<1x192xf32>
      %get3A_2420 = arith.constant 1 : index
      %get3A_2421 = arith.constant 0 : index
      %get3A_2422 = vector.load %arg6[%get3A_2420, %get3A_2421] : memref<8x192xf32, #tpu.memory_space<vmem>>, vector<1x192xf32>
      %reduce_sum3A = vector.shape_cast %get3A_2419 : vector<1x192xf32> to vector<1x1x192xf32>
      %reduce_sum3A_2423 = arith.constant dense<0.000000e+00> : vector<1xf32>
      %reduce_sum3A_2424 = vector.multi_reduction <add>, %reduce_sum3A, %reduce_sum3A_2423 [1, 2] : vector<1x1x192xf32> to vector<1xf32>
      %reduce_sum3A_2425 = vector.shape_cast %reduce_sum3A_2424 : vector<1xf32> to vector<1x1x1xf32>
      %reduce_sum3A_2426 = vector.extract %reduce_sum3A_2425[0, 0, 0] : f32 from vector<1x1x1xf32>
      %reduce_sum3A_2427 = vector.shape_cast %get3A_2422 : vector<1x192xf32> to vector<1x1x192xf32>
      %reduce_sum3A_2428 = arith.constant dense<0.000000e+00> : vector<1xf32>
      %reduce_sum3A_2429 = vector.multi_reduction <add>, %reduce_sum3A_2427, %reduce_sum3A_2428 [1, 2] : vector<1x1x192xf32> to vector<1xf32>
      %reduce_sum3A_2430 = vector.shape_cast %reduce_sum3A_2429 : vector<1xf32> to vector<1x1x1xf32>
      %reduce_sum3A_2431 = vector.extract %reduce_sum3A_2430[0, 0, 0] : f32 from vector<1x1x1xf32>
      %add3A_2432 = arith.addf %reduce_sum3A_2426, %reduce_sum3A_2431 : f32
      %mul3A_2433 = arith.mulf %get3A_2419, %get3A_2419 : vector<1x192xf32>
      %reduce_sum3A_2434 = vector.shape_cast %mul3A_2433 : vector<1x192xf32> to vector<1x1x192xf32>
      %reduce_sum3A_2435 = arith.constant dense<0.000000e+00> : vector<1xf32>
      %reduce_sum3A_2436 = vector.multi_reduction <add>, %reduce_sum3A_2434, %reduce_sum3A_2435 [1, 2] : vector<1x1x192xf32> to vector<1xf32>
      %reduce_sum3A_2437 = vector.shape_cast %reduce_sum3A_2436 : vector<1xf32> to vector<1x1x1xf32>
      %reduce_sum3A_2438 = vector.extract %reduce_sum3A_2437[0, 0, 0] : f32 from vector<1x1x1xf32>
      %mul3A_2439 = arith.mulf %get3A_2422, %get3A_2422 : vector<1x192xf32>
      %reduce_sum3A_2440 = vector.shape_cast %mul3A_2439 : vector<1x192xf32> to vector<1x1x192xf32>
      %reduce_sum3A_2441 = arith.constant dense<0.000000e+00> : vector<1xf32>
      %reduce_sum3A_2442 = vector.multi_reduction <add>, %reduce_sum3A_2440, %reduce_sum3A_2441 [1, 2] : vector<1x1x192xf32> to vector<1xf32>
      %reduce_sum3A_2443 = vector.shape_cast %reduce_sum3A_2442 : vector<1xf32> to vector<1x1x1xf32>
      %reduce_sum3A_2444 = vector.extract %reduce_sum3A_2443[0, 0, 0] : f32 from vector<1x1x1xf32>
      %add3A_2445 = arith.addf %reduce_sum3A_2438, %reduce_sum3A_2444 : f32
      %div3A_2446 = arith.constant 5.760000e+02 : f32
      %div3A_2447 = arith.divf %add3A_2432, %div3A_2446 : f32
      %mul3A_2448 = arith.constant 5.760000e+02 : f32
      %mul3A_2449 = arith.mulf %mul3A_2448, %div3A_2447 : f32
      %mul3A_2450 = arith.mulf %mul3A_2449, %div3A_2447 : f32
      %sub3A_2451 = arith.subf %add3A_2445, %mul3A_2450 : f32
      %div3A_2452 = arith.constant 5.750000e+02 : f32
      %div3A_2453 = arith.divf %sub3A_2451, %div3A_2452 : f32
      %mul3A_2454 = arith.mulf %div3A_2447, %div3A_2447 : f32
      %add3A_2455 = arith.constant 1.000000e-10 : f32
      %add3A_2456 = arith.addf %mul3A_2454, %add3A_2455 : f32
      %div3A_2457 = arith.divf %div3A_2453, %add3A_2456 : f32
      %get3A_2458 = arith.constant 2 : index
      %get3A_2459 = arith.constant 0 : index
      %get3A_2460 = vector.load %arg6[%get3A_2458, %get3A_2459] : memref<8x192xf32, #tpu.memory_space<vmem>>, vector<1x192xf32>
      %reduce_sum3A_2461 = vector.shape_cast %get3A_2460 : vector<1x192xf32> to vector<1x1x192xf32>
      %reduce_sum3A_2462 = arith.constant dense<0.000000e+00> : vector<1xf32>
      %reduce_sum3A_2463 = vector.multi_reduction <add>, %reduce_sum3A_2461, %reduce_sum3A_2462 [1, 2] : vector<1x1x192xf32> to vector<1xf32>
      %reduce_sum3A_2464 = vector.shape_cast %reduce_sum3A_2463 : vector<1xf32> to vector<1x1x1xf32>
      %reduce_sum3A_2465 = vector.extract %reduce_sum3A_2464[0, 0, 0] : f32 from vector<1x1x1xf32>
      %neg3A_2466 = arith.constant 0.000000e+00 : f32
      %neg3A_2467 = arith.subf %neg3A_2466, %reduce_sum3A_2465 : f32
      %div3A_2468 = arith.constant 1.536000e+03 : f32
      %div3A_2469 = arith.divf %neg3A_2467, %div3A_2468 : f32
      %mul3A_2470 = arith.constant 1.000000e-01 : f32
      %mul3A_2471 = arith.mulf %mul3A_2470, %div3A_2469 : f32
      %add3A_2472 = arith.addf %div3A_2457, %mul3A_2471 : f32
      %reshape3A = vector.broadcast %add3A_2472 : f32 to vector<1x1xf32>
      %swap3A_2473 = arith.constant 0 : index
      %swap3A_2474 = arith.constant 0 : index
      %swap3A_2475 = vector.load %arg5[%swap3A_2473, %swap3A_2474] : memref<1x1xf32, #tpu.memory_space<vmem>>, vector<1x1xf32>
      tpu.vector_store %arg5[%swap3A_2473, %swap3A_2474], %reshape3A {strides = array<i32>} : memref<1x1xf32, #tpu.memory_space<vmem>>, vector<1x1xf32>,
    } else {
    }
    return
  }
  func.func @transform_0(%arg0: i32) -> (i32, i32, i32) {
    %c0_i32 = arith.constant 0 : i32
    %c0_i32_0 = arith.constant 0 : i32
    %c0_i32_1 = arith.constant 0 : i32
    return %arg0, %c0_i32, %c0_i32_0 : i32, i32, i32
  }
  func.func @transform_1(%arg0: i32) -> (i32, i32, i32) {
    %c0_i32 = arith.constant 0 : i32
    %c0_i32_0 = arith.constant 0 : i32
    %c0_i32_1 = arith.constant 0 : i32
    return %arg0, %c0_i32, %c0_i32_0 : i32, i32, i32
  }
  func.func @transform_2(%arg0: i32) -> (i32, i32) {
    %c0_i32 = arith.constant 0 : i32
    %c0_i32_0 = arith.constant 0 : i32
    %c0_i32_1 = arith.constant 0 : i32
    return %c0_i32, %c0_i32_0 : i32, i32
  }
  func.func @transform_3(%arg0: i32) -> (i32, i32) {
    %c0_i32 = arith.constant 0 : i32
    %c0_i32_0 = arith.constant 0 : i32
    return %arg0, %c0_i32 : i32, i32
  }
  func.func @transform_4(%arg0: i32) -> (i32, i32) {
    %c0_i32 = arith.constant 0 : i32
    %c0_i32_0 = arith.constant 0 : i32
    %c0_i32_1 = arith.constant 0 : i32
    return %c0_i32, %c0_i32_0 : i32, i32
  }
}

module attributes {stable_mosaic.version = 14 : i64} {
  func.func @_table_body(%arg0: memref<3x96x192xf32, #tpu.memory_space<vmem>>, %arg1: memref<3x96x192xf32, #tpu.memory_space<vmem>>, %arg2: memref<36x96x384xf32, #tpu.memory_space<vmem>>) attributes {dimension_semantics = [], scalar_prefetch = 0 : i64, scratch_operands = 0 : i64, tpu.core_type = #tpu.core_type<tc>} {
    %iota3A = tpu.iota {dimensions = array<i32: 0>} : vector<96x192xi32>
    %iota3A_0 = tpu.iota {dimensions = array<i32: 1>} : vector<96x192xi32>
    %mul3A = arith.constant 2 : i32
    %mul3A_1 = vector.broadcast %mul3A : i32 to vector<96x192xi32>
    %mul3A_2 = arith.muli %mul3A_1, %iota3A : vector<96x192xi32>
    %eq3A = arith.cmpi eq, %iota3A_0, %mul3A_2 : vector<96x192xi32>
    %jit3A = arith.constant 1.000000e+00 : f32
    %jit3A_3 = arith.constant 0.000000e+00 : f32
    %broadcast_in_dim3A = vector.broadcast %jit3A : f32 to vector<96x192xf32>
    %broadcast_in_dim3A_4 = vector.broadcast %jit3A_3 : f32 to vector<96x192xf32>
    %select_n3A = arith.select %eq3A, %broadcast_in_dim3A, %broadcast_in_dim3A_4 : vector<96x192xi1>, vector<96x192xf32>
    %mul3A_5 = arith.constant 2 : i32
    %mul3A_6 = vector.broadcast %mul3A_5 : i32 to vector<96x192xi32>
    %mul3A_7 = arith.muli %mul3A_6, %iota3A : vector<96x192xi32>
    %add3A = arith.constant 1 : i32
    %add3A_8 = vector.broadcast %add3A : i32 to vector<96x192xi32>
    %add3A_9 = arith.addi %mul3A_7, %add3A_8 : vector<96x192xi32>
    %eq3A_10 = arith.cmpi eq, %iota3A_0, %add3A_9 : vector<96x192xi32>
    %jit3A_11 = arith.constant 1.000000e+00 : f32
    %jit3A_12 = arith.constant 0.000000e+00 : f32
    %broadcast_in_dim3A_13 = vector.broadcast %jit3A_11 : f32 to vector<96x192xf32>
    %broadcast_in_dim3A_14 = vector.broadcast %jit3A_12 : f32 to vector<96x192xf32>
    %select_n3A_15 = arith.select %eq3A_10, %broadcast_in_dim3A_13, %broadcast_in_dim3A_14 : vector<96x192xi1>, vector<96x192xf32>
    %get3A = arith.constant 0 : index
    %get3A_16 = arith.constant 0 : index
    %get3A_17 = arith.constant 0 : index
    %get3A_18 = vector.load %arg0[%get3A, %get3A_16, %get3A_17] : memref<3x96x192xf32, #tpu.memory_space<vmem>>, vector<1x96x192xf32>
    %get3A_19 = vector.shape_cast %get3A_18 : vector<1x96x192xf32> to vector<96x192xf32>
    %add3A_20 = arith.addf %get3A_19, %select_n3A : vector<96x192xf32>
    %get3A_21 = arith.constant 1 : index
    %get3A_22 = arith.constant 0 : index
    %get3A_23 = arith.constant 0 : index
    %get3A_24 = vector.load %arg0[%get3A_21, %get3A_22, %get3A_23] : memref<3x96x192xf32, #tpu.memory_space<vmem>>, vector<1x96x192xf32>
    %get3A_25 = vector.shape_cast %get3A_24 : vector<1x96x192xf32> to vector<96x192xf32>
    %add3A_26 = arith.addf %get3A_25, %select_n3A : vector<96x192xf32>
    %get3A_27 = arith.constant 2 : index
    %get3A_28 = arith.constant 0 : index
    %get3A_29 = arith.constant 0 : index
    %get3A_30 = vector.load %arg0[%get3A_27, %get3A_28, %get3A_29] : memref<3x96x192xf32, #tpu.memory_space<vmem>>, vector<1x96x192xf32>
    %get3A_31 = vector.shape_cast %get3A_30 : vector<1x96x192xf32> to vector<96x192xf32>
    %add3A_32 = arith.addf %get3A_31, %select_n3A : vector<96x192xf32>
    %get3A_33 = arith.constant 1 : index
    %get3A_34 = arith.constant 0 : index
    %get3A_35 = arith.constant 0 : index
    %get3A_36 = vector.load %arg0[%get3A_33, %get3A_34, %get3A_35] : memref<3x96x192xf32, #tpu.memory_space<vmem>>, vector<1x96x192xf32>
    %get3A_37 = vector.shape_cast %get3A_36 : vector<1x96x192xf32> to vector<96x192xf32>
    %add3A_38 = arith.addf %add3A_20, %get3A_37 : vector<96x192xf32>
    %get3A_39 = arith.constant 2 : index
    %get3A_40 = arith.constant 0 : index
    %get3A_41 = arith.constant 0 : index
    %get3A_42 = vector.load %arg0[%get3A_39, %get3A_40, %get3A_41] : memref<3x96x192xf32, #tpu.memory_space<vmem>>, vector<1x96x192xf32>
    %get3A_43 = vector.shape_cast %get3A_42 : vector<1x96x192xf32> to vector<96x192xf32>
    %add3A_44 = arith.addf %add3A_20, %get3A_43 : vector<96x192xf32>
    %get3A_45 = arith.constant 2 : index
    %get3A_46 = arith.constant 0 : index
    %get3A_47 = arith.constant 0 : index
    %get3A_48 = vector.load %arg0[%get3A_45, %get3A_46, %get3A_47] : memref<3x96x192xf32, #tpu.memory_space<vmem>>, vector<1x96x192xf32>
    %get3A_49 = vector.shape_cast %get3A_48 : vector<1x96x192xf32> to vector<96x192xf32>
    %add3A_50 = arith.addf %add3A_26, %get3A_49 : vector<96x192xf32>
    %get3A_51 = arith.constant 0 : index
    %get3A_52 = arith.constant 0 : index
    %get3A_53 = arith.constant 0 : index
    %get3A_54 = vector.load %arg1[%get3A_51, %get3A_52, %get3A_53] : memref<3x96x192xf32, #tpu.memory_space<vmem>>, vector<1x96x192xf32>
    %get3A_55 = vector.shape_cast %get3A_54 : vector<1x96x192xf32> to vector<96x192xf32>
    %add3A_56 = arith.addf %get3A_55, %select_n3A_15 : vector<96x192xf32>
    %get3A_57 = arith.constant 1 : index
    %get3A_58 = arith.constant 0 : index
    %get3A_59 = arith.constant 0 : index
    %get3A_60 = vector.load %arg1[%get3A_57, %get3A_58, %get3A_59] : memref<3x96x192xf32, #tpu.memory_space<vmem>>, vector<1x96x192xf32>
    %get3A_61 = vector.shape_cast %get3A_60 : vector<1x96x192xf32> to vector<96x192xf32>
    %add3A_62 = arith.addf %get3A_61, %select_n3A_15 : vector<96x192xf32>
    %get3A_63 = arith.constant 2 : index
    %get3A_64 = arith.constant 0 : index
    %get3A_65 = arith.constant 0 : index
    %get3A_66 = vector.load %arg1[%get3A_63, %get3A_64, %get3A_65] : memref<3x96x192xf32, #tpu.memory_space<vmem>>, vector<1x96x192xf32>
    %get3A_67 = vector.shape_cast %get3A_66 : vector<1x96x192xf32> to vector<96x192xf32>
    %add3A_68 = arith.addf %get3A_67, %select_n3A_15 : vector<96x192xf32>
    %get3A_69 = arith.constant 1 : index
    %get3A_70 = arith.constant 0 : index
    %get3A_71 = arith.constant 0 : index
    %get3A_72 = vector.load %arg1[%get3A_69, %get3A_70, %get3A_71] : memref<3x96x192xf32, #tpu.memory_space<vmem>>, vector<1x96x192xf32>
    %get3A_73 = vector.shape_cast %get3A_72 : vector<1x96x192xf32> to vector<96x192xf32>
    %add3A_74 = arith.addf %add3A_56, %get3A_73 : vector<96x192xf32>
    %get3A_75 = arith.constant 2 : index
    %get3A_76 = arith.constant 0 : index
    %get3A_77 = arith.constant 0 : index
    %get3A_78 = vector.load %arg1[%get3A_75, %get3A_76, %get3A_77] : memref<3x96x192xf32, #tpu.memory_space<vmem>>, vector<1x96x192xf32>
    %get3A_79 = vector.shape_cast %get3A_78 : vector<1x96x192xf32> to vector<96x192xf32>
    %add3A_80 = arith.addf %add3A_56, %get3A_79 : vector<96x192xf32>
    %get3A_81 = arith.constant 2 : index
    %get3A_82 = arith.constant 0 : index
    %get3A_83 = arith.constant 0 : index
    %get3A_84 = vector.load %arg1[%get3A_81, %get3A_82, %get3A_83] : memref<3x96x192xf32, #tpu.memory_space<vmem>>, vector<1x96x192xf32>
    %get3A_85 = vector.shape_cast %get3A_84 : vector<1x96x192xf32> to vector<96x192xf32>
    %add3A_86 = arith.addf %add3A_62, %get3A_85 : vector<96x192xf32>
    %concatenate3A = tpu.concatenate %add3A_20, %add3A_56 in 1 : vector<96x192xf32>, vector<96x192xf32> -> vector<96x384xf32>
    %swap3A = arith.constant 0 : index
    %swap3A_87 = arith.constant 0 : index
    %swap3A_88 = arith.constant 0 : index
    %swap3A_89 = vector.load %arg2[%swap3A, %swap3A_87, %swap3A_88] : memref<36x96x384xf32, #tpu.memory_space<vmem>>, vector<1x96x384xf32>
    %swap3A_90 = vector.shape_cast %swap3A_89 : vector<1x96x384xf32> to vector<96x384xf32>
    %swap3A_91 = vector.shape_cast %concatenate3A : vector<96x384xf32> to vector<1x96x384xf32>
    tpu.vector_store %arg2[%swap3A, %swap3A_87, %swap3A_88], %swap3A_91 {strides = array<i32>} : memref<36x96x384xf32, #tpu.memory_space<vmem>>, vector<1x96x384xf32>,
    %concatenate3A_92 = tpu.concatenate %add3A_20, %add3A_62 in 1 : vector<96x192xf32>, vector<96x192xf32> -> vector<96x384xf32>
    %swap3A_93 = arith.constant 1 : index
    %swap3A_94 = arith.constant 0 : index
    %swap3A_95 = arith.constant 0 : index
    %swap3A_96 = vector.load %arg2[%swap3A_93, %swap3A_94, %swap3A_95] : memref<36x96x384xf32, #tpu.memory_space<vmem>>, vector<1x96x384xf32>
    %swap3A_97 = vector.shape_cast %swap3A_96 : vector<1x96x384xf32> to vector<96x384xf32>
    %swap3A_98 = vector.shape_cast %concatenate3A_92 : vector<96x384xf32> to vector<1x96x384xf32>
    tpu.vector_store %arg2[%swap3A_93, %swap3A_94, %swap3A_95], %swap3A_98 {strides = array<i32>} : memref<36x96x384xf32, #tpu.memory_space<vmem>>, vector<1x96x384xf32>,
    %concatenate3A_99 = tpu.concatenate %add3A_20, %add3A_68 in 1 : vector<96x192xf32>, vector<96x192xf32> -> vector<96x384xf32>
    %swap3A_100 = arith.constant 2 : index
    %swap3A_101 = arith.constant 0 : index
    %swap3A_102 = arith.constant 0 : index
    %swap3A_103 = vector.load %arg2[%swap3A_100, %swap3A_101, %swap3A_102] : memref<36x96x384xf32, #tpu.memory_space<vmem>>, vector<1x96x384xf32>
    %swap3A_104 = vector.shape_cast %swap3A_103 : vector<1x96x384xf32> to vector<96x384xf32>
    %swap3A_105 = vector.shape_cast %concatenate3A_99 : vector<96x384xf32> to vector<1x96x384xf32>
    tpu.vector_store %arg2[%swap3A_100, %swap3A_101, %swap3A_102], %swap3A_105 {strides = array<i32>} : memref<36x96x384xf32, #tpu.memory_space<vmem>>, vector<1x96x384xf32>,
    %concatenate3A_106 = tpu.concatenate %add3A_20, %add3A_74 in 1 : vector<96x192xf32>, vector<96x192xf32> -> vector<96x384xf32>
    %swap3A_107 = arith.constant 3 : index
    %swap3A_108 = arith.constant 0 : index
    %swap3A_109 = arith.constant 0 : index
    %swap3A_110 = vector.load %arg2[%swap3A_107, %swap3A_108, %swap3A_109] : memref<36x96x384xf32, #tpu.memory_space<vmem>>, vector<1x96x384xf32>
    %swap3A_111 = vector.shape_cast %swap3A_110 : vector<1x96x384xf32> to vector<96x384xf32>
    %swap3A_112 = vector.shape_cast %concatenate3A_106 : vector<96x384xf32> to vector<1x96x384xf32>
    tpu.vector_store %arg2[%swap3A_107, %swap3A_108, %swap3A_109], %swap3A_112 {strides = array<i32>} : memref<36x96x384xf32, #tpu.memory_space<vmem>>, vector<1x96x384xf32>,
    %concatenate3A_113 = tpu.concatenate %add3A_20, %add3A_80 in 1 : vector<96x192xf32>, vector<96x192xf32> -> vector<96x384xf32>
    %swap3A_114 = arith.constant 4 : index
    %swap3A_115 = arith.constant 0 : index
    %swap3A_116 = arith.constant 0 : index
    %swap3A_117 = vector.load %arg2[%swap3A_114, %swap3A_115, %swap3A_116] : memref<36x96x384xf32, #tpu.memory_space<vmem>>, vector<1x96x384xf32>
    %swap3A_118 = vector.shape_cast %swap3A_117 : vector<1x96x384xf32> to vector<96x384xf32>
    %swap3A_119 = vector.shape_cast %concatenate3A_113 : vector<96x384xf32> to vector<1x96x384xf32>
    tpu.vector_store %arg2[%swap3A_114, %swap3A_115, %swap3A_116], %swap3A_119 {strides = array<i32>} : memref<36x96x384xf32, #tpu.memory_space<vmem>>, vector<1x96x384xf32>,
    %concatenate3A_120 = tpu.concatenate %add3A_20, %add3A_86 in 1 : vector<96x192xf32>, vector<96x192xf32> -> vector<96x384xf32>
    %swap3A_121 = arith.constant 5 : index
    %swap3A_122 = arith.constant 0 : index
    %swap3A_123 = arith.constant 0 : index
    %swap3A_124 = vector.load %arg2[%swap3A_121, %swap3A_122, %swap3A_123] : memref<36x96x384xf32, #tpu.memory_space<vmem>>, vector<1x96x384xf32>
    %swap3A_125 = vector.shape_cast %swap3A_124 : vector<1x96x384xf32> to vector<96x384xf32>
    %swap3A_126 = vector.shape_cast %concatenate3A_120 : vector<96x384xf32> to vector<1x96x384xf32>
    tpu.vector_store %arg2[%swap3A_121, %swap3A_122, %swap3A_123], %swap3A_126 {strides = array<i32>} : memref<36x96x384xf32, #tpu.memory_space<vmem>>, vector<1x96x384xf32>,
    %concatenate3A_127 = tpu.concatenate %add3A_26, %add3A_56 in 1 : vector<96x192xf32>, vector<96x192xf32> -> vector<96x384xf32>
    %swap3A_128 = arith.constant 6 : index
    %swap3A_129 = arith.constant 0 : index
    %swap3A_130 = arith.constant 0 : index
    %swap3A_131 = vector.load %arg2[%swap3A_128, %swap3A_129, %swap3A_130] : memref<36x96x384xf32, #tpu.memory_space<vmem>>, vector<1x96x384xf32>
    %swap3A_132 = vector.shape_cast %swap3A_131 : vector<1x96x384xf32> to vector<96x384xf32>
    %swap3A_133 = vector.shape_cast %concatenate3A_127 : vector<96x384xf32> to vector<1x96x384xf32>
    tpu.vector_store %arg2[%swap3A_128, %swap3A_129, %swap3A_130], %swap3A_133 {strides = array<i32>} : memref<36x96x384xf32, #tpu.memory_space<vmem>>, vector<1x96x384xf32>,
    %concatenate3A_134 = tpu.concatenate %add3A_26, %add3A_62 in 1 : vector<96x192xf32>, vector<96x192xf32> -> vector<96x384xf32>
    %swap3A_135 = arith.constant 7 : index
    %swap3A_136 = arith.constant 0 : index
    %swap3A_137 = arith.constant 0 : index
    %swap3A_138 = vector.load %arg2[%swap3A_135, %swap3A_136, %swap3A_137] : memref<36x96x384xf32, #tpu.memory_space<vmem>>, vector<1x96x384xf32>
    %swap3A_139 = vector.shape_cast %swap3A_138 : vector<1x96x384xf32> to vector<96x384xf32>
    %swap3A_140 = vector.shape_cast %concatenate3A_134 : vector<96x384xf32> to vector<1x96x384xf32>
    tpu.vector_store %arg2[%swap3A_135, %swap3A_136, %swap3A_137], %swap3A_140 {strides = array<i32>} : memref<36x96x384xf32, #tpu.memory_space<vmem>>, vector<1x96x384xf32>,
    %concatenate3A_141 = tpu.concatenate %add3A_26, %add3A_68 in 1 : vector<96x192xf32>, vector<96x192xf32> -> vector<96x384xf32>
    %swap3A_142 = arith.constant 8 : index
    %swap3A_143 = arith.constant 0 : index
    %swap3A_144 = arith.constant 0 : index
    %swap3A_145 = vector.load %arg2[%swap3A_142, %swap3A_143, %swap3A_144] : memref<36x96x384xf32, #tpu.memory_space<vmem>>, vector<1x96x384xf32>
    %swap3A_146 = vector.shape_cast %swap3A_145 : vector<1x96x384xf32> to vector<96x384xf32>
    %swap3A_147 = vector.shape_cast %concatenate3A_141 : vector<96x384xf32> to vector<1x96x384xf32>
    tpu.vector_store %arg2[%swap3A_142, %swap3A_143, %swap3A_144], %swap3A_147 {strides = array<i32>} : memref<36x96x384xf32, #tpu.memory_space<vmem>>, vector<1x96x384xf32>,
    %concatenate3A_148 = tpu.concatenate %add3A_26, %add3A_74 in 1 : vector<96x192xf32>, vector<96x192xf32> -> vector<96x384xf32>
    %swap3A_149 = arith.constant 9 : index
    %swap3A_150 = arith.constant 0 : index
    %swap3A_151 = arith.constant 0 : index
    %swap3A_152 = vector.load %arg2[%swap3A_149, %swap3A_150, %swap3A_151] : memref<36x96x384xf32, #tpu.memory_space<vmem>>, vector<1x96x384xf32>
    %swap3A_153 = vector.shape_cast %swap3A_152 : vector<1x96x384xf32> to vector<96x384xf32>
    %swap3A_154 = vector.shape_cast %concatenate3A_148 : vector<96x384xf32> to vector<1x96x384xf32>
    tpu.vector_store %arg2[%swap3A_149, %swap3A_150, %swap3A_151], %swap3A_154 {strides = array<i32>} : memref<36x96x384xf32, #tpu.memory_space<vmem>>, vector<1x96x384xf32>,
    %concatenate3A_155 = tpu.concatenate %add3A_26, %add3A_80 in 1 : vector<96x192xf32>, vector<96x192xf32> -> vector<96x384xf32>
    %swap3A_156 = arith.constant 10 : index
    %swap3A_157 = arith.constant 0 : index
    %swap3A_158 = arith.constant 0 : index
    %swap3A_159 = vector.load %arg2[%swap3A_156, %swap3A_157, %swap3A_158] : memref<36x96x384xf32, #tpu.memory_space<vmem>>, vector<1x96x384xf32>
    %swap3A_160 = vector.shape_cast %swap3A_159 : vector<1x96x384xf32> to vector<96x384xf32>
    %swap3A_161 = vector.shape_cast %concatenate3A_155 : vector<96x384xf32> to vector<1x96x384xf32>
    tpu.vector_store %arg2[%swap3A_156, %swap3A_157, %swap3A_158], %swap3A_161 {strides = array<i32>} : memref<36x96x384xf32, #tpu.memory_space<vmem>>, vector<1x96x384xf32>,
    %concatenate3A_162 = tpu.concatenate %add3A_26, %add3A_86 in 1 : vector<96x192xf32>, vector<96x192xf32> -> vector<96x384xf32>
    %swap3A_163 = arith.constant 11 : index
    %swap3A_164 = arith.constant 0 : index
    %swap3A_165 = arith.constant 0 : index
    %swap3A_166 = vector.load %arg2[%swap3A_163, %swap3A_164, %swap3A_165] : memref<36x96x384xf32, #tpu.memory_space<vmem>>, vector<1x96x384xf32>
    %swap3A_167 = vector.shape_cast %swap3A_166 : vector<1x96x384xf32> to vector<96x384xf32>
    %swap3A_168 = vector.shape_cast %concatenate3A_162 : vector<96x384xf32> to vector<1x96x384xf32>
    tpu.vector_store %arg2[%swap3A_163, %swap3A_164, %swap3A_165], %swap3A_168 {strides = array<i32>} : memref<36x96x384xf32, #tpu.memory_space<vmem>>, vector<1x96x384xf32>,
    %concatenate3A_169 = tpu.concatenate %add3A_32, %add3A_56 in 1 : vector<96x192xf32>, vector<96x192xf32> -> vector<96x384xf32>
    %swap3A_170 = arith.constant 12 : index
    %swap3A_171 = arith.constant 0 : index
    %swap3A_172 = arith.constant 0 : index
    %swap3A_173 = vector.load %arg2[%swap3A_170, %swap3A_171, %swap3A_172] : memref<36x96x384xf32, #tpu.memory_space<vmem>>, vector<1x96x384xf32>
    %swap3A_174 = vector.shape_cast %swap3A_173 : vector<1x96x384xf32> to vector<96x384xf32>
    %swap3A_175 = vector.shape_cast %concatenate3A_169 : vector<96x384xf32> to vector<1x96x384xf32>
    tpu.vector_store %arg2[%swap3A_170, %swap3A_171, %swap3A_172], %swap3A_175 {strides = array<i32>} : memref<36x96x384xf32, #tpu.memory_space<vmem>>, vector<1x96x384xf32>,
    %concatenate3A_176 = tpu.concatenate %add3A_32, %add3A_62 in 1 : vector<96x192xf32>, vector<96x192xf32> -> vector<96x384xf32>
    %swap3A_177 = arith.constant 13 : index
    %swap3A_178 = arith.constant 0 : index
    %swap3A_179 = arith.constant 0 : index
    %swap3A_180 = vector.load %arg2[%swap3A_177, %swap3A_178, %swap3A_179] : memref<36x96x384xf32, #tpu.memory_space<vmem>>, vector<1x96x384xf32>
    %swap3A_181 = vector.shape_cast %swap3A_180 : vector<1x96x384xf32> to vector<96x384xf32>
    %swap3A_182 = vector.shape_cast %concatenate3A_176 : vector<96x384xf32> to vector<1x96x384xf32>
    tpu.vector_store %arg2[%swap3A_177, %swap3A_178, %swap3A_179], %swap3A_182 {strides = array<i32>} : memref<36x96x384xf32, #tpu.memory_space<vmem>>, vector<1x96x384xf32>,
    %concatenate3A_183 = tpu.concatenate %add3A_32, %add3A_68 in 1 : vector<96x192xf32>, vector<96x192xf32> -> vector<96x384xf32>
    %swap3A_184 = arith.constant 14 : index
    %swap3A_185 = arith.constant 0 : index
    %swap3A_186 = arith.constant 0 : index
    %swap3A_187 = vector.load %arg2[%swap3A_184, %swap3A_185, %swap3A_186] : memref<36x96x384xf32, #tpu.memory_space<vmem>>, vector<1x96x384xf32>
    %swap3A_188 = vector.shape_cast %swap3A_187 : vector<1x96x384xf32> to vector<96x384xf32>
    %swap3A_189 = vector.shape_cast %concatenate3A_183 : vector<96x384xf32> to vector<1x96x384xf32>
    tpu.vector_store %arg2[%swap3A_184, %swap3A_185, %swap3A_186], %swap3A_189 {strides = array<i32>} : memref<36x96x384xf32, #tpu.memory_space<vmem>>, vector<1x96x384xf32>,
    %concatenate3A_190 = tpu.concatenate %add3A_32, %add3A_74 in 1 : vector<96x192xf32>, vector<96x192xf32> -> vector<96x384xf32>
    %swap3A_191 = arith.constant 15 : index
    %swap3A_192 = arith.constant 0 : index
    %swap3A_193 = arith.constant 0 : index
    %swap3A_194 = vector.load %arg2[%swap3A_191, %swap3A_192, %swap3A_193] : memref<36x96x384xf32, #tpu.memory_space<vmem>>, vector<1x96x384xf32>
    %swap3A_195 = vector.shape_cast %swap3A_194 : vector<1x96x384xf32> to vector<96x384xf32>
    %swap3A_196 = vector.shape_cast %concatenate3A_190 : vector<96x384xf32> to vector<1x96x384xf32>
    tpu.vector_store %arg2[%swap3A_191, %swap3A_192, %swap3A_193], %swap3A_196 {strides = array<i32>} : memref<36x96x384xf32, #tpu.memory_space<vmem>>, vector<1x96x384xf32>,
    %concatenate3A_197 = tpu.concatenate %add3A_32, %add3A_80 in 1 : vector<96x192xf32>, vector<96x192xf32> -> vector<96x384xf32>
    %swap3A_198 = arith.constant 16 : index
    %swap3A_199 = arith.constant 0 : index
    %swap3A_200 = arith.constant 0 : index
    %swap3A_201 = vector.load %arg2[%swap3A_198, %swap3A_199, %swap3A_200] : memref<36x96x384xf32, #tpu.memory_space<vmem>>, vector<1x96x384xf32>
    %swap3A_202 = vector.shape_cast %swap3A_201 : vector<1x96x384xf32> to vector<96x384xf32>
    %swap3A_203 = vector.shape_cast %concatenate3A_197 : vector<96x384xf32> to vector<1x96x384xf32>
    tpu.vector_store %arg2[%swap3A_198, %swap3A_199, %swap3A_200], %swap3A_203 {strides = array<i32>} : memref<36x96x384xf32, #tpu.memory_space<vmem>>, vector<1x96x384xf32>,
    %concatenate3A_204 = tpu.concatenate %add3A_32, %add3A_86 in 1 : vector<96x192xf32>, vector<96x192xf32> -> vector<96x384xf32>
    %swap3A_205 = arith.constant 17 : index
    %swap3A_206 = arith.constant 0 : index
    %swap3A_207 = arith.constant 0 : index
    %swap3A_208 = vector.load %arg2[%swap3A_205, %swap3A_206, %swap3A_207] : memref<36x96x384xf32, #tpu.memory_space<vmem>>, vector<1x96x384xf32>
    %swap3A_209 = vector.shape_cast %swap3A_208 : vector<1x96x384xf32> to vector<96x384xf32>
    %swap3A_210 = vector.shape_cast %concatenate3A_204 : vector<96x384xf32> to vector<1x96x384xf32>
    tpu.vector_store %arg2[%swap3A_205, %swap3A_206, %swap3A_207], %swap3A_210 {strides = array<i32>} : memref<36x96x384xf32, #tpu.memory_space<vmem>>, vector<1x96x384xf32>,
    %concatenate3A_211 = tpu.concatenate %add3A_38, %add3A_56 in 1 : vector<96x192xf32>, vector<96x192xf32> -> vector<96x384xf32>
    %swap3A_212 = arith.constant 18 : index
    %swap3A_213 = arith.constant 0 : index
    %swap3A_214 = arith.constant 0 : index
    %swap3A_215 = vector.load %arg2[%swap3A_212, %swap3A_213, %swap3A_214] : memref<36x96x384xf32, #tpu.memory_space<vmem>>, vector<1x96x384xf32>
    %swap3A_216 = vector.shape_cast %swap3A_215 : vector<1x96x384xf32> to vector<96x384xf32>
    %swap3A_217 = vector.shape_cast %concatenate3A_211 : vector<96x384xf32> to vector<1x96x384xf32>
    tpu.vector_store %arg2[%swap3A_212, %swap3A_213, %swap3A_214], %swap3A_217 {strides = array<i32>} : memref<36x96x384xf32, #tpu.memory_space<vmem>>, vector<1x96x384xf32>,
    %concatenate3A_218 = tpu.concatenate %add3A_38, %add3A_62 in 1 : vector<96x192xf32>, vector<96x192xf32> -> vector<96x384xf32>
    %swap3A_219 = arith.constant 19 : index
    %swap3A_220 = arith.constant 0 : index
    %swap3A_221 = arith.constant 0 : index
    %swap3A_222 = vector.load %arg2[%swap3A_219, %swap3A_220, %swap3A_221] : memref<36x96x384xf32, #tpu.memory_space<vmem>>, vector<1x96x384xf32>
    %swap3A_223 = vector.shape_cast %swap3A_222 : vector<1x96x384xf32> to vector<96x384xf32>
    %swap3A_224 = vector.shape_cast %concatenate3A_218 : vector<96x384xf32> to vector<1x96x384xf32>
    tpu.vector_store %arg2[%swap3A_219, %swap3A_220, %swap3A_221], %swap3A_224 {strides = array<i32>} : memref<36x96x384xf32, #tpu.memory_space<vmem>>, vector<1x96x384xf32>,
    %concatenate3A_225 = tpu.concatenate %add3A_38, %add3A_68 in 1 : vector<96x192xf32>, vector<96x192xf32> -> vector<96x384xf32>
    %swap3A_226 = arith.constant 20 : index
    %swap3A_227 = arith.constant 0 : index
    %swap3A_228 = arith.constant 0 : index
    %swap3A_229 = vector.load %arg2[%swap3A_226, %swap3A_227, %swap3A_228] : memref<36x96x384xf32, #tpu.memory_space<vmem>>, vector<1x96x384xf32>
    %swap3A_230 = vector.shape_cast %swap3A_229 : vector<1x96x384xf32> to vector<96x384xf32>
    %swap3A_231 = vector.shape_cast %concatenate3A_225 : vector<96x384xf32> to vector<1x96x384xf32>
    tpu.vector_store %arg2[%swap3A_226, %swap3A_227, %swap3A_228], %swap3A_231 {strides = array<i32>} : memref<36x96x384xf32, #tpu.memory_space<vmem>>, vector<1x96x384xf32>,
    %concatenate3A_232 = tpu.concatenate %add3A_38, %add3A_74 in 1 : vector<96x192xf32>, vector<96x192xf32> -> vector<96x384xf32>
    %swap3A_233 = arith.constant 21 : index
    %swap3A_234 = arith.constant 0 : index
    %swap3A_235 = arith.constant 0 : index
    %swap3A_236 = vector.load %arg2[%swap3A_233, %swap3A_234, %swap3A_235] : memref<36x96x384xf32, #tpu.memory_space<vmem>>, vector<1x96x384xf32>
    %swap3A_237 = vector.shape_cast %swap3A_236 : vector<1x96x384xf32> to vector<96x384xf32>
    %swap3A_238 = vector.shape_cast %concatenate3A_232 : vector<96x384xf32> to vector<1x96x384xf32>
    tpu.vector_store %arg2[%swap3A_233, %swap3A_234, %swap3A_235], %swap3A_238 {strides = array<i32>} : memref<36x96x384xf32, #tpu.memory_space<vmem>>, vector<1x96x384xf32>,
    %concatenate3A_239 = tpu.concatenate %add3A_38, %add3A_80 in 1 : vector<96x192xf32>, vector<96x192xf32> -> vector<96x384xf32>
    %swap3A_240 = arith.constant 22 : index
    %swap3A_241 = arith.constant 0 : index
    %swap3A_242 = arith.constant 0 : index
    %swap3A_243 = vector.load %arg2[%swap3A_240, %swap3A_241, %swap3A_242] : memref<36x96x384xf32, #tpu.memory_space<vmem>>, vector<1x96x384xf32>
    %swap3A_244 = vector.shape_cast %swap3A_243 : vector<1x96x384xf32> to vector<96x384xf32>
    %swap3A_245 = vector.shape_cast %concatenate3A_239 : vector<96x384xf32> to vector<1x96x384xf32>
    tpu.vector_store %arg2[%swap3A_240, %swap3A_241, %swap3A_242], %swap3A_245 {strides = array<i32>} : memref<36x96x384xf32, #tpu.memory_space<vmem>>, vector<1x96x384xf32>,
    %concatenate3A_246 = tpu.concatenate %add3A_38, %add3A_86 in 1 : vector<96x192xf32>, vector<96x192xf32> -> vector<96x384xf32>
    %swap3A_247 = arith.constant 23 : index
    %swap3A_248 = arith.constant 0 : index
    %swap3A_249 = arith.constant 0 : index
    %swap3A_250 = vector.load %arg2[%swap3A_247, %swap3A_248, %swap3A_249] : memref<36x96x384xf32, #tpu.memory_space<vmem>>, vector<1x96x384xf32>
    %swap3A_251 = vector.shape_cast %swap3A_250 : vector<1x96x384xf32> to vector<96x384xf32>
    %swap3A_252 = vector.shape_cast %concatenate3A_246 : vector<96x384xf32> to vector<1x96x384xf32>
    tpu.vector_store %arg2[%swap3A_247, %swap3A_248, %swap3A_249], %swap3A_252 {strides = array<i32>} : memref<36x96x384xf32, #tpu.memory_space<vmem>>, vector<1x96x384xf32>,
    %concatenate3A_253 = tpu.concatenate %add3A_44, %add3A_56 in 1 : vector<96x192xf32>, vector<96x192xf32> -> vector<96x384xf32>
    %swap3A_254 = arith.constant 24 : index
    %swap3A_255 = arith.constant 0 : index
    %swap3A_256 = arith.constant 0 : index
    %swap3A_257 = vector.load %arg2[%swap3A_254, %swap3A_255, %swap3A_256] : memref<36x96x384xf32, #tpu.memory_space<vmem>>, vector<1x96x384xf32>
    %swap3A_258 = vector.shape_cast %swap3A_257 : vector<1x96x384xf32> to vector<96x384xf32>
    %swap3A_259 = vector.shape_cast %concatenate3A_253 : vector<96x384xf32> to vector<1x96x384xf32>
    tpu.vector_store %arg2[%swap3A_254, %swap3A_255, %swap3A_256], %swap3A_259 {strides = array<i32>} : memref<36x96x384xf32, #tpu.memory_space<vmem>>, vector<1x96x384xf32>,
    %concatenate3A_260 = tpu.concatenate %add3A_44, %add3A_62 in 1 : vector<96x192xf32>, vector<96x192xf32> -> vector<96x384xf32>
    %swap3A_261 = arith.constant 25 : index
    %swap3A_262 = arith.constant 0 : index
    %swap3A_263 = arith.constant 0 : index
    %swap3A_264 = vector.load %arg2[%swap3A_261, %swap3A_262, %swap3A_263] : memref<36x96x384xf32, #tpu.memory_space<vmem>>, vector<1x96x384xf32>
    %swap3A_265 = vector.shape_cast %swap3A_264 : vector<1x96x384xf32> to vector<96x384xf32>
    %swap3A_266 = vector.shape_cast %concatenate3A_260 : vector<96x384xf32> to vector<1x96x384xf32>
    tpu.vector_store %arg2[%swap3A_261, %swap3A_262, %swap3A_263], %swap3A_266 {strides = array<i32>} : memref<36x96x384xf32, #tpu.memory_space<vmem>>, vector<1x96x384xf32>,
    %concatenate3A_267 = tpu.concatenate %add3A_44, %add3A_68 in 1 : vector<96x192xf32>, vector<96x192xf32> -> vector<96x384xf32>
    %swap3A_268 = arith.constant 26 : index
    %swap3A_269 = arith.constant 0 : index
    %swap3A_270 = arith.constant 0 : index
    %swap3A_271 = vector.load %arg2[%swap3A_268, %swap3A_269, %swap3A_270] : memref<36x96x384xf32, #tpu.memory_space<vmem>>, vector<1x96x384xf32>
    %swap3A_272 = vector.shape_cast %swap3A_271 : vector<1x96x384xf32> to vector<96x384xf32>
    %swap3A_273 = vector.shape_cast %concatenate3A_267 : vector<96x384xf32> to vector<1x96x384xf32>
    tpu.vector_store %arg2[%swap3A_268, %swap3A_269, %swap3A_270], %swap3A_273 {strides = array<i32>} : memref<36x96x384xf32, #tpu.memory_space<vmem>>, vector<1x96x384xf32>,
    %concatenate3A_274 = tpu.concatenate %add3A_44, %add3A_74 in 1 : vector<96x192xf32>, vector<96x192xf32> -> vector<96x384xf32>
    %swap3A_275 = arith.constant 27 : index
    %swap3A_276 = arith.constant 0 : index
    %swap3A_277 = arith.constant 0 : index
    %swap3A_278 = vector.load %arg2[%swap3A_275, %swap3A_276, %swap3A_277] : memref<36x96x384xf32, #tpu.memory_space<vmem>>, vector<1x96x384xf32>
    %swap3A_279 = vector.shape_cast %swap3A_278 : vector<1x96x384xf32> to vector<96x384xf32>
    %swap3A_280 = vector.shape_cast %concatenate3A_274 : vector<96x384xf32> to vector<1x96x384xf32>
    tpu.vector_store %arg2[%swap3A_275, %swap3A_276, %swap3A_277], %swap3A_280 {strides = array<i32>} : memref<36x96x384xf32, #tpu.memory_space<vmem>>, vector<1x96x384xf32>,
    %concatenate3A_281 = tpu.concatenate %add3A_44, %add3A_80 in 1 : vector<96x192xf32>, vector<96x192xf32> -> vector<96x384xf32>
    %swap3A_282 = arith.constant 28 : index
    %swap3A_283 = arith.constant 0 : index
    %swap3A_284 = arith.constant 0 : index
    %swap3A_285 = vector.load %arg2[%swap3A_282, %swap3A_283, %swap3A_284] : memref<36x96x384xf32, #tpu.memory_space<vmem>>, vector<1x96x384xf32>
    %swap3A_286 = vector.shape_cast %swap3A_285 : vector<1x96x384xf32> to vector<96x384xf32>
    %swap3A_287 = vector.shape_cast %concatenate3A_281 : vector<96x384xf32> to vector<1x96x384xf32>
    tpu.vector_store %arg2[%swap3A_282, %swap3A_283, %swap3A_284], %swap3A_287 {strides = array<i32>} : memref<36x96x384xf32, #tpu.memory_space<vmem>>, vector<1x96x384xf32>,
    %concatenate3A_288 = tpu.concatenate %add3A_44, %add3A_86 in 1 : vector<96x192xf32>, vector<96x192xf32> -> vector<96x384xf32>
    %swap3A_289 = arith.constant 29 : index
    %swap3A_290 = arith.constant 0 : index
    %swap3A_291 = arith.constant 0 : index
    %swap3A_292 = vector.load %arg2[%swap3A_289, %swap3A_290, %swap3A_291] : memref<36x96x384xf32, #tpu.memory_space<vmem>>, vector<1x96x384xf32>
    %swap3A_293 = vector.shape_cast %swap3A_292 : vector<1x96x384xf32> to vector<96x384xf32>
    %swap3A_294 = vector.shape_cast %concatenate3A_288 : vector<96x384xf32> to vector<1x96x384xf32>
    tpu.vector_store %arg2[%swap3A_289, %swap3A_290, %swap3A_291], %swap3A_294 {strides = array<i32>} : memref<36x96x384xf32, #tpu.memory_space<vmem>>, vector<1x96x384xf32>,
    %concatenate3A_295 = tpu.concatenate %add3A_50, %add3A_56 in 1 : vector<96x192xf32>, vector<96x192xf32> -> vector<96x384xf32>
    %swap3A_296 = arith.constant 30 : index
    %swap3A_297 = arith.constant 0 : index
    %swap3A_298 = arith.constant 0 : index
    %swap3A_299 = vector.load %arg2[%swap3A_296, %swap3A_297, %swap3A_298] : memref<36x96x384xf32, #tpu.memory_space<vmem>>, vector<1x96x384xf32>
    %swap3A_300 = vector.shape_cast %swap3A_299 : vector<1x96x384xf32> to vector<96x384xf32>
    %swap3A_301 = vector.shape_cast %concatenate3A_295 : vector<96x384xf32> to vector<1x96x384xf32>
    tpu.vector_store %arg2[%swap3A_296, %swap3A_297, %swap3A_298], %swap3A_301 {strides = array<i32>} : memref<36x96x384xf32, #tpu.memory_space<vmem>>, vector<1x96x384xf32>,
    %concatenate3A_302 = tpu.concatenate %add3A_50, %add3A_62 in 1 : vector<96x192xf32>, vector<96x192xf32> -> vector<96x384xf32>
    %swap3A_303 = arith.constant 31 : index
    %swap3A_304 = arith.constant 0 : index
    %swap3A_305 = arith.constant 0 : index
    %swap3A_306 = vector.load %arg2[%swap3A_303, %swap3A_304, %swap3A_305] : memref<36x96x384xf32, #tpu.memory_space<vmem>>, vector<1x96x384xf32>
    %swap3A_307 = vector.shape_cast %swap3A_306 : vector<1x96x384xf32> to vector<96x384xf32>
    %swap3A_308 = vector.shape_cast %concatenate3A_302 : vector<96x384xf32> to vector<1x96x384xf32>
    tpu.vector_store %arg2[%swap3A_303, %swap3A_304, %swap3A_305], %swap3A_308 {strides = array<i32>} : memref<36x96x384xf32, #tpu.memory_space<vmem>>, vector<1x96x384xf32>,
    %concatenate3A_309 = tpu.concatenate %add3A_50, %add3A_68 in 1 : vector<96x192xf32>, vector<96x192xf32> -> vector<96x384xf32>
    %swap3A_310 = arith.constant 32 : index
    %swap3A_311 = arith.constant 0 : index
    %swap3A_312 = arith.constant 0 : index
    %swap3A_313 = vector.load %arg2[%swap3A_310, %swap3A_311, %swap3A_312] : memref<36x96x384xf32, #tpu.memory_space<vmem>>, vector<1x96x384xf32>
    %swap3A_314 = vector.shape_cast %swap3A_313 : vector<1x96x384xf32> to vector<96x384xf32>
    %swap3A_315 = vector.shape_cast %concatenate3A_309 : vector<96x384xf32> to vector<1x96x384xf32>
    tpu.vector_store %arg2[%swap3A_310, %swap3A_311, %swap3A_312], %swap3A_315 {strides = array<i32>} : memref<36x96x384xf32, #tpu.memory_space<vmem>>, vector<1x96x384xf32>,
    %concatenate3A_316 = tpu.concatenate %add3A_50, %add3A_74 in 1 : vector<96x192xf32>, vector<96x192xf32> -> vector<96x384xf32>
    %swap3A_317 = arith.constant 33 : index
    %swap3A_318 = arith.constant 0 : index
    %swap3A_319 = arith.constant 0 : index
    %swap3A_320 = vector.load %arg2[%swap3A_317, %swap3A_318, %swap3A_319] : memref<36x96x384xf32, #tpu.memory_space<vmem>>, vector<1x96x384xf32>
    %swap3A_321 = vector.shape_cast %swap3A_320 : vector<1x96x384xf32> to vector<96x384xf32>
    %swap3A_322 = vector.shape_cast %concatenate3A_316 : vector<96x384xf32> to vector<1x96x384xf32>
    tpu.vector_store %arg2[%swap3A_317, %swap3A_318, %swap3A_319], %swap3A_322 {strides = array<i32>} : memref<36x96x384xf32, #tpu.memory_space<vmem>>, vector<1x96x384xf32>,
    %concatenate3A_323 = tpu.concatenate %add3A_50, %add3A_80 in 1 : vector<96x192xf32>, vector<96x192xf32> -> vector<96x384xf32>
    %swap3A_324 = arith.constant 34 : index
    %swap3A_325 = arith.constant 0 : index
    %swap3A_326 = arith.constant 0 : index
    %swap3A_327 = vector.load %arg2[%swap3A_324, %swap3A_325, %swap3A_326] : memref<36x96x384xf32, #tpu.memory_space<vmem>>, vector<1x96x384xf32>
    %swap3A_328 = vector.shape_cast %swap3A_327 : vector<1x96x384xf32> to vector<96x384xf32>
    %swap3A_329 = vector.shape_cast %concatenate3A_323 : vector<96x384xf32> to vector<1x96x384xf32>
    tpu.vector_store %arg2[%swap3A_324, %swap3A_325, %swap3A_326], %swap3A_329 {strides = array<i32>} : memref<36x96x384xf32, #tpu.memory_space<vmem>>, vector<1x96x384xf32>,
    %concatenate3A_330 = tpu.concatenate %add3A_50, %add3A_86 in 1 : vector<96x192xf32>, vector<96x192xf32> -> vector<96x384xf32>
    %swap3A_331 = arith.constant 35 : index
    %swap3A_332 = arith.constant 0 : index
    %swap3A_333 = arith.constant 0 : index
    %swap3A_334 = vector.load %arg2[%swap3A_331, %swap3A_332, %swap3A_333] : memref<36x96x384xf32, #tpu.memory_space<vmem>>, vector<1x96x384xf32>
    %swap3A_335 = vector.shape_cast %swap3A_334 : vector<1x96x384xf32> to vector<96x384xf32>
    %swap3A_336 = vector.shape_cast %concatenate3A_330 : vector<96x384xf32> to vector<1x96x384xf32>
    tpu.vector_store %arg2[%swap3A_331, %swap3A_332, %swap3A_333], %swap3A_336 {strides = array<i32>} : memref<36x96x384xf32, #tpu.memory_space<vmem>>, vector<1x96x384xf32>,
    return
  }
}

</mosaic_0001>

<sc_bundles>
// kernel: kernel.5.cloned.1.call-start
scs
__scs_entry_jumppad:
0x0: {  	(pc) =	sbr.rel $0x88, $3  }
0x1: {  	(tag) =	ssettag $0x0;
	lr =	simm.s32 $0x1  }
0x2: {  	[smem:$0x3F9D] =	sst lr;
	_ =	strace $0xD0000000  }
0x3: {  	_ = 	snop  }
0x4: {  	_ = 	snop  }
0x5: {  	_ = 	snop  }
0x6: {  	_ = 	snop  }
0x7: {  	_ = 	snop  }
__scs_overlays_trampoline_lowered:
0x8: {  	[smem:$0x3FAC] =	sst s0  }
0x9: {  	[smem:$0x3FAD] =	sst s1  }
0xa: {  	[smem:$0x3FAE] =	sst s2  }
0xb: {  	[smem:$0x3FAF] =	sst s3  }
0xc: {  	[smem:$0x3FB0] =	sst s4  }
0xd: {  	[smem:$0x3FB1] =	sst s5  }
0xe: {  	[smem:$0x3FB2] =	sst s6  }
0xf: {  	[smem:$0x3FB3] =	sst s7  }
0x10: {  	[smem:$0x3FB4] =	sst s8  }
0x11: {  	[smem:$0x3FB5] =	sst s9;
	s0 =	simm.s32 @!p0 $0x0  }
0x12: {  	s1 =	sld [smem:$0x3F9B];
	s0 =	simm.s32 @p0 $0x1  }
0x13: {  	[smem:$0x3FB6] =	sst s0;
	s0 =	simm.s32 @!p1 $0x0  }
0x14: {  	s2 =	sld [smem:$0x3F9A];
	s0 =	simm.s32 @p1 $0x1  }
0x15: {  	[smem:$0x3FB7] =	sst s0;
	s0 =	simm.s32 @!p2 $0x0  }
0x16: {  	s3 =	sld [smem:$0x3FDB];
	s0 =	simm.s32 @p2 $0x1  }
0x17: {  	s4 =	simm.s32 $0x1BF5;
	[smem:$0x3FB9] =	sst s0  }
0x18: {  	s0 =	sld [smem:$0x3F9C];
	_ =	swait.ge [sflag:s4], $0x0  }
0x19: {  	s7 =	sld [smem:$0x3F9D]  }
0x1a: {  	s8 =	sadd.s32 $0xFFFFE003, lr  }
0x1b: {  	s9 =	sadd.s32 $0xFFFFFEF7, lr;
	s5 =	simm.s32 $0xFFFFFFFF;
	p2 =	slt.u32 s8, $0xFFFFF086  }
0x1c: {  	p1 =	slt.u32 s9, $0xF7A;
	s5 =	simm.s32 @!p2 $0x0  }
0x1d: {  	s5 =	simm.s32 @p1 $0x1;
	p0 =	seq.s32 s7, s2  }
0x1e: {  	s7 =	smul.u32 @!p0 $0xF7A, s2;
	p2 =	seq.s32 @!p0 s5, $0x0  }
0x1f: {  	s9 =	smul.u32 $0xF7A, s1;
	s8 =	simm.s32 @!p0 $0x1BF5;
	p2 =	por !p2, p0  }
0x20: {  	[sflag:s8] =	ssyncset.s32 @!p0 $0xFFFFF086;
	s6 =	sadd.s32 @!p0 s3, s7;
	s7 =	simm.s32 @!p0 $0x108  }
0x21: {  	s3 =	sadd.s32 s3, s9;
	s6 =	sadd.s32 @!p0 $0x88, s6;
	s7 =	simm.s32 @p2 $0x1082  }
0x22: {  	[simem:s7], [sflag:s8] =	dma.local @!p0 [hbm:s6], $0xF7A  }
0x23: {  	s9 =	sor.u32 $0xD0000000, s2;
	s6 =	simm.s32 $0x108;
	_ =	swait.ge @!p0 [sflag:s8], $0x0  }
0x24: {  	s3 =	sadd.s32 $0x88, s3;
	s6 =	simm.s32 @!p1 $0x1082;
	[sflag:s4] =	ssyncset.s32 $0xFFFFF086  }
0x25: {  	[simem:s6], [sflag:s4] =	dma.local [hbm:s3], $0xF7A  }
0x26: {  	[smem:$0x3F9D] =	sst s1;
	(tag) =	ssettag s2;
	_ =	strace s9  }
0x27: {  	s1 =	sld [smem:$0x3FAD]  }
0x28: {  	s2 =	sld [smem:$0x3FAE]  }
0x29: {  	s4 =	sld [smem:$0x3FB0]  }
0x2a: {  	p0 =	seq.s32 s5, $0x0;
	s5 =	sld [smem:$0x3FB1]  }
0x2b: {  	s6 =	sld [smem:$0x3FB2]  }
0x2c: {  	s7 =	sld [smem:$0x3FB3]  }
0x2d: {  	s3 =	simm.s32 $0x108;
	s8 =	sld [smem:$0x3FB4]  }
0x2e: {  	s3 =	simm.s32 @!p0 $0x1082;
	s9 =	sld [smem:$0x3FB5]  }
0x2f: {  	lr =	sadd.s32 s0, s3;
	s0 =	sld [smem:$0x3FAC]  }
0x30: {  	s3 =	sld [smem:$0x3FAF]  }
0x31: {  	[smem:$0x3FB8] =	sst s10  }
0x32: {  	s10 =	sld [smem:$0x3FB6];
	_ =	sdelay $0x3  }
0x33: {  	p0 =	seq.s32 s10, $0x1;
	s10 =	sld [smem:$0x3FB8];
	_ =	sdelay $0x3  }
0x34: {  	[smem:$0x3FB8] =	sst s10  }
0x35: {  	s10 =	sld [smem:$0x3FB7];
	_ =	sdelay $0x3  }
0x36: {  	p1 =	seq.s32 s10, $0x1;
	s10 =	sld [smem:$0x3FB8];
	_ =	sdelay $0x3  }
0x37: {  	[smem:$0x3FB8] =	sst s10  }
0x38: {  	s10 =	sld [smem:$0x3FB9]  }
0x39: {  	_ = 	snop;
	(pc) =	sbr.ind lr, $3  }
0x3a: {  	_ = 	snop  }
0x3b: {  	_ = 	snop  }
0x3c: {  	p2 =	seq.s32 s10, $0x1;
	s10 =	sld [smem:$0x3FB8]  }
0x3d: {  	_ =	shalt  }
0x3e: {  	_ =	shalt  }
0x3f: {  	_ =	shalt  }
0x40: {  	_ =	shalt  }
0x41: {  	_ =	shalt  }
0x42: {  	_ =	shalt  }
0x43: {  	_ =	shalt  }
0x44: {  	_ =	shalt  }
0x45: {  	_ =	shalt  }
0x46: {  	_ =	shalt  }
0x47: {  	_ =	shalt  }
0x48: {  	_ =	shalt  }
0x49: {  	_ =	shalt  }
0x4a: {  	_ =	shalt  }
0x4b: {  	_ =	shalt  }
0x4c: {  	_ =	shalt  }
0x4d: {  	_ =	shalt  }
0x4e: {  	_ =	shalt  }
0x4f: {  	_ =	shalt  }
0x50: {  	_ =	shalt  }
0x51: {  	_ =	shalt  }
0x52: {  	_ =	shalt  }
0x53: {  	_ =	shalt  }
0x54: {  	_ =	shalt  }
0x55: {  	_ =	shalt  }
0x56: {  	_ =	shalt  }
0x57: {  	_ =	shalt  }
0x58: {  	_ =	shalt  }
0x59: {  	_ =	shalt  }
0x5a: {  	_ =	shalt  }
0x5b: {  	_ =	shalt  }
0x5c: {  	_ =	shalt  }
0x5d: {  	_ =	shalt  }
0x5e: {  	_ =	shalt  }
0x5f: {  	_ =	shalt  }
0x60: {  	_ =	shalt  }
0x61: {  	_ =	shalt  }
0x62: {  	_ =	shalt  }
0x63: {  	_ =	shalt  }
0x64: {  	_ =	shalt  }
0x65: {  	_ =	shalt  }
0x66: {  	_ =	shalt  }
0x67: {  	_ =	shalt  }
0x68: {  	_ =	shalt  }
0x69: {  	_ =	shalt  }
0x6a: {  	_ =	shalt  }
0x6b: {  	_ =	shalt  }
0x6c: {  	_ =	shalt  }
0x6d: {  	_ =	shalt  }
0x6e: {  	_ =	shalt  }
0x6f: {  	_ =	shalt  }
0x70: {  	_ =	shalt  }
0x71: {  	_ =	shalt  }
0x72: {  	_ =	shalt  }
0x73: {  	_ =	shalt  }
0x74: {  	_ =	shalt  }
0x75: {  	_ =	shalt  }
0x76: {  	_ =	shalt  }
0x77: {  	_ =	shalt  }
0x78: {  	_ =	shalt  }
0x79: {  	_ =	shalt  }
0x7a: {  	_ =	shalt  }
0x7b: {  	_ =	shalt  }
0x7c: {  	_ =	shalt  }
0x7d: {  	_ =	shalt  }
0x7e: {  	_ =	shalt  }
0x7f: {  	_ =	shalt  }
0x80: {  	_ =	shalt  }
0x81: {  	_ =	shalt  }
0x82: {  	_ =	shalt  }
0x83: {  	_ =	shalt  }
0x84: {  	_ =	shalt  }
0x85: {  	_ =	shalt  }
0x86: {  	_ =	shalt  }
0x87: {  	_ =	shalt  }
.Lfunc_end0:
.L_simem_size_0:
called_computation_lowered:
.L_overlay_start_0:
0x88: {  	s2 =	sld [smem:$0x3FD9]  }
0x89: {  	s3 =	sld [smem:$0x3FFE];
	_ =	sdelay $0x1  }
0x8a: {  	s1 =	srdreg.scid  }
0x8b: {  	s0 =	sand.u32 $0x1, s1  }
0x8c: {  	s14 =	sshll.u32 s0, $0xA;
	s2 =	sadd.s32 s3, s2  }
0x8d: {  	s2 =	sadd.s32 s2, s14  }
0x8e: {  	[smem:$0x3FC4] =	sst s2  }
0x8f: {  	_ = 	snop  }
0x90: {  	s2 =	sld [smem:$0x3FD0];
	_ =	sdelay $0x2  }
0x91: {  	s15 =	simm.s32 $0xA;
	s4 =	simm.s32 $0x10  }
0x92: {  	[smem:s4], [sflag:s15] =	dma.local [hbm:s2], $0x1  }
0x93: {  	_ =	swait.eq [sflag:s15], $0x1  }
0x94: {  	[sflag:s15] =	ssyncset.done $0x0  }
0x95: {  	[sflag:s15] =	ssyncadd.s32 $0xFFFFFFFF  }
0x96: {  	s16 =	sld [smem:$0x10];
	(tm) =	ssettm $0x1  }
0x97: {  	s17 =	sld [smem:$0x3FFB];
	_ =	sdelay $0x3  }
0x98: {  	_ =	strace s17  }
0x99: {  	s3 =	sld [smem:$0x3FFC];
	_ =	sdelay $0x3  }
0x9a: {  	_ =	strace s3  }
0x9b: {  	s3 =	sld [smem:$0x3FFD];
	_ =	sdelay $0x3  }
0x9c: {  	_ =	strace s3  }
0x9d: {  	_ =	strace $0x8FFFFFFF  }
0x9e: {  	s18 =	sld [smem:$0x3FDB];
	_ =	sdelay $0x1  }
0x9f: {  	s19 =	simm.s32 $_scs_section_size  }
0xa0: {  	s5 =	simm.s32 $_size__tile_overlayer_lowered;
	s6 =	simm.s32 $_tile_overlayer_lowered  }
0xa1: {  	s22 =	simm.s32 $0x1BFF;
	s21 =	sshll.u32 s6, $0x1;
	s3 =	sadd.s32 s19, s18  }
0xa2: {  	s7 =	simm.s32 $0x0;
	s20 =	sshll.u32 s5, $0x1;
	s5 =	sadd.s32 s21, s3  }
0xa3: {  	[timem:s7], [sflag:s22] =	dma.local [hbm:s5], s20  }
0xa4: {  	_ =	swait.ge [sflag:s22], s20  }
0xa5: {  	s4 =	ssub.s32 $0x0, s20;
	[sflag:s22] =	ssyncset.done $0x0  }
0xa6: {  	[sflag:s22] =	ssyncadd.s32 s4;
	_ =	sdelay $0x1  }
0xa7: {  	s23 =	simm.s32 $0x1B8B  }
0xa8: {  	_ =	swait.ge [sflag:s23], $0x1  }
0xa9: {  	[sflag:s23] =	ssyncset.done $0x0  }
0xaa: {  	s25 =	simm.s32 $0x1B8E;
	s24 =	sld [smem:$0x3FFE];
	[sflag:s23] =	ssyncadd.s32 $0xFFFFFFFF  }
0xab: {  	s26 =	simm.s32 $execute0_lowered;
	[smem:$0x3FD2] =	sst s25  }
0xac: {  	s5 =	sshll.u32 s26, $0x1;
	_ =	strace $0x80000046;
	[dreg:$0x1] =	wrdreg $0xFFFFFFFF  }
0xad: {  	s28 =	simm.s32 $_size_execute0_lowered;
	s3 =	sadd.s32 s3, s5;
	[dreg:$0x0] =	wrdreg $0x0  }
0xae: {  	s5 =	sshll.u32 s28, $0x1;
	[dreg:$0x2] =	wrdreg s3  }
0xaf: {  	[dreg:$0x3] =	wrdreg s5  }
0xb0: {  	[dreg:$0x4] =	wrdreg $0xC0  }
0xb1: {  	_ =	task [dreg:s7], $0x5FFFF  }
0xb2: {  	[dreg:$0x1] =	wrdreg $0xFFFFFFFF  }
0xb3: {  	[dreg:$0x0] =	wrdreg $0x60  }
0xb4: {  	[dreg:$0x2] =	wrdreg s16  }
0xb5: {  	[dreg:$0x3] =	wrdreg s24  }
0xb6: {  	[dreg:$0x4] =	wrdreg $0x9  }
0xb7: {  	_ =	task.clear_ibuf [dreg:s7], $0x5FFFF;
	_ =	strace $0x90000046  }
0xb8: {  	s29 =	simm.s32 $0x9;
	_ =	strace $0x80000048  }
0xb9: {  	_ =	swait.ge [sflag:s29], $0x1  }
0xba: {  	[sflag:s29] =	ssyncadd.s32 $0xFFFFFFFF  }
0xbb: {  	_ =	strace $0x90000048  }
0xbc: {  	_ =	sfence  }
0xbd: {  	s30 =	sld [smem:$0x0];
	_ =	sdelay $0x2  }
0xbe: {  	s31 =	sshll.u32 s1, $0xD;
	s1 =	sshrl.u32 s1, $0x2  }
0xbf: {  	s3 =	sand.u32 $0x4000, s31;
	s1 =	sadd.s32 s1, s30  }
0xc0: {  	s0 =	sor.u32 s3, s0;
	s1 =	sshll.u32 s1, $0x11  }
0xc1: {  	s0 =	sor.u32 s1, s0  }
0xc2: {  	s0 =	sadd.s32 $0x8F2B, s0  }
0xc3: {  	[sflag:s0] =	ssyncadd.remote.s32 $0x1  }
0xc4: {  	_ =	sfence.sel $0xFFFF  }
0xc5: {  	[dreg:$0x0] =	wrdreg $0xFFFFFFFF;
	(pc) =	sbr.abs _section_cstart, $3  }
0xc6: {  	[dreg:$0x1] =	wrdreg $0xFFFFFFFF  }
0xc7: {  	_ =	task.clear_ibuf [dreg:s7], $0x2FFFF;
	_ =	strace $0x9FFFFFFF  }
0xc8: {  	(tm) =	ssettm $0x7FFFFFFF  }
0xc9: {  	_ =	shalt  }
tec
execute0_lowered:
.L_overlay_start_1:
0x0: {  	(tag) =	ssettag $0x1  }
0x1: {  	s0 =	srdreg.scid;
	s1 =	stileid.u32  }
0x2: {  	s0 =	sand.u32 $0x1, s0;
	s1 =	sshll.u32 s1, $0x1  }
0x3: {  	s1 =	sor.u32 s0, s1  }
0x4: {  	s2 =	rddreg [dreg:$0x0];
	s1 =	smul.u32 $0x600, s1  }
0x5: {  	s4 =	rddreg [dreg:$0x1];
	s3 =	simm.s32 $0x0  }
0x6: {  	[smem:$0x7FF] =	sst s3;
	s1 =	sshrl.u32 s1, $0x3  }
0x7: {  	s6 =	sadd.s32 $0xC00, s4;
	_ =	strace $0x80000047;
	s5 =	sor.u32 $0xC, s1  }
0x8: {  	s8 =	sor.u32 $0x18, s1;
	s7 =	smul.u32 $0x180, s5;
	s5 =	sadd.s32 s6, s5  }
0x9: {  	s13 =	sor.u32 $0x24, s1;
	s12 =	sadd.s32 s6, s8;
	[dreg:$0x3] =	wrdreg s5  }
0xa: {  	s17 =	sor.u32 $0x30, s1;
	s16 =	sadd.s32 s6, s13;
	[dreg:$0x5] =	wrdreg s12  }
0xb: {  	s21 =	sor.u32 $0x3C, s1;
	s20 =	sadd.s32 s6, s17;
	[dreg:$0x7] =	wrdreg s16  }
0xc: {  	s24 =	sadd.s32 s6, s21;
	[dreg:$0x9] =	wrdreg s20  }
0xd: {  	s6 =	sadd.s32 s6, s1;
	[dreg:$0xb] =	wrdreg s24  }
0xe: {  	s11 =	smul.u32 $0x180, s8;
	s8 =	sadd.s32 $0x54, s6;
	[smem:$0x7FB] =	sst s6  }
0xf: {  	s28 =	simm.s32 $0x6C80;
	s12 =	sadd.s32 $0x6C, s6;
	[dreg:$0xf] =	wrdreg s8  }
0x10: {  	s29 =	simm.s32 $0x7480;
	s16 =	sadd.s32 $0x84, s6;
	[dreg:$0x13] =	wrdreg s12  }
0x11: {  	s9 =	smul.u32 $0x180, s1;
	s20 =	sadd.s32 $0x9C, s6;
	[dreg:$0x17] =	wrdreg s16  }
0x12: {  	s4 =	sadd.s32 $0x2400, s4;
	s24 =	sadd.s32 $0xB4, s6;
	[dreg:$0x1b] =	wrdreg s20  }
0x13: {  	s30 =	simm.s32 $0x7880;
	s26 =	sadd.s32 s4, s9;
	[dreg:$0x1f] =	wrdreg s24  }
0x14: {  	s15 =	smul.u32 $0x180, s13;
	s10 =	sadd.s32 s4, s7;
	[smem:$0x7FC] =	sst s26  }
0x15: {  	s19 =	smul.u32 $0x180, s17;
	s14 =	sadd.s32 s4, s11;
	[dreg:$0x4] =	wrdreg s10  }
0x16: {  	s23 =	smul.u32 $0x180, s21;
	s18 =	sadd.s32 s4, s15;
	[dreg:$0x6] =	wrdreg s14  }
0x17: {  	s31 =	simm.s32 $0x8080;
	s22 =	sadd.s32 s4, s19;
	[dreg:$0x8] =	wrdreg s18  }
0x18: {  	s0 =	ssub.s32 $0x2, s0;
	s25 =	sadd.s32 s4, s23;
	[dreg:$0xa] =	wrdreg s22  }
0x19: {  	s1 =	simm.s32 $0x8480;
	s4 =	sadd.s32 $0x48, s6;
	[dreg:$0xc] =	wrdreg s25  }
0x1a: {  	s7 =	sadd.s32 $0x6C00, s26;
	s9 =	sadd.s32 $0x7E00, s26;
	[dreg:$0xd] =	wrdreg s4  }
0x1b: {  	s11 =	sadd.s32 $0x9000, s26;
	s13 =	sadd.s32 $0xA200, s26;
	[dreg:$0xe] =	wrdreg s7  }
0x1c: {  	s15 =	sadd.s32 $0xB400, s26;
	s17 =	sadd.s32 $0xC600, s26;
	[dreg:$0x10] =	wrdreg s9  }
0x1d: {  	s19 =	sadd.s32 $0xD800, s26;
	s21 =	sadd.s32 $0xEA00, s26;
	[dreg:$0x12] =	wrdreg s11  }
0x1e: {  	s23 =	sadd.s32 $0xFC00, s26;
	s26 =	sadd.s32 $0x10E00, s26;
	[dreg:$0x14] =	wrdreg s13  }
0x1f: {  	s8 =	simm.s32 $0x2;
	s12 =	simm.s32 $0x1480;
	[dreg:$0x16] =	wrdreg s15  }
0x20: {  	s16 =	simm.s32 $0x2C80;
	s20 =	simm.s32 $0x4480;
	[dreg:$0x18] =	wrdreg s17  }
0x21: {  	s24 =	simm.s32 $0x5C80;
	s10 =	sadd.s32 $0x60, s6;
	[dreg:$0x1a] =	wrdreg s19  }
0x22: {  	s14 =	sadd.s32 $0x78, s6;
	s18 =	sadd.s32 $0x90, s6;
	[dreg:$0x1c] =	wrdreg s21  }
0x23: {  	s22 =	sadd.s32 $0xA8, s6;
	[dreg:$0x1e] =	wrdreg s23;
	s25 =	sshrl.u32 s0, $0x1  }
0x24: {  	s6 =	sadd.s32 $0x100, s2;
	[smem:$0x7FD] =	sst s26;
	s9 =	simm.s32 $0x80  }
0x25: {  	s11 =	simm.s32 $0xC80;
	s13 =	simm.s32 $0x1880;
	s15 =	simm.s32 $0x2480  }
0x26: {  	s17 =	simm.s32 $0x3080;
	s19 =	simm.s32 $0x3C80;
	[dreg:$0x11] =	wrdreg s10  }
0x27: {  	s21 =	simm.s32 $0x4880;
	s23 =	simm.s32 $0x5480;
	[dreg:$0x15] =	wrdreg s14  }
0x28: {  	s26 =	simm.s32 $0x6880;
	s4 =	simm.s32 $0x1;
	[dreg:$0x19] =	wrdreg s18  }
0x29: {  	v2 =	vlaneseq.u32;
	[dreg:$0x1d] =	wrdreg s22;
	s0 =	ssub.s32 s0, s25;
	s10 =	simm.s32 $0x880  }
0x2a: {  	vm0 =	vmmov $0xffff;
	vm1 =	vmmov $0xff;
	v1 =	vshrl.u32 v2, $0x3;
	s14 =	simm.s32 $0x2080;
	s18 =	simm.s32 $0x3880;
	s22 =	simm.s32 $0x5080  }
0x2b: {  	v0 =	vand.u32 $0x7, v2;
	v2 =	vor.u32 $0x8, v2;
	v1 =	vmul.u32 $0x8, v1;
	s25 =	simm.s32 $0x6080;
	s7 =	smax.u32 s0, $0x1;
	s0 =	simm.s32 $0x8C80  }
.LBB2_1:
0x2c: {  	s5 =	sld [smem:$0x7FB];
	_ =	sdelay $0x2  }
0x2d: {  	[tilespmem:s3], [sflag:$0x2] =	stream.linear.gather [hbm4b:s5+s3], $0x60, $0x38;
	[tilespmem:$0x9080] =	vst v63  }
0x2e: {  	_ =	swait.ge [sflag:s8], $0x60  }
0x2f: {  	[sflag:s8] =	ssyncset.done $0x0  }
0x30: {  	[sflag:s8] =	ssyncadd.s32 $0xFFFFFFA0  }
0x31: {  	v3 =	vld [tilespmem:$0x0];
	_ =	sdelay $0x4  }
0x32: {  	v4 =	vshrl.u32 v3, $0x3  }
0x33: {  	v4 =	vmul.u32 $0x18, v4  }
0x34: {  	v3 =	vand.u32 $0x7, v3  }
0x35: {  	v3 =	vor.u32 v3, v4  }
0x36: {  	v4 =	vperm.xlane v3, v0;
	_ =	sdelay $0x1  }
0x37: {  	v4 =	vadd.s32 v1, v4;
	_ =	sdelay $0x1  }
0x38: {  	v3 =	vperm.xlane v3, v2;
	_ =	sdelay $0x1  }
0x39: {  	v3 =	vadd.s32 v1, v3  }
0x3a: {  	[tilespmem:s9], [sflag:$0x1] =	stream.indirect_vreg.gather [hbm4b:s2+s3], $0x80, v4, vm0, $0xb8;
	[tilespmem:$0x9080] =	vst v63  }
0x3b: {  	_ = 	snop  }
0x3c: {  	[tilespmem:s10], [sflag:$0x1] =	stream.indirect_vreg.gather [hbm4b:s6+s3], $0x80, v4, vm1, $0xb8;
	[tilespmem:$0x9080] =	vst v63  }
0x3d: {  	_ = 	snop  }
0x3e: {  	[tilespmem:s11], [sflag:$0x1] =	stream.indirect_vreg.gather [hbm4b:s2+s3], $0x80, v3, vm0, $0xb8;
	[tilespmem:$0x9080] =	vst v63  }
0x3f: {  	_ = 	snop  }
0x40: {  	[tilespmem:s12], [sflag:$0x1] =	stream.indirect_vreg.gather [hbm4b:s6+s3], $0x80, v3, vm1, $0xb8;
	[tilespmem:$0x9080] =	vst v63  }
0x41: {  	v3 =	vld [tilespmem:$0x10];
	_ =	sdelay $0x4  }
0x42: {  	v25 =	vshrl.u32 v3, $0x3  }
0x43: {  	v4 =	vmul.u32 $0x18, v25  }
0x44: {  	v3 =	vand.u32 $0x7, v3  }
0x45: {  	v3 =	vor.u32 v3, v4  }
0x46: {  	v4 =	vperm.xlane v3, v0;
	_ =	sdelay $0x1  }
0x47: {  	v4 =	vadd.s32 v1, v4;
	_ =	sdelay $0x1  }
0x48: {  	v3 =	vperm.xlane v3, v2;
	_ =	sdelay $0x1  }
0x49: {  	v3 =	vadd.s32 v1, v3  }
0x4a: {  	[tilespmem:s13], [sflag:$0x1] =	stream.indirect_vreg.gather [hbm4b:s2+s3], $0x80, v4, vm0, $0xb8;
	[tilespmem:$0x9080] =	vst v63  }
0x4b: {  	_ = 	snop  }
0x4c: {  	[tilespmem:s14], [sflag:$0x1] =	stream.indirect_vreg.gather [hbm4b:s6+s3], $0x80, v4, vm1, $0xb8;
	[tilespmem:$0x9080] =	vst v63  }
0x4d: {  	_ = 	snop  }
0x4e: {  	[tilespmem:s15], [sflag:$0x1] =	stream.indirect_vreg.gather [hbm4b:s2+s3], $0x80, v3, vm0, $0xb8;
	[tilespmem:$0x9080] =	vst v63  }
0x4f: {  	_ = 	snop  }
0x50: {  	[tilespmem:s16], [sflag:$0x1] =	stream.indirect_vreg.gather [hbm4b:s6+s3], $0x80, v3, vm1, $0xb8;
	[tilespmem:$0x9080] =	vst v63  }
0x51: {  	v3 =	vld [tilespmem:$0x20];
	_ =	sdelay $0x4  }
0x52: {  	v26 =	vshrl.u32 v3, $0x3  }
0x53: {  	v4 =	vmul.u32 $0x18, v26  }
0x54: {  	v3 =	vand.u32 $0x7, v3  }
0x55: {  	v3 =	vor.u32 v3, v4  }
0x56: {  	v4 =	vperm.xlane v3, v0;
	_ =	sdelay $0x1  }
0x57: {  	v4 =	vadd.s32 v1, v4;
	_ =	sdelay $0x1  }
0x58: {  	v3 =	vperm.xlane v3, v2;
	_ =	sdelay $0x1  }
0x59: {  	v3 =	vadd.s32 v1, v3  }
0x5a: {  	[tilespmem:s17], [sflag:$0x1] =	stream.indirect_vreg.gather [hbm4b:s2+s3], $0x80, v4, vm0, $0xb8;
	[tilespmem:$0x9080] =	vst v63  }
0x5b: {  	_ = 	snop  }
0x5c: {  	[tilespmem:s18], [sflag:$0x1] =	stream.indirect_vreg.gather [hbm4b:s6+s3], $0x80, v4, vm1, $0xb8;
	[tilespmem:$0x9080] =	vst v63  }
0x5d: {  	_ = 	snop  }
0x5e: {  	[tilespmem:s19], [sflag:$0x1] =	stream.indirect_vreg.gather [hbm4b:s2+s3], $0x80, v3, vm0, $0xb8;
	[tilespmem:$0x9080] =	vst v63  }
0x5f: {  	_ = 	snop  }
0x60: {  	[tilespmem:s20], [sflag:$0x1] =	stream.indirect_vreg.gather [hbm4b:s6+s3], $0x80, v3, vm1, $0xb8;
	[tilespmem:$0x9080] =	vst v63  }
0x61: {  	v3 =	vld [tilespmem:$0x30];
	_ =	sdelay $0x4  }
0x62: {  	v27 =	vshrl.u32 v3, $0x3  }
0x63: {  	v4 =	vmul.u32 $0x18, v27  }
0x64: {  	v3 =	vand.u32 $0x7, v3  }
0x65: {  	v3 =	vor.u32 v3, v4  }
0x66: {  	v4 =	vperm.xlane v3, v0;
	_ =	sdelay $0x1  }
0x67: {  	v4 =	vadd.s32 v1, v4;
	_ =	sdelay $0x1  }
0x68: {  	v3 =	vperm.xlane v3, v2;
	_ =	sdelay $0x1  }
0x69: {  	v3 =	vadd.s32 v1, v3  }
0x6a: {  	[tilespmem:s21], [sflag:$0x1] =	stream.indirect_vreg.gather [hbm4b:s2+s3], $0x80, v4, vm0, $0xb8;
	[tilespmem:$0x9080] =	vst v63  }
0x6b: {  	_ = 	snop  }
0x6c: {  	[tilespmem:s22], [sflag:$0x1] =	stream.indirect_vreg.gather [hbm4b:s6+s3], $0x80, v4, vm1, $0xb8;
	[tilespmem:$0x9080] =	vst v63  }
0x6d: {  	_ = 	snop  }
0x6e: {  	[tilespmem:s23], [sflag:$0x1] =	stream.indirect_vreg.gather [hbm4b:s2+s3], $0x80, v3, vm0, $0xb8;
	[tilespmem:$0x9080] =	vst v63  }
0x6f: {  	_ = 	snop  }
0x70: {  	[tilespmem:s24], [sflag:$0x1] =	stream.indirect_vreg.gather [hbm4b:s6+s3], $0x80, v3, vm1, $0xb8;
	[tilespmem:$0x9080] =	vst v63  }
0x71: {  	v3 =	vld [tilespmem:$0x40];
	_ =	sdelay $0x4  }
0x72: {  	v28 =	vshrl.u32 v3, $0x3  }
0x73: {  	v4 =	vmul.u32 $0x18, v28  }
0x74: {  	v3 =	vand.u32 $0x7, v3  }
0x75: {  	v3 =	vor.u32 v3, v4  }
0x76: {  	v4 =	vperm.xlane v3, v0;
	_ =	sdelay $0x1  }
0x77: {  	v4 =	vadd.s32 v1, v4;
	_ =	sdelay $0x1  }
0x78: {  	v3 =	vperm.xlane v3, v2;
	_ =	sdelay $0x1  }
0x79: {  	v3 =	vadd.s32 v1, v3  }
0x7a: {  	[tilespmem:s25], [sflag:$0x1] =	stream.indirect_vreg.gather [hbm4b:s2+s3], $0x80, v4, vm0, $0xb8;
	[tilespmem:$0x9080] =	vst v63  }
0x7b: {  	_ = 	snop  }
0x7c: {  	[tilespmem:s26], [sflag:$0x1] =	stream.indirect_vreg.gather [hbm4b:s6+s3], $0x80, v4, vm1, $0xb8;
	[tilespmem:$0x9080] =	vst v63  }
0x7d: {  	_ = 	snop  }
0x7e: {  	[tilespmem:s28], [sflag:$0x1] =	stream.indirect_vreg.gather [hbm4b:s2+s3], $0x80, v3, vm0, $0xb8;
	[tilespmem:$0x9080] =	vst v63  }
0x7f: {  	_ = 	snop  }
0x80: {  	[tilespmem:s29], [sflag:$0x1] =	stream.indirect_vreg.gather [hbm4b:s6+s3], $0x80, v3, vm1, $0xb8;
	[tilespmem:$0x9080] =	vst v63  }
0x81: {  	v3 =	vld [tilespmem:$0x50];
	_ =	sdelay $0x4  }
0x82: {  	v29 =	vshrl.u32 v3, $0x3  }
0x83: {  	v4 =	vmul.u32 $0x18, v29  }
0x84: {  	v3 =	vand.u32 $0x7, v3  }
0x85: {  	v3 =	vor.u32 v3, v4  }
0x86: {  	v4 =	vperm.xlane v3, v0;
	_ =	sdelay $0x1  }
0x87: {  	v4 =	vadd.s32 v1, v4;
	_ =	sdelay $0x1  }
0x88: {  	v3 =	vperm.xlane v3, v2;
	_ =	sdelay $0x1  }
0x89: {  	v3 =	vadd.s32 v1, v3  }
0x8a: {  	[tilespmem:s30], [sflag:$0x1] =	stream.indirect_vreg.gather [hbm4b:s2+s3], $0x80, v4, vm0, $0xb8;
	[tilespmem:$0x9080] =	vst v63  }
0x8b: {  	_ = 	snop  }
0x8c: {  	[tilespmem:s31], [sflag:$0x1] =	stream.indirect_vreg.gather [hbm4b:s6+s3], $0x80, v4, vm1, $0xb8;
	[tilespmem:$0x9080] =	vst v63  }
0x8d: {  	_ = 	snop  }
0x8e: {  	[tilespmem:s1], [sflag:$0x1] =	stream.indirect_vreg.gather [hbm4b:s2+s3], $0x80, v3, vm0, $0xb8;
	[tilespmem:$0x9080] =	vst v63  }
0x8f: {  	_ = 	snop  }
0x90: {  	[tilespmem:s0], [sflag:$0x1] =	stream.indirect_vreg.gather [hbm4b:s6+s3], $0x80, v3, vm1, $0xb8;
	[tilespmem:$0x9080] =	vst v63  }
0x91: {  	_ =	swait.ge [sflag:s4], $0x9000  }
0x92: {  	s5 =	sld [smem:$0x7FC]  }
0x93: {  	[sflag:s4] =	ssyncset.done $0x0  }
0x94: {  	[sflag:s4] =	ssyncadd.s32 $0xFFFF7000  }
0x95: {  	[hbm4b:s5+s3] =	stream.linear.scatter [tilespmem:s9], [sflag:$0x2], $0x9000, $0x38;
	[tilespmem:$0x9080] =	vst v63  }
0x96: {  	_ =	swait.ge [sflag:s8], $0x9000  }
0x97: {  	[sflag:s8] =	ssyncset.done $0x0  }
0x98: {  	s5 =	rddreg [dreg:$0x3];
	[sflag:s8] =	ssyncadd.s32 $0xFFFF7000  }
0x99: {  	[tilespmem:s3], [sflag:$0x2] =	stream.linear.gather [hbm4b:s5+s3], $0x60, $0x38;
	[tilespmem:$0x9080] =	vst v63  }
0x9a: {  	_ =	swait.ge [sflag:s8], $0x60  }
0x9b: {  	[sflag:s8] =	ssyncset.done $0x0  }
0x9c: {  	[sflag:s8] =	ssyncadd.s32 $0xFFFFFFA0  }
0x9d: {  	v3 =	vld [tilespmem:$0x0];
	_ =	sdelay $0x4  }
0x9e: {  	v30 =	vshrl.u32 v3, $0x3  }
0x9f: {  	v4 =	vmul.u32 $0x18, v30  }
0xa0: {  	v3 =	vand.u32 $0x7, v3  }
0xa1: {  	v3 =	vor.u32 v3, v4  }
0xa2: {  	v4 =	vperm.xlane v3, v0;
	_ =	sdelay $0x1  }
0xa3: {  	v4 =	vadd.s32 v1, v4;
	_ =	sdelay $0x1  }
0xa4: {  	v3 =	vperm.xlane v3, v2;
	_ =	sdelay $0x1  }
0xa5: {  	v3 =	vadd.s32 v1, v3  }
0xa6: {  	[tilespmem:s9], [sflag:$0x1] =	stream.indirect_vreg.gather [hbm4b:s2+s3], $0x80, v4, vm0, $0xb8;
	[tilespmem:$0x9080] =	vst v63  }
0xa7: {  	_ = 	snop  }
0xa8: {  	[tilespmem:s10], [sflag:$0x1] =	stream.indirect_vreg.gather [hbm4b:s6+s3], $0x80, v4, vm1, $0xb8;
	[tilespmem:$0x9080] =	vst v63  }
0xa9: {  	_ = 	snop  }
0xaa: {  	[tilespmem:s11], [sflag:$0x1] =	stream.indirect_vreg.gather [hbm4b:s2+s3], $0x80, v3, vm0, $0xb8;
	[tilespmem:$0x9080] =	vst v63  }
0xab: {  	_ = 	snop  }
0xac: {  	[tilespmem:s12], [sflag:$0x1] =	stream.indirect_vreg.gather [hbm4b:s6+s3], $0x80, v3, vm1, $0xb8;
	[tilespmem:$0x9080] =	vst v63  }
0xad: {  	v3 =	vld [tilespmem:$0x10];
	_ =	sdelay $0x4  }
0xae: {  	v31 =	vshrl.u32 v3, $0x3  }
0xaf: {  	v4 =	vmul.u32 $0x18, v31  }
0xb0: {  	v3 =	vand.u32 $0x7, v3  }
0xb1: {  	v3 =	vor.u32 v3, v4  }
0xb2: {  	v4 =	vperm.xlane v3, v0;
	_ =	sdelay $0x1  }
0xb3: {  	v4 =	vadd.s32 v1, v4;
	_ =	sdelay $0x1  }
0xb4: {  	v3 =	vperm.xlane v3, v2;
	_ =	sdelay $0x1  }
0xb5: {  	v3 =	vadd.s32 v1, v3  }
0xb6: {  	[tilespmem:s13], [sflag:$0x1] =	stream.indirect_vreg.gather [hbm4b:s2+s3], $0x80, v4, vm0, $0xb8;
	[tilespmem:$0x9080] =	vst v63  }
0xb7: {  	_ = 	snop  }
0xb8: {  	[tilespmem:s14], [sflag:$0x1] =	stream.indirect_vreg.gather [hbm4b:s6+s3], $0x80, v4, vm1, $0xb8;
	[tilespmem:$0x9080] =	vst v63  }
0xb9: {  	_ = 	snop  }
0xba: {  	[tilespmem:s15], [sflag:$0x1] =	stream.indirect_vreg.gather [hbm4b:s2+s3], $0x80, v3, vm0, $0xb8;
	[tilespmem:$0x9080] =	vst v63  }
0xbb: {  	_ = 	snop  }
0xbc: {  	[tilespmem:s16], [sflag:$0x1] =	stream.indirect_vreg.gather [hbm4b:s6+s3], $0x80, v3, vm1, $0xb8;
	[tilespmem:$0x9080] =	vst v63  }
0xbd: {  	v3 =	vld [tilespmem:$0x20];
	_ =	sdelay $0x4  }
0xbe: {  	v32 =	vshrl.u32 v3, $0x3  }
0xbf: {  	v4 =	vmul.u32 $0x18, v32  }
0xc0: {  	v3 =	vand.u32 $0x7, v3  }
0xc1: {  	v3 =	vor.u32 v3, v4  }
0xc2: {  	v4 =	vperm.xlane v3, v0;
	_ =	sdelay $0x1  }
0xc3: {  	v4 =	vadd.s32 v1, v4;
	_ =	sdelay $0x1  }
0xc4: {  	v3 =	vperm.xlane v3, v2;
	_ =	sdelay $0x1  }
0xc5: {  	v3 =	vadd.s32 v1, v3  }
0xc6: {  	[tilespmem:s17], [sflag:$0x1] =	stream.indirect_vreg.gather [hbm4b:s2+s3], $0x80, v4, vm0, $0xb8;
	[tilespmem:$0x9080] =	vst v63  }
0xc7: {  	_ = 	snop  }
0xc8: {  	[tilespmem:s18], [sflag:$0x1] =	stream.indirect_vreg.gather [hbm4b:s6+s3], $0x80, v4, vm1, $0xb8;
	[tilespmem:$0x9080] =	vst v63  }
0xc9: {  	_ = 	snop  }
0xca: {  	[tilespmem:s19], [sflag:$0x1] =	stream.indirect_vreg.gather [hbm4b:s2+s3], $0x80, v3, vm0, $0xb8;
	[tilespmem:$0x9080] =	vst v63  }
0xcb: {  	_ = 	snop  }
0xcc: {  	[tilespmem:s20], [sflag:$0x1] =	stream.indirect_vreg.gather [hbm4b:s6+s3], $0x80, v3, vm1, $0xb8;
	[tilespmem:$0x9080] =	vst v63  }
0xcd: {  	v3 =	vld [tilespmem:$0x30];
	_ =	sdelay $0x4  }
0xce: {  	v33 =	vshrl.u32 v3, $0x3  }
0xcf: {  	v4 =	vmul.u32 $0x18, v33  }
0xd0: {  	v3 =	vand.u32 $0x7, v3  }
0xd1: {  	v3 =	vor.u32 v3, v4  }
0xd2: {  	v4 =	vperm.xlane v3, v0;
	_ =	sdelay $0x1  }
0xd3: {  	v4 =	vadd.s32 v1, v4;
	_ =	sdelay $0x1  }
0xd4: {  	v3 =	vperm.xlane v3, v2;
	_ =	sdelay $0x1  }
0xd5: {  	v3 =	vadd.s32 v1, v3  }
0xd6: {  	[tilespmem:s21], [sflag:$0x1] =	stream.indirect_vreg.gather [hbm4b:s2+s3], $0x80, v4, vm0, $0xb8;
	[tilespmem:$0x9080] =	vst v63  }
0xd7: {  	_ = 	snop  }
0xd8: {  	[tilespmem:s22], [sflag:$0x1] =	stream.indirect_vreg.gather [hbm4b:s6+s3], $0x80, v4, vm1, $0xb8;
	[tilespmem:$0x9080] =	vst v63  }
0xd9: {  	_ = 	snop  }
0xda: {  	[tilespmem:s23], [sflag:$0x1] =	stream.indirect_vreg.gather [hbm4b:s2+s3], $0x80, v3, vm0, $0xb8;
	[tilespmem:$0x9080] =	vst v63  }
0xdb: {  	_ = 	snop  }
0xdc: {  	[tilespmem:s24], [sflag:$0x1] =	stream.indirect_vreg.gather [hbm4b:s6+s3], $0x80, v3, vm1, $0xb8;
	[tilespmem:$0x9080] =	vst v63  }
0xdd: {  	v3 =	vld [tilespmem:$0x40];
	_ =	sdelay $0x4  }
0xde: {  	v34 =	vshrl.u32 v3, $0x3  }
0xdf: {  	v4 =	vmul.u32 $0x18, v34  }
0xe0: {  	v3 =	vand.u32 $0x7, v3  }
0xe1: {  	v3 =	vor.u32 v3, v4  }
0xe2: {  	v4 =	vperm.xlane v3, v0;
	_ =	sdelay $0x1  }
0xe3: {  	v4 =	vadd.s32 v1, v4;
	_ =	sdelay $0x1  }
0xe4: {  	v3 =	vperm.xlane v3, v2;
	_ =	sdelay $0x1  }
0xe5: {  	v3 =	vadd.s32 v1, v3  }
0xe6: {  	[tilespmem:s25], [sflag:$0x1] =	stream.indirect_vreg.gather [hbm4b:s2+s3], $0x80, v4, vm0, $0xb8;
	[tilespmem:$0x9080] =	vst v63  }
0xe7: {  	_ = 	snop  }
0xe8: {  	[tilespmem:s26], [sflag:$0x1] =	stream.indirect_vreg.gather [hbm4b:s6+s3], $0x80, v4, vm1, $0xb8;
	[tilespmem:$0x9080] =	vst v63  }
0xe9: {  	_ = 	snop  }
0xea: {  	[tilespmem:s28], [sflag:$0x1] =	stream.indirect_vreg.gather [hbm4b:s2+s3], $0x80, v3, vm0, $0xb8;
	[tilespmem:$0x9080] =	vst v63  }
0xeb: {  	_ = 	snop  }
0xec: {  	[tilespmem:s29], [sflag:$0x1] =	stream.indirect_vreg.gather [hbm4b:s6+s3], $0x80, v3, vm1, $0xb8;
	[tilespmem:$0x9080] =	vst v63  }
0xed: {  	v3 =	vld [tilespmem:$0x50];
	_ =	sdelay $0x4  }
0xee: {  	v35 =	vshrl.u32 v3, $0x3  }
0xef: {  	v4 =	vmul.u32 $0x18, v35  }
0xf0: {  	v3 =	vand.u32 $0x7, v3  }
0xf1: {  	v3 =	vor.u32 v3, v4  }
0xf2: {  	v4 =	vperm.xlane v3, v0;
	_ =	sdelay $0x1  }
0xf3: {  	v4 =	vadd.s32 v1, v4;
	_ =	sdelay $0x1  }
0xf4: {  	v3 =	vperm.xlane v3, v2;
	_ =	sdelay $0x1  }
0xf5: {  	v3 =	vadd.s32 v1, v3  }
0xf6: {  	[tilespmem:s30], [sflag:$0x1] =	stream.indirect_vreg.gather [hbm4b:s2+s3], $0x80, v4, vm0, $0xb8;
	[tilespmem:$0x9080] =	vst v63  }
0xf7: {  	_ = 	snop  }
0xf8: {  	[tilespmem:s31], [sflag:$0x1] =	stream.indirect_vreg.gather [hbm4b:s6+s3], $0x80, v4, vm1, $0xb8;
	[tilespmem:$0x9080] =	vst v63  }
0xf9: {  	_ = 	snop  }
0xfa: {  	[tilespmem:s1], [sflag:$0x1] =	stream.indirect_vreg.gather [hbm4b:s2+s3], $0x80, v3, vm0, $0xb8;
	[tilespmem:$0x9080] =	vst v63  }
0xfb: {  	_ = 	snop  }
0xfc: {  	[tilespmem:s0], [sflag:$0x1] =	stream.indirect_vreg.gather [hbm4b:s6+s3], $0x80, v3, vm1, $0xb8;
	[tilespmem:$0x9080] =	vst v63  }
0xfd: {  	_ =	swait.ge [sflag:s4], $0x9000  }
0xfe: {  	[sflag:s4] =	ssyncset.done $0x0  }
0xff: {  	s5 =	rddreg [dreg:$0x4];
	[sflag:s4] =	ssyncadd.s32 $0xFFFF7000  }
0x100: {  	[hbm4b:s5+s3] =	stream.linear.scatter [tilespmem:s9], [sflag:$0x2], $0x9000, $0x38;
	[tilespmem:$0x9080] =	vst v63  }
0x101: {  	_ =	swait.ge [sflag:s8], $0x9000  }
0x102: {  	[sflag:s8] =	ssyncset.done $0x0  }
0x103: {  	s5 =	rddreg [dreg:$0x5];
	[sflag:s8] =	ssyncadd.s32 $0xFFFF7000  }
0x104: {  	[tilespmem:s3], [sflag:$0x2] =	stream.linear.gather [hbm4b:s5+s3], $0x60, $0x38;
	[tilespmem:$0x9080] =	vst v63  }
0x105: {  	_ =	swait.ge [sflag:s8], $0x60  }
0x106: {  	[sflag:s8] =	ssyncset.done $0x0  }
0x107: {  	[sflag:s8] =	ssyncadd.s32 $0xFFFFFFA0  }
0x108: {  	v3 =	vld [tilespmem:$0x0];
	_ =	sdelay $0x4  }
0x109: {  	v36 =	vshrl.u32 v3, $0x3  }
0x10a: {  	v4 =	vmul.u32 $0x18, v36  }
0x10b: {  	v3 =	vand.u32 $0x7, v3  }
0x10c: {  	v3 =	vor.u32 v3, v4  }
0x10d: {  	v4 =	vperm.xlane v3, v0;
	_ =	sdelay $0x1  }
0x10e: {  	v4 =	vadd.s32 v1, v4;
	_ =	sdelay $0x1  }
0x10f: {  	v3 =	vperm.xlane v3, v2;
	_ =	sdelay $0x1  }
0x110: {  	v3 =	vadd.s32 v1, v3  }
0x111: {  	[tilespmem:s9], [sflag:$0x1] =	stream.indirect_vreg.gather [hbm4b:s2+s3], $0x80, v4, vm0, $0xb8;
	[tilespmem:$0x9080] =	vst v63  }
0x112: {  	_ = 	snop  }
0x113: {  	[tilespmem:s10], [sflag:$0x1] =	stream.indirect_vreg.gather [hbm4b:s6+s3], $0x80, v4, vm1, $0xb8;
	[tilespmem:$0x9080] =	vst v63  }
0x114: {  	_ = 	snop  }
0x115: {  	[tilespmem:s11], [sflag:$0x1] =	stream.indirect_vreg.gather [hbm4b:s2+s3], $0x80, v3, vm0, $0xb8;
	[tilespmem:$0x9080] =	vst v63  }
0x116: {  	_ = 	snop  }
0x117: {  	[tilespmem:s12], [sflag:$0x1] =	stream.indirect_vreg.gather [hbm4b:s6+s3], $0x80, v3, vm1, $0xb8;
	[tilespmem:$0x9080] =	vst v63  }
0x118: {  	v3 =	vld [tilespmem:$0x10];
	_ =	sdelay $0x4  }
0x119: {  	v37 =	vshrl.u32 v3, $0x3  }
0x11a: {  	v4 =	vmul.u32 $0x18, v37  }
0x11b: {  	v3 =	vand.u32 $0x7, v3  }
0x11c: {  	v3 =	vor.u32 v3, v4  }
0x11d: {  	v4 =	vperm.xlane v3, v0;
	_ =	sdelay $0x1  }
0x11e: {  	v4 =	vadd.s32 v1, v4;
	_ =	sdelay $0x1  }
0x11f: {  	v3 =	vperm.xlane v3, v2;
	_ =	sdelay $0x1  }
0x120: {  	v3 =	vadd.s32 v1, v3  }
0x121: {  	[tilespmem:s13], [sflag:$0x1] =	stream.indirect_vreg.gather [hbm4b:s2+s3], $0x80, v4, vm0, $0xb8;
	[tilespmem:$0x9080] =	vst v63  }
0x122: {  	_ = 	snop  }
0x123: {  	[tilespmem:s14], [sflag:$0x1] =	stream.indirect_vreg.gather [hbm4b:s6+s3], $0x80, v4, vm1, $0xb8;
	[tilespmem:$0x9080] =	vst v63  }
0x124: {  	_ = 	snop  }
0x125: {  	[tilespmem:s15], [sflag:$0x1] =	stream.indirect_vreg.gather [hbm4b:s2+s3], $0x80, v3, vm0, $0xb8;
	[tilespmem:$0x9080] =	vst v63  }
0x126: {  	_ = 	snop  }
0x127: {  	[tilespmem:s16], [sflag:$0x1] =	stream.indirect_vreg.gather [hbm4b:s6+s3], $0x80, v3, vm1, $0xb8;
	[tilespmem:$0x9080] =	vst v63  }
0x128: {  	v3 =	vld [tilespmem:$0x20];
	_ =	sdelay $0x4  }
0x129: {  	v38 =	vshrl.u32 v3, $0x3  }
0x12a: {  	v4 =	vmul.u32 $0x18, v38  }
0x12b: {  	v3 =	vand.u32 $0x7, v3  }
0x12c: {  	v3 =	vor.u32 v3, v4  }
0x12d: {  	v4 =	vperm.xlane v3, v0;
	_ =	sdelay $0x1  }
0x12e: {  	v4 =	vadd.s32 v1, v4;
	_ =	sdelay $0x1  }
0x12f: {  	v3 =	vperm.xlane v3, v2;
	_ =	sdelay $0x1  }
0x130: {  	v3 =	vadd.s32 v1, v3  }
0x131: {  	[tilespmem:s17], [sflag:$0x1] =	stream.indirect_vreg.gather [hbm4b:s2+s3], $0x80, v4, vm0, $0xb8;
	[tilespmem:$0x9080] =	vst v63  }
0x132: {  	_ = 	snop  }
0x133: {  	[tilespmem:s18], [sflag:$0x1] =	stream.indirect_vreg.gather [hbm4b:s6+s3], $0x80, v4, vm1, $0xb8;
	[tilespmem:$0x9080] =	vst v63  }
0x134: {  	_ = 	snop  }
0x135: {  	[tilespmem:s19], [sflag:$0x1] =	stream.indirect_vreg.gather [hbm4b:s2+s3], $0x80, v3, vm0, $0xb8;
	[tilespmem:$0x9080] =	vst v63  }
0x136: {  	_ = 	snop  }
0x137: {  	[tilespmem:s20], [sflag:$0x1] =	stream.indirect_vreg.gather [hbm4b:s6+s3], $0x80, v3, vm1, $0xb8;
	[tilespmem:$0x9080] =	vst v63  }
0x138: {  	v3 =	vld [tilespmem:$0x30];
	_ =	sdelay $0x4  }
0x139: {  	v39 =	vshrl.u32 v3, $0x3  }
0x13a: {  	v4 =	vmul.u32 $0x18, v39  }
0x13b: {  	v3 =	vand.u32 $0x7, v3  }
0x13c: {  	v3 =	vor.u32 v3, v4  }
0x13d: {  	v4 =	vperm.xlane v3, v0;
	_ =	sdelay $0x1  }
0x13e: {  	v4 =	vadd.s32 v1, v4;
	_ =	sdelay $0x1  }
0x13f: {  	v3 =	vperm.xlane v3, v2;
	_ =	sdelay $0x1  }
0x140: {  	v3 =	vadd.s32 v1, v3  }
0x141: {  	[tilespmem:s21], [sflag:$0x1] =	stream.indirect_vreg.gather [hbm4b:s2+s3], $0x80, v4, vm0, $0xb8;
	[tilespmem:$0x9080] =	vst v63  }
0x142: {  	_ = 	snop  }
0x143: {  	[tilespmem:s22], [sflag:$0x1] =	stream.indirect_vreg.gather [hbm4b:s6+s3], $0x80, v4, vm1, $0xb8;
	[tilespmem:$0x9080] =	vst v63  }
0x144: {  	_ = 	snop  }
0x145: {  	[tilespmem:s23], [sflag:$0x1] =	stream.indirect_vreg.gather [hbm4b:s2+s3], $0x80, v3, vm0, $0xb8;
	[tilespmem:$0x9080] =	vst v63  }
0x146: {  	_ = 	snop  }
0x147: {  	[tilespmem:s24], [sflag:$0x1] =	stream.indirect_vreg.gather [hbm4b:s6+s3], $0x80, v3, vm1, $0xb8;
	[tilespmem:$0x9080] =	vst v63  }
0x148: {  	v3 =	vld [tilespmem:$0x40];
	_ =	sdelay $0x4  }
0x149: {  	v40 =	vshrl.u32 v3, $0x3  }
0x14a: {  	v4 =	vmul.u32 $0x18, v40  }
0x14b: {  	v3 =	vand.u32 $0x7, v3  }
0x14c: {  	v3 =	vor.u32 v3, v4  }
0x14d: {  	v4 =	vperm.xlane v3, v0;
	_ =	sdelay $0x1  }
0x14e: {  	v4 =	vadd.s32 v1, v4;
	_ =	sdelay $0x1  }
0x14f: {  	v3 =	vperm.xlane v3, v2;
	_ =	sdelay $0x1  }
0x150: {  	v3 =	vadd.s32 v1, v3  }
0x151: {  	[tilespmem:s25], [sflag:$0x1] =	stream.indirect_vreg.gather [hbm4b:s2+s3], $0x80, v4, vm0, $0xb8;
	[tilespmem:$0x9080] =	vst v63  }
0x152: {  	_ = 	snop  }
0x153: {  	[tilespmem:s26], [sflag:$0x1] =	stream.indirect_vreg.gather [hbm4b:s6+s3], $0x80, v4, vm1, $0xb8;
	[tilespmem:$0x9080] =	vst v63  }
0x154: {  	_ = 	snop  }
0x155: {  	[tilespmem:s28], [sflag:$0x1] =	stream.indirect_vreg.gather [hbm4b:s2+s3], $0x80, v3, vm0, $0xb8;
	[tilespmem:$0x9080] =	vst v63  }
0x156: {  	_ = 	snop  }
0x157: {  	[tilespmem:s29], [sflag:$0x1] =	stream.indirect_vreg.gather [hbm4b:s6+s3], $0x80, v3, vm1, $0xb8;
	[tilespmem:$0x9080] =	vst v63  }
0x158: {  	v3 =	vld [tilespmem:$0x50];
	_ =	sdelay $0x4  }
0x159: {  	v41 =	vshrl.u32 v3, $0x3  }
0x15a: {  	v4 =	vmul.u32 $0x18, v41  }
0x15b: {  	v3 =	vand.u32 $0x7, v3  }
0x15c: {  	v3 =	vor.u32 v3, v4  }
0x15d: {  	v4 =	vperm.xlane v3, v0;
	_ =	sdelay $0x1  }
0x15e: {  	v4 =	vadd.s32 v1, v4;
	_ =	sdelay $0x1  }
0x15f: {  	v3 =	vperm.xlane v3, v2;
	_ =	sdelay $0x1  }
0x160: {  	v3 =	vadd.s32 v1, v3  }
0x161: {  	[tilespmem:s30], [sflag:$0x1] =	stream.indirect_vreg.gather [hbm4b:s2+s3], $0x80, v4, vm0, $0xb8;
	[tilespmem:$0x9080] =	vst v63  }
0x162: {  	_ = 	snop  }
0x163: {  	[tilespmem:s31], [sflag:$0x1] =	stream.indirect_vreg.gather [hbm4b:s6+s3], $0x80, v4, vm1, $0xb8;
	[tilespmem:$0x9080] =	vst v63  }
0x164: {  	_ = 	snop  }
0x165: {  	[tilespmem:s1], [sflag:$0x1] =	stream.indirect_vreg.gather [hbm4b:s2+s3], $0x80, v3, vm0, $0xb8;
	[tilespmem:$0x9080] =	vst v63  }
0x166: {  	_ = 	snop  }
0x167: {  	[tilespmem:s0], [sflag:$0x1] =	stream.indirect_vreg.gather [hbm4b:s6+s3], $0x80, v3, vm1, $0xb8;
	[tilespmem:$0x9080] =	vst v63  }
0x168: {  	_ =	swait.ge [sflag:s4], $0x9000  }
0x169: {  	[sflag:s4] =	ssyncset.done $0x0  }
0x16a: {  	s5 =	rddreg [dreg:$0x6];
	[sflag:s4] =	ssyncadd.s32 $0xFFFF7000  }
0x16b: {  	[hbm4b:s5+s3] =	stream.linear.scatter [tilespmem:s9], [sflag:$0x2], $0x9000, $0x38;
	[tilespmem:$0x9080] =	vst v63  }
0x16c: {  	_ =	swait.ge [sflag:s8], $0x9000  }
0x16d: {  	[sflag:s8] =	ssyncset.done $0x0  }
0x16e: {  	s5 =	rddreg [dreg:$0x7];
	[sflag:s8] =	ssyncadd.s32 $0xFFFF7000  }
0x16f: {  	[tilespmem:s3], [sflag:$0x2] =	stream.linear.gather [hbm4b:s5+s3], $0x60, $0x38;
	[tilespmem:$0x9080] =	vst v63  }
0x170: {  	_ =	swait.ge [sflag:s8], $0x60  }
0x171: {  	[sflag:s8] =	ssyncset.done $0x0  }
0x172: {  	[sflag:s8] =	ssyncadd.s32 $0xFFFFFFA0  }
0x173: {  	v3 =	vld [tilespmem:$0x0];
	_ =	sdelay $0x4  }
0x174: {  	v42 =	vshrl.u32 v3, $0x3  }
0x175: {  	v4 =	vmul.u32 $0x18, v42  }
0x176: {  	v3 =	vand.u32 $0x7, v3  }
0x177: {  	v3 =	vor.u32 v3, v4  }
0x178: {  	v4 =	vperm.xlane v3, v0;
	_ =	sdelay $0x1  }
0x179: {  	v4 =	vadd.s32 v1, v4;
	_ =	sdelay $0x1  }
0x17a: {  	v3 =	vperm.xlane v3, v2;
	_ =	sdelay $0x1  }
0x17b: {  	v3 =	vadd.s32 v1, v3  }
0x17c: {  	[tilespmem:s9], [sflag:$0x1] =	stream.indirect_vreg.gather [hbm4b:s2+s3], $0x80, v4, vm0, $0xb8;
	[tilespmem:$0x9080] =	vst v63  }
0x17d: {  	_ = 	snop  }
0x17e: {  	[tilespmem:s10], [sflag:$0x1] =	stream.indirect_vreg.gather [hbm4b:s6+s3], $0x80, v4, vm1, $0xb8;
	[tilespmem:$0x9080] =	vst v63  }
0x17f: {  	_ = 	snop  }
0x180: {  	[tilespmem:s11], [sflag:$0x1] =	stream.indirect_vreg.gather [hbm4b:s2+s3], $0x80, v3, vm0, $0xb8;
	[tilespmem:$0x9080] =	vst v63  }
0x181: {  	_ = 	snop  }
0x182: {  	[tilespmem:s12], [sflag:$0x1] =	stream.indirect_vreg.gather [hbm4b:s6+s3], $0x80, v3, vm1, $0xb8;
	[tilespmem:$0x9080] =	vst v63  }
0x183: {  	v3 =	vld [tilespmem:$0x10];
	_ =	sdelay $0x4  }
0x184: {  	v43 =	vshrl.u32 v3, $0x3  }
0x185: {  	v4 =	vmul.u32 $0x18, v43  }
0x186: {  	v3 =	vand.u32 $0x7, v3  }
0x187: {  	v3 =	vor.u32 v3, v4  }
0x188: {  	v4 =	vperm.xlane v3, v0;
	_ =	sdelay $0x1  }
0x189: {  	v4 =	vadd.s32 v1, v4;
	_ =	sdelay $0x1  }
0x18a: {  	v3 =	vperm.xlane v3, v2;
	_ =	sdelay $0x1  }
0x18b: {  	v3 =	vadd.s32 v1, v3  }
0x18c: {  	[tilespmem:s13], [sflag:$0x1] =	stream.indirect_vreg.gather [hbm4b:s2+s3], $0x80, v4, vm0, $0xb8;
	[tilespmem:$0x9080] =	vst v63  }
0x18d: {  	_ = 	snop  }
0x18e: {  	[tilespmem:s14], [sflag:$0x1] =	stream.indirect_vreg.gather [hbm4b:s6+s3], $0x80, v4, vm1, $0xb8;
	[tilespmem:$0x9080] =	vst v63  }
0x18f: {  	_ = 	snop  }
0x190: {  	[tilespmem:s15], [sflag:$0x1] =	stream.indirect_vreg.gather [hbm4b:s2+s3], $0x80, v3, vm0, $0xb8;
	[tilespmem:$0x9080] =	vst v63  }
0x191: {  	_ = 	snop  }
0x192: {  	[tilespmem:s16], [sflag:$0x1] =	stream.indirect_vreg.gather [hbm4b:s6+s3], $0x80, v3, vm1, $0xb8;
	[tilespmem:$0x9080] =	vst v63  }
0x193: {  	v3 =	vld [tilespmem:$0x20];
	_ =	sdelay $0x4  }
0x194: {  	v44 =	vshrl.u32 v3, $0x3  }
0x195: {  	v4 =	vmul.u32 $0x18, v44  }
0x196: {  	v3 =	vand.u32 $0x7, v3  }
0x197: {  	v3 =	vor.u32 v3, v4  }
0x198: {  	v4 =	vperm.xlane v3, v0;
	_ =	sdelay $0x1  }
0x199: {  	v4 =	vadd.s32 v1, v4;
	_ =	sdelay $0x1  }
0x19a: {  	v3 =	vperm.xlane v3, v2;
	_ =	sdelay $0x1  }
0x19b: {  	v3 =	vadd.s32 v1, v3  }
0x19c: {  	[tilespmem:s17], [sflag:$0x1] =	stream.indirect_vreg.gather [hbm4b:s2+s3], $0x80, v4, vm0, $0xb8;
	[tilespmem:$0x9080] =	vst v63  }
0x19d: {  	_ = 	snop  }
0x19e: {  	[tilespmem:s18], [sflag:$0x1] =	stream.indirect_vreg.gather [hbm4b:s6+s3], $0x80, v4, vm1, $0xb8;
	[tilespmem:$0x9080] =	vst v63  }
0x19f: {  	_ = 	snop  }
0x1a0: {  	[tilespmem:s19], [sflag:$0x1] =	stream.indirect_vreg.gather [hbm4b:s2+s3], $0x80, v3, vm0, $0xb8;
	[tilespmem:$0x9080] =	vst v63  }
0x1a1: {  	_ = 	snop  }
0x1a2: {  	[tilespmem:s20], [sflag:$0x1] =	stream.indirect_vreg.gather [hbm4b:s6+s3], $0x80, v3, vm1, $0xb8;
	[tilespmem:$0x9080] =	vst v63  }
0x1a3: {  	v3 =	vld [tilespmem:$0x30];
	_ =	sdelay $0x4  }
0x1a4: {  	v45 =	vshrl.u32 v3, $0x3  }
0x1a5: {  	v4 =	vmul.u32 $0x18, v45  }
0x1a6: {  	v3 =	vand.u32 $0x7, v3  }
0x1a7: {  	v3 =	vor.u32 v3, v4  }
0x1a8: {  	v4 =	vperm.xlane v3, v0;
	_ =	sdelay $0x1  }
0x1a9: {  	v4 =	vadd.s32 v1, v4;
	_ =	sdelay $0x1  }
0x1aa: {  	v3 =	vperm.xlane v3, v2;
	_ =	sdelay $0x1  }
0x1ab: {  	v3 =	vadd.s32 v1, v3  }
0x1ac: {  	[tilespmem:s21], [sflag:$0x1] =	stream.indirect_vreg.gather [hbm4b:s2+s3], $0x80, v4, vm0, $0xb8;
	[tilespmem:$0x9080] =	vst v63  }
0x1ad: {  	_ = 	snop  }
0x1ae: {  	[tilespmem:s22], [sflag:$0x1] =	stream.indirect_vreg.gather [hbm4b:s6+s3], $0x80, v4, vm1, $0xb8;
	[tilespmem:$0x9080] =	vst v63  }
0x1af: {  	_ = 	snop  }
0x1b0: {  	[tilespmem:s23], [sflag:$0x1] =	stream.indirect_vreg.gather [hbm4b:s2+s3], $0x80, v3, vm0, $0xb8;
	[tilespmem:$0x9080] =	vst v63  }
0x1b1: {  	_ = 	snop  }
0x1b2: {  	[tilespmem:s24], [sflag:$0x1] =	stream.indirect_vreg.gather [hbm4b:s6+s3], $0x80, v3, vm1, $0xb8;
	[tilespmem:$0x9080] =	vst v63  }
0x1b3: {  	v3 =	vld [tilespmem:$0x40];
	_ =	sdelay $0x4  }
0x1b4: {  	v46 =	vshrl.u32 v3, $0x3  }
0x1b5: {  	v4 =	vmul.u32 $0x18, v46  }
0x1b6: {  	v3 =	vand.u32 $0x7, v3  }
0x1b7: {  	v3 =	vor.u32 v3, v4  }
0x1b8: {  	v4 =	vperm.xlane v3, v0;
	_ =	sdelay $0x1  }
0x1b9: {  	v4 =	vadd.s32 v1, v4;
	_ =	sdelay $0x1  }
0x1ba: {  	v3 =	vperm.xlane v3, v2;
	_ =	sdelay $0x1  }
0x1bb: {  	v3 =	vadd.s32 v1, v3  }
0x1bc: {  	[tilespmem:s25], [sflag:$0x1] =	stream.indirect_vreg.gather [hbm4b:s2+s3], $0x80, v4, vm0, $0xb8;
	[tilespmem:$0x9080] =	vst v63  }
0x1bd: {  	_ = 	snop  }
0x1be: {  	[tilespmem:s26], [sflag:$0x1] =	stream.indirect_vreg.gather [hbm4b:s6+s3], $0x80, v4, vm1, $0xb8;
	[tilespmem:$0x9080] =	vst v63  }
0x1bf: {  	_ = 	snop  }
0x1c0: {  	[tilespmem:s28], [sflag:$0x1] =	stream.indirect_vreg.gather [hbm4b:s2+s3], $0x80, v3, vm0, $0xb8;
	[tilespmem:$0x9080] =	vst v63  }
0x1c1: {  	_ = 	snop  }
0x1c2: {  	[tilespmem:s29], [sflag:$0x1] =	stream.indirect_vreg.gather [hbm4b:s6+s3], $0x80, v3, vm1, $0xb8;
	[tilespmem:$0x9080] =	vst v63  }
0x1c3: {  	v3 =	vld [tilespmem:$0x50];
	_ =	sdelay $0x4  }
0x1c4: {  	v47 =	vshrl.u32 v3, $0x3  }
0x1c5: {  	v4 =	vmul.u32 $0x18, v47  }
0x1c6: {  	v3 =	vand.u32 $0x7, v3  }
0x1c7: {  	v3 =	vor.u32 v3, v4  }
0x1c8: {  	v4 =	vperm.xlane v3, v0;
	_ =	sdelay $0x1  }
0x1c9: {  	v4 =	vadd.s32 v1, v4;
	_ =	sdelay $0x1  }
0x1ca: {  	v3 =	vperm.xlane v3, v2;
	_ =	sdelay $0x1  }
0x1cb: {  	v3 =	vadd.s32 v1, v3  }
0x1cc: {  	[tilespmem:s30], [sflag:$0x1] =	stream.indirect_vreg.gather [hbm4b:s2+s3], $0x80, v4, vm0, $0xb8;
	[tilespmem:$0x9080] =	vst v63  }
0x1cd: {  	_ = 	snop  }
0x1ce: {  	[tilespmem:s31], [sflag:$0x1] =	stream.indirect_vreg.gather [hbm4b:s6+s3], $0x80, v4, vm1, $0xb8;
	[tilespmem:$0x9080] =	vst v63  }
0x1cf: {  	_ = 	snop  }
0x1d0: {  	[tilespmem:s1], [sflag:$0x1] =	stream.indirect_vreg.gather [hbm4b:s2+s3], $0x80, v3, vm0, $0xb8;
	[tilespmem:$0x9080] =	vst v63  }
0x1d1: {  	_ = 	snop  }
0x1d2: {  	[tilespmem:s0], [sflag:$0x1] =	stream.indirect_vreg.gather [hbm4b:s6+s3], $0x80, v3, vm1, $0xb8;
	[tilespmem:$0x9080] =	vst v63  }
0x1d3: {  	_ =	swait.ge [sflag:s4], $0x9000  }
0x1d4: {  	[sflag:s4] =	ssyncset.done $0x0  }
0x1d5: {  	s5 =	rddreg [dreg:$0x8];
	[sflag:s4] =	ssyncadd.s32 $0xFFFF7000  }
0x1d6: {  	[hbm4b:s5+s3] =	stream.linear.scatter [tilespmem:s9], [sflag:$0x2], $0x9000, $0x38;
	[tilespmem:$0x9080] =	vst v63  }
0x1d7: {  	_ =	swait.ge [sflag:s8], $0x9000  }
0x1d8: {  	[sflag:s8] =	ssyncset.done $0x0  }
0x1d9: {  	s5 =	rddreg [dreg:$0x9];
	[sflag:s8] =	ssyncadd.s32 $0xFFFF7000  }
0x1da: {  	[tilespmem:s3], [sflag:$0x2] =	stream.linear.gather [hbm4b:s5+s3], $0x60, $0x38;
	[tilespmem:$0x9080] =	vst v63  }
0x1db: {  	_ =	swait.ge [sflag:s8], $0x60  }
0x1dc: {  	[sflag:s8] =	ssyncset.done $0x0  }
0x1dd: {  	[sflag:s8] =	ssyncadd.s32 $0xFFFFFFA0  }
0x1de: {  	v3 =	vld [tilespmem:$0x0];
	_ =	sdelay $0x4  }
0x1df: {  	v48 =	vshrl.u32 v3, $0x3  }
0x1e0: {  	v4 =	vmul.u32 $0x18, v48  }
0x1e1: {  	v3 =	vand.u32 $0x7, v3  }
0x1e2: {  	v3 =	vor.u32 v3, v4  }
0x1e3: {  	v4 =	vperm.xlane v3, v0;
	_ =	sdelay $0x1  }
0x1e4: {  	v4 =	vadd.s32 v1, v4;
	_ =	sdelay $0x1  }
0x1e5: {  	v3 =	vperm.xlane v3, v2;
	_ =	sdelay $0x1  }
0x1e6: {  	v3 =	vadd.s32 v1, v3  }
0x1e7: {  	[tilespmem:s9], [sflag:$0x1] =	stream.indirect_vreg.gather [hbm4b:s2+s3], $0x80, v4, vm0, $0xb8;
	[tilespmem:$0x9080] =	vst v63  }
0x1e8: {  	_ = 	snop  }
0x1e9: {  	[tilespmem:s10], [sflag:$0x1] =	stream.indirect_vreg.gather [hbm4b:s6+s3], $0x80, v4, vm1, $0xb8;
	[tilespmem:$0x9080] =	vst v63  }
0x1ea: {  	_ = 	snop  }
0x1eb: {  	[tilespmem:s11], [sflag:$0x1] =	stream.indirect_vreg.gather [hbm4b:s2+s3], $0x80, v3, vm0, $0xb8;
	[tilespmem:$0x9080] =	vst v63  }
0x1ec: {  	_ = 	snop  }
0x1ed: {  	[tilespmem:s12], [sflag:$0x1] =	stream.indirect_vreg.gather [hbm4b:s6+s3], $0x80, v3, vm1, $0xb8;
	[tilespmem:$0x9080] =	vst v63  }
0x1ee: {  	v3 =	vld [tilespmem:$0x10];
	_ =	sdelay $0x4  }
0x1ef: {  	v49 =	vshrl.u32 v3, $0x3  }
0x1f0: {  	v4 =	vmul.u32 $0x18, v49  }
0x1f1: {  	v3 =	vand.u32 $0x7, v3  }
0x1f2: {  	v3 =	vor.u32 v3, v4  }
0x1f3: {  	v4 =	vperm.xlane v3, v0;
	_ =	sdelay $0x1  }
0x1f4: {  	v4 =	vadd.s32 v1, v4;
	_ =	sdelay $0x1  }
0x1f5: {  	v3 =	vperm.xlane v3, v2;
	_ =	sdelay $0x1  }
0x1f6: {  	v3 =	vadd.s32 v1, v3  }
0x1f7: {  	[tilespmem:s13], [sflag:$0x1] =	stream.indirect_vreg.gather [hbm4b:s2+s3], $0x80, v4, vm0, $0xb8;
	[tilespmem:$0x9080] =	vst v63  }
0x1f8: {  	_ = 	snop  }
0x1f9: {  	[tilespmem:s14], [sflag:$0x1] =	stream.indirect_vreg.gather [hbm4b:s6+s3], $0x80, v4, vm1, $0xb8;
	[tilespmem:$0x9080] =	vst v63  }
0x1fa: {  	_ = 	snop  }
0x1fb: {  	[tilespmem:s15], [sflag:$0x1] =	stream.indirect_vreg.gather [hbm4b:s2+s3], $0x80, v3, vm0, $0xb8;
	[tilespmem:$0x9080] =	vst v63  }
0x1fc: {  	_ = 	snop  }
0x1fd: {  	[tilespmem:s16], [sflag:$0x1] =	stream.indirect_vreg.gather [hbm4b:s6+s3], $0x80, v3, vm1, $0xb8;
	[tilespmem:$0x9080] =	vst v63  }
0x1fe: {  	v3 =	vld [tilespmem:$0x20];
	_ =	sdelay $0x4  }
0x1ff: {  	v50 =	vshrl.u32 v3, $0x3  }
0x200: {  	v4 =	vmul.u32 $0x18, v50  }
0x201: {  	v3 =	vand.u32 $0x7, v3  }
0x202: {  	v3 =	vor.u32 v3, v4  }
0x203: {  	v4 =	vperm.xlane v3, v0;
	_ =	sdelay $0x1  }
0x204: {  	v4 =	vadd.s32 v1, v4;
	_ =	sdelay $0x1  }
0x205: {  	v3 =	vperm.xlane v3, v2;
	_ =	sdelay $0x1  }
0x206: {  	v3 =	vadd.s32 v1, v3  }
0x207: {  	[tilespmem:s17], [sflag:$0x1] =	stream.indirect_vreg.gather [hbm4b:s2+s3], $0x80, v4, vm0, $0xb8;
	[tilespmem:$0x9080] =	vst v63  }
0x208: {  	_ = 	snop  }
0x209: {  	[tilespmem:s18], [sflag:$0x1] =	stream.indirect_vreg.gather [hbm4b:s6+s3], $0x80, v4, vm1, $0xb8;
	[tilespmem:$0x9080] =	vst v63  }
0x20a: {  	_ = 	snop  }
0x20b: {  	[tilespmem:s19], [sflag:$0x1] =	stream.indirect_vreg.gather [hbm4b:s2+s3], $0x80, v3, vm0, $0xb8;
	[tilespmem:$0x9080] =	vst v63  }
0x20c: {  	_ = 	snop  }
0x20d: {  	[tilespmem:s20], [sflag:$0x1] =	stream.indirect_vreg.gather [hbm4b:s6+s3], $0x80, v3, vm1, $0xb8;
	[tilespmem:$0x9080] =	vst v63  }
0x20e: {  	v3 =	vld [tilespmem:$0x30];
	_ =	sdelay $0x4  }
0x20f: {  	v51 =	vshrl.u32 v3, $0x3  }
0x210: {  	v4 =	vmul.u32 $0x18, v51  }
0x211: {  	v3 =	vand.u32 $0x7, v3  }
0x212: {  	v3 =	vor.u32 v3, v4  }
0x213: {  	v4 =	vperm.xlane v3, v0;
	_ =	sdelay $0x1  }
0x214: {  	v4 =	vadd.s32 v1, v4;
	_ =	sdelay $0x1  }
0x215: {  	v3 =	vperm.xlane v3, v2;
	_ =	sdelay $0x1  }
0x216: {  	v3 =	vadd.s32 v1, v3  }
0x217: {  	[tilespmem:s21], [sflag:$0x1] =	stream.indirect_vreg.gather [hbm4b:s2+s3], $0x80, v4, vm0, $0xb8;
	[tilespmem:$0x9080] =	vst v63  }
0x218: {  	_ = 	snop  }
0x219: {  	[tilespmem:s22], [sflag:$0x1] =	stream.indirect_vreg.gather [hbm4b:s6+s3], $0x80, v4, vm1, $0xb8;
	[tilespmem:$0x9080] =	vst v63  }
0x21a: {  	_ = 	snop  }
0x21b: {  	[tilespmem:s23], [sflag:$0x1] =	stream.indirect_vreg.gather [hbm4b:s2+s3], $0x80, v3, vm0, $0xb8;
	[tilespmem:$0x9080] =	vst v63  }
0x21c: {  	_ = 	snop  }
0x21d: {  	[tilespmem:s24], [sflag:$0x1] =	stream.indirect_vreg.gather [hbm4b:s6+s3], $0x80, v3, vm1, $0xb8;
	[tilespmem:$0x9080] =	vst v63  }
0x21e: {  	v3 =	vld [tilespmem:$0x40];
	_ =	sdelay $0x4  }
0x21f: {  	v52 =	vshrl.u32 v3, $0x3  }
0x220: {  	v4 =	vmul.u32 $0x18, v52  }
0x221: {  	v3 =	vand.u32 $0x7, v3  }
0x222: {  	v3 =	vor.u32 v3, v4  }
0x223: {  	v4 =	vperm.xlane v3, v0;
	_ =	sdelay $0x1  }
0x224: {  	v4 =	vadd.s32 v1, v4;
	_ =	sdelay $0x1  }
0x225: {  	v3 =	vperm.xlane v3, v2;
	_ =	sdelay $0x1  }
0x226: {  	v3 =	vadd.s32 v1, v3  }
0x227: {  	[tilespmem:s25], [sflag:$0x1] =	stream.indirect_vreg.gather [hbm4b:s2+s3], $0x80, v4, vm0, $0xb8;
	[tilespmem:$0x9080] =	vst v63  }
0x228: {  	_ = 	snop  }
0x229: {  	[tilespmem:s26], [sflag:$0x1] =	stream.indirect_vreg.gather [hbm4b:s6+s3], $0x80, v4, vm1, $0xb8;
	[tilespmem:$0x9080] =	vst v63  }
0x22a: {  	_ = 	snop  }
0x22b: {  	[tilespmem:s28], [sflag:$0x1] =	stream.indirect_vreg.gather [hbm4b:s2+s3], $0x80, v3, vm0, $0xb8;
	[tilespmem:$0x9080] =	vst v63  }
0x22c: {  	_ = 	snop  }
0x22d: {  	[tilespmem:s29], [sflag:$0x1] =	stream.indirect_vreg.gather [hbm4b:s6+s3], $0x80, v3, vm1, $0xb8;
	[tilespmem:$0x9080] =	vst v63  }
0x22e: {  	v3 =	vld [tilespmem:$0x50];
	_ =	sdelay $0x4  }
0x22f: {  	v53 =	vshrl.u32 v3, $0x3  }
0x230: {  	v4 =	vmul.u32 $0x18, v53  }
0x231: {  	v3 =	vand.u32 $0x7, v3  }
0x232: {  	v3 =	vor.u32 v3, v4  }
0x233: {  	v4 =	vperm.xlane v3, v0;
	_ =	sdelay $0x1  }
0x234: {  	v4 =	vadd.s32 v1, v4;
	_ =	sdelay $0x1  }
0x235: {  	v3 =	vperm.xlane v3, v2;
	_ =	sdelay $0x1  }
0x236: {  	v3 =	vadd.s32 v1, v3  }
0x237: {  	[tilespmem:s30], [sflag:$0x1] =	stream.indirect_vreg.gather [hbm4b:s2+s3], $0x80, v4, vm0, $0xb8;
	[tilespmem:$0x9080] =	vst v63  }
0x238: {  	_ = 	snop  }
0x239: {  	[tilespmem:s31], [sflag:$0x1] =	stream.indirect_vreg.gather [hbm4b:s6+s3], $0x80, v4, vm1, $0xb8;
	[tilespmem:$0x9080] =	vst v63  }
0x23a: {  	_ = 	snop  }
0x23b: {  	[tilespmem:s1], [sflag:$0x1] =	stream.indirect_vreg.gather [hbm4b:s2+s3], $0x80, v3, vm0, $0xb8;
	[tilespmem:$0x9080] =	vst v63  }
0x23c: {  	_ = 	snop  }
0x23d: {  	[tilespmem:s0], [sflag:$0x1] =	stream.indirect_vreg.gather [hbm4b:s6+s3], $0x80, v3, vm1, $0xb8;
	[tilespmem:$0x9080] =	vst v63  }
0x23e: {  	_ =	swait.ge [sflag:s4], $0x9000  }
0x23f: {  	[sflag:s4] =	ssyncset.done $0x0  }
0x240: {  	s5 =	rddreg [dreg:$0xa];
	[sflag:s4] =	ssyncadd.s32 $0xFFFF7000  }
0x241: {  	[hbm4b:s5+s3] =	stream.linear.scatter [tilespmem:s9], [sflag:$0x2], $0x9000, $0x38;
	[tilespmem:$0x9080] =	vst v63  }
0x242: {  	_ =	swait.ge [sflag:s8], $0x9000  }
0x243: {  	[sflag:s8] =	ssyncset.done $0x0  }
0x244: {  	s5 =	rddreg [dreg:$0xb];
	[sflag:s8] =	ssyncadd.s32 $0xFFFF7000  }
0x245: {  	[tilespmem:s3], [sflag:$0x2] =	stream.linear.gather [hbm4b:s5+s3], $0x60, $0x38;
	[tilespmem:$0x9080] =	vst v63  }
0x246: {  	_ =	swait.ge [sflag:s8], $0x60  }
0x247: {  	[sflag:s8] =	ssyncset.done $0x0  }
0x248: {  	[sflag:s8] =	ssyncadd.s32 $0xFFFFFFA0  }
0x249: {  	v3 =	vld [tilespmem:$0x0];
	_ =	sdelay $0x4  }
0x24a: {  	v54 =	vshrl.u32 v3, $0x3  }
0x24b: {  	v4 =	vmul.u32 $0x18, v54  }
0x24c: {  	v3 =	vand.u32 $0x7, v3  }
0x24d: {  	v3 =	vor.u32 v3, v4  }
0x24e: {  	v4 =	vperm.xlane v3, v0;
	_ =	sdelay $0x1  }
0x24f: {  	v4 =	vadd.s32 v1, v4;
	_ =	sdelay $0x1  }
0x250: {  	v3 =	vperm.xlane v3, v2;
	_ =	sdelay $0x1  }
0x251: {  	v3 =	vadd.s32 v1, v3  }
0x252: {  	[tilespmem:s9], [sflag:$0x1] =	stream.indirect_vreg.gather [hbm4b:s2+s3], $0x80, v4, vm0, $0xb8;
	[tilespmem:$0x9080] =	vst v63  }
0x253: {  	_ = 	snop  }
0x254: {  	[tilespmem:s10], [sflag:$0x1] =	stream.indirect_vreg.gather [hbm4b:s6+s3], $0x80, v4, vm1, $0xb8;
	[tilespmem:$0x9080] =	vst v63  }
0x255: {  	_ = 	snop  }
0x256: {  	[tilespmem:s11], [sflag:$0x1] =	stream.indirect_vreg.gather [hbm4b:s2+s3], $0x80, v3, vm0, $0xb8;
	[tilespmem:$0x9080] =	vst v63  }
0x257: {  	_ = 	snop  }
0x258: {  	[tilespmem:s12], [sflag:$0x1] =	stream.indirect_vreg.gather [hbm4b:s6+s3], $0x80, v3, vm1, $0xb8;
	[tilespmem:$0x9080] =	vst v63  }
0x259: {  	v3 =	vld [tilespmem:$0x10];
	_ =	sdelay $0x4  }
0x25a: {  	v55 =	vshrl.u32 v3, $0x3  }
0x25b: {  	v4 =	vmul.u32 $0x18, v55  }
0x25c: {  	v3 =	vand.u32 $0x7, v3  }
0x25d: {  	v3 =	vor.u32 v3, v4  }
0x25e: {  	v4 =	vperm.xlane v3, v0;
	_ =	sdelay $0x1  }
0x25f: {  	v4 =	vadd.s32 v1, v4;
	_ =	sdelay $0x1  }
0x260: {  	v3 =	vperm.xlane v3, v2;
	_ =	sdelay $0x1  }
0x261: {  	v3 =	vadd.s32 v1, v3  }
0x262: {  	[tilespmem:s13], [sflag:$0x1] =	stream.indirect_vreg.gather [hbm4b:s2+s3], $0x80, v4, vm0, $0xb8;
	[tilespmem:$0x9080] =	vst v63  }
0x263: {  	_ = 	snop  }
0x264: {  	[tilespmem:s14], [sflag:$0x1] =	stream.indirect_vreg.gather [hbm4b:s6+s3], $0x80, v4, vm1, $0xb8;
	[tilespmem:$0x9080] =	vst v63  }
0x265: {  	_ = 	snop  }
0x266: {  	[tilespmem:s15], [sflag:$0x1] =	stream.indirect_vreg.gather [hbm4b:s2+s3], $0x80, v3, vm0, $0xb8;
	[tilespmem:$0x9080] =	vst v63  }
0x267: {  	_ = 	snop  }
0x268: {  	[tilespmem:s16], [sflag:$0x1] =	stream.indirect_vreg.gather [hbm4b:s6+s3], $0x80, v3, vm1, $0xb8;
	[tilespmem:$0x9080] =	vst v63  }
0x269: {  	v3 =	vld [tilespmem:$0x20];
	_ =	sdelay $0x4  }
0x26a: {  	v56 =	vshrl.u32 v3, $0x3  }
0x26b: {  	v4 =	vmul.u32 $0x18, v56  }
0x26c: {  	v3 =	vand.u32 $0x7, v3  }
0x26d: {  	v3 =	vor.u32 v3, v4  }
0x26e: {  	v4 =	vperm.xlane v3, v0;
	_ =	sdelay $0x1  }
0x26f: {  	v4 =	vadd.s32 v1, v4;
	_ =	sdelay $0x1  }
0x270: {  	v3 =	vperm.xlane v3, v2;
	_ =	sdelay $0x1  }
0x271: {  	v3 =	vadd.s32 v1, v3  }
0x272: {  	[tilespmem:s17], [sflag:$0x1] =	stream.indirect_vreg.gather [hbm4b:s2+s3], $0x80, v4, vm0, $0xb8;
	[tilespmem:$0x9080] =	vst v63  }
0x273: {  	_ = 	snop  }
0x274: {  	[tilespmem:s18], [sflag:$0x1] =	stream.indirect_vreg.gather [hbm4b:s6+s3], $0x80, v4, vm1, $0xb8;
	[tilespmem:$0x9080] =	vst v63  }
0x275: {  	_ = 	snop  }
0x276: {  	[tilespmem:s19], [sflag:$0x1] =	stream.indirect_vreg.gather [hbm4b:s2+s3], $0x80, v3, vm0, $0xb8;
	[tilespmem:$0x9080] =	vst v63  }
0x277: {  	_ = 	snop  }
0x278: {  	[tilespmem:s20], [sflag:$0x1] =	stream.indirect_vreg.gather [hbm4b:s6+s3], $0x80, v3, vm1, $0xb8;
	[tilespmem:$0x9080] =	vst v63  }
0x279: {  	v3 =	vld [tilespmem:$0x30];
	_ =	sdelay $0x4  }
0x27a: {  	v57 =	vshrl.u32 v3, $0x3  }
0x27b: {  	v4 =	vmul.u32 $0x18, v57  }
0x27c: {  	v3 =	vand.u32 $0x7, v3  }
0x27d: {  	v3 =	vor.u32 v3, v4  }
0x27e: {  	v4 =	vperm.xlane v3, v0;
	_ =	sdelay $0x1  }
0x27f: {  	v4 =	vadd.s32 v1, v4;
	_ =	sdelay $0x1  }
0x280: {  	v3 =	vperm.xlane v3, v2;
	_ =	sdelay $0x1  }
0x281: {  	v3 =	vadd.s32 v1, v3  }
0x282: {  	[tilespmem:s21], [sflag:$0x1] =	stream.indirect_vreg.gather [hbm4b:s2+s3], $0x80, v4, vm0, $0xb8;
	[tilespmem:$0x9080] =	vst v63  }
0x283: {  	_ = 	snop  }
0x284: {  	[tilespmem:s22], [sflag:$0x1] =	stream.indirect_vreg.gather [hbm4b:s6+s3], $0x80, v4, vm1, $0xb8;
	[tilespmem:$0x9080] =	vst v63  }
0x285: {  	_ = 	snop  }
0x286: {  	[tilespmem:s23], [sflag:$0x1] =	stream.indirect_vreg.gather [hbm4b:s2+s3], $0x80, v3, vm0, $0xb8;
	[tilespmem:$0x9080] =	vst v63  }
0x287: {  	_ = 	snop  }
0x288: {  	[tilespmem:s24], [sflag:$0x1] =	stream.indirect_vreg.gather [hbm4b:s6+s3], $0x80, v3, vm1, $0xb8;
	[tilespmem:$0x9080] =	vst v63  }
0x289: {  	v3 =	vld [tilespmem:$0x40];
	_ =	sdelay $0x4  }
0x28a: {  	v58 =	vshrl.u32 v3, $0x3  }
0x28b: {  	v4 =	vmul.u32 $0x18, v58  }
0x28c: {  	v3 =	vand.u32 $0x7, v3  }
0x28d: {  	v3 =	vor.u32 v3, v4  }
0x28e: {  	v4 =	vperm.xlane v3, v0;
	_ =	sdelay $0x1  }
0x28f: {  	v4 =	vadd.s32 v1, v4;
	_ =	sdelay $0x1  }
0x290: {  	v3 =	vperm.xlane v3, v2;
	_ =	sdelay $0x1  }
0x291: {  	v3 =	vadd.s32 v1, v3  }
0x292: {  	[tilespmem:s25], [sflag:$0x1] =	stream.indirect_vreg.gather [hbm4b:s2+s3], $0x80, v4, vm0, $0xb8;
	[tilespmem:$0x9080] =	vst v63  }
0x293: {  	_ = 	snop  }
0x294: {  	[tilespmem:s26], [sflag:$0x1] =	stream.indirect_vreg.gather [hbm4b:s6+s3], $0x80, v4, vm1, $0xb8;
	[tilespmem:$0x9080] =	vst v63  }
0x295: {  	_ = 	snop  }
0x296: {  	[tilespmem:s28], [sflag:$0x1] =	stream.indirect_vreg.gather [hbm4b:s2+s3], $0x80, v3, vm0, $0xb8;
	[tilespmem:$0x9080] =	vst v63  }
0x297: {  	_ = 	snop  }
0x298: {  	[tilespmem:s29], [sflag:$0x1] =	stream.indirect_vreg.gather [hbm4b:s6+s3], $0x80, v3, vm1, $0xb8;
	[tilespmem:$0x9080] =	vst v63  }
0x299: {  	v3 =	vld [tilespmem:$0x50];
	_ =	sdelay $0x4  }
0x29a: {  	v59 =	vshrl.u32 v3, $0x3  }
0x29b: {  	v4 =	vmul.u32 $0x18, v59  }
0x29c: {  	v3 =	vand.u32 $0x7, v3  }
0x29d: {  	v3 =	vor.u32 v3, v4  }
0x29e: {  	v4 =	vperm.xlane v3, v0;
	_ =	sdelay $0x1  }
0x29f: {  	v4 =	vadd.s32 v1, v4;
	_ =	sdelay $0x1  }
0x2a0: {  	v3 =	vperm.xlane v3, v2;
	_ =	sdelay $0x1  }
0x2a1: {  	v3 =	vadd.s32 v1, v3  }
0x2a2: {  	[tilespmem:s30], [sflag:$0x1] =	stream.indirect_vreg.gather [hbm4b:s2+s3], $0x80, v4, vm0, $0xb8;
	[tilespmem:$0x9080] =	vst v63  }
0x2a3: {  	_ = 	snop  }
0x2a4: {  	[tilespmem:s31], [sflag:$0x1] =	stream.indirect_vreg.gather [hbm4b:s6+s3], $0x80, v4, vm1, $0xb8;
	[tilespmem:$0x9080] =	vst v63  }
0x2a5: {  	_ = 	snop  }
0x2a6: {  	[tilespmem:s1], [sflag:$0x1] =	stream.indirect_vreg.gather [hbm4b:s2+s3], $0x80, v3, vm0, $0xb8;
	[tilespmem:$0x9080] =	vst v63  }
0x2a7: {  	_ = 	snop  }
0x2a8: {  	[tilespmem:s0], [sflag:$0x1] =	stream.indirect_vreg.gather [hbm4b:s6+s3], $0x80, v3, vm1, $0xb8;
	[tilespmem:$0x9080] =	vst v63  }
0x2a9: {  	_ =	swait.ge [sflag:s4], $0x9000  }
0x2aa: {  	[sflag:s4] =	ssyncset.done $0x0  }
0x2ab: {  	s5 =	rddreg [dreg:$0xc];
	[sflag:s4] =	ssyncadd.s32 $0xFFFF7000  }
0x2ac: {  	[hbm4b:s5+s3] =	stream.linear.scatter [tilespmem:s9], [sflag:$0x2], $0x9000, $0x38;
	[tilespmem:$0x9080] =	vst v63  }
0x2ad: {  	_ =	swait.ge [sflag:s8], $0x9000  }
0x2ae: {  	[sflag:s8] =	ssyncset.done $0x0  }
0x2af: {  	s5 =	rddreg [dreg:$0xd];
	[sflag:s8] =	ssyncadd.s32 $0xFFFF7000  }
0x2b0: {  	[tilespmem:s3], [sflag:$0x2] =	stream.linear.gather [hbm4b:s5+s3], $0x60, $0x38;
	[tilespmem:$0x9080] =	vst v63  }
0x2b1: {  	_ =	swait.ge [sflag:s8], $0x60  }
0x2b2: {  	[sflag:s8] =	ssyncset.done $0x0  }
0x2b3: {  	[sflag:s8] =	ssyncadd.s32 $0xFFFFFFA0  }
0x2b4: {  	v3 =	vld [tilespmem:$0x0];
	_ =	sdelay $0x4  }
0x2b5: {  	v60 =	vshrl.u32 v3, $0x3  }
0x2b6: {  	v4 =	vmul.u32 $0x18, v60  }
0x2b7: {  	v3 =	vand.u32 $0x7, v3  }
0x2b8: {  	v3 =	vor.u32 v3, v4  }
0x2b9: {  	v4 =	vperm.xlane v3, v0;
	_ =	sdelay $0x1  }
0x2ba: {  	v4 =	vadd.s32 v1, v4;
	_ =	sdelay $0x1  }
0x2bb: {  	v3 =	vperm.xlane v3, v2;
	_ =	sdelay $0x1  }
0x2bc: {  	v3 =	vadd.s32 v1, v3  }
0x2bd: {  	[tilespmem:s9], [sflag:$0x1] =	stream.indirect_vreg.gather [hbm4b:s2+s3], $0x80, v4, vm0, $0xb8;
	[tilespmem:$0x9080] =	vst v63  }
0x2be: {  	_ = 	snop  }
0x2bf: {  	[tilespmem:s10], [sflag:$0x1] =	stream.indirect_vreg.gather [hbm4b:s6+s3], $0x80, v4, vm1, $0xb8;
	[tilespmem:$0x9080] =	vst v63  }
0x2c0: {  	_ = 	snop  }
0x2c1: {  	[tilespmem:s11], [sflag:$0x1] =	stream.indirect_vreg.gather [hbm4b:s2+s3], $0x80, v3, vm0, $0xb8;
	[tilespmem:$0x9080] =	vst v63  }
0x2c2: {  	_ = 	snop  }
0x2c3: {  	[tilespmem:s12], [sflag:$0x1] =	stream.indirect_vreg.gather [hbm4b:s6+s3], $0x80, v3, vm1, $0xb8;
	[tilespmem:$0x9080] =	vst v63  }
0x2c4: {  	v3 =	vld [tilespmem:$0x10];
	_ =	sdelay $0x4  }
0x2c5: {  	v61 =	vshrl.u32 v3, $0x3  }
0x2c6: {  	v4 =	vmul.u32 $0x18, v61  }
0x2c7: {  	v3 =	vand.u32 $0x7, v3  }
0x2c8: {  	v3 =	vor.u32 v3, v4  }
0x2c9: {  	v4 =	vperm.xlane v3, v0;
	_ =	sdelay $0x1  }
0x2ca: {  	v4 =	vadd.s32 v1, v4;
	_ =	sdelay $0x1  }
0x2cb: {  	v3 =	vperm.xlane v3, v2;
	_ =	sdelay $0x1  }
0x2cc: {  	v3 =	vadd.s32 v1, v3  }
0x2cd: {  	[tilespmem:s13], [sflag:$0x1] =	stream.indirect_vreg.gather [hbm4b:s2+s3], $0x80, v4, vm0, $0xb8;
	[tilespmem:$0x9080] =	vst v63  }
0x2ce: {  	_ = 	snop  }
0x2cf: {  	[tilespmem:s14], [sflag:$0x1] =	stream.indirect_vreg.gather [hbm4b:s6+s3], $0x80, v4, vm1, $0xb8;
	[tilespmem:$0x9080] =	vst v63  }
0x2d0: {  	_ = 	snop  }
0x2d1: {  	[tilespmem:s15], [sflag:$0x1] =	stream.indirect_vreg.gather [hbm4b:s2+s3], $0x80, v3, vm0, $0xb8;
	[tilespmem:$0x9080] =	vst v63  }
0x2d2: {  	_ = 	snop  }
0x2d3: {  	[tilespmem:s16], [sflag:$0x1] =	stream.indirect_vreg.gather [hbm4b:s6+s3], $0x80, v3, vm1, $0xb8;
	[tilespmem:$0x9080] =	vst v63  }
0x2d4: {  	v3 =	vld [tilespmem:$0x20];
	_ =	sdelay $0x4  }
0x2d5: {  	v62 =	vshrl.u32 v3, $0x3  }
0x2d6: {  	v4 =	vmul.u32 $0x18, v62  }
0x2d7: {  	v3 =	vand.u32 $0x7, v3  }
0x2d8: {  	v3 =	vor.u32 v3, v4  }
0x2d9: {  	v4 =	vperm.xlane v3, v0;
	_ =	sdelay $0x1  }
0x2da: {  	v4 =	vadd.s32 v1, v4;
	_ =	sdelay $0x1  }
0x2db: {  	v3 =	vperm.xlane v3, v2;
	_ =	sdelay $0x1  }
0x2dc: {  	v3 =	vadd.s32 v1, v3  }
0x2dd: {  	[tilespmem:s17], [sflag:$0x1] =	stream.indirect_vreg.gather [hbm4b:s2+s3], $0x80, v4, vm0, $0xb8;
	[tilespmem:$0x9080] =	vst v63  }
0x2de: {  	_ = 	snop  }
0x2df: {  	[tilespmem:s18], [sflag:$0x1] =	stream.indirect_vreg.gather [hbm4b:s6+s3], $0x80, v4, vm1, $0xb8;
	[tilespmem:$0x9080] =	vst v63  }
0x2e0: {  	_ = 	snop  }
0x2e1: {  	[tilespmem:s19], [sflag:$0x1] =	stream.indirect_vreg.gather [hbm4b:s2+s3], $0x80, v3, vm0, $0xb8;
	[tilespmem:$0x9080] =	vst v63  }
0x2e2: {  	_ = 	snop  }
0x2e3: {  	[tilespmem:s20], [sflag:$0x1] =	stream.indirect_vreg.gather [hbm4b:s6+s3], $0x80, v3, vm1, $0xb8;
	[tilespmem:$0x9080] =	vst v63  }
0x2e4: {  	v3 =	vld [tilespmem:$0x30];
	_ =	sdelay $0x4  }
0x2e5: {  	v63 =	vshrl.u32 v3, $0x3  }
0x2e6: {  	v4 =	vmul.u32 $0x18, v63  }
0x2e7: {  	v3 =	vand.u32 $0x7, v3  }
0x2e8: {  	v3 =	vor.u32 v3, v4  }
0x2e9: {  	v4 =	vperm.xlane v3, v0;
	_ =	sdelay $0x1  }
0x2ea: {  	v4 =	vadd.s32 v1, v4;
	_ =	sdelay $0x1  }
0x2eb: {  	v3 =	vperm.xlane v3, v2;
	_ =	sdelay $0x1  }
0x2ec: {  	v3 =	vadd.s32 v1, v3  }
0x2ed: {  	[tilespmem:s21], [sflag:$0x1] =	stream.indirect_vreg.gather [hbm4b:s2+s3], $0x80, v4, vm0, $0xb8;
	[tilespmem:$0x9080] =	vst v63  }
0x2ee: {  	_ = 	snop  }
0x2ef: {  	[tilespmem:s22], [sflag:$0x1] =	stream.indirect_vreg.gather [hbm4b:s6+s3], $0x80, v4, vm1, $0xb8;
	[tilespmem:$0x9080] =	vst v63  }
0x2f0: {  	_ = 	snop  }
0x2f1: {  	[tilespmem:s23], [sflag:$0x1] =	stream.indirect_vreg.gather [hbm4b:s2+s3], $0x80, v3, vm0, $0xb8;
	[tilespmem:$0x9080] =	vst v63  }
0x2f2: {  	_ = 	snop  }
0x2f3: {  	[tilespmem:s24], [sflag:$0x1] =	stream.indirect_vreg.gather [hbm4b:s6+s3], $0x80, v3, vm1, $0xb8;
	[tilespmem:$0x9080] =	vst v63  }
0x2f4: {  	v3 =	vld [tilespmem:$0x40];
	_ =	sdelay $0x4  }
0x2f5: {  	v8 =	vshrl.u32 v3, $0x3  }
0x2f6: {  	v4 =	vmul.u32 $0x18, v8  }
0x2f7: {  	v3 =	vand.u32 $0x7, v3  }
0x2f8: {  	v3 =	vor.u32 v3, v4  }
0x2f9: {  	v4 =	vperm.xlane v3, v0;
	_ =	sdelay $0x1  }
0x2fa: {  	v4 =	vadd.s32 v1, v4;
	_ =	sdelay $0x1  }
0x2fb: {  	v3 =	vperm.xlane v3, v2;
	_ =	sdelay $0x1  }
0x2fc: {  	v3 =	vadd.s32 v1, v3  }
0x2fd: {  	[tilespmem:s25], [sflag:$0x1] =	stream.indirect_vreg.gather [hbm4b:s2+s3], $0x80, v4, vm0, $0xb8;
	[tilespmem:$0x9080] =	vst v63  }
0x2fe: {  	_ = 	snop  }
0x2ff: {  	[tilespmem:s26], [sflag:$0x1] =	stream.indirect_vreg.gather [hbm4b:s6+s3], $0x80, v4, vm1, $0xb8;
	[tilespmem:$0x9080] =	vst v63  }
0x300: {  	_ = 	snop  }
0x301: {  	[tilespmem:s28], [sflag:$0x1] =	stream.indirect_vreg.gather [hbm4b:s2+s3], $0x80, v3, vm0, $0xb8;
	[tilespmem:$0x9080] =	vst v63  }
0x302: {  	_ = 	snop  }
0x303: {  	[tilespmem:s29], [sflag:$0x1] =	stream.indirect_vreg.gather [hbm4b:s6+s3], $0x80, v3, vm1, $0xb8;
	[tilespmem:$0x9080] =	vst v63  }
0x304: {  	v3 =	vld [tilespmem:$0x50];
	_ =	sdelay $0x4  }
0x305: {  	v9 =	vshrl.u32 v3, $0x3  }
0x306: {  	v4 =	vmul.u32 $0x18, v9  }
0x307: {  	v3 =	vand.u32 $0x7, v3  }
0x308: {  	v3 =	vor.u32 v3, v4  }
0x309: {  	v4 =	vperm.xlane v3, v0;
	_ =	sdelay $0x1  }
0x30a: {  	v4 =	vadd.s32 v1, v4;
	_ =	sdelay $0x1  }
0x30b: {  	v3 =	vperm.xlane v3, v2;
	_ =	sdelay $0x1  }
0x30c: {  	v3 =	vadd.s32 v1, v3  }
0x30d: {  	[tilespmem:s30], [sflag:$0x1] =	stream.indirect_vreg.gather [hbm4b:s2+s3], $0x80, v4, vm0, $0xb8;
	[tilespmem:$0x9080] =	vst v63  }
0x30e: {  	_ = 	snop  }
0x30f: {  	[tilespmem:s31], [sflag:$0x1] =	stream.indirect_vreg.gather [hbm4b:s6+s3], $0x80, v4, vm1, $0xb8;
	[tilespmem:$0x9080] =	vst v63  }
0x310: {  	_ = 	snop  }
0x311: {  	[tilespmem:s1], [sflag:$0x1] =	stream.indirect_vreg.gather [hbm4b:s2+s3], $0x80, v3, vm0, $0xb8;
	[tilespmem:$0x9080] =	vst v63  }
0x312: {  	_ = 	snop  }
0x313: {  	[tilespmem:s0], [sflag:$0x1] =	stream.indirect_vreg.gather [hbm4b:s6+s3], $0x80, v3, vm1, $0xb8;
	[tilespmem:$0x9080] =	vst v63  }
0x314: {  	_ =	swait.ge [sflag:s4], $0x9000  }
0x315: {  	[sflag:s4] =	ssyncset.done $0x0  }
0x316: {  	s5 =	rddreg [dreg:$0xe];
	[sflag:s4] =	ssyncadd.s32 $0xFFFF7000  }
0x317: {  	[hbm4b:s5+s3] =	stream.linear.scatter [tilespmem:s9], [sflag:$0x2], $0x9000, $0x38;
	[tilespmem:$0x9080] =	vst v63  }
0x318: {  	_ =	swait.ge [sflag:s8], $0x9000  }
0x319: {  	[sflag:s8] =	ssyncset.done $0x0  }
0x31a: {  	s5 =	rddreg [dreg:$0xf];
	[sflag:s8] =	ssyncadd.s32 $0xFFFF7000  }
0x31b: {  	[tilespmem:s3], [sflag:$0x2] =	stream.linear.gather [hbm4b:s5+s3], $0x60, $0x38;
	[tilespmem:$0x9080] =	vst v63  }
0x31c: {  	_ =	swait.ge [sflag:s8], $0x60  }
0x31d: {  	[sflag:s8] =	ssyncset.done $0x0  }
0x31e: {  	[sflag:s8] =	ssyncadd.s32 $0xFFFFFFA0  }
0x31f: {  	v3 =	vld [tilespmem:$0x0];
	_ =	sdelay $0x4  }
0x320: {  	v10 =	vshrl.u32 v3, $0x3  }
0x321: {  	v4 =	vmul.u32 $0x18, v10  }
0x322: {  	v3 =	vand.u32 $0x7, v3  }
0x323: {  	v3 =	vor.u32 v3, v4  }
0x324: {  	v4 =	vperm.xlane v3, v0;
	_ =	sdelay $0x1  }
0x325: {  	v4 =	vadd.s32 v1, v4;
	_ =	sdelay $0x1  }
0x326: {  	v3 =	vperm.xlane v3, v2;
	_ =	sdelay $0x1  }
0x327: {  	v3 =	vadd.s32 v1, v3  }
0x328: {  	[tilespmem:s9], [sflag:$0x1] =	stream.indirect_vreg.gather [hbm4b:s2+s3], $0x80, v4, vm0, $0xb8;
	[tilespmem:$0x9080] =	vst v63  }
0x329: {  	_ = 	snop  }
0x32a: {  	[tilespmem:s10], [sflag:$0x1] =	stream.indirect_vreg.gather [hbm4b:s6+s3], $0x80, v4, vm1, $0xb8;
	[tilespmem:$0x9080] =	vst v63  }
0x32b: {  	_ = 	snop  }
0x32c: {  	[tilespmem:s11], [sflag:$0x1] =	stream.indirect_vreg.gather [hbm4b:s2+s3], $0x80, v3, vm0, $0xb8;
	[tilespmem:$0x9080] =	vst v63  }
0x32d: {  	_ = 	snop  }
0x32e: {  	[tilespmem:s12], [sflag:$0x1] =	stream.indirect_vreg.gather [hbm4b:s6+s3], $0x80, v3, vm1, $0xb8;
	[tilespmem:$0x9080] =	vst v63  }
0x32f: {  	v3 =	vld [tilespmem:$0x10];
	_ =	sdelay $0x4  }
0x330: {  	v11 =	vshrl.u32 v3, $0x3  }
0x331: {  	v4 =	vmul.u32 $0x18, v11  }
0x332: {  	v3 =	vand.u32 $0x7, v3  }
0x333: {  	v3 =	vor.u32 v3, v4  }
0x334: {  	v4 =	vperm.xlane v3, v0;
	_ =	sdelay $0x1  }
0x335: {  	v4 =	vadd.s32 v1, v4;
	_ =	sdelay $0x1  }
0x336: {  	v3 =	vperm.xlane v3, v2;
	_ =	sdelay $0x1  }
0x337: {  	v3 =	vadd.s32 v1, v3  }
0x338: {  	[tilespmem:s13], [sflag:$0x1] =	stream.indirect_vreg.gather [hbm4b:s2+s3], $0x80, v4, vm0, $0xb8;
	[tilespmem:$0x9080] =	vst v63  }
0x339: {  	_ = 	snop  }
0x33a: {  	[tilespmem:s14], [sflag:$0x1] =	stream.indirect_vreg.gather [hbm4b:s6+s3], $0x80, v4, vm1, $0xb8;
	[tilespmem:$0x9080] =	vst v63  }
0x33b: {  	_ = 	snop  }
0x33c: {  	[tilespmem:s15], [sflag:$0x1] =	stream.indirect_vreg.gather [hbm4b:s2+s3], $0x80, v3, vm0, $0xb8;
	[tilespmem:$0x9080] =	vst v63  }
0x33d: {  	_ = 	snop  }
0x33e: {  	[tilespmem:s16], [sflag:$0x1] =	stream.indirect_vreg.gather [hbm4b:s6+s3], $0x80, v3, vm1, $0xb8;
	[tilespmem:$0x9080] =	vst v63  }
0x33f: {  	v3 =	vld [tilespmem:$0x20];
	_ =	sdelay $0x4  }
0x340: {  	v12 =	vshrl.u32 v3, $0x3  }
0x341: {  	v4 =	vmul.u32 $0x18, v12  }
0x342: {  	v3 =	vand.u32 $0x7, v3  }
0x343: {  	v3 =	vor.u32 v3, v4  }
0x344: {  	v4 =	vperm.xlane v3, v0;
	_ =	sdelay $0x1  }
0x345: {  	v4 =	vadd.s32 v1, v4;
	_ =	sdelay $0x1  }
0x346: {  	v3 =	vperm.xlane v3, v2;
	_ =	sdelay $0x1  }
0x347: {  	v3 =	vadd.s32 v1, v3  }
0x348: {  	[tilespmem:s17], [sflag:$0x1] =	stream.indirect_vreg.gather [hbm4b:s2+s3], $0x80, v4, vm0, $0xb8;
	[tilespmem:$0x9080] =	vst v63  }
0x349: {  	_ = 	snop  }
0x34a: {  	[tilespmem:s18], [sflag:$0x1] =	stream.indirect_vreg.gather [hbm4b:s6+s3], $0x80, v4, vm1, $0xb8;
	[tilespmem:$0x9080] =	vst v63  }
0x34b: {  	_ = 	snop  }
0x34c: {  	[tilespmem:s19], [sflag:$0x1] =	stream.indirect_vreg.gather [hbm4b:s2+s3], $0x80, v3, vm0, $0xb8;
	[tilespmem:$0x9080] =	vst v63  }
0x34d: {  	_ = 	snop  }
0x34e: {  	[tilespmem:s20], [sflag:$0x1] =	stream.indirect_vreg.gather [hbm4b:s6+s3], $0x80, v3, vm1, $0xb8;
	[tilespmem:$0x9080] =	vst v63  }
0x34f: {  	v3 =	vld [tilespmem:$0x30];
	_ =	sdelay $0x4  }
0x350: {  	v13 =	vshrl.u32 v3, $0x3  }
0x351: {  	v4 =	vmul.u32 $0x18, v13  }
0x352: {  	v3 =	vand.u32 $0x7, v3  }
0x353: {  	v3 =	vor.u32 v3, v4  }
0x354: {  	v4 =	vperm.xlane v3, v0;
	_ =	sdelay $0x1  }
0x355: {  	v4 =	vadd.s32 v1, v4;
	_ =	sdelay $0x1  }
0x356: {  	v3 =	vperm.xlane v3, v2;
	_ =	sdelay $0x1  }
0x357: {  	v3 =	vadd.s32 v1, v3  }
0x358: {  	[tilespmem:s21], [sflag:$0x1] =	stream.indirect_vreg.gather [hbm4b:s2+s3], $0x80, v4, vm0, $0xb8;
	[tilespmem:$0x9080] =	vst v63  }
0x359: {  	_ = 	snop  }
0x35a: {  	[tilespmem:s22], [sflag:$0x1] =	stream.indirect_vreg.gather [hbm4b:s6+s3], $0x80, v4, vm1, $0xb8;
	[tilespmem:$0x9080] =	vst v63  }
0x35b: {  	_ = 	snop  }
0x35c: {  	[tilespmem:s23], [sflag:$0x1] =	stream.indirect_vreg.gather [hbm4b:s2+s3], $0x80, v3, vm0, $0xb8;
	[tilespmem:$0x9080] =	vst v63  }
0x35d: {  	_ = 	snop  }
0x35e: {  	[tilespmem:s24], [sflag:$0x1] =	stream.indirect_vreg.gather [hbm4b:s6+s3], $0x80, v3, vm1, $0xb8;
	[tilespmem:$0x9080] =	vst v63  }
0x35f: {  	v3 =	vld [tilespmem:$0x40];
	_ =	sdelay $0x4  }
0x360: {  	v14 =	vshrl.u32 v3, $0x3  }
0x361: {  	v4 =	vmul.u32 $0x18, v14  }
0x362: {  	v3 =	vand.u32 $0x7, v3  }
0x363: {  	v3 =	vor.u32 v3, v4  }
0x364: {  	v4 =	vperm.xlane v3, v0;
	_ =	sdelay $0x1  }
0x365: {  	v4 =	vadd.s32 v1, v4;
	_ =	sdelay $0x1  }
0x366: {  	v3 =	vperm.xlane v3, v2;
	_ =	sdelay $0x1  }
0x367: {  	v3 =	vadd.s32 v1, v3  }
0x368: {  	[tilespmem:s25], [sflag:$0x1] =	stream.indirect_vreg.gather [hbm4b:s2+s3], $0x80, v4, vm0, $0xb8;
	[tilespmem:$0x9080] =	vst v63  }
0x369: {  	_ = 	snop  }
0x36a: {  	[tilespmem:s26], [sflag:$0x1] =	stream.indirect_vreg.gather [hbm4b:s6+s3], $0x80, v4, vm1, $0xb8;
	[tilespmem:$0x9080] =	vst v63  }
0x36b: {  	_ = 	snop  }
0x36c: {  	[tilespmem:s28], [sflag:$0x1] =	stream.indirect_vreg.gather [hbm4b:s2+s3], $0x80, v3, vm0, $0xb8;
	[tilespmem:$0x9080] =	vst v63  }
0x36d: {  	_ = 	snop  }
0x36e: {  	[tilespmem:s29], [sflag:$0x1] =	stream.indirect_vreg.gather [hbm4b:s6+s3], $0x80, v3, vm1, $0xb8;
	[tilespmem:$0x9080] =	vst v63  }
0x36f: {  	v3 =	vld [tilespmem:$0x50];
	_ =	sdelay $0x4  }
0x370: {  	v15 =	vshrl.u32 v3, $0x3  }
0x371: {  	v4 =	vmul.u32 $0x18, v15  }
0x372: {  	v3 =	vand.u32 $0x7, v3  }
0x373: {  	v3 =	vor.u32 v3, v4  }
0x374: {  	v4 =	vperm.xlane v3, v0;
	_ =	sdelay $0x1  }
0x375: {  	v4 =	vadd.s32 v1, v4;
	_ =	sdelay $0x1  }
0x376: {  	v3 =	vperm.xlane v3, v2;
	_ =	sdelay $0x1  }
0x377: {  	v3 =	vadd.s32 v1, v3  }
0x378: {  	[tilespmem:s30], [sflag:$0x1] =	stream.indirect_vreg.gather [hbm4b:s2+s3], $0x80, v4, vm0, $0xb8;
	[tilespmem:$0x9080] =	vst v63  }
0x379: {  	_ = 	snop  }
0x37a: {  	[tilespmem:s31], [sflag:$0x1] =	stream.indirect_vreg.gather [hbm4b:s6+s3], $0x80, v4, vm1, $0xb8;
	[tilespmem:$0x9080] =	vst v63  }
0x37b: {  	_ = 	snop  }
0x37c: {  	[tilespmem:s1], [sflag:$0x1] =	stream.indirect_vreg.gather [hbm4b:s2+s3], $0x80, v3, vm0, $0xb8;
	[tilespmem:$0x9080] =	vst v63  }
0x37d: {  	_ = 	snop  }
0x37e: {  	[tilespmem:s0], [sflag:$0x1] =	stream.indirect_vreg.gather [hbm4b:s6+s3], $0x80, v3, vm1, $0xb8;
	[tilespmem:$0x9080] =	vst v63  }
0x37f: {  	_ =	swait.ge [sflag:s4], $0x9000  }
0x380: {  	[sflag:s4] =	ssyncset.done $0x0  }
0x381: {  	s5 =	rddreg [dreg:$0x10];
	[sflag:s4] =	ssyncadd.s32 $0xFFFF7000  }
0x382: {  	[hbm4b:s5+s3] =	stream.linear.scatter [tilespmem:s9], [sflag:$0x2], $0x9000, $0x38;
	[tilespmem:$0x9080] =	vst v63  }
0x383: {  	_ =	swait.ge [sflag:s8], $0x9000  }
0x384: {  	[sflag:s8] =	ssyncset.done $0x0  }
0x385: {  	s5 =	rddreg [dreg:$0x11];
	[sflag:s8] =	ssyncadd.s32 $0xFFFF7000  }
0x386: {  	[tilespmem:s3], [sflag:$0x2] =	stream.linear.gather [hbm4b:s5+s3], $0x60, $0x38;
	[tilespmem:$0x9080] =	vst v63  }
0x387: {  	_ =	swait.ge [sflag:s8], $0x60  }
0x388: {  	[sflag:s8] =	ssyncset.done $0x0  }
0x389: {  	[sflag:s8] =	ssyncadd.s32 $0xFFFFFFA0  }
0x38a: {  	v3 =	vld [tilespmem:$0x0];
	_ =	sdelay $0x4  }
0x38b: {  	v16 =	vshrl.u32 v3, $0x3  }
0x38c: {  	v4 =	vmul.u32 $0x18, v16  }
0x38d: {  	v3 =	vand.u32 $0x7, v3  }
0x38e: {  	v3 =	vor.u32 v3, v4  }
0x38f: {  	v4 =	vperm.xlane v3, v0;
	_ =	sdelay $0x1  }
0x390: {  	v4 =	vadd.s32 v1, v4;
	_ =	sdelay $0x1  }
0x391: {  	v3 =	vperm.xlane v3, v2;
	_ =	sdelay $0x1  }
0x392: {  	v3 =	vadd.s32 v1, v3  }
0x393: {  	[tilespmem:s9], [sflag:$0x1] =	stream.indirect_vreg.gather [hbm4b:s2+s3], $0x80, v4, vm0, $0xb8;
	[tilespmem:$0x9080] =	vst v63  }
0x394: {  	_ = 	snop  }
0x395: {  	[tilespmem:s10], [sflag:$0x1] =	stream.indirect_vreg.gather [hbm4b:s6+s3], $0x80, v4, vm1, $0xb8;
	[tilespmem:$0x9080] =	vst v63  }
0x396: {  	_ = 	snop  }
0x397: {  	[tilespmem:s11], [sflag:$0x1] =	stream.indirect_vreg.gather [hbm4b:s2+s3], $0x80, v3, vm0, $0xb8;
	[tilespmem:$0x9080] =	vst v63  }
0x398: {  	_ = 	snop  }
0x399: {  	[tilespmem:s12], [sflag:$0x1] =	stream.indirect_vreg.gather [hbm4b:s6+s3], $0x80, v3, vm1, $0xb8;
	[tilespmem:$0x9080] =	vst v63  }
0x39a: {  	v3 =	vld [tilespmem:$0x10];
	_ =	sdelay $0x4  }
0x39b: {  	v17 =	vshrl.u32 v3, $0x3  }
0x39c: {  	v4 =	vmul.u32 $0x18, v17  }
0x39d: {  	v3 =	vand.u32 $0x7, v3  }
0x39e: {  	v3 =	vor.u32 v3, v4  }
0x39f: {  	v4 =	vperm.xlane v3, v0;
	_ =	sdelay $0x1  }
0x3a0: {  	v4 =	vadd.s32 v1, v4;
	_ =	sdelay $0x1  }
0x3a1: {  	v3 =	vperm.xlane v3, v2;
	_ =	sdelay $0x1  }
0x3a2: {  	v3 =	vadd.s32 v1, v3  }
0x3a3: {  	[tilespmem:s13], [sflag:$0x1] =	stream.indirect_vreg.gather [hbm4b:s2+s3], $0x80, v4, vm0, $0xb8;
	[tilespmem:$0x9080] =	vst v63  }
0x3a4: {  	_ = 	snop  }
0x3a5: {  	[tilespmem:s14], [sflag:$0x1] =	stream.indirect_vreg.gather [hbm4b:s6+s3], $0x80, v4, vm1, $0xb8;
	[tilespmem:$0x9080] =	vst v63  }
0x3a6: {  	_ = 	snop  }
0x3a7: {  	[tilespmem:s15], [sflag:$0x1] =	stream.indirect_vreg.gather [hbm4b:s2+s3], $0x80, v3, vm0, $0xb8;
	[tilespmem:$0x9080] =	vst v63  }
0x3a8: {  	_ = 	snop  }
0x3a9: {  	[tilespmem:s16], [sflag:$0x1] =	stream.indirect_vreg.gather [hbm4b:s6+s3], $0x80, v3, vm1, $0xb8;
	[tilespmem:$0x9080] =	vst v63  }
0x3aa: {  	v3 =	vld [tilespmem:$0x20];
	_ =	sdelay $0x4  }
0x3ab: {  	v18 =	vshrl.u32 v3, $0x3  }
0x3ac: {  	v4 =	vmul.u32 $0x18, v18  }
0x3ad: {  	v3 =	vand.u32 $0x7, v3  }
0x3ae: {  	v3 =	vor.u32 v3, v4  }
0x3af: {  	v4 =	vperm.xlane v3, v0;
	_ =	sdelay $0x1  }
0x3b0: {  	v4 =	vadd.s32 v1, v4;
	_ =	sdelay $0x1  }
0x3b1: {  	v3 =	vperm.xlane v3, v2;
	_ =	sdelay $0x1  }
0x3b2: {  	v3 =	vadd.s32 v1, v3  }
0x3b3: {  	[tilespmem:s17], [sflag:$0x1] =	stream.indirect_vreg.gather [hbm4b:s2+s3], $0x80, v4, vm0, $0xb8;
	[tilespmem:$0x9080] =	vst v63  }
0x3b4: {  	_ = 	snop  }
0x3b5: {  	[tilespmem:s18], [sflag:$0x1] =	stream.indirect_vreg.gather [hbm4b:s6+s3], $0x80, v4, vm1, $0xb8;
	[tilespmem:$0x9080] =	vst v63  }
0x3b6: {  	_ = 	snop  }
0x3b7: {  	[tilespmem:s19], [sflag:$0x1] =	stream.indirect_vreg.gather [hbm4b:s2+s3], $0x80, v3, vm0, $0xb8;
	[tilespmem:$0x9080] =	vst v63  }
0x3b8: {  	_ = 	snop  }
0x3b9: {  	[tilespmem:s20], [sflag:$0x1] =	stream.indirect_vreg.gather [hbm4b:s6+s3], $0x80, v3, vm1, $0xb8;
	[tilespmem:$0x9080] =	vst v63  }
0x3ba: {  	v3 =	vld [tilespmem:$0x30];
	_ =	sdelay $0x4  }
0x3bb: {  	v19 =	vshrl.u32 v3, $0x3  }
0x3bc: {  	v4 =	vmul.u32 $0x18, v19  }
0x3bd: {  	v3 =	vand.u32 $0x7, v3  }
0x3be: {  	v3 =	vor.u32 v3, v4  }
0x3bf: {  	v4 =	vperm.xlane v3, v0;
	_ =	sdelay $0x1  }
0x3c0: {  	v4 =	vadd.s32 v1, v4;
	_ =	sdelay $0x1  }
0x3c1: {  	v3 =	vperm.xlane v3, v2;
	_ =	sdelay $0x1  }
0x3c2: {  	v3 =	vadd.s32 v1, v3  }
0x3c3: {  	[tilespmem:s21], [sflag:$0x1] =	stream.indirect_vreg.gather [hbm4b:s2+s3], $0x80, v4, vm0, $0xb8;
	[tilespmem:$0x9080] =	vst v63  }
0x3c4: {  	_ = 	snop  }
0x3c5: {  	[tilespmem:s22], [sflag:$0x1] =	stream.indirect_vreg.gather [hbm4b:s6+s3], $0x80, v4, vm1, $0xb8;
	[tilespmem:$0x9080] =	vst v63  }
0x3c6: {  	_ = 	snop  }
0x3c7: {  	[tilespmem:s23], [sflag:$0x1] =	stream.indirect_vreg.gather [hbm4b:s2+s3], $0x80, v3, vm0, $0xb8;
	[tilespmem:$0x9080] =	vst v63  }
0x3c8: {  	_ = 	snop  }
0x3c9: {  	[tilespmem:s24], [sflag:$0x1] =	stream.indirect_vreg.gather [hbm4b:s6+s3], $0x80, v3, vm1, $0xb8;
	[tilespmem:$0x9080] =	vst v63  }
0x3ca: {  	v3 =	vld [tilespmem:$0x40];
	_ =	sdelay $0x4  }
0x3cb: {  	v20 =	vshrl.u32 v3, $0x3  }
0x3cc: {  	v4 =	vmul.u32 $0x18, v20  }
0x3cd: {  	v3 =	vand.u32 $0x7, v3  }
0x3ce: {  	v3 =	vor.u32 v3, v4  }
0x3cf: {  	v4 =	vperm.xlane v3, v0;
	_ =	sdelay $0x1  }
0x3d0: {  	v4 =	vadd.s32 v1, v4;
	_ =	sdelay $0x1  }
0x3d1: {  	v3 =	vperm.xlane v3, v2;
	_ =	sdelay $0x1  }
0x3d2: {  	v3 =	vadd.s32 v1, v3  }
0x3d3: {  	[tilespmem:s25], [sflag:$0x1] =	stream.indirect_vreg.gather [hbm4b:s2+s3], $0x80, v4, vm0, $0xb8;
	[tilespmem:$0x9080] =	vst v63  }
0x3d4: {  	_ = 	snop  }
0x3d5: {  	[tilespmem:s26], [sflag:$0x1] =	stream.indirect_vreg.gather [hbm4b:s6+s3], $0x80, v4, vm1, $0xb8;
	[tilespmem:$0x9080] =	vst v63  }
0x3d6: {  	_ = 	snop  }
0x3d7: {  	[tilespmem:s28], [sflag:$0x1] =	stream.indirect_vreg.gather [hbm4b:s2+s3], $0x80, v3, vm0, $0xb8;
	[tilespmem:$0x9080] =	vst v63  }
0x3d8: {  	_ = 	snop  }
0x3d9: {  	[tilespmem:s29], [sflag:$0x1] =	stream.indirect_vreg.gather [hbm4b:s6+s3], $0x80, v3, vm1, $0xb8;
	[tilespmem:$0x9080] =	vst v63  }
0x3da: {  	v3 =	vld [tilespmem:$0x50];
	_ =	sdelay $0x4  }
0x3db: {  	v21 =	vshrl.u32 v3, $0x3  }
0x3dc: {  	v4 =	vmul.u32 $0x18, v21  }
0x3dd: {  	v3 =	vand.u32 $0x7, v3  }
0x3de: {  	v3 =	vor.u32 v3, v4  }
0x3df: {  	v4 =	vperm.xlane v3, v0;
	_ =	sdelay $0x1  }
0x3e0: {  	v4 =	vadd.s32 v1, v4;
	_ =	sdelay $0x1  }
0x3e1: {  	v3 =	vperm.xlane v3, v2;
	_ =	sdelay $0x1  }
0x3e2: {  	v3 =	vadd.s32 v1, v3  }
0x3e3: {  	[tilespmem:s30], [sflag:$0x1] =	stream.indirect_vreg.gather [hbm4b:s2+s3], $0x80, v4, vm0, $0xb8;
	[tilespmem:$0x9080] =	vst v63  }
0x3e4: {  	_ = 	snop  }
0x3e5: {  	[tilespmem:s31], [sflag:$0x1] =	stream.indirect_vreg.gather [hbm4b:s6+s3], $0x80, v4, vm1, $0xb8;
	[tilespmem:$0x9080] =	vst v63  }
0x3e6: {  	_ = 	snop  }
0x3e7: {  	[tilespmem:s1], [sflag:$0x1] =	stream.indirect_vreg.gather [hbm4b:s2+s3], $0x80, v3, vm0, $0xb8;
	[tilespmem:$0x9080] =	vst v63  }
0x3e8: {  	_ = 	snop  }
0x3e9: {  	[tilespmem:s0], [sflag:$0x1] =	stream.indirect_vreg.gather [hbm4b:s6+s3], $0x80, v3, vm1, $0xb8;
	[tilespmem:$0x9080] =	vst v63  }
0x3ea: {  	_ =	swait.ge [sflag:s4], $0x9000  }
0x3eb: {  	[sflag:s4] =	ssyncset.done $0x0  }
0x3ec: {  	s5 =	rddreg [dreg:$0x12];
	[sflag:s4] =	ssyncadd.s32 $0xFFFF7000  }
0x3ed: {  	[hbm4b:s5+s3] =	stream.linear.scatter [tilespmem:s9], [sflag:$0x2], $0x9000, $0x38;
	[tilespmem:$0x9080] =	vst v63  }
0x3ee: {  	_ =	swait.ge [sflag:s8], $0x9000  }
0x3ef: {  	[sflag:s8] =	ssyncset.done $0x0  }
0x3f0: {  	s5 =	rddreg [dreg:$0x13];
	[sflag:s8] =	ssyncadd.s32 $0xFFFF7000  }
0x3f1: {  	[tilespmem:s3], [sflag:$0x2] =	stream.linear.gather [hbm4b:s5+s3], $0x60, $0x38;
	[tilespmem:$0x9080] =	vst v63  }
0x3f2: {  	_ =	swait.ge [sflag:s8], $0x60  }
0x3f3: {  	[sflag:s8] =	ssyncset.done $0x0  }
0x3f4: {  	[sflag:s8] =	ssyncadd.s32 $0xFFFFFFA0  }
0x3f5: {  	v3 =	vld [tilespmem:$0x0];
	_ =	sdelay $0x4  }
0x3f6: {  	v22 =	vshrl.u32 v3, $0x3  }
0x3f7: {  	v4 =	vmul.u32 $0x18, v22  }
0x3f8: {  	v3 =	vand.u32 $0x7, v3  }
0x3f9: {  	v3 =	vor.u32 v3, v4  }
0x3fa: {  	v4 =	vperm.xlane v3, v0;
	_ =	sdelay $0x1  }
0x3fb: {  	v4 =	vadd.s32 v1, v4;
	_ =	sdelay $0x1  }
0x3fc: {  	v3 =	vperm.xlane v3, v2;
	_ =	sdelay $0x1  }
0x3fd: {  	v3 =	vadd.s32 v1, v3  }
0x3fe: {  	[tilespmem:s9], [sflag:$0x1] =	stream.indirect_vreg.gather [hbm4b:s2+s3], $0x80, v4, vm0, $0xb8;
	[tilespmem:$0x9080] =	vst v63  }
0x3ff: {  	_ = 	snop  }
0x400: {  	[tilespmem:s10], [sflag:$0x1] =	stream.indirect_vreg.gather [hbm4b:s6+s3], $0x80, v4, vm1, $0xb8;
	[tilespmem:$0x9080] =	vst v63  }
0x401: {  	_ = 	snop  }
0x402: {  	[tilespmem:s11], [sflag:$0x1] =	stream.indirect_vreg.gather [hbm4b:s2+s3], $0x80, v3, vm0, $0xb8;
	[tilespmem:$0x9080] =	vst v63  }
0x403: {  	_ = 	snop  }
0x404: {  	[tilespmem:s12], [sflag:$0x1] =	stream.indirect_vreg.gather [hbm4b:s6+s3], $0x80, v3, vm1, $0xb8;
	[tilespmem:$0x9080] =	vst v63  }
0x405: {  	v3 =	vld [tilespmem:$0x10];
	_ =	sdelay $0x4  }
0x406: {  	v23 =	vshrl.u32 v3, $0x3  }
0x407: {  	v4 =	vmul.u32 $0x18, v23  }
0x408: {  	v3 =	vand.u32 $0x7, v3  }
0x409: {  	v3 =	vor.u32 v3, v4  }
0x40a: {  	v4 =	vperm.xlane v3, v0;
	_ =	sdelay $0x1  }
0x40b: {  	v4 =	vadd.s32 v1, v4;
	_ =	sdelay $0x1  }
0x40c: {  	v3 =	vperm.xlane v3, v2;
	_ =	sdelay $0x1  }
0x40d: {  	v3 =	vadd.s32 v1, v3  }
0x40e: {  	[tilespmem:s13], [sflag:$0x1] =	stream.indirect_vreg.gather [hbm4b:s2+s3], $0x80, v4, vm0, $0xb8;
	[tilespmem:$0x9080] =	vst v63  }
0x40f: {  	_ = 	snop  }
0x410: {  	[tilespmem:s14], [sflag:$0x1] =	stream.indirect_vreg.gather [hbm4b:s6+s3], $0x80, v4, vm1, $0xb8;
	[tilespmem:$0x9080] =	vst v63  }
0x411: {  	_ = 	snop  }
0x412: {  	[tilespmem:s15], [sflag:$0x1] =	stream.indirect_vreg.gather [hbm4b:s2+s3], $0x80, v3, vm0, $0xb8;
	[tilespmem:$0x9080] =	vst v63  }
0x413: {  	_ = 	snop  }
0x414: {  	[tilespmem:s16], [sflag:$0x1] =	stream.indirect_vreg.gather [hbm4b:s6+s3], $0x80, v3, vm1, $0xb8;
	[tilespmem:$0x9080] =	vst v63  }
0x415: {  	v3 =	vld [tilespmem:$0x20];
	_ =	sdelay $0x4  }
0x416: {  	v24 =	vshrl.u32 v3, $0x3  }
0x417: {  	v4 =	vmul.u32 $0x18, v24  }
0x418: {  	v3 =	vand.u32 $0x7, v3  }
0x419: {  	v3 =	vor.u32 v3, v4  }
0x41a: {  	v4 =	vperm.xlane v3, v0;
	_ =	sdelay $0x1  }
0x41b: {  	v4 =	vadd.s32 v1, v4;
	_ =	sdelay $0x1  }
0x41c: {  	v3 =	vperm.xlane v3, v2;
	_ =	sdelay $0x1  }
0x41d: {  	v3 =	vadd.s32 v1, v3  }
0x41e: {  	[tilespmem:s17], [sflag:$0x1] =	stream.indirect_vreg.gather [hbm4b:s2+s3], $0x80, v4, vm0, $0xb8;
	[tilespmem:$0x9080] =	vst v63  }
0x41f: {  	_ = 	snop  }
0x420: {  	[tilespmem:s18], [sflag:$0x1] =	stream.indirect_vreg.gather [hbm4b:s6+s3], $0x80, v4, vm1, $0xb8;
	[tilespmem:$0x9080] =	vst v63  }
0x421: {  	_ = 	snop  }
0x422: {  	[tilespmem:s19], [sflag:$0x1] =	stream.indirect_vreg.gather [hbm4b:s2+s3], $0x80, v3, vm0, $0xb8;
	[tilespmem:$0x9080] =	vst v63  }
0x423: {  	_ = 	snop  }
0x424: {  	[tilespmem:s20], [sflag:$0x1] =	stream.indirect_vreg.gather [hbm4b:s6+s3], $0x80, v3, vm1, $0xb8;
	[tilespmem:$0x9080] =	vst v63  }
0x425: {  	v3 =	vld [tilespmem:$0x30];
	_ =	sdelay $0x4  }
0x426: {  	v25 =	vshrl.u32 v3, $0x3  }
0x427: {  	v4 =	vmul.u32 $0x18, v25  }
0x428: {  	v3 =	vand.u32 $0x7, v3  }
0x429: {  	v3 =	vor.u32 v3, v4  }
0x42a: {  	v4 =	vperm.xlane v3, v0;
	_ =	sdelay $0x1  }
0x42b: {  	v4 =	vadd.s32 v1, v4;
	_ =	sdelay $0x1  }
0x42c: {  	v3 =	vperm.xlane v3, v2;
	_ =	sdelay $0x1  }
0x42d: {  	v3 =	vadd.s32 v1, v3  }
0x42e: {  	[tilespmem:s21], [sflag:$0x1] =	stream.indirect_vreg.gather [hbm4b:s2+s3], $0x80, v4, vm0, $0xb8;
	[tilespmem:$0x9080] =	vst v63  }
0x42f: {  	_ = 	snop  }
0x430: {  	[tilespmem:s22], [sflag:$0x1] =	stream.indirect_vreg.gather [hbm4b:s6+s3], $0x80, v4, vm1, $0xb8;
	[tilespmem:$0x9080] =	vst v63  }
0x431: {  	_ = 	snop  }
0x432: {  	[tilespmem:s23], [sflag:$0x1] =	stream.indirect_vreg.gather [hbm4b:s2+s3], $0x80, v3, vm0, $0xb8;
	[tilespmem:$0x9080] =	vst v63  }
0x433: {  	_ = 	snop  }
0x434: {  	[tilespmem:s24], [sflag:$0x1] =	stream.indirect_vreg.gather [hbm4b:s6+s3], $0x80, v3, vm1, $0xb8;
	[tilespmem:$0x9080] =	vst v63  }
0x435: {  	v3 =	vld [tilespmem:$0x40];
	_ =	sdelay $0x4  }
0x436: {  	v26 =	vshrl.u32 v3, $0x3  }
0x437: {  	v4 =	vmul.u32 $0x18, v26  }
0x438: {  	v3 =	vand.u32 $0x7, v3  }
0x439: {  	v3 =	vor.u32 v3, v4  }
0x43a: {  	v4 =	vperm.xlane v3, v0;
	_ =	sdelay $0x1  }
0x43b: {  	v4 =	vadd.s32 v1, v4;
	_ =	sdelay $0x1  }
0x43c: {  	v3 =	vperm.xlane v3, v2;
	_ =	sdelay $0x1  }
0x43d: {  	v3 =	vadd.s32 v1, v3  }
0x43e: {  	[tilespmem:s25], [sflag:$0x1] =	stream.indirect_vreg.gather [hbm4b:s2+s3], $0x80, v4, vm0, $0xb8;
	[tilespmem:$0x9080] =	vst v63  }
0x43f: {  	_ = 	snop  }
0x440: {  	[tilespmem:s26], [sflag:$0x1] =	stream.indirect_vreg.gather [hbm4b:s6+s3], $0x80, v4, vm1, $0xb8;
	[tilespmem:$0x9080] =	vst v63  }
0x441: {  	_ = 	snop  }
0x442: {  	[tilespmem:s28], [sflag:$0x1] =	stream.indirect_vreg.gather [hbm4b:s2+s3], $0x80, v3, vm0, $0xb8;
	[tilespmem:$0x9080] =	vst v63  }
0x443: {  	_ = 	snop  }
0x444: {  	[tilespmem:s29], [sflag:$0x1] =	stream.indirect_vreg.gather [hbm4b:s6+s3], $0x80, v3, vm1, $0xb8;
	[tilespmem:$0x9080] =	vst v63  }
0x445: {  	v3 =	vld [tilespmem:$0x50];
	_ =	sdelay $0x4  }
0x446: {  	v27 =	vshrl.u32 v3, $0x3  }
0x447: {  	v4 =	vmul.u32 $0x18, v27  }
0x448: {  	v3 =	vand.u32 $0x7, v3  }
0x449: {  	v3 =	vor.u32 v3, v4  }
0x44a: {  	v4 =	vperm.xlane v3, v0;
	_ =	sdelay $0x1  }
0x44b: {  	v4 =	vadd.s32 v1, v4;
	_ =	sdelay $0x1  }
0x44c: {  	v3 =	vperm.xlane v3, v2;
	_ =	sdelay $0x1  }
0x44d: {  	v3 =	vadd.s32 v1, v3  }
0x44e: {  	[tilespmem:s30], [sflag:$0x1] =	stream.indirect_vreg.gather [hbm4b:s2+s3], $0x80, v4, vm0, $0xb8;
	[tilespmem:$0x9080] =	vst v63  }
0x44f: {  	_ = 	snop  }
0x450: {  	[tilespmem:s31], [sflag:$0x1] =	stream.indirect_vreg.gather [hbm4b:s6+s3], $0x80, v4, vm1, $0xb8;
	[tilespmem:$0x9080] =	vst v63  }
0x451: {  	_ = 	snop  }
0x452: {  	[tilespmem:s1], [sflag:$0x1] =	stream.indirect_vreg.gather [hbm4b:s2+s3], $0x80, v3, vm0, $0xb8;
	[tilespmem:$0x9080] =	vst v63  }
0x453: {  	_ = 	snop  }
0x454: {  	[tilespmem:s0], [sflag:$0x1] =	stream.indirect_vreg.gather [hbm4b:s6+s3], $0x80, v3, vm1, $0xb8;
	[tilespmem:$0x9080] =	vst v63  }
0x455: {  	_ =	swait.ge [sflag:s4], $0x9000  }
0x456: {  	[sflag:s4] =	ssyncset.done $0x0  }
0x457: {  	s5 =	rddreg [dreg:$0x14];
	[sflag:s4] =	ssyncadd.s32 $0xFFFF7000  }
0x458: {  	[hbm4b:s5+s3] =	stream.linear.scatter [tilespmem:s9], [sflag:$0x2], $0x9000, $0x38;
	[tilespmem:$0x9080] =	vst v63  }
0x459: {  	_ =	swait.ge [sflag:s8], $0x9000  }
0x45a: {  	[sflag:s8] =	ssyncset.done $0x0  }
0x45b: {  	s5 =	rddreg [dreg:$0x15];
	[sflag:s8] =	ssyncadd.s32 $0xFFFF7000  }
0x45c: {  	[tilespmem:s3], [sflag:$0x2] =	stream.linear.gather [hbm4b:s5+s3], $0x60, $0x38;
	[tilespmem:$0x9080] =	vst v63  }
0x45d: {  	_ =	swait.ge [sflag:s8], $0x60  }
0x45e: {  	[sflag:s8] =	ssyncset.done $0x0  }
0x45f: {  	[sflag:s8] =	ssyncadd.s32 $0xFFFFFFA0  }
0x460: {  	v3 =	vld [tilespmem:$0x0];
	_ =	sdelay $0x4  }
0x461: {  	v28 =	vshrl.u32 v3, $0x3  }
0x462: {  	v4 =	vmul.u32 $0x18, v28  }
0x463: {  	v3 =	vand.u32 $0x7, v3  }
0x464: {  	v3 =	vor.u32 v3, v4  }
0x465: {  	v4 =	vperm.xlane v3, v0;
	_ =	sdelay $0x1  }
0x466: {  	v4 =	vadd.s32 v1, v4;
	_ =	sdelay $0x1  }
0x467: {  	v3 =	vperm.xlane v3, v2;
	_ =	sdelay $0x1  }
0x468: {  	v3 =	vadd.s32 v1, v3  }
0x469: {  	[tilespmem:s9], [sflag:$0x1] =	stream.indirect_vreg.gather [hbm4b:s2+s3], $0x80, v4, vm0, $0xb8;
	[tilespmem:$0x9080] =	vst v63  }
0x46a: {  	_ = 	snop  }
0x46b: {  	[tilespmem:s10], [sflag:$0x1] =	stream.indirect_vreg.gather [hbm4b:s6+s3], $0x80, v4, vm1, $0xb8;
	[tilespmem:$0x9080] =	vst v63  }
0x46c: {  	_ = 	snop  }
0x46d: {  	[tilespmem:s11], [sflag:$0x1] =	stream.indirect_vreg.gather [hbm4b:s2+s3], $0x80, v3, vm0, $0xb8;
	[tilespmem:$0x9080] =	vst v63  }
0x46e: {  	_ = 	snop  }
0x46f: {  	[tilespmem:s12], [sflag:$0x1] =	stream.indirect_vreg.gather [hbm4b:s6+s3], $0x80, v3, vm1, $0xb8;
	[tilespmem:$0x9080] =	vst v63  }
0x470: {  	v3 =	vld [tilespmem:$0x10];
	_ =	sdelay $0x4  }
0x471: {  	v29 =	vshrl.u32 v3, $0x3  }
0x472: {  	v4 =	vmul.u32 $0x18, v29  }
0x473: {  	v3 =	vand.u32 $0x7, v3  }
0x474: {  	v3 =	vor.u32 v3, v4  }
0x475: {  	v4 =	vperm.xlane v3, v0;
	_ =	sdelay $0x1  }
0x476: {  	v4 =	vadd.s32 v1, v4;
	_ =	sdelay $0x1  }
0x477: {  	v3 =	vperm.xlane v3, v2;
	_ =	sdelay $0x1  }
0x478: {  	v3 =	vadd.s32 v1, v3  }
0x479: {  	[tilespmem:s13], [sflag:$0x1] =	stream.indirect_vreg.gather [hbm4b:s2+s3], $0x80, v4, vm0, $0xb8;
	[tilespmem:$0x9080] =	vst v63  }
0x47a: {  	_ = 	snop  }
0x47b: {  	[tilespmem:s14], [sflag:$0x1] =	stream.indirect_vreg.gather [hbm4b:s6+s3], $0x80, v4, vm1, $0xb8;
	[tilespmem:$0x9080] =	vst v63  }
0x47c: {  	_ = 	snop  }
0x47d: {  	[tilespmem:s15], [sflag:$0x1] =	stream.indirect_vreg.gather [hbm4b:s2+s3], $0x80, v3, vm0, $0xb8;
	[tilespmem:$0x9080] =	vst v63  }
0x47e: {  	_ = 	snop  }
0x47f: {  	[tilespmem:s16], [sflag:$0x1] =	stream.indirect_vreg.gather [hbm4b:s6+s3], $0x80, v3, vm1, $0xb8;
	[tilespmem:$0x9080] =	vst v63  }
0x480: {  	v3 =	vld [tilespmem:$0x20];
	_ =	sdelay $0x4  }
0x481: {  	v30 =	vshrl.u32 v3, $0x3  }
0x482: {  	v4 =	vmul.u32 $0x18, v30  }
0x483: {  	v3 =	vand.u32 $0x7, v3  }
0x484: {  	v3 =	vor.u32 v3, v4  }
0x485: {  	v4 =	vperm.xlane v3, v0;
	_ =	sdelay $0x1  }
0x486: {  	v4 =	vadd.s32 v1, v4;
	_ =	sdelay $0x1  }
0x487: {  	v3 =	vperm.xlane v3, v2;
	_ =	sdelay $0x1  }
0x488: {  	v3 =	vadd.s32 v1, v3  }
0x489: {  	[tilespmem:s17], [sflag:$0x1] =	stream.indirect_vreg.gather [hbm4b:s2+s3], $0x80, v4, vm0, $0xb8;
	[tilespmem:$0x9080] =	vst v63  }
0x48a: {  	_ = 	snop  }
0x48b: {  	[tilespmem:s18], [sflag:$0x1] =	stream.indirect_vreg.gather [hbm4b:s6+s3], $0x80, v4, vm1, $0xb8;
	[tilespmem:$0x9080] =	vst v63  }
0x48c: {  	_ = 	snop  }
0x48d: {  	[tilespmem:s19], [sflag:$0x1] =	stream.indirect_vreg.gather [hbm4b:s2+s3], $0x80, v3, vm0, $0xb8;
	[tilespmem:$0x9080] =	vst v63  }
0x48e: {  	_ = 	snop  }
0x48f: {  	[tilespmem:s20], [sflag:$0x1] =	stream.indirect_vreg.gather [hbm4b:s6+s3], $0x80, v3, vm1, $0xb8;
	[tilespmem:$0x9080] =	vst v63  }
0x490: {  	v3 =	vld [tilespmem:$0x30];
	_ =	sdelay $0x4  }
0x491: {  	v31 =	vshrl.u32 v3, $0x3  }
0x492: {  	v4 =	vmul.u32 $0x18, v31  }
0x493: {  	v3 =	vand.u32 $0x7, v3  }
0x494: {  	v3 =	vor.u32 v3, v4  }
0x495: {  	v4 =	vperm.xlane v3, v0;
	_ =	sdelay $0x1  }
0x496: {  	v4 =	vadd.s32 v1, v4;
	_ =	sdelay $0x1  }
0x497: {  	v3 =	vperm.xlane v3, v2;
	_ =	sdelay $0x1  }
0x498: {  	v3 =	vadd.s32 v1, v3  }
0x499: {  	[tilespmem:s21], [sflag:$0x1] =	stream.indirect_vreg.gather [hbm4b:s2+s3], $0x80, v4, vm0, $0xb8;
	[tilespmem:$0x9080] =	vst v63  }
0x49a: {  	_ = 	snop  }
0x49b: {  	[tilespmem:s22], [sflag:$0x1] =	stream.indirect_vreg.gather [hbm4b:s6+s3], $0x80, v4, vm1, $0xb8;
	[tilespmem:$0x9080] =	vst v63  }
0x49c: {  	_ = 	snop  }
0x49d: {  	[tilespmem:s23], [sflag:$0x1] =	stream.indirect_vreg.gather [hbm4b:s2+s3], $0x80, v3, vm0, $0xb8;
	[tilespmem:$0x9080] =	vst v63  }
0x49e: {  	_ = 	snop  }
0x49f: {  	[tilespmem:s24], [sflag:$0x1] =	stream.indirect_vreg.gather [hbm4b:s6+s3], $0x80, v3, vm1, $0xb8;
	[tilespmem:$0x9080] =	vst v63  }
0x4a0: {  	v3 =	vld [tilespmem:$0x40];
	_ =	sdelay $0x4  }
0x4a1: {  	v32 =	vshrl.u32 v3, $0x3  }
0x4a2: {  	v4 =	vmul.u32 $0x18, v32  }
0x4a3: {  	v3 =	vand.u32 $0x7, v3  }
0x4a4: {  	v3 =	vor.u32 v3, v4  }
0x4a5: {  	v4 =	vperm.xlane v3, v0;
	_ =	sdelay $0x1  }
0x4a6: {  	v4 =	vadd.s32 v1, v4;
	_ =	sdelay $0x1  }
0x4a7: {  	v3 =	vperm.xlane v3, v2;
	_ =	sdelay $0x1  }
0x4a8: {  	v3 =	vadd.s32 v1, v3  }
0x4a9: {  	[tilespmem:s25], [sflag:$0x1] =	stream.indirect_vreg.gather [hbm4b:s2+s3], $0x80, v4, vm0, $0xb8;
	[tilespmem:$0x9080] =	vst v63  }
0x4aa: {  	_ = 	snop  }
0x4ab: {  	[tilespmem:s26], [sflag:$0x1] =	stream.indirect_vreg.gather [hbm4b:s6+s3], $0x80, v4, vm1, $0xb8;
	[tilespmem:$0x9080] =	vst v63  }
0x4ac: {  	_ = 	snop  }
0x4ad: {  	[tilespmem:s28], [sflag:$0x1] =	stream.indirect_vreg.gather [hbm4b:s2+s3], $0x80, v3, vm0, $0xb8;
	[tilespmem:$0x9080] =	vst v63  }
0x4ae: {  	_ = 	snop  }
0x4af: {  	[tilespmem:s29], [sflag:$0x1] =	stream.indirect_vreg.gather [hbm4b:s6+s3], $0x80, v3, vm1, $0xb8;
	[tilespmem:$0x9080] =	vst v63  }
0x4b0: {  	v3 =	vld [tilespmem:$0x50];
	_ =	sdelay $0x4  }
0x4b1: {  	v33 =	vshrl.u32 v3, $0x3  }
0x4b2: {  	v4 =	vmul.u32 $0x18, v33  }
0x4b3: {  	v3 =	vand.u32 $0x7, v3  }
0x4b4: {  	v3 =	vor.u32 v3, v4  }
0x4b5: {  	v4 =	vperm.xlane v3, v0;
	_ =	sdelay $0x1  }
0x4b6: {  	v4 =	vadd.s32 v1, v4;
	_ =	sdelay $0x1  }
0x4b7: {  	v3 =	vperm.xlane v3, v2;
	_ =	sdelay $0x1  }
0x4b8: {  	v3 =	vadd.s32 v1, v3  }
0x4b9: {  	[tilespmem:s30], [sflag:$0x1] =	stream.indirect_vreg.gather [hbm4b:s2+s3], $0x80, v4, vm0, $0xb8;
	[tilespmem:$0x9080] =	vst v63  }
0x4ba: {  	_ = 	snop  }
0x4bb: {  	[tilespmem:s31], [sflag:$0x1] =	stream.indirect_vreg.gather [hbm4b:s6+s3], $0x80, v4, vm1, $0xb8;
	[tilespmem:$0x9080] =	vst v63  }
0x4bc: {  	_ = 	snop  }
0x4bd: {  	[tilespmem:s1], [sflag:$0x1] =	stream.indirect_vreg.gather [hbm4b:s2+s3], $0x80, v3, vm0, $0xb8;
	[tilespmem:$0x9080] =	vst v63  }
0x4be: {  	_ = 	snop  }
0x4bf: {  	[tilespmem:s0], [sflag:$0x1] =	stream.indirect_vreg.gather [hbm4b:s6+s3], $0x80, v3, vm1, $0xb8;
	[tilespmem:$0x9080] =	vst v63  }
0x4c0: {  	_ =	swait.ge [sflag:s4], $0x9000  }
0x4c1: {  	[sflag:s4] =	ssyncset.done $0x0  }
0x4c2: {  	s5 =	rddreg [dreg:$0x16];
	[sflag:s4] =	ssyncadd.s32 $0xFFFF7000  }
0x4c3: {  	[hbm4b:s5+s3] =	stream.linear.scatter [tilespmem:s9], [sflag:$0x2], $0x9000, $0x38;
	[tilespmem:$0x9080] =	vst v63  }
0x4c4: {  	_ =	swait.ge [sflag:s8], $0x9000  }
0x4c5: {  	[sflag:s8] =	ssyncset.done $0x0  }
0x4c6: {  	s5 =	rddreg [dreg:$0x17];
	[sflag:s8] =	ssyncadd.s32 $0xFFFF7000  }
0x4c7: {  	[tilespmem:s3], [sflag:$0x2] =	stream.linear.gather [hbm4b:s5+s3], $0x60, $0x38;
	[tilespmem:$0x9080] =	vst v63  }
0x4c8: {  	_ =	swait.ge [sflag:s8], $0x60  }
0x4c9: {  	[sflag:s8] =	ssyncset.done $0x0  }
0x4ca: {  	[sflag:s8] =	ssyncadd.s32 $0xFFFFFFA0  }
0x4cb: {  	v3 =	vld [tilespmem:$0x0];
	_ =	sdelay $0x4  }
0x4cc: {  	v34 =	vshrl.u32 v3, $0x3  }
0x4cd: {  	v4 =	vmul.u32 $0x18, v34  }
0x4ce: {  	v3 =	vand.u32 $0x7, v3  }
0x4cf: {  	v3 =	vor.u32 v3, v4  }
0x4d0: {  	v4 =	vperm.xlane v3, v0;
	_ =	sdelay $0x1  }
0x4d1: {  	v4 =	vadd.s32 v1, v4;
	_ =	sdelay $0x1  }
0x4d2: {  	v3 =	vperm.xlane v3, v2;
	_ =	sdelay $0x1  }
0x4d3: {  	v3 =	vadd.s32 v1, v3  }
0x4d4: {  	[tilespmem:s9], [sflag:$0x1] =	stream.indirect_vreg.gather [hbm4b:s2+s3], $0x80, v4, vm0, $0xb8;
	[tilespmem:$0x9080] =	vst v63  }
0x4d5: {  	_ = 	snop  }
0x4d6: {  	[tilespmem:s10], [sflag:$0x1] =	stream.indirect_vreg.gather [hbm4b:s6+s3], $0x80, v4, vm1, $0xb8;
	[tilespmem:$0x9080] =	vst v63  }
0x4d7: {  	_ = 	snop  }
0x4d8: {  	[tilespmem:s11], [sflag:$0x1] =	stream.indirect_vreg.gather [hbm4b:s2+s3], $0x80, v3, vm0, $0xb8;
	[tilespmem:$0x9080] =	vst v63  }
0x4d9: {  	_ = 	snop  }
0x4da: {  	[tilespmem:s12], [sflag:$0x1] =	stream.indirect_vreg.gather [hbm4b:s6+s3], $0x80, v3, vm1, $0xb8;
	[tilespmem:$0x9080] =	vst v63  }
0x4db: {  	v3 =	vld [tilespmem:$0x10];
	_ =	sdelay $0x4  }
0x4dc: {  	v35 =	vshrl.u32 v3, $0x3  }
0x4dd: {  	v4 =	vmul.u32 $0x18, v35  }
0x4de: {  	v3 =	vand.u32 $0x7, v3  }
0x4df: {  	v3 =	vor.u32 v3, v4  }
0x4e0: {  	v4 =	vperm.xlane v3, v0;
	_ =	sdelay $0x1  }
0x4e1: {  	v4 =	vadd.s32 v1, v4;
	_ =	sdelay $0x1  }
0x4e2: {  	v3 =	vperm.xlane v3, v2;
	_ =	sdelay $0x1  }
0x4e3: {  	v3 =	vadd.s32 v1, v3  }
0x4e4: {  	[tilespmem:s13], [sflag:$0x1] =	stream.indirect_vreg.gather [hbm4b:s2+s3], $0x80, v4, vm0, $0xb8;
	[tilespmem:$0x9080] =	vst v63  }
0x4e5: {  	_ = 	snop  }
0x4e6: {  	[tilespmem:s14], [sflag:$0x1] =	stream.indirect_vreg.gather [hbm4b:s6+s3], $0x80, v4, vm1, $0xb8;
	[tilespmem:$0x9080] =	vst v63  }
0x4e7: {  	_ = 	snop  }
0x4e8: {  	[tilespmem:s15], [sflag:$0x1] =	stream.indirect_vreg.gather [hbm4b:s2+s3], $0x80, v3, vm0, $0xb8;
	[tilespmem:$0x9080] =	vst v63  }
0x4e9: {  	_ = 	snop  }
0x4ea: {  	[tilespmem:s16], [sflag:$0x1] =	stream.indirect_vreg.gather [hbm4b:s6+s3], $0x80, v3, vm1, $0xb8;
	[tilespmem:$0x9080] =	vst v63  }
0x4eb: {  	v3 =	vld [tilespmem:$0x20];
	_ =	sdelay $0x4  }
0x4ec: {  	v36 =	vshrl.u32 v3, $0x3  }
0x4ed: {  	v4 =	vmul.u32 $0x18, v36  }
0x4ee: {  	v3 =	vand.u32 $0x7, v3  }
0x4ef: {  	v3 =	vor.u32 v3, v4  }
0x4f0: {  	v4 =	vperm.xlane v3, v0;
	_ =	sdelay $0x1  }
0x4f1: {  	v4 =	vadd.s32 v1, v4;
	_ =	sdelay $0x1  }
0x4f2: {  	v3 =	vperm.xlane v3, v2;
	_ =	sdelay $0x1  }
0x4f3: {  	v3 =	vadd.s32 v1, v3  }
0x4f4: {  	[tilespmem:s17], [sflag:$0x1] =	stream.indirect_vreg.gather [hbm4b:s2+s3], $0x80, v4, vm0, $0xb8;
	[tilespmem:$0x9080] =	vst v63  }
0x4f5: {  	_ = 	snop  }
0x4f6: {  	[tilespmem:s18], [sflag:$0x1] =	stream.indirect_vreg.gather [hbm4b:s6+s3], $0x80, v4, vm1, $0xb8;
	[tilespmem:$0x9080] =	vst v63  }
0x4f7: {  	_ = 	snop  }
0x4f8: {  	[tilespmem:s19], [sflag:$0x1] =	stream.indirect_vreg.gather [hbm4b:s2+s3], $0x80, v3, vm0, $0xb8;
	[tilespmem:$0x9080] =	vst v63  }
0x4f9: {  	_ = 	snop  }
0x4fa: {  	[tilespmem:s20], [sflag:$0x1] =	stream.indirect_vreg.gather [hbm4b:s6+s3], $0x80, v3, vm1, $0xb8;
	[tilespmem:$0x9080] =	vst v63  }
0x4fb: {  	v3 =	vld [tilespmem:$0x30];
	_ =	sdelay $0x4  }
0x4fc: {  	v37 =	vshrl.u32 v3, $0x3  }
0x4fd: {  	v4 =	vmul.u32 $0x18, v37  }
0x4fe: {  	v3 =	vand.u32 $0x7, v3  }
0x4ff: {  	v3 =	vor.u32 v3, v4  }
0x500: {  	v4 =	vperm.xlane v3, v0;
	_ =	sdelay $0x1  }
0x501: {  	v4 =	vadd.s32 v1, v4;
	_ =	sdelay $0x1  }
0x502: {  	v3 =	vperm.xlane v3, v2;
	_ =	sdelay $0x1  }
0x503: {  	v3 =	vadd.s32 v1, v3  }
0x504: {  	[tilespmem:s21], [sflag:$0x1] =	stream.indirect_vreg.gather [hbm4b:s2+s3], $0x80, v4, vm0, $0xb8;
	[tilespmem:$0x9080] =	vst v63  }
0x505: {  	_ = 	snop  }
0x506: {  	[tilespmem:s22], [sflag:$0x1] =	stream.indirect_vreg.gather [hbm4b:s6+s3], $0x80, v4, vm1, $0xb8;
	[tilespmem:$0x9080] =	vst v63  }
0x507: {  	_ = 	snop  }
0x508: {  	[tilespmem:s23], [sflag:$0x1] =	stream.indirect_vreg.gather [hbm4b:s2+s3], $0x80, v3, vm0, $0xb8;
	[tilespmem:$0x9080] =	vst v63  }
0x509: {  	_ = 	snop  }
0x50a: {  	[tilespmem:s24], [sflag:$0x1] =	stream.indirect_vreg.gather [hbm4b:s6+s3], $0x80, v3, vm1, $0xb8;
	[tilespmem:$0x9080] =	vst v63  }
0x50b: {  	v3 =	vld [tilespmem:$0x40];
	_ =	sdelay $0x4  }
0x50c: {  	v38 =	vshrl.u32 v3, $0x3  }
0x50d: {  	v4 =	vmul.u32 $0x18, v38  }
0x50e: {  	v3 =	vand.u32 $0x7, v3  }
0x50f: {  	v3 =	vor.u32 v3, v4  }
0x510: {  	v4 =	vperm.xlane v3, v0;
	_ =	sdelay $0x1  }
0x511: {  	v4 =	vadd.s32 v1, v4;
	_ =	sdelay $0x1  }
0x512: {  	v3 =	vperm.xlane v3, v2;
	_ =	sdelay $0x1  }
0x513: {  	v3 =	vadd.s32 v1, v3  }
0x514: {  	[tilespmem:s25], [sflag:$0x1] =	stream.indirect_vreg.gather [hbm4b:s2+s3], $0x80, v4, vm0, $0xb8;
	[tilespmem:$0x9080] =	vst v63  }
0x515: {  	_ = 	snop  }
0x516: {  	[tilespmem:s26], [sflag:$0x1] =	stream.indirect_vreg.gather [hbm4b:s6+s3], $0x80, v4, vm1, $0xb8;
	[tilespmem:$0x9080] =	vst v63  }
0x517: {  	_ = 	snop  }
0x518: {  	[tilespmem:s28], [sflag:$0x1] =	stream.indirect_vreg.gather [hbm4b:s2+s3], $0x80, v3, vm0, $0xb8;
	[tilespmem:$0x9080] =	vst v63  }
0x519: {  	_ = 	snop  }
0x51a: {  	[tilespmem:s29], [sflag:$0x1] =	stream.indirect_vreg.gather [hbm4b:s6+s3], $0x80, v3, vm1, $0xb8;
	[tilespmem:$0x9080] =	vst v63  }
0x51b: {  	v3 =	vld [tilespmem:$0x50];
	_ =	sdelay $0x4  }
0x51c: {  	v39 =	vshrl.u32 v3, $0x3  }
0x51d: {  	v4 =	vmul.u32 $0x18, v39  }
0x51e: {  	v3 =	vand.u32 $0x7, v3  }
0x51f: {  	v3 =	vor.u32 v3, v4  }
0x520: {  	v4 =	vperm.xlane v3, v0;
	_ =	sdelay $0x1  }
0x521: {  	v4 =	vadd.s32 v1, v4;
	_ =	sdelay $0x1  }
0x522: {  	v3 =	vperm.xlane v3, v2;
	_ =	sdelay $0x1  }
0x523: {  	v3 =	vadd.s32 v1, v3  }
0x524: {  	[tilespmem:s30], [sflag:$0x1] =	stream.indirect_vreg.gather [hbm4b:s2+s3], $0x80, v4, vm0, $0xb8;
	[tilespmem:$0x9080] =	vst v63  }
0x525: {  	_ = 	snop  }
0x526: {  	[tilespmem:s31], [sflag:$0x1] =	stream.indirect_vreg.gather [hbm4b:s6+s3], $0x80, v4, vm1, $0xb8;
	[tilespmem:$0x9080] =	vst v63  }
0x527: {  	_ = 	snop  }
0x528: {  	[tilespmem:s1], [sflag:$0x1] =	stream.indirect_vreg.gather [hbm4b:s2+s3], $0x80, v3, vm0, $0xb8;
	[tilespmem:$0x9080] =	vst v63  }
0x529: {  	_ = 	snop  }
0x52a: {  	[tilespmem:s0], [sflag:$0x1] =	stream.indirect_vreg.gather [hbm4b:s6+s3], $0x80, v3, vm1, $0xb8;
	[tilespmem:$0x9080] =	vst v63  }
0x52b: {  	_ =	swait.ge [sflag:s4], $0x9000  }
0x52c: {  	[sflag:s4] =	ssyncset.done $0x0  }
0x52d: {  	s5 =	rddreg [dreg:$0x18];
	[sflag:s4] =	ssyncadd.s32 $0xFFFF7000  }
0x52e: {  	[hbm4b:s5+s3] =	stream.linear.scatter [tilespmem:s9], [sflag:$0x2], $0x9000, $0x38;
	[tilespmem:$0x9080] =	vst v63  }
0x52f: {  	_ =	swait.ge [sflag:s8], $0x9000  }
0x530: {  	[sflag:s8] =	ssyncset.done $0x0  }
0x531: {  	s5 =	rddreg [dreg:$0x19];
	[sflag:s8] =	ssyncadd.s32 $0xFFFF7000  }
0x532: {  	[tilespmem:s3], [sflag:$0x2] =	stream.linear.gather [hbm4b:s5+s3], $0x60, $0x38;
	[tilespmem:$0x9080] =	vst v63  }
0x533: {  	_ =	swait.ge [sflag:s8], $0x60  }
0x534: {  	[sflag:s8] =	ssyncset.done $0x0  }
0x535: {  	[sflag:s8] =	ssyncadd.s32 $0xFFFFFFA0  }
0x536: {  	v3 =	vld [tilespmem:$0x0];
	_ =	sdelay $0x4  }
0x537: {  	v40 =	vshrl.u32 v3, $0x3  }
0x538: {  	v4 =	vmul.u32 $0x18, v40  }
0x539: {  	v3 =	vand.u32 $0x7, v3  }
0x53a: {  	v3 =	vor.u32 v3, v4  }
0x53b: {  	v4 =	vperm.xlane v3, v0;
	_ =	sdelay $0x1  }
0x53c: {  	v4 =	vadd.s32 v1, v4;
	_ =	sdelay $0x1  }
0x53d: {  	v3 =	vperm.xlane v3, v2;
	_ =	sdelay $0x1  }
0x53e: {  	v3 =	vadd.s32 v1, v3  }
0x53f: {  	[tilespmem:s9], [sflag:$0x1] =	stream.indirect_vreg.gather [hbm4b:s2+s3], $0x80, v4, vm0, $0xb8;
	[tilespmem:$0x9080] =	vst v63  }
0x540: {  	_ = 	snop  }
0x541: {  	[tilespmem:s10], [sflag:$0x1] =	stream.indirect_vreg.gather [hbm4b:s6+s3], $0x80, v4, vm1, $0xb8;
	[tilespmem:$0x9080] =	vst v63  }
0x542: {  	_ = 	snop  }
0x543: {  	[tilespmem:s11], [sflag:$0x1] =	stream.indirect_vreg.gather [hbm4b:s2+s3], $0x80, v3, vm0, $0xb8;
	[tilespmem:$0x9080] =	vst v63  }
0x544: {  	_ = 	snop  }
0x545: {  	[tilespmem:s12], [sflag:$0x1] =	stream.indirect_vreg.gather [hbm4b:s6+s3], $0x80, v3, vm1, $0xb8;
	[tilespmem:$0x9080] =	vst v63  }
0x546: {  	v3 =	vld [tilespmem:$0x10];
	_ =	sdelay $0x4  }
0x547: {  	v41 =	vshrl.u32 v3, $0x3  }
0x548: {  	v4 =	vmul.u32 $0x18, v41  }
0x549: {  	v3 =	vand.u32 $0x7, v3  }
0x54a: {  	v3 =	vor.u32 v3, v4  }
0x54b: {  	v4 =	vperm.xlane v3, v0;
	_ =	sdelay $0x1  }
0x54c: {  	v4 =	vadd.s32 v1, v4;
	_ =	sdelay $0x1  }
0x54d: {  	v3 =	vperm.xlane v3, v2;
	_ =	sdelay $0x1  }
0x54e: {  	v3 =	vadd.s32 v1, v3  }
0x54f: {  	[tilespmem:s13], [sflag:$0x1] =	stream.indirect_vreg.gather [hbm4b:s2+s3], $0x80, v4, vm0, $0xb8;
	[tilespmem:$0x9080] =	vst v63  }
0x550: {  	_ = 	snop  }
0x551: {  	[tilespmem:s14], [sflag:$0x1] =	stream.indirect_vreg.gather [hbm4b:s6+s3], $0x80, v4, vm1, $0xb8;
	[tilespmem:$0x9080] =	vst v63  }
0x552: {  	_ = 	snop  }
0x553: {  	[tilespmem:s15], [sflag:$0x1] =	stream.indirect_vreg.gather [hbm4b:s2+s3], $0x80, v3, vm0, $0xb8;
	[tilespmem:$0x9080] =	vst v63  }
0x554: {  	_ = 	snop  }
0x555: {  	[tilespmem:s16], [sflag:$0x1] =	stream.indirect_vreg.gather [hbm4b:s6+s3], $0x80, v3, vm1, $0xb8;
	[tilespmem:$0x9080] =	vst v63  }
0x556: {  	v3 =	vld [tilespmem:$0x20];
	_ =	sdelay $0x4  }
0x557: {  	v42 =	vshrl.u32 v3, $0x3  }
0x558: {  	v4 =	vmul.u32 $0x18, v42  }
0x559: {  	v3 =	vand.u32 $0x7, v3  }
0x55a: {  	v3 =	vor.u32 v3, v4  }
0x55b: {  	v4 =	vperm.xlane v3, v0;
	_ =	sdelay $0x1  }
0x55c: {  	v4 =	vadd.s32 v1, v4;
	_ =	sdelay $0x1  }
0x55d: {  	v3 =	vperm.xlane v3, v2;
	_ =	sdelay $0x1  }
0x55e: {  	v3 =	vadd.s32 v1, v3  }
0x55f: {  	[tilespmem:s17], [sflag:$0x1] =	stream.indirect_vreg.gather [hbm4b:s2+s3], $0x80, v4, vm0, $0xb8;
	[tilespmem:$0x9080] =	vst v63  }
0x560: {  	_ = 	snop  }
0x561: {  	[tilespmem:s18], [sflag:$0x1] =	stream.indirect_vreg.gather [hbm4b:s6+s3], $0x80, v4, vm1, $0xb8;
	[tilespmem:$0x9080] =	vst v63  }
0x562: {  	_ = 	snop  }
0x563: {  	[tilespmem:s19], [sflag:$0x1] =	stream.indirect_vreg.gather [hbm4b:s2+s3], $0x80, v3, vm0, $0xb8;
	[tilespmem:$0x9080] =	vst v63  }
0x564: {  	_ = 	snop  }
0x565: {  	[tilespmem:s20], [sflag:$0x1] =	stream.indirect_vreg.gather [hbm4b:s6+s3], $0x80, v3, vm1, $0xb8;
	[tilespmem:$0x9080] =	vst v63  }
0x566: {  	v3 =	vld [tilespmem:$0x30];
	_ =	sdelay $0x4  }
0x567: {  	v43 =	vshrl.u32 v3, $0x3  }
0x568: {  	v4 =	vmul.u32 $0x18, v43  }
0x569: {  	v3 =	vand.u32 $0x7, v3  }
0x56a: {  	v3 =	vor.u32 v3, v4  }
0x56b: {  	v4 =	vperm.xlane v3, v0;
	_ =	sdelay $0x1  }
0x56c: {  	v4 =	vadd.s32 v1, v4;
	_ =	sdelay $0x1  }
0x56d: {  	v3 =	vperm.xlane v3, v2;
	_ =	sdelay $0x1  }
0x56e: {  	v3 =	vadd.s32 v1, v3  }
0x56f: {  	[tilespmem:s21], [sflag:$0x1] =	stream.indirect_vreg.gather [hbm4b:s2+s3], $0x80, v4, vm0, $0xb8;
	[tilespmem:$0x9080] =	vst v63  }
0x570: {  	_ = 	snop  }
0x571: {  	[tilespmem:s22], [sflag:$0x1] =	stream.indirect_vreg.gather [hbm4b:s6+s3], $0x80, v4, vm1, $0xb8;
	[tilespmem:$0x9080] =	vst v63  }
0x572: {  	_ = 	snop  }
0x573: {  	[tilespmem:s23], [sflag:$0x1] =	stream.indirect_vreg.gather [hbm4b:s2+s3], $0x80, v3, vm0, $0xb8;
	[tilespmem:$0x9080] =	vst v63  }
0x574: {  	_ = 	snop  }
0x575: {  	[tilespmem:s24], [sflag:$0x1] =	stream.indirect_vreg.gather [hbm4b:s6+s3], $0x80, v3, vm1, $0xb8;
	[tilespmem:$0x9080] =	vst v63  }
0x576: {  	v3 =	vld [tilespmem:$0x40];
	_ =	sdelay $0x4  }
0x577: {  	v44 =	vshrl.u32 v3, $0x3  }
0x578: {  	v4 =	vmul.u32 $0x18, v44  }
0x579: {  	v3 =	vand.u32 $0x7, v3  }
0x57a: {  	v3 =	vor.u32 v3, v4  }
0x57b: {  	v4 =	vperm.xlane v3, v0;
	_ =	sdelay $0x1  }
0x57c: {  	v4 =	vadd.s32 v1, v4;
	_ =	sdelay $0x1  }
0x57d: {  	v3 =	vperm.xlane v3, v2;
	_ =	sdelay $0x1  }
0x57e: {  	v3 =	vadd.s32 v1, v3  }
0x57f: {  	[tilespmem:s25], [sflag:$0x1] =	stream.indirect_vreg.gather [hbm4b:s2+s3], $0x80, v4, vm0, $0xb8;
	[tilespmem:$0x9080] =	vst v63  }
0x580: {  	_ = 	snop  }
0x581: {  	[tilespmem:s26], [sflag:$0x1] =	stream.indirect_vreg.gather [hbm4b:s6+s3], $0x80, v4, vm1, $0xb8;
	[tilespmem:$0x9080] =	vst v63  }
0x582: {  	_ = 	snop  }
0x583: {  	[tilespmem:s28], [sflag:$0x1] =	stream.indirect_vreg.gather [hbm4b:s2+s3], $0x80, v3, vm0, $0xb8;
	[tilespmem:$0x9080] =	vst v63  }
0x584: {  	_ = 	snop  }
0x585: {  	[tilespmem:s29], [sflag:$0x1] =	stream.indirect_vreg.gather [hbm4b:s6+s3], $0x80, v3, vm1, $0xb8;
	[tilespmem:$0x9080] =	vst v63  }
0x586: {  	v3 =	vld [tilespmem:$0x50];
	_ =	sdelay $0x4  }
0x587: {  	v45 =	vshrl.u32 v3, $0x3  }
0x588: {  	v4 =	vmul.u32 $0x18, v45  }
0x589: {  	v3 =	vand.u32 $0x7, v3  }
0x58a: {  	v3 =	vor.u32 v3, v4  }
0x58b: {  	v4 =	vperm.xlane v3, v0;
	_ =	sdelay $0x1  }
0x58c: {  	v4 =	vadd.s32 v1, v4;
	_ =	sdelay $0x1  }
0x58d: {  	v3 =	vperm.xlane v3, v2;
	_ =	sdelay $0x1  }
0x58e: {  	v3 =	vadd.s32 v1, v3  }
0x58f: {  	[tilespmem:s30], [sflag:$0x1] =	stream.indirect_vreg.gather [hbm4b:s2+s3], $0x80, v4, vm0, $0xb8;
	[tilespmem:$0x9080] =	vst v63  }
0x590: {  	_ = 	snop  }
0x591: {  	[tilespmem:s31], [sflag:$0x1] =	stream.indirect_vreg.gather [hbm4b:s6+s3], $0x80, v4, vm1, $0xb8;
	[tilespmem:$0x9080] =	vst v63  }
0x592: {  	_ = 	snop  }
0x593: {  	[tilespmem:s1], [sflag:$0x1] =	stream.indirect_vreg.gather [hbm4b:s2+s3], $0x80, v3, vm0, $0xb8;
	[tilespmem:$0x9080] =	vst v63  }
0x594: {  	_ = 	snop  }
0x595: {  	[tilespmem:s0], [sflag:$0x1] =	stream.indirect_vreg.gather [hbm4b:s6+s3], $0x80, v3, vm1, $0xb8;
	[tilespmem:$0x9080] =	vst v63  }
0x596: {  	_ =	swait.ge [sflag:s4], $0x9000  }
0x597: {  	[sflag:s4] =	ssyncset.done $0x0  }
0x598: {  	s5 =	rddreg [dreg:$0x1a];
	[sflag:s4] =	ssyncadd.s32 $0xFFFF7000  }
0x599: {  	[hbm4b:s5+s3] =	stream.linear.scatter [tilespmem:s9], [sflag:$0x2], $0x9000, $0x38;
	[tilespmem:$0x9080] =	vst v63  }
0x59a: {  	_ =	swait.ge [sflag:s8], $0x9000  }
0x59b: {  	[sflag:s8] =	ssyncset.done $0x0  }
0x59c: {  	s5 =	rddreg [dreg:$0x1b];
	[sflag:s8] =	ssyncadd.s32 $0xFFFF7000  }
0x59d: {  	[tilespmem:s3], [sflag:$0x2] =	stream.linear.gather [hbm4b:s5+s3], $0x60, $0x38;
	[tilespmem:$0x9080] =	vst v63  }
0x59e: {  	_ =	swait.ge [sflag:s8], $0x60  }
0x59f: {  	[sflag:s8] =	ssyncset.done $0x0  }
0x5a0: {  	[sflag:s8] =	ssyncadd.s32 $0xFFFFFFA0  }
0x5a1: {  	v3 =	vld [tilespmem:$0x0];
	_ =	sdelay $0x4  }
0x5a2: {  	v46 =	vshrl.u32 v3, $0x3  }
0x5a3: {  	v4 =	vmul.u32 $0x18, v46  }
0x5a4: {  	v3 =	vand.u32 $0x7, v3  }
0x5a5: {  	v3 =	vor.u32 v3, v4  }
0x5a6: {  	v4 =	vperm.xlane v3, v0;
	_ =	sdelay $0x1  }
0x5a7: {  	v4 =	vadd.s32 v1, v4;
	_ =	sdelay $0x1  }
0x5a8: {  	v3 =	vperm.xlane v3, v2;
	_ =	sdelay $0x1  }
0x5a9: {  	v3 =	vadd.s32 v1, v3  }
0x5aa: {  	[tilespmem:s9], [sflag:$0x1] =	stream.indirect_vreg.gather [hbm4b:s2+s3], $0x80, v4, vm0, $0xb8;
	[tilespmem:$0x9080] =	vst v63  }
0x5ab: {  	_ = 	snop  }
0x5ac: {  	[tilespmem:s10], [sflag:$0x1] =	stream.indirect_vreg.gather [hbm4b:s6+s3], $0x80, v4, vm1, $0xb8;
	[tilespmem:$0x9080] =	vst v63  }
0x5ad: {  	_ = 	snop  }
0x5ae: {  	[tilespmem:s11], [sflag:$0x1] =	stream.indirect_vreg.gather [hbm4b:s2+s3], $0x80, v3, vm0, $0xb8;
	[tilespmem:$0x9080] =	vst v63  }
0x5af: {  	_ = 	snop  }
0x5b0: {  	[tilespmem:s12], [sflag:$0x1] =	stream.indirect_vreg.gather [hbm4b:s6+s3], $0x80, v3, vm1, $0xb8;
	[tilespmem:$0x9080] =	vst v63  }
0x5b1: {  	v3 =	vld [tilespmem:$0x10];
	_ =	sdelay $0x4  }
0x5b2: {  	v47 =	vshrl.u32 v3, $0x3  }
0x5b3: {  	v4 =	vmul.u32 $0x18, v47  }
0x5b4: {  	v3 =	vand.u32 $0x7, v3  }
0x5b5: {  	v3 =	vor.u32 v3, v4  }
0x5b6: {  	v4 =	vperm.xlane v3, v0;
	_ =	sdelay $0x1  }
0x5b7: {  	v4 =	vadd.s32 v1, v4;
	_ =	sdelay $0x1  }
0x5b8: {  	v3 =	vperm.xlane v3, v2;
	_ =	sdelay $0x1  }
0x5b9: {  	v3 =	vadd.s32 v1, v3  }
0x5ba: {  	[tilespmem:s13], [sflag:$0x1] =	stream.indirect_vreg.gather [hbm4b:s2+s3], $0x80, v4, vm0, $0xb8;
	[tilespmem:$0x9080] =	vst v63  }
0x5bb: {  	_ = 	snop  }
0x5bc: {  	[tilespmem:s14], [sflag:$0x1] =	stream.indirect_vreg.gather [hbm4b:s6+s3], $0x80, v4, vm1, $0xb8;
	[tilespmem:$0x9080] =	vst v63  }
0x5bd: {  	_ = 	snop  }
0x5be: {  	[tilespmem:s15], [sflag:$0x1] =	stream.indirect_vreg.gather [hbm4b:s2+s3], $0x80, v3, vm0, $0xb8;
	[tilespmem:$0x9080] =	vst v63  }
0x5bf: {  	_ = 	snop  }
0x5c0: {  	[tilespmem:s16], [sflag:$0x1] =	stream.indirect_vreg.gather [hbm4b:s6+s3], $0x80, v3, vm1, $0xb8;
	[tilespmem:$0x9080] =	vst v63  }
0x5c1: {  	v3 =	vld [tilespmem:$0x20];
	_ =	sdelay $0x4  }
0x5c2: {  	v48 =	vshrl.u32 v3, $0x3  }
0x5c3: {  	v4 =	vmul.u32 $0x18, v48  }
0x5c4: {  	v3 =	vand.u32 $0x7, v3  }
0x5c5: {  	v3 =	vor.u32 v3, v4  }
0x5c6: {  	v4 =	vperm.xlane v3, v0;
	_ =	sdelay $0x1  }
0x5c7: {  	v4 =	vadd.s32 v1, v4;
	_ =	sdelay $0x1  }
0x5c8: {  	v3 =	vperm.xlane v3, v2;
	_ =	sdelay $0x1  }
0x5c9: {  	v3 =	vadd.s32 v1, v3  }
0x5ca: {  	[tilespmem:s17], [sflag:$0x1] =	stream.indirect_vreg.gather [hbm4b:s2+s3], $0x80, v4, vm0, $0xb8;
	[tilespmem:$0x9080] =	vst v63  }
0x5cb: {  	_ = 	snop  }
0x5cc: {  	[tilespmem:s18], [sflag:$0x1] =	stream.indirect_vreg.gather [hbm4b:s6+s3], $0x80, v4, vm1, $0xb8;
	[tilespmem:$0x9080] =	vst v63  }
0x5cd: {  	_ = 	snop  }
0x5ce: {  	[tilespmem:s19], [sflag:$0x1] =	stream.indirect_vreg.gather [hbm4b:s2+s3], $0x80, v3, vm0, $0xb8;
	[tilespmem:$0x9080] =	vst v63  }
0x5cf: {  	_ = 	snop  }
0x5d0: {  	[tilespmem:s20], [sflag:$0x1] =	stream.indirect_vreg.gather [hbm4b:s6+s3], $0x80, v3, vm1, $0xb8;
	[tilespmem:$0x9080] =	vst v63  }
0x5d1: {  	v3 =	vld [tilespmem:$0x30];
	_ =	sdelay $0x4  }
0x5d2: {  	v49 =	vshrl.u32 v3, $0x3  }
0x5d3: {  	v4 =	vmul.u32 $0x18, v49  }
0x5d4: {  	v3 =	vand.u32 $0x7, v3  }
0x5d5: {  	v3 =	vor.u32 v3, v4  }
0x5d6: {  	v4 =	vperm.xlane v3, v0;
	_ =	sdelay $0x1  }
0x5d7: {  	v4 =	vadd.s32 v1, v4;
	_ =	sdelay $0x1  }
0x5d8: {  	v3 =	vperm.xlane v3, v2;
	_ =	sdelay $0x1  }
0x5d9: {  	v3 =	vadd.s32 v1, v3  }
0x5da: {  	[tilespmem:s21], [sflag:$0x1] =	stream.indirect_vreg.gather [hbm4b:s2+s3], $0x80, v4, vm0, $0xb8;
	[tilespmem:$0x9080] =	vst v63  }
0x5db: {  	_ = 	snop  }
0x5dc: {  	[tilespmem:s22], [sflag:$0x1] =	stream.indirect_vreg.gather [hbm4b:s6+s3], $0x80, v4, vm1, $0xb8;
	[tilespmem:$0x9080] =	vst v63  }
0x5dd: {  	_ = 	snop  }
0x5de: {  	[tilespmem:s23], [sflag:$0x1] =	stream.indirect_vreg.gather [hbm4b:s2+s3], $0x80, v3, vm0, $0xb8;
	[tilespmem:$0x9080] =	vst v63  }
0x5df: {  	_ = 	snop  }
0x5e0: {  	[tilespmem:s24], [sflag:$0x1] =	stream.indirect_vreg.gather [hbm4b:s6+s3], $0x80, v3, vm1, $0xb8;
	[tilespmem:$0x9080] =	vst v63  }
0x5e1: {  	v3 =	vld [tilespmem:$0x40];
	_ =	sdelay $0x4  }
0x5e2: {  	v50 =	vshrl.u32 v3, $0x3  }
0x5e3: {  	v4 =	vmul.u32 $0x18, v50  }
0x5e4: {  	v3 =	vand.u32 $0x7, v3  }
0x5e5: {  	v3 =	vor.u32 v3, v4  }
0x5e6: {  	v4 =	vperm.xlane v3, v0;
	_ =	sdelay $0x1  }
0x5e7: {  	v4 =	vadd.s32 v1, v4;
	_ =	sdelay $0x1  }
0x5e8: {  	v3 =	vperm.xlane v3, v2;
	_ =	sdelay $0x1  }
0x5e9: {  	v3 =	vadd.s32 v1, v3  }
0x5ea: {  	[tilespmem:s25], [sflag:$0x1] =	stream.indirect_vreg.gather [hbm4b:s2+s3], $0x80, v4, vm0, $0xb8;
	[tilespmem:$0x9080] =	vst v63  }
0x5eb: {  	_ = 	snop  }
0x5ec: {  	[tilespmem:s26], [sflag:$0x1] =	stream.indirect_vreg.gather [hbm4b:s6+s3], $0x80, v4, vm1, $0xb8;
	[tilespmem:$0x9080] =	vst v63  }
0x5ed: {  	_ = 	snop  }
0x5ee: {  	[tilespmem:s28], [sflag:$0x1] =	stream.indirect_vreg.gather [hbm4b:s2+s3], $0x80, v3, vm0, $0xb8;
	[tilespmem:$0x9080] =	vst v63  }
0x5ef: {  	_ = 	snop  }
0x5f0: {  	[tilespmem:s29], [sflag:$0x1] =	stream.indirect_vreg.gather [hbm4b:s6+s3], $0x80, v3, vm1, $0xb8;
	[tilespmem:$0x9080] =	vst v63  }
0x5f1: {  	v3 =	vld [tilespmem:$0x50];
	_ =	sdelay $0x4  }
0x5f2: {  	v51 =	vshrl.u32 v3, $0x3  }
0x5f3: {  	v4 =	vmul.u32 $0x18, v51  }
0x5f4: {  	v3 =	vand.u32 $0x7, v3  }
0x5f5: {  	v3 =	vor.u32 v3, v4  }
0x5f6: {  	v4 =	vperm.xlane v3, v0;
	_ =	sdelay $0x1  }
0x5f7: {  	v4 =	vadd.s32 v1, v4;
	_ =	sdelay $0x1  }
0x5f8: {  	v3 =	vperm.xlane v3, v2;
	_ =	sdelay $0x1  }
0x5f9: {  	v3 =	vadd.s32 v1, v3  }
0x5fa: {  	[tilespmem:s30], [sflag:$0x1] =	stream.indirect_vreg.gather [hbm4b:s2+s3], $0x80, v4, vm0, $0xb8;
	[tilespmem:$0x9080] =	vst v63  }
0x5fb: {  	_ = 	snop  }
0x5fc: {  	[tilespmem:s31], [sflag:$0x1] =	stream.indirect_vreg.gather [hbm4b:s6+s3], $0x80, v4, vm1, $0xb8;
	[tilespmem:$0x9080] =	vst v63  }
0x5fd: {  	_ = 	snop  }
0x5fe: {  	[tilespmem:s1], [sflag:$0x1] =	stream.indirect_vreg.gather [hbm4b:s2+s3], $0x80, v3, vm0, $0xb8;
	[tilespmem:$0x9080] =	vst v63  }
0x5ff: {  	_ = 	snop  }
0x600: {  	[tilespmem:s0], [sflag:$0x1] =	stream.indirect_vreg.gather [hbm4b:s6+s3], $0x80, v3, vm1, $0xb8;
	[tilespmem:$0x9080] =	vst v63  }
0x601: {  	_ =	swait.ge [sflag:s4], $0x9000  }
0x602: {  	[sflag:s4] =	ssyncset.done $0x0  }
0x603: {  	s5 =	rddreg [dreg:$0x1c];
	[sflag:s4] =	ssyncadd.s32 $0xFFFF7000  }
0x604: {  	[hbm4b:s5+s3] =	stream.linear.scatter [tilespmem:s9], [sflag:$0x2], $0x9000, $0x38;
	[tilespmem:$0x9080] =	vst v63  }
0x605: {  	_ =	swait.ge [sflag:s8], $0x9000  }
0x606: {  	[sflag:s8] =	ssyncset.done $0x0  }
0x607: {  	s5 =	rddreg [dreg:$0x1d];
	[sflag:s8] =	ssyncadd.s32 $0xFFFF7000  }
0x608: {  	[tilespmem:s3], [sflag:$0x2] =	stream.linear.gather [hbm4b:s5+s3], $0x60, $0x38;
	[tilespmem:$0x9080] =	vst v63  }
0x609: {  	_ =	swait.ge [sflag:s8], $0x60  }
0x60a: {  	[sflag:s8] =	ssyncset.done $0x0  }
0x60b: {  	[sflag:s8] =	ssyncadd.s32 $0xFFFFFFA0  }
0x60c: {  	v3 =	vld [tilespmem:$0x0];
	_ =	sdelay $0x4  }
0x60d: {  	v52 =	vshrl.u32 v3, $0x3  }
0x60e: {  	v4 =	vmul.u32 $0x18, v52  }
0x60f: {  	v3 =	vand.u32 $0x7, v3  }
0x610: {  	v3 =	vor.u32 v3, v4  }
0x611: {  	v4 =	vperm.xlane v3, v0;
	_ =	sdelay $0x1  }
0x612: {  	v4 =	vadd.s32 v1, v4;
	_ =	sdelay $0x1  }
0x613: {  	v3 =	vperm.xlane v3, v2;
	_ =	sdelay $0x1  }
0x614: {  	v3 =	vadd.s32 v1, v3  }
0x615: {  	[tilespmem:s9], [sflag:$0x1] =	stream.indirect_vreg.gather [hbm4b:s2+s3], $0x80, v4, vm0, $0xb8;
	[tilespmem:$0x9080] =	vst v63  }
0x616: {  	_ = 	snop  }
0x617: {  	[tilespmem:s10], [sflag:$0x1] =	stream.indirect_vreg.gather [hbm4b:s6+s3], $0x80, v4, vm1, $0xb8;
	[tilespmem:$0x9080] =	vst v63  }
0x618: {  	_ = 	snop  }
0x619: {  	[tilespmem:s11], [sflag:$0x1] =	stream.indirect_vreg.gather [hbm4b:s2+s3], $0x80, v3, vm0, $0xb8;
	[tilespmem:$0x9080] =	vst v63  }
0x61a: {  	_ = 	snop  }
0x61b: {  	[tilespmem:s12], [sflag:$0x1] =	stream.indirect_vreg.gather [hbm4b:s6+s3], $0x80, v3, vm1, $0xb8;
	[tilespmem:$0x9080] =	vst v63  }
0x61c: {  	v3 =	vld [tilespmem:$0x10];
	_ =	sdelay $0x4  }
0x61d: {  	v53 =	vshrl.u32 v3, $0x3  }
0x61e: {  	v4 =	vmul.u32 $0x18, v53  }
0x61f: {  	v3 =	vand.u32 $0x7, v3  }
0x620: {  	v3 =	vor.u32 v3, v4  }
0x621: {  	v4 =	vperm.xlane v3, v0;
	_ =	sdelay $0x1  }
0x622: {  	v4 =	vadd.s32 v1, v4;
	_ =	sdelay $0x1  }
0x623: {  	v3 =	vperm.xlane v3, v2;
	_ =	sdelay $0x1  }
0x624: {  	v3 =	vadd.s32 v1, v3  }
0x625: {  	[tilespmem:s13], [sflag:$0x1] =	stream.indirect_vreg.gather [hbm4b:s2+s3], $0x80, v4, vm0, $0xb8;
	[tilespmem:$0x9080] =	vst v63  }
0x626: {  	_ = 	snop  }
0x627: {  	[tilespmem:s14], [sflag:$0x1] =	stream.indirect_vreg.gather [hbm4b:s6+s3], $0x80, v4, vm1, $0xb8;
	[tilespmem:$0x9080] =	vst v63  }
0x628: {  	_ = 	snop  }
0x629: {  	[tilespmem:s15], [sflag:$0x1] =	stream.indirect_vreg.gather [hbm4b:s2+s3], $0x80, v3, vm0, $0xb8;
	[tilespmem:$0x9080] =	vst v63  }
0x62a: {  	_ = 	snop  }
0x62b: {  	[tilespmem:s16], [sflag:$0x1] =	stream.indirect_vreg.gather [hbm4b:s6+s3], $0x80, v3, vm1, $0xb8;
	[tilespmem:$0x9080] =	vst v63  }
0x62c: {  	v3 =	vld [tilespmem:$0x20];
	_ =	sdelay $0x4  }
0x62d: {  	v54 =	vshrl.u32 v3, $0x3  }
0x62e: {  	v4 =	vmul.u32 $0x18, v54  }
0x62f: {  	v3 =	vand.u32 $0x7, v3  }
0x630: {  	v3 =	vor.u32 v3, v4  }
0x631: {  	v4 =	vperm.xlane v3, v0;
	_ =	sdelay $0x1  }
0x632: {  	v4 =	vadd.s32 v1, v4;
	_ =	sdelay $0x1  }
0x633: {  	v3 =	vperm.xlane v3, v2;
	_ =	sdelay $0x1  }
0x634: {  	v3 =	vadd.s32 v1, v3  }
0x635: {  	[tilespmem:s17], [sflag:$0x1] =	stream.indirect_vreg.gather [hbm4b:s2+s3], $0x80, v4, vm0, $0xb8;
	[tilespmem:$0x9080] =	vst v63  }
0x636: {  	_ = 	snop  }
0x637: {  	[tilespmem:s18], [sflag:$0x1] =	stream.indirect_vreg.gather [hbm4b:s6+s3], $0x80, v4, vm1, $0xb8;
	[tilespmem:$0x9080] =	vst v63  }
0x638: {  	_ = 	snop  }
0x639: {  	[tilespmem:s19], [sflag:$0x1] =	stream.indirect_vreg.gather [hbm4b:s2+s3], $0x80, v3, vm0, $0xb8;
	[tilespmem:$0x9080] =	vst v63  }
0x63a: {  	_ = 	snop  }
0x63b: {  	[tilespmem:s20], [sflag:$0x1] =	stream.indirect_vreg.gather [hbm4b:s6+s3], $0x80, v3, vm1, $0xb8;
	[tilespmem:$0x9080] =	vst v63  }
0x63c: {  	v3 =	vld [tilespmem:$0x30];
	_ =	sdelay $0x4  }
0x63d: {  	v55 =	vshrl.u32 v3, $0x3  }
0x63e: {  	v4 =	vmul.u32 $0x18, v55  }
0x63f: {  	v3 =	vand.u32 $0x7, v3  }
0x640: {  	v3 =	vor.u32 v3, v4  }
0x641: {  	v4 =	vperm.xlane v3, v0;
	_ =	sdelay $0x1  }
0x642: {  	v4 =	vadd.s32 v1, v4;
	_ =	sdelay $0x1  }
0x643: {  	v3 =	vperm.xlane v3, v2;
	_ =	sdelay $0x1  }
0x644: {  	v3 =	vadd.s32 v1, v3  }
0x645: {  	[tilespmem:s21], [sflag:$0x1] =	stream.indirect_vreg.gather [hbm4b:s2+s3], $0x80, v4, vm0, $0xb8;
	[tilespmem:$0x9080] =	vst v63  }
0x646: {  	_ = 	snop  }
0x647: {  	[tilespmem:s22], [sflag:$0x1] =	stream.indirect_vreg.gather [hbm4b:s6+s3], $0x80, v4, vm1, $0xb8;
	[tilespmem:$0x9080] =	vst v63  }
0x648: {  	_ = 	snop  }
0x649: {  	[tilespmem:s23], [sflag:$0x1] =	stream.indirect_vreg.gather [hbm4b:s2+s3], $0x80, v3, vm0, $0xb8;
	[tilespmem:$0x9080] =	vst v63  }
0x64a: {  	_ = 	snop  }
0x64b: {  	[tilespmem:s24], [sflag:$0x1] =	stream.indirect_vreg.gather [hbm4b:s6+s3], $0x80, v3, vm1, $0xb8;
	[tilespmem:$0x9080] =	vst v63  }
0x64c: {  	v3 =	vld [tilespmem:$0x40];
	_ =	sdelay $0x4  }
0x64d: {  	v56 =	vshrl.u32 v3, $0x3  }
0x64e: {  	v4 =	vmul.u32 $0x18, v56  }
0x64f: {  	v3 =	vand.u32 $0x7, v3  }
0x650: {  	v3 =	vor.u32 v3, v4  }
0x651: {  	v4 =	vperm.xlane v3, v0;
	_ =	sdelay $0x1  }
0x652: {  	v4 =	vadd.s32 v1, v4;
	_ =	sdelay $0x1  }
0x653: {  	v3 =	vperm.xlane v3, v2;
	_ =	sdelay $0x1  }
0x654: {  	v3 =	vadd.s32 v1, v3  }
0x655: {  	[tilespmem:s25], [sflag:$0x1] =	stream.indirect_vreg.gather [hbm4b:s2+s3], $0x80, v4, vm0, $0xb8;
	[tilespmem:$0x9080] =	vst v63  }
0x656: {  	_ = 	snop  }
0x657: {  	[tilespmem:s26], [sflag:$0x1] =	stream.indirect_vreg.gather [hbm4b:s6+s3], $0x80, v4, vm1, $0xb8;
	[tilespmem:$0x9080] =	vst v63  }
0x658: {  	_ = 	snop  }
0x659: {  	[tilespmem:s28], [sflag:$0x1] =	stream.indirect_vreg.gather [hbm4b:s2+s3], $0x80, v3, vm0, $0xb8;
	[tilespmem:$0x9080] =	vst v63  }
0x65a: {  	_ = 	snop  }
0x65b: {  	[tilespmem:s29], [sflag:$0x1] =	stream.indirect_vreg.gather [hbm4b:s6+s3], $0x80, v3, vm1, $0xb8;
	[tilespmem:$0x9080] =	vst v63  }
0x65c: {  	v3 =	vld [tilespmem:$0x50];
	_ =	sdelay $0x4  }
0x65d: {  	v57 =	vshrl.u32 v3, $0x3  }
0x65e: {  	v4 =	vmul.u32 $0x18, v57  }
0x65f: {  	v3 =	vand.u32 $0x7, v3  }
0x660: {  	v3 =	vor.u32 v3, v4  }
0x661: {  	v4 =	vperm.xlane v3, v0;
	_ =	sdelay $0x1  }
0x662: {  	v4 =	vadd.s32 v1, v4;
	_ =	sdelay $0x1  }
0x663: {  	v3 =	vperm.xlane v3, v2;
	_ =	sdelay $0x1  }
0x664: {  	v3 =	vadd.s32 v1, v3  }
0x665: {  	[tilespmem:s30], [sflag:$0x1] =	stream.indirect_vreg.gather [hbm4b:s2+s3], $0x80, v4, vm0, $0xb8;
	[tilespmem:$0x9080] =	vst v63  }
0x666: {  	_ = 	snop  }
0x667: {  	[tilespmem:s31], [sflag:$0x1] =	stream.indirect_vreg.gather [hbm4b:s6+s3], $0x80, v4, vm1, $0xb8;
	[tilespmem:$0x9080] =	vst v63  }
0x668: {  	_ = 	snop  }
0x669: {  	[tilespmem:s1], [sflag:$0x1] =	stream.indirect_vreg.gather [hbm4b:s2+s3], $0x80, v3, vm0, $0xb8;
	[tilespmem:$0x9080] =	vst v63  }
0x66a: {  	_ = 	snop  }
0x66b: {  	[tilespmem:s0], [sflag:$0x1] =	stream.indirect_vreg.gather [hbm4b:s6+s3], $0x80, v3, vm1, $0xb8;
	[tilespmem:$0x9080] =	vst v63  }
0x66c: {  	_ =	swait.ge [sflag:s4], $0x9000  }
0x66d: {  	[sflag:s4] =	ssyncset.done $0x0  }
0x66e: {  	s5 =	rddreg [dreg:$0x1e];
	[sflag:s4] =	ssyncadd.s32 $0xFFFF7000  }
0x66f: {  	[hbm4b:s5+s3] =	stream.linear.scatter [tilespmem:s9], [sflag:$0x2], $0x9000, $0x38;
	[tilespmem:$0x9080] =	vst v63  }
0x670: {  	_ =	swait.ge [sflag:s8], $0x9000  }
0x671: {  	[sflag:s8] =	ssyncset.done $0x0  }
0x672: {  	s5 =	rddreg [dreg:$0x1f];
	[sflag:s8] =	ssyncadd.s32 $0xFFFF7000  }
0x673: {  	[tilespmem:s3], [sflag:$0x2] =	stream.linear.gather [hbm4b:s5+s3], $0x60, $0x38;
	[tilespmem:$0x9080] =	vst v63  }
0x674: {  	_ =	swait.ge [sflag:s8], $0x60  }
0x675: {  	[sflag:s8] =	ssyncset.done $0x0  }
0x676: {  	[sflag:s8] =	ssyncadd.s32 $0xFFFFFFA0  }
0x677: {  	v3 =	vld [tilespmem:$0x0];
	_ =	sdelay $0x4  }
0x678: {  	v58 =	vshrl.u32 v3, $0x3  }
0x679: {  	v4 =	vmul.u32 $0x18, v58  }
0x67a: {  	v3 =	vand.u32 $0x7, v3  }
0x67b: {  	v3 =	vor.u32 v3, v4  }
0x67c: {  	v4 =	vperm.xlane v3, v0;
	_ =	sdelay $0x1  }
0x67d: {  	v4 =	vadd.s32 v1, v4;
	_ =	sdelay $0x1  }
0x67e: {  	v3 =	vperm.xlane v3, v2;
	_ =	sdelay $0x1  }
0x67f: {  	v3 =	vadd.s32 v1, v3  }
0x680: {  	[tilespmem:s9], [sflag:$0x1] =	stream.indirect_vreg.gather [hbm4b:s2+s3], $0x80, v4, vm0, $0xb8;
	[tilespmem:$0x9080] =	vst v63  }
0x681: {  	_ = 	snop  }
0x682: {  	[tilespmem:s10], [sflag:$0x1] =	stream.indirect_vreg.gather [hbm4b:s6+s3], $0x80, v4, vm1, $0xb8;
	[tilespmem:$0x9080] =	vst v63  }
0x683: {  	_ = 	snop  }
0x684: {  	[tilespmem:s11], [sflag:$0x1] =	stream.indirect_vreg.gather [hbm4b:s2+s3], $0x80, v3, vm0, $0xb8;
	[tilespmem:$0x9080] =	vst v63  }
0x685: {  	_ = 	snop  }
0x686: {  	[tilespmem:s12], [sflag:$0x1] =	stream.indirect_vreg.gather [hbm4b:s6+s3], $0x80, v3, vm1, $0xb8;
	[tilespmem:$0x9080] =	vst v63  }
0x687: {  	v3 =	vld [tilespmem:$0x10];
	_ =	sdelay $0x4  }
0x688: {  	v59 =	vshrl.u32 v3, $0x3  }
0x689: {  	v4 =	vmul.u32 $0x18, v59  }
0x68a: {  	v3 =	vand.u32 $0x7, v3  }
0x68b: {  	v3 =	vor.u32 v3, v4  }
0x68c: {  	v4 =	vperm.xlane v3, v0;
	_ =	sdelay $0x1  }
0x68d: {  	v4 =	vadd.s32 v1, v4;
	_ =	sdelay $0x1  }
0x68e: {  	v3 =	vperm.xlane v3, v2;
	_ =	sdelay $0x1  }
0x68f: {  	v3 =	vadd.s32 v1, v3  }
0x690: {  	[tilespmem:s13], [sflag:$0x1] =	stream.indirect_vreg.gather [hbm4b:s2+s3], $0x80, v4, vm0, $0xb8;
	[tilespmem:$0x9080] =	vst v63  }
0x691: {  	_ = 	snop  }
0x692: {  	[tilespmem:s14], [sflag:$0x1] =	stream.indirect_vreg.gather [hbm4b:s6+s3], $0x80, v4, vm1, $0xb8;
	[tilespmem:$0x9080] =	vst v63  }
0x693: {  	_ = 	snop  }
0x694: {  	[tilespmem:s15], [sflag:$0x1] =	stream.indirect_vreg.gather [hbm4b:s2+s3], $0x80, v3, vm0, $0xb8;
	[tilespmem:$0x9080] =	vst v63  }
0x695: {  	_ = 	snop  }
0x696: {  	[tilespmem:s16], [sflag:$0x1] =	stream.indirect_vreg.gather [hbm4b:s6+s3], $0x80, v3, vm1, $0xb8;
	[tilespmem:$0x9080] =	vst v63  }
0x697: {  	v3 =	vld [tilespmem:$0x20];
	_ =	sdelay $0x4  }
0x698: {  	v60 =	vshrl.u32 v3, $0x3  }
0x699: {  	v4 =	vmul.u32 $0x18, v60  }
0x69a: {  	v3 =	vand.u32 $0x7, v3  }
0x69b: {  	v3 =	vor.u32 v3, v4  }
0x69c: {  	v4 =	vperm.xlane v3, v0;
	_ =	sdelay $0x1  }
0x69d: {  	v4 =	vadd.s32 v1, v4;
	_ =	sdelay $0x1  }
0x69e: {  	v3 =	vperm.xlane v3, v2;
	_ =	sdelay $0x1  }
0x69f: {  	v3 =	vadd.s32 v1, v3  }
0x6a0: {  	[tilespmem:s17], [sflag:$0x1] =	stream.indirect_vreg.gather [hbm4b:s2+s3], $0x80, v4, vm0, $0xb8;
	[tilespmem:$0x9080] =	vst v63  }
0x6a1: {  	_ = 	snop  }
0x6a2: {  	[tilespmem:s18], [sflag:$0x1] =	stream.indirect_vreg.gather [hbm4b:s6+s3], $0x80, v4, vm1, $0xb8;
	[tilespmem:$0x9080] =	vst v63  }
0x6a3: {  	_ = 	snop  }
0x6a4: {  	[tilespmem:s19], [sflag:$0x1] =	stream.indirect_vreg.gather [hbm4b:s2+s3], $0x80, v3, vm0, $0xb8;
	[tilespmem:$0x9080] =	vst v63  }
0x6a5: {  	_ = 	snop  }
0x6a6: {  	[tilespmem:s20], [sflag:$0x1] =	stream.indirect_vreg.gather [hbm4b:s6+s3], $0x80, v3, vm1, $0xb8;
	[tilespmem:$0x9080] =	vst v63  }
0x6a7: {  	v3 =	vld [tilespmem:$0x30];
	_ =	sdelay $0x4  }
0x6a8: {  	v61 =	vshrl.u32 v3, $0x3  }
0x6a9: {  	v4 =	vmul.u32 $0x18, v61  }
0x6aa: {  	v3 =	vand.u32 $0x7, v3  }
0x6ab: {  	v3 =	vor.u32 v3, v4  }
0x6ac: {  	v4 =	vperm.xlane v3, v0;
	_ =	sdelay $0x1  }
0x6ad: {  	v4 =	vadd.s32 v1, v4;
	_ =	sdelay $0x1  }
0x6ae: {  	v3 =	vperm.xlane v3, v2;
	_ =	sdelay $0x1  }
0x6af: {  	v3 =	vadd.s32 v1, v3  }
0x6b0: {  	[tilespmem:s21], [sflag:$0x1] =	stream.indirect_vreg.gather [hbm4b:s2+s3], $0x80, v4, vm0, $0xb8;
	[tilespmem:$0x9080] =	vst v63  }
0x6b1: {  	_ = 	snop  }
0x6b2: {  	[tilespmem:s22], [sflag:$0x1] =	stream.indirect_vreg.gather [hbm4b:s6+s3], $0x80, v4, vm1, $0xb8;
	[tilespmem:$0x9080] =	vst v63  }
0x6b3: {  	_ = 	snop  }
0x6b4: {  	[tilespmem:s23], [sflag:$0x1] =	stream.indirect_vreg.gather [hbm4b:s2+s3], $0x80, v3, vm0, $0xb8;
	[tilespmem:$0x9080] =	vst v63  }
0x6b5: {  	_ = 	snop  }
0x6b6: {  	[tilespmem:s24], [sflag:$0x1] =	stream.indirect_vreg.gather [hbm4b:s6+s3], $0x80, v3, vm1, $0xb8;
	[tilespmem:$0x9080] =	vst v63  }
0x6b7: {  	v3 =	vld [tilespmem:$0x40];
	_ =	sdelay $0x4  }
0x6b8: {  	v62 =	vshrl.u32 v3, $0x3  }
0x6b9: {  	v4 =	vmul.u32 $0x18, v62  }
0x6ba: {  	v3 =	vand.u32 $0x7, v3  }
0x6bb: {  	v3 =	vor.u32 v3, v4  }
0x6bc: {  	v4 =	vperm.xlane v3, v0;
	_ =	sdelay $0x1  }
0x6bd: {  	v4 =	vadd.s32 v1, v4;
	_ =	sdelay $0x1  }
0x6be: {  	v3 =	vperm.xlane v3, v2;
	_ =	sdelay $0x1  }
0x6bf: {  	v3 =	vadd.s32 v1, v3  }
0x6c0: {  	[tilespmem:s25], [sflag:$0x1] =	stream.indirect_vreg.gather [hbm4b:s2+s3], $0x80, v4, vm0, $0xb8;
	[tilespmem:$0x9080] =	vst v63  }
0x6c1: {  	_ = 	snop  }
0x6c2: {  	[tilespmem:s26], [sflag:$0x1] =	stream.indirect_vreg.gather [hbm4b:s6+s3], $0x80, v4, vm1, $0xb8;
	[tilespmem:$0x9080] =	vst v63  }
0x6c3: {  	_ = 	snop  }
0x6c4: {  	[tilespmem:s28], [sflag:$0x1] =	stream.indirect_vreg.gather [hbm4b:s2+s3], $0x80, v3, vm0, $0xb8;
	[tilespmem:$0x9080] =	vst v63  }
0x6c5: {  	_ = 	snop  }
0x6c6: {  	[tilespmem:s29], [sflag:$0x1] =	stream.indirect_vreg.gather [hbm4b:s6+s3], $0x80, v3, vm1, $0xb8;
	[tilespmem:$0x9080] =	vst v63  }
0x6c7: {  	v3 =	vld [tilespmem:$0x50];
	_ =	sdelay $0x4  }
0x6c8: {  	v63 =	vshrl.u32 v3, $0x3  }
0x6c9: {  	v4 =	vmul.u32 $0x18, v63  }
0x6ca: {  	v3 =	vand.u32 $0x7, v3  }
0x6cb: {  	v3 =	vor.u32 v3, v4  }
0x6cc: {  	v4 =	vperm.xlane v3, v0;
	_ =	sdelay $0x1  }
0x6cd: {  	v4 =	vadd.s32 v1, v4;
	_ =	sdelay $0x1  }
0x6ce: {  	v3 =	vperm.xlane v3, v2;
	_ =	sdelay $0x1  }
0x6cf: {  	v3 =	vadd.s32 v1, v3  }
0x6d0: {  	[tilespmem:s30], [sflag:$0x1] =	stream.indirect_vreg.gather [hbm4b:s2+s3], $0x80, v4, vm0, $0xb8;
	[tilespmem:$0x9080] =	vst v63  }
0x6d1: {  	_ = 	snop  }
0x6d2: {  	[tilespmem:s31], [sflag:$0x1] =	stream.indirect_vreg.gather [hbm4b:s6+s3], $0x80, v4, vm1, $0xb8;
	[tilespmem:$0x9080] =	vst v63  }
0x6d3: {  	_ = 	snop  }
0x6d4: {  	[tilespmem:s1], [sflag:$0x1] =	stream.indirect_vreg.gather [hbm4b:s2+s3], $0x80, v3, vm0, $0xb8;
	[tilespmem:$0x9080] =	vst v63  }
0x6d5: {  	_ = 	snop  }
0x6d6: {  	[tilespmem:s0], [sflag:$0x1] =	stream.indirect_vreg.gather [hbm4b:s6+s3], $0x80, v3, vm1, $0xb8;
	[tilespmem:$0x9080] =	vst v63  }
0x6d7: {  	_ =	swait.ge [sflag:s4], $0x9000  }
0x6d8: {  	s5 =	sld [smem:$0x7FD]  }
0x6d9: {  	p0 =	sne.s32 s7, $0x1;
	[sflag:s4] =	ssyncset.done $0x0  }
.Ltmp0:
0x6da: {  	[sflag:s4] =	ssyncadd.s32 $0xFFFF7000;
	(pc) =	sbr.rel @p0 .LBB2_1-.Ltmp0, $4  }
0x6db: {  	[hbm4b:s5+s3] =	stream.linear.scatter [tilespmem:s9], [sflag:$0x2], $0x9000, $0x38;
	[tilespmem:$0x9080] =	vst v63  }
0x6dc: {  	_ =	swait.ge [sflag:s8], $0x9000  }
0x6dd: {  	[sflag:s8] =	ssyncset.done $0x0  }
0x6de: {  	s7 =	sadd.s32 $0xFFFFFFFF, s7;
	[sflag:s8] =	ssyncadd.s32 $0xFFFF7000  }
0x6df: {  	_ =	sfence.sel $0x180000  }
0x6e0: {  	[bflag:$0x0] =	sbarrier.arrive $0xFFFF  }
0x6e1: {  	_ =	strace $0x90000047  }
0x6e2: {  	s0 =	stileid.u32;
	[bflag:$0x2] =	sbarrier.arrive $0xFFFF  }
0x6e3: {  	p0 =	sne.s32 s0, $0x0;
	s0 =	rddreg [dreg:$0x2]  }
0x6e4: {  	s0 =	sadd.s32 @!p0 $0x100000, s0  }
0x6e5: {  	[sflag:s0] =	ssyncadd.tile.s32 @!p0 $0x1;
	_ =	shalt  }
.Lfunc_end2:
_tile_overlayer_lowered:
.L_overlay_start_2:
0x6e6: {  	(tag) =	ssettag $0x2  }
0x6e7: {  	s0 =	rddreg [dreg:$0x0];
	s2 =	stileid.u32  }
0x6e8: {  	s1 =	rddreg [dreg:$0x1];
	p0 =	sne.s32 s2, $0x0  }
0x6e9: {  	s3 =	rddreg [dreg:$0x2];
	[bflag:$0x3] =	sbarrier.arrive $0xFFFF;
	s2 =	simm.s32 @!p0 $0x1C02  }
0x6ea: {  	[timem:s3], [sflag:s2] =	dma.local @!p0 [hbm:s0], s1  }
0x6eb: {  	s0 =	simm.s32 @!p0 $0x2  }
0x6ec: {  	_ =	swait.ge @!p0 [sflag:s0], s1  }
0x6ed: {  	s1 =	ssub.s32 @!p0 $0x0, s1;
	[sflag:s0] =	ssyncset.done @!p0 $0x0  }
0x6ee: {  	[sflag:s0] =	ssyncadd.s32 @!p0 s1  }
0x6ef: {  	[bflag:$0x3] =	sbarrier.arrive $0xFFFF  }
0x6f0: {  	_ =	shalt  }

</sc_bundles>
